<compile_context>
chip_gen: v7x
topology: tpu7x:2x2x1
jax: 0.10.2.dev20260603
libtpu: 0.0.44.dev20260713+nightly
codegen_flags: <defaults>
</compile_context>

<pallas_src>
import jax
import jax.numpy as jnp
from jax import lax
from jax.experimental import pallas as pl
from jax.experimental.pallas import tpu as pltpu
from jax.experimental.pallas import tpu_sc as plsc

NC = 2
NS = 16
NW = NC * NS
LANES = 16

B = 16384
L = 50
D = 32
ROWS_PER_W = B // NW
BLK = 16
NBLK = ROWS_PER_W // BLK
IDX_PER_BLK = BLK * L
IDX_PER_W = ROWS_PER_W * L
IDXW = 128
IDX_ROWS_PER_W = IDX_PER_W // IDXW
IDX_CHUNK = 25
TSTRIDE = LANES + 1
TSIZE = (L * D - 1) * TSTRIDE + LANES


def _sc_body(idx_hbm, table_hbm, attn_hbm, out_hbm,
             attn_v, idxs_v, idx_all, emb_v0, emb_v1,
             t_v, scores_v, out_v, sem0, sem1):
    wid = lax.axis_index("s") * NC + lax.axis_index("c")
    row0 = wid * ROWS_PER_W

    pltpu.sync_copy(attn_hbm, attn_v)

    iota = lax.iota(jnp.int32, LANES)
    zeros16 = jnp.zeros((LANES,), jnp.int32)
    attn_vecs = [plsc.load_gather(attn_v, [iota + h * LANES, zeros16])
                 for h in range(D // LANES)]

    emb_bufs = (emb_v0, emb_v1)
    sems = (sem0, sem1)

    idxrow0 = wid * IDX_ROWS_PER_W

    def stage_chunk(ch, _):
        pltpu.sync_copy(
            idx_hbm.at[pl.ds(idxrow0 + ch * IDX_CHUNK, IDX_CHUNK)], idxs_v)
        fbase = ch * (IDX_CHUNK * IDXW)

        def stage_row(r, _):
            rows = jnp.full((LANES,), r, jnp.int32)
            wb = fbase + r * IDXW
            for k in range(IDXW // LANES):
                v = plsc.load_gather(idxs_v, [rows, iota + k * LANES])
                plsc.store_scatter(idx_all, [iota + (wb + k * LANES)], v)
            return 0

        lax.fori_loop(0, IDX_CHUNK, stage_row, 0)
        return 0

    lax.fori_loop(0, IDX_ROWS_PER_W // IDX_CHUNK, stage_chunk, 0)

    def start_gather(blk, p):
        pltpu.async_copy(
            table_hbm.at[idx_all.at[pl.ds(blk * IDX_PER_BLK, IDX_PER_BLK)]],
            emb_bufs[p], sems[p])

    def compute_block(blk, p):
        emb_v = emb_bufs[p]
        base = row0 + blk * BLK
        with jax.named_scope("gwait"):
            pltpu.make_async_copy(
                table_hbm.at[idx_all.at[pl.ds(blk * IDX_PER_BLK, IDX_PER_BLK)]],
                emb_v, sems[p]).wait()

        def repack(l, _):
            lrow = jnp.full((LANES,), l, jnp.int32)
            wbase = l * (D * TSTRIDE)
            for dg in range(D // LANES):
                for r in range(LANES):
                    rows = lrow + r * L
                    cols = iota + dg * LANES
                    v = plsc.load_gather(emb_v, [rows, cols])
                    widx = iota * TSTRIDE + (wbase + dg * LANES * TSTRIDE + r)
                    plsc.store_scatter(t_v, [widx], v)
            return 0

        with jax.named_scope("repack"):
            lax.fori_loop(0, L, repack, 0)

        def p1(l, _):
            tbase = l * (D * TSTRIDE)
            parts = [jnp.zeros((LANES,), jnp.float32) for _ in range(4)]
            for d in range(D):
                v = plsc.load_gather(t_v, [iota + (tbase + d * TSTRIDE)])
                parts[d % 4] = parts[d % 4] + v * attn_vecs[d // LANES][d % LANES]
            scores_v[pl.ds(l * LANES, LANES)] = (parts[0] + parts[1]) + (
                parts[2] + parts[3])
            return 0

        with jax.named_scope("pass1"):
            lax.fori_loop(0, L, p1, 0)

        def pmax(l, m):
            return jnp.maximum(m, scores_v[pl.ds(l * LANES, LANES)])

        m = lax.fori_loop(0, L, pmax, jnp.full((LANES,), -jnp.inf, jnp.float32))

        def pexp(l, denom):
            e = jnp.exp(scores_v[pl.ds(l * LANES, LANES)] - m)
            scores_v[pl.ds(l * LANES, LANES)] = e
            return denom + e

        with jax.named_scope("softmax"):
            denom = lax.fori_loop(0, L, pexp, jnp.zeros((LANES,), jnp.float32))
        inv = 1.0 / denom

        for h in range(D // LANES):
            def p2(l, accs):
                tbase = l * (D * TSTRIDE)
                e = scores_v[pl.ds(l * LANES, LANES)]
                out = []
                for i, acc in enumerate(accs):
                    d = h * LANES + i
                    v = plsc.load_gather(t_v, [iota + (tbase + d * TSTRIDE)])
                    out.append(acc + v * e)
                return tuple(out)

            with jax.named_scope("pass2"):
                accs = lax.fori_loop(
                    0, L, p2,
                    tuple(jnp.zeros((LANES,), jnp.float32) for _ in range(LANES)))
            for i, acc in enumerate(accs):
                col = jnp.full((LANES,), h * LANES + i, jnp.int32)
                plsc.store_scatter(out_v, [iota, col], acc * inv)

        pltpu.sync_copy(out_v, out_hbm.at[pl.ds(base, BLK)])

    start_gather(0, 0)

    def pair_body(i, carry):
        for b in range(2):
            blk = 2 * i + b
            p = b
            nxt = blk + 1

            @pl.when(nxt < NBLK)
            def _():
                start_gather(nxt, 1 - p)

            compute_block(blk, p)
        return carry

    lax.fori_loop(0, NBLK // 2, pair_body, 0)


@jax.jit
def kernel(indices, table, attn_w):
    idx2d = indices.astype(jnp.int32).reshape(B * L // IDXW, IDXW)
    idx2d = lax.optimization_barrier(idx2d)

    mesh = plsc.VectorSubcoreMesh(core_axis_name="c", subcore_axis_name="s")
    f = pl.kernel(
        _sc_body,
        out_type=jax.ShapeDtypeStruct((B, D), jnp.float32),
        mesh=mesh,
        scratch_types=[
            pltpu.VMEM((D, 1), jnp.float32),
            pltpu.VMEM((IDX_CHUNK, IDXW), jnp.int32),
            pltpu.VMEM((IDX_PER_W,), jnp.int32),
            pltpu.VMEM((IDX_PER_BLK, D), jnp.float32),
            pltpu.VMEM((IDX_PER_BLK, D), jnp.float32),
            pltpu.VMEM((TSIZE,), jnp.float32),
            pltpu.VMEM((L * LANES,), jnp.float32),
            pltpu.VMEM((BLK, D), jnp.float32),
            pltpu.SemaphoreType.DMA,
            pltpu.SemaphoreType.DMA,
        ],
        compiler_params=pltpu.CompilerParams(
            needs_layout_passes=False, use_tc_tiling_on_sc=False),
    )
    return f(idx2d, table, attn_w)

# --- scband reference (transcript-rebuilt; emitter-appended) ---
"""Pipeline reference for scband-categorical-encoder-56427280335040 (READ-ONLY COPY).

The authoritative reference and input builder live on the scoring server;
editing this copy changes nothing except your own understanding.
"""

import jax, jax.numpy as jnp
import numpy as np

VOCAB = 1000000
EMB = 32
BATCH = 16384
HIST = 50

def setup_inputs(seed: int = 0) -> dict:
    key = jax.random.key(seed)
    k1, k2, k3 = jax.random.split(key, 3)
    indices = jax.random.randint(k1, (BATCH, HIST), 0, VOCAB)
    table = jax.random.normal(k2, (VOCAB, EMB), dtype=jnp.float32) * 0.02
    attn_w = jax.random.normal(k3, (EMB, 1), dtype=jnp.float32) * 0.1
    return {"indices": indices, "table": table, "attn_w": attn_w}

def reference(indices, table, attn_w):
    # embedding lookup: [B, L] -> [B, L, D]
    emb = jnp.take(table, indices, axis=0)
    # attention scores via Linear(emb_dim, 1, bias=False): [B, L, 1]
    scores = emb @ attn_w
    # softmax over the multi-value dimension (dim=1)
    weights = jax.nn.softmax(scores, axis=1)
    # weighted sum pooling: [B, D]
    pooled = jnp.sum(weights * emb, axis=1)
    # proj is Identity since output_dim == embedding_dim
    return pooled

if __name__ == "__main__":
    import jax
    _d = setup_inputs()
    print(jax.jit(kernel)(*tuple(_d.values())))

</pallas_src>

<mosaic_0001>
#map = affine_map<(d0, d1) -> (0, 0)>
module attributes {stable_mosaic.version = 14 : i64} {
  func.func @_sc_body(%arg0: i32, %arg1: i32, %arg2: memref<6400x128xi32, #tpu.memory_space<hbm>>, %arg3: memref<1000000x32xf32, #tpu.memory_space<hbm>>, %arg4: memref<32x1xf32, #tpu.memory_space<hbm>>, %arg5: memref<16384x32xf32, #tpu.memory_space<hbm>>, %arg6: memref<32x1xf32, #tpu.memory_space<vmem>>, %arg7: memref<25x128xi32, #tpu.memory_space<vmem>>, %arg8: memref<25600xi32, #tpu.memory_space<vmem>>, %arg9: memref<800x32xf32, #tpu.memory_space<vmem>>, %arg10: memref<800x32xf32, #tpu.memory_space<vmem>>, %arg11: memref<27199xf32, #tpu.memory_space<vmem>>, %arg12: memref<800xf32, #tpu.memory_space<vmem>>, %arg13: memref<16x32xf32, #tpu.memory_space<vmem>>, %arg14: memref<!tpu.dma_semaphore, #tpu.memory_space<semaphore_mem>>, %arg15: memref<!tpu.dma_semaphore, #tpu.memory_space<semaphore_mem>>) attributes {dimension_semantics = [#tpu.dimension_semantics<core_parallel>, #tpu.dimension_semantics<subcore_parallel>], iteration_bounds = array<i64: 2, 16>, scalar_prefetch = 0 : i64, scratch_operands = 10 : i64, tpu.core_type = #tpu.core_type<sc_vector_subcore>, window_params = [{transform_indices = #map}, {transform_indices = #map}, {transform_indices = #map}, {transform_indices = #map}]} {
    %mul3A = arith.constant 2 : i32
    %mul3A_0 = arith.muli %arg1, %mul3A : i32
    %add3A = arith.addi %mul3A_0, %arg0 : i32
    %mul3A_1 = arith.constant 512 : i32
    %mul3A_2 = arith.muli %add3A, %mul3A_1 : i32
    "tpu.region"() ({
      %run_scoped3A = tpu.sem_alloc : memref<!tpu.dma_semaphore, #tpu.memory_space<semaphore_mem>>
      tpu.enqueue_dma source(%arg4 : memref<32x1xf32, #tpu.memory_space<hbm>>) target(%arg6 : memref<32x1xf32, #tpu.memory_space<vmem>>) target_semaphore(%run_scoped3A : memref<!tpu.dma_semaphore, #tpu.memory_space<semaphore_mem>>)
      tpu.wait_dma2 semaphore(%run_scoped3A : memref<!tpu.dma_semaphore, #tpu.memory_space<semaphore_mem>>) src(%arg4 : memref<32x1xf32, #tpu.memory_space<hbm>>) dst(%arg6 : memref<32x1xf32, #tpu.memory_space<vmem>>)
      tpu.yield
    }) : () -> ()
    %iota3A = tpu.iota {dimensions = array<i32: 0>} : vector<16xi32>
    %broadcast_in_dim3A = arith.constant 0 : i32
    %broadcast_in_dim3A_3 = vector.broadcast %broadcast_in_dim3A : i32 to vector<16xi32>
    %add3A_4 = arith.constant 0 : i32
    %add3A_5 = vector.broadcast %add3A_4 : i32 to vector<16xi32>
    %add3A_6 = arith.addi %iota3A, %add3A_5 : vector<16xi32>
    %gather3A = tpu.vector_load_idx %arg6[%add3A_6, %broadcast_in_dim3A_3] : memref<32x1xf32, #tpu.memory_space<vmem>>[vector<16xi32>, vector<16xi32>], vector<16xf32>,
    %add3A_7 = arith.constant 16 : i32
    %add3A_8 = vector.broadcast %add3A_7 : i32 to vector<16xi32>
    %add3A_9 = arith.addi %iota3A, %add3A_8 : vector<16xi32>
    %gather3A_10 = tpu.vector_load_idx %arg6[%add3A_9, %broadcast_in_dim3A_3] : memref<32x1xf32, #tpu.memory_space<vmem>>[vector<16xi32>, vector<16xi32>], vector<16xf32>,
    %mul3A_11 = arith.constant 200 : i32
    %mul3A_12 = arith.muli %add3A, %mul3A_11 : i32
    %scan3A = arith.constant 0 : i32
    %scan3A_13 = arith.constant 0 : i32
    %scan3A_14 = arith.constant 8 : i32
    %scan3A_15 = arith.addi %scan3A_13, %scan3A_14 : i32
    %scan3A_16 = arith.constant 1 : i32
    %scan3A_17 = scf.for %scan3A_29 = %scan3A_13 to %scan3A_15 step %scan3A_16 iter_args(%scan3A_30 = %scan3A) -> (i32)  : i32 {
      %mul3A_31 = arith.constant 25 : i32
      %mul3A_32 = arith.muli %scan3A_29, %mul3A_31 : i32
      %add3A_33 = arith.addi %mul3A_12, %mul3A_32 : i32
      "tpu.region"() ({
        %run_scoped3A = tpu.sem_alloc : memref<!tpu.dma_semaphore, #tpu.memory_space<semaphore_mem>>
        %dma_start3A_44 = arith.constant 0 : i32
        %dma_start3A_45 = tpu.memref_slice %arg2[%add3A_33, %dma_start3A_44] : memref<6400x128xi32, #tpu.memory_space<hbm>> -> memref<25x128xi32, #tpu.memory_space<hbm>>
        %dma_start3A_46 = arith.constant 0 : i32
        %dma_start3A_47 = tpu.memref_slice %arg2[%add3A_33, %dma_start3A_46] : memref<6400x128xi32, #tpu.memory_space<hbm>> -> memref<25x128xi32, #tpu.memory_space<hbm>>
        tpu.enqueue_dma source(%dma_start3A_47 : memref<25x128xi32, #tpu.memory_space<hbm>>) target(%arg7 : memref<25x128xi32, #tpu.memory_space<vmem>>) target_semaphore(%run_scoped3A : memref<!tpu.dma_semaphore, #tpu.memory_space<semaphore_mem>>)
        %dma_wait3A = arith.constant 0 : i32
        %dma_wait3A_48 = tpu.memref_slice %arg2[%add3A_33, %dma_wait3A] : memref<6400x128xi32, #tpu.memory_space<hbm>> -> memref<25x128xi32, #tpu.memory_space<hbm>>
        %dma_wait3A_49 = arith.constant 0 : i32
        %dma_wait3A_50 = tpu.memref_slice %arg2[%add3A_33, %dma_wait3A_49] : memref<6400x128xi32, #tpu.memory_space<hbm>> -> memref<25x128xi32, #tpu.memory_space<hbm>>
        tpu.wait_dma2 semaphore(%run_scoped3A : memref<!tpu.dma_semaphore, #tpu.memory_space<semaphore_mem>>) src(%dma_wait3A_50 : memref<25x128xi32, #tpu.memory_space<hbm>>) dst(%arg7 : memref<25x128xi32, #tpu.memory_space<vmem>>)
        tpu.yield
      }) : () -> ()
      %mul3A_34 = arith.constant 3200 : i32
      %mul3A_35 = arith.muli %scan3A_29, %mul3A_34 : i32
      %scan3A_36 = arith.constant 0 : i32
      %scan3A_37 = arith.constant 0 : i32
      %scan3A_38 = arith.constant 25 : i32
      %scan3A_39 = arith.addi %scan3A_37, %scan3A_38 : i32
      %scan3A_40 = arith.constant 1 : i32
      %scan3A_41 = scf.for %scan3A_44 = %scan3A_37 to %scan3A_39 step %scan3A_40 iter_args(%scan3A_45 = %scan3A_36) -> (i32)  : i32 {
        %broadcast_in_dim3A_46 = vector.broadcast %scan3A_44 : i32 to vector<16xi32>
        %mul3A_47 = arith.constant 128 : i32
        %mul3A_48 = arith.muli %scan3A_44, %mul3A_47 : i32
        %add3A_49 = arith.addi %mul3A_35, %mul3A_48 : i32
        %add3A_50 = arith.constant 0 : i32
        %add3A_51 = vector.broadcast %add3A_50 : i32 to vector<16xi32>
        %add3A_52 = arith.addi %iota3A, %add3A_51 : vector<16xi32>
        %gather3A_53 = tpu.vector_load_idx %arg7[%broadcast_in_dim3A_46, %add3A_52] : memref<25x128xi32, #tpu.memory_space<vmem>>[vector<16xi32>, vector<16xi32>], vector<16xi32>,
        %add3A_54 = arith.constant 0 : i32
        %add3A_55 = arith.addi %add3A_49, %add3A_54 : i32
        %add3A_56 = vector.broadcast %add3A_55 : i32 to vector<16xi32>
        %add3A_57 = arith.addi %iota3A, %add3A_56 : vector<16xi32>
        tpu.vector_store_idx %arg8[%add3A_57], %gather3A_53 : memref<25600xi32, #tpu.memory_space<vmem>>[vector<16xi32>], vector<16xi32>,
        %add3A_58 = arith.constant 16 : i32
        %add3A_59 = vector.broadcast %add3A_58 : i32 to vector<16xi32>
        %add3A_60 = arith.addi %iota3A, %add3A_59 : vector<16xi32>
        %gather3A_61 = tpu.vector_load_idx %arg7[%broadcast_in_dim3A_46, %add3A_60] : memref<25x128xi32, #tpu.memory_space<vmem>>[vector<16xi32>, vector<16xi32>], vector<16xi32>,
        %add3A_62 = arith.constant 16 : i32
        %add3A_63 = arith.addi %add3A_49, %add3A_62 : i32
        %add3A_64 = vector.broadcast %add3A_63 : i32 to vector<16xi32>
        %add3A_65 = arith.addi %iota3A, %add3A_64 : vector<16xi32>
        tpu.vector_store_idx %arg8[%add3A_65], %gather3A_61 : memref<25600xi32, #tpu.memory_space<vmem>>[vector<16xi32>], vector<16xi32>,
        %add3A_66 = arith.constant 32 : i32
        %add3A_67 = vector.broadcast %add3A_66 : i32 to vector<16xi32>
        %add3A_68 = arith.addi %iota3A, %add3A_67 : vector<16xi32>
        %gather3A_69 = tpu.vector_load_idx %arg7[%broadcast_in_dim3A_46, %add3A_68] : memref<25x128xi32, #tpu.memory_space<vmem>>[vector<16xi32>, vector<16xi32>], vector<16xi32>,
        %add3A_70 = arith.constant 32 : i32
        %add3A_71 = arith.addi %add3A_49, %add3A_70 : i32
        %add3A_72 = vector.broadcast %add3A_71 : i32 to vector<16xi32>
        %add3A_73 = arith.addi %iota3A, %add3A_72 : vector<16xi32>
        tpu.vector_store_idx %arg8[%add3A_73], %gather3A_69 : memref<25600xi32, #tpu.memory_space<vmem>>[vector<16xi32>], vector<16xi32>,
        %add3A_74 = arith.constant 48 : i32
        %add3A_75 = vector.broadcast %add3A_74 : i32 to vector<16xi32>
        %add3A_76 = arith.addi %iota3A, %add3A_75 : vector<16xi32>
        %gather3A_77 = tpu.vector_load_idx %arg7[%broadcast_in_dim3A_46, %add3A_76] : memref<25x128xi32, #tpu.memory_space<vmem>>[vector<16xi32>, vector<16xi32>], vector<16xi32>,
        %add3A_78 = arith.constant 48 : i32
        %add3A_79 = arith.addi %add3A_49, %add3A_78 : i32
        %add3A_80 = vector.broadcast %add3A_79 : i32 to vector<16xi32>
        %add3A_81 = arith.addi %iota3A, %add3A_80 : vector<16xi32>
        tpu.vector_store_idx %arg8[%add3A_81], %gather3A_77 : memref<25600xi32, #tpu.memory_space<vmem>>[vector<16xi32>], vector<16xi32>,
        %add3A_82 = arith.constant 64 : i32
        %add3A_83 = vector.broadcast %add3A_82 : i32 to vector<16xi32>
        %add3A_84 = arith.addi %iota3A, %add3A_83 : vector<16xi32>
        %gather3A_85 = tpu.vector_load_idx %arg7[%broadcast_in_dim3A_46, %add3A_84] : memref<25x128xi32, #tpu.memory_space<vmem>>[vector<16xi32>, vector<16xi32>], vector<16xi32>,
        %add3A_86 = arith.constant 64 : i32
        %add3A_87 = arith.addi %add3A_49, %add3A_86 : i32
        %add3A_88 = vector.broadcast %add3A_87 : i32 to vector<16xi32>
        %add3A_89 = arith.addi %iota3A, %add3A_88 : vector<16xi32>
        tpu.vector_store_idx %arg8[%add3A_89], %gather3A_85 : memref<25600xi32, #tpu.memory_space<vmem>>[vector<16xi32>], vector<16xi32>,
        %add3A_90 = arith.constant 80 : i32
        %add3A_91 = vector.broadcast %add3A_90 : i32 to vector<16xi32>
        %add3A_92 = arith.addi %iota3A, %add3A_91 : vector<16xi32>
        %gather3A_93 = tpu.vector_load_idx %arg7[%broadcast_in_dim3A_46, %add3A_92] : memref<25x128xi32, #tpu.memory_space<vmem>>[vector<16xi32>, vector<16xi32>], vector<16xi32>,
        %add3A_94 = arith.constant 80 : i32
        %add3A_95 = arith.addi %add3A_49, %add3A_94 : i32
        %add3A_96 = vector.broadcast %add3A_95 : i32 to vector<16xi32>
        %add3A_97 = arith.addi %iota3A, %add3A_96 : vector<16xi32>
        tpu.vector_store_idx %arg8[%add3A_97], %gather3A_93 : memref<25600xi32, #tpu.memory_space<vmem>>[vector<16xi32>], vector<16xi32>,
        %add3A_98 = arith.constant 96 : i32
        %add3A_99 = vector.broadcast %add3A_98 : i32 to vector<16xi32>
        %add3A_100 = arith.addi %iota3A, %add3A_99 : vector<16xi32>
        %gather3A_101 = tpu.vector_load_idx %arg7[%broadcast_in_dim3A_46, %add3A_100] : memref<25x128xi32, #tpu.memory_space<vmem>>[vector<16xi32>, vector<16xi32>], vector<16xi32>,
        %add3A_102 = arith.constant 96 : i32
        %add3A_103 = arith.addi %add3A_49, %add3A_102 : i32
        %add3A_104 = vector.broadcast %add3A_103 : i32 to vector<16xi32>
        %add3A_105 = arith.addi %iota3A, %add3A_104 : vector<16xi32>
        tpu.vector_store_idx %arg8[%add3A_105], %gather3A_101 : memref<25600xi32, #tpu.memory_space<vmem>>[vector<16xi32>], vector<16xi32>,
        %add3A_106 = arith.constant 112 : i32
        %add3A_107 = vector.broadcast %add3A_106 : i32 to vector<16xi32>
        %add3A_108 = arith.addi %iota3A, %add3A_107 : vector<16xi32>
        %gather3A_109 = tpu.vector_load_idx %arg7[%broadcast_in_dim3A_46, %add3A_108] : memref<25x128xi32, #tpu.memory_space<vmem>>[vector<16xi32>, vector<16xi32>], vector<16xi32>,
        %add3A_110 = arith.constant 112 : i32
        %add3A_111 = arith.addi %add3A_49, %add3A_110 : i32
        %add3A_112 = vector.broadcast %add3A_111 : i32 to vector<16xi32>
        %add3A_113 = arith.addi %iota3A, %add3A_112 : vector<16xi32>
        tpu.vector_store_idx %arg8[%add3A_113], %gather3A_109 : memref<25600xi32, #tpu.memory_space<vmem>>[vector<16xi32>], vector<16xi32>,
        %scan3A_114 = arith.constant 0 : i32
        scf.yield %scan3A_114 : i32
      }
      %scan3A_42 = arith.constant 25 : i32
      %scan3A_43 = arith.constant 0 : i32
      scf.yield %scan3A_43 : i32
    }
    %scan3A_18 = arith.constant 8 : i32
    %dma_start3A = arith.constant 0 : i32
    %dma_start3A_19 = tpu.memref_slice %arg8[%dma_start3A] : memref<25600xi32, #tpu.memory_space<vmem>> -> memref<800xi32, #tpu.memory_space<vmem>>
    %dma_start3A_20 = arith.constant 0 : i32
    %dma_start3A_21 = arith.constant 0 : i32
    %dma_start3A_22 = tpu.memref_slice %arg3[%dma_start3A_20, %dma_start3A_21] : memref<1000000x32xf32, #tpu.memory_space<hbm>> -> memref<1000000x32xf32, #tpu.memory_space<hbm>>
    tpu.enqueue_indirect_dma source(%dma_start3A_22 : memref<1000000x32xf32, #tpu.memory_space<hbm>>) target(%arg9 : memref<800x32xf32, #tpu.memory_space<vmem>>) offsets(%dma_start3A_19 : memref<800xi32, #tpu.memory_space<vmem>>) semaphore(%arg14 : memref<!tpu.dma_semaphore, #tpu.memory_space<semaphore_mem>>)
    %scan3A_23 = arith.constant 0 : i32
    %scan3A_24 = arith.constant 0 : i32
    %scan3A_25 = arith.constant 16 : i32
    %scan3A_26 = arith.addi %scan3A_24, %scan3A_25 : i32
    %scan3A_27 = arith.constant 1 : i32
    scf.for %scan3A_29 = %scan3A_24 to %scan3A_26 step %scan3A_27  : i32 {
      %mul3A_30 = arith.constant 2 : i32
      %mul3A_31 = arith.muli %mul3A_30, %scan3A_29 : i32
      %add3A_32 = arith.constant 0 : i32
      %add3A_33 = arith.addi %mul3A_31, %add3A_32 : i32
      %add3A_34 = arith.constant 1 : i32
      %add3A_35 = arith.addi %add3A_33, %add3A_34 : i32
      %lt3A = arith.constant 32 : i32
      %lt3A_36 = arith.cmpi slt, %add3A_35, %lt3A : i32
      %convert_element_type3A = arith.extui %lt3A_36 : i1 to i32
      %cond3A = arith.constant 0 : i32
      %cond3A_37 = arith.cmpi ne, %convert_element_type3A, %cond3A : i32
      scf.if %cond3A_37 {
        %mul3A_475 = arith.constant 800 : i32
        %mul3A_476 = arith.muli %add3A_35, %mul3A_475 : i32
        %dma_start3A_477 = tpu.memref_slice %arg8[%mul3A_476] : memref<25600xi32, #tpu.memory_space<vmem>> -> memref<800xi32, #tpu.memory_space<vmem>>
        %dma_start3A_478 = arith.constant 0 : i32
        %dma_start3A_479 = arith.constant 0 : i32
        %dma_start3A_480 = tpu.memref_slice %arg3[%dma_start3A_478, %dma_start3A_479] : memref<1000000x32xf32, #tpu.memory_space<hbm>> -> memref<1000000x32xf32, #tpu.memory_space<hbm>>
        tpu.enqueue_indirect_dma source(%dma_start3A_480 : memref<1000000x32xf32, #tpu.memory_space<hbm>>) target(%arg10 : memref<800x32xf32, #tpu.memory_space<vmem>>) offsets(%dma_start3A_477 : memref<800xi32, #tpu.memory_space<vmem>>) semaphore(%arg15 : memref<!tpu.dma_semaphore, #tpu.memory_space<semaphore_mem>>)
      } else {
      }
      %mul3A_38 = arith.constant 16 : i32
      %mul3A_39 = arith.muli %add3A_33, %mul3A_38 : i32
      %add3A_40 = arith.addi %mul3A_2, %mul3A_39 : i32
      "tpu.trace_start"() <{level = 10 : i32, message = "gwait"}> : () -> ()
      %mul3A_41 = arith.constant 800 : i32
      %mul3A_42 = arith.muli %add3A_33, %mul3A_41 : i32
      %dma_wait3A = tpu.memref_slice %arg8[%mul3A_42] : memref<25600xi32, #tpu.memory_space<vmem>> -> memref<800xi32, #tpu.memory_space<vmem>>
      %dma_wait3A_43 = arith.constant 0 : i32
      %dma_wait3A_44 = arith.constant 0 : i32
      %dma_wait3A_45 = tpu.memref_slice %arg3[%dma_wait3A_43, %dma_wait3A_44] : memref<1000000x32xf32, #tpu.memory_space<hbm>> -> memref<1000000x32xf32, #tpu.memory_space<hbm>>
      tpu.wait_indirect_dma semaphore(%arg14 : memref<!tpu.dma_semaphore, #tpu.memory_space<semaphore_mem>>) src(%dma_wait3A_45 : memref<1000000x32xf32, #tpu.memory_space<hbm>>) dst(%arg9 : memref<800x32xf32, #tpu.memory_space<vmem>>)
      "tpu.trace_stop"() : () -> ()
      "tpu.trace_start"() <{level = 10 : i32, message = "repack"}> : () -> ()
      %scan3A_46 = arith.constant 0 : i32
      %scan3A_47 = arith.constant 0 : i32
      %scan3A_48 = arith.constant 50 : i32
      %scan3A_49 = arith.addi %scan3A_47, %scan3A_48 : i32
      %scan3A_50 = arith.constant 1 : i32
      %scan3A_51 = scf.for %scan3A_475 = %scan3A_47 to %scan3A_49 step %scan3A_50 iter_args(%scan3A_476 = %scan3A_46) -> (i32)  : i32 {
        %broadcast_in_dim3A_477 = vector.broadcast %scan3A_475 : i32 to vector<16xi32>
        %mul3A_478 = arith.constant 544 : i32
        %mul3A_479 = arith.muli %scan3A_475, %mul3A_478 : i32
        %add3A_480 = arith.constant 0 : i32
        %add3A_481 = vector.broadcast %add3A_480 : i32 to vector<16xi32>
        %add3A_482 = arith.addi %broadcast_in_dim3A_477, %add3A_481 : vector<16xi32>
        %add3A_483 = arith.constant 0 : i32
        %add3A_484 = vector.broadcast %add3A_483 : i32 to vector<16xi32>
        %add3A_485 = arith.addi %iota3A, %add3A_484 : vector<16xi32>
        %gather3A_486 = tpu.vector_load_idx %arg9[%add3A_482, %add3A_485] : memref<800x32xf32, #tpu.memory_space<vmem>>[vector<16xi32>, vector<16xi32>], vector<16xf32>,
        %mul3A_487 = arith.constant 17 : i32
        %mul3A_488 = vector.broadcast %mul3A_487 : i32 to vector<16xi32>
        %mul3A_489 = arith.muli %iota3A, %mul3A_488 : vector<16xi32>
        %add3A_490 = arith.constant 0 : i32
        %add3A_491 = arith.addi %mul3A_479, %add3A_490 : i32
        %add3A_492 = arith.constant 0 : i32
        %add3A_493 = arith.addi %add3A_491, %add3A_492 : i32
        %add3A_494 = vector.broadcast %add3A_493 : i32 to vector<16xi32>
        %add3A_495 = arith.addi %mul3A_489, %add3A_494 : vector<16xi32>
        tpu.vector_store_idx %arg11[%add3A_495], %gather3A_486 : memref<27199xf32, #tpu.memory_space<vmem>>[vector<16xi32>], vector<16xf32>,
        %add3A_496 = arith.constant 50 : i32
        %add3A_497 = vector.broadcast %add3A_496 : i32 to vector<16xi32>
        %add3A_498 = arith.addi %broadcast_in_dim3A_477, %add3A_497 : vector<16xi32>
        %add3A_499 = arith.constant 0 : i32
        %add3A_500 = vector.broadcast %add3A_499 : i32 to vector<16xi32>
        %add3A_501 = arith.addi %iota3A, %add3A_500 : vector<16xi32>
        %gather3A_502 = tpu.vector_load_idx %arg9[%add3A_498, %add3A_501] : memref<800x32xf32, #tpu.memory_space<vmem>>[vector<16xi32>, vector<16xi32>], vector<16xf32>,
        %mul3A_503 = arith.constant 17 : i32
        %mul3A_504 = vector.broadcast %mul3A_503 : i32 to vector<16xi32>
        %mul3A_505 = arith.muli %iota3A, %mul3A_504 : vector<16xi32>
        %add3A_506 = arith.constant 0 : i32
        %add3A_507 = arith.addi %mul3A_479, %add3A_506 : i32
        %add3A_508 = arith.constant 1 : i32
        %add3A_509 = arith.addi %add3A_507, %add3A_508 : i32
        %add3A_510 = vector.broadcast %add3A_509 : i32 to vector<16xi32>
        %add3A_511 = arith.addi %mul3A_505, %add3A_510 : vector<16xi32>
        tpu.vector_store_idx %arg11[%add3A_511], %gather3A_502 : memref<27199xf32, #tpu.memory_space<vmem>>[vector<16xi32>], vector<16xf32>,
        %add3A_512 = arith.constant 100 : i32
        %add3A_513 = vector.broadcast %add3A_512 : i32 to vector<16xi32>
        %add3A_514 = arith.addi %broadcast_in_dim3A_477, %add3A_513 : vector<16xi32>
        %add3A_515 = arith.constant 0 : i32
        %add3A_516 = vector.broadcast %add3A_515 : i32 to vector<16xi32>
        %add3A_517 = arith.addi %iota3A, %add3A_516 : vector<16xi32>
        %gather3A_518 = tpu.vector_load_idx %arg9[%add3A_514, %add3A_517] : memref<800x32xf32, #tpu.memory_space<vmem>>[vector<16xi32>, vector<16xi32>], vector<16xf32>,
        %mul3A_519 = arith.constant 17 : i32
        %mul3A_520 = vector.broadcast %mul3A_519 : i32 to vector<16xi32>
        %mul3A_521 = arith.muli %iota3A, %mul3A_520 : vector<16xi32>
        %add3A_522 = arith.constant 0 : i32
        %add3A_523 = arith.addi %mul3A_479, %add3A_522 : i32
        %add3A_524 = arith.constant 2 : i32
        %add3A_525 = arith.addi %add3A_523, %add3A_524 : i32
        %add3A_526 = vector.broadcast %add3A_525 : i32 to vector<16xi32>
        %add3A_527 = arith.addi %mul3A_521, %add3A_526 : vector<16xi32>
        tpu.vector_store_idx %arg11[%add3A_527], %gather3A_518 : memref<27199xf32, #tpu.memory_space<vmem>>[vector<16xi32>], vector<16xf32>,
        %add3A_528 = arith.constant 150 : i32
        %add3A_529 = vector.broadcast %add3A_528 : i32 to vector<16xi32>
        %add3A_530 = arith.addi %broadcast_in_dim3A_477, %add3A_529 : vector<16xi32>
        %add3A_531 = arith.constant 0 : i32
        %add3A_532 = vector.broadcast %add3A_531 : i32 to vector<16xi32>
        %add3A_533 = arith.addi %iota3A, %add3A_532 : vector<16xi32>
        %gather3A_534 = tpu.vector_load_idx %arg9[%add3A_530, %add3A_533] : memref<800x32xf32, #tpu.memory_space<vmem>>[vector<16xi32>, vector<16xi32>], vector<16xf32>,
        %mul3A_535 = arith.constant 17 : i32
        %mul3A_536 = vector.broadcast %mul3A_535 : i32 to vector<16xi32>
        %mul3A_537 = arith.muli %iota3A, %mul3A_536 : vector<16xi32>
        %add3A_538 = arith.constant 0 : i32
        %add3A_539 = arith.addi %mul3A_479, %add3A_538 : i32
        %add3A_540 = arith.constant 3 : i32
        %add3A_541 = arith.addi %add3A_539, %add3A_540 : i32
        %add3A_542 = vector.broadcast %add3A_541 : i32 to vector<16xi32>
        %add3A_543 = arith.addi %mul3A_537, %add3A_542 : vector<16xi32>
        tpu.vector_store_idx %arg11[%add3A_543], %gather3A_534 : memref<27199xf32, #tpu.memory_space<vmem>>[vector<16xi32>], vector<16xf32>,
        %add3A_544 = arith.constant 200 : i32
        %add3A_545 = vector.broadcast %add3A_544 : i32 to vector<16xi32>
        %add3A_546 = arith.addi %broadcast_in_dim3A_477, %add3A_545 : vector<16xi32>
        %add3A_547 = arith.constant 0 : i32
        %add3A_548 = vector.broadcast %add3A_547 : i32 to vector<16xi32>
        %add3A_549 = arith.addi %iota3A, %add3A_548 : vector<16xi32>
        %gather3A_550 = tpu.vector_load_idx %arg9[%add3A_546, %add3A_549] : memref<800x32xf32, #tpu.memory_space<vmem>>[vector<16xi32>, vector<16xi32>], vector<16xf32>,
        %mul3A_551 = arith.constant 17 : i32
        %mul3A_552 = vector.broadcast %mul3A_551 : i32 to vector<16xi32>
        %mul3A_553 = arith.muli %iota3A, %mul3A_552 : vector<16xi32>
        %add3A_554 = arith.constant 0 : i32
        %add3A_555 = arith.addi %mul3A_479, %add3A_554 : i32
        %add3A_556 = arith.constant 4 : i32
        %add3A_557 = arith.addi %add3A_555, %add3A_556 : i32
        %add3A_558 = vector.broadcast %add3A_557 : i32 to vector<16xi32>
        %add3A_559 = arith.addi %mul3A_553, %add3A_558 : vector<16xi32>
        tpu.vector_store_idx %arg11[%add3A_559], %gather3A_550 : memref<27199xf32, #tpu.memory_space<vmem>>[vector<16xi32>], vector<16xf32>,
        %add3A_560 = arith.constant 250 : i32
        %add3A_561 = vector.broadcast %add3A_560 : i32 to vector<16xi32>
        %add3A_562 = arith.addi %broadcast_in_dim3A_477, %add3A_561 : vector<16xi32>
        %add3A_563 = arith.constant 0 : i32
        %add3A_564 = vector.broadcast %add3A_563 : i32 to vector<16xi32>
        %add3A_565 = arith.addi %iota3A, %add3A_564 : vector<16xi32>
        %gather3A_566 = tpu.vector_load_idx %arg9[%add3A_562, %add3A_565] : memref<800x32xf32, #tpu.memory_space<vmem>>[vector<16xi32>, vector<16xi32>], vector<16xf32>,
        %mul3A_567 = arith.constant 17 : i32
        %mul3A_568 = vector.broadcast %mul3A_567 : i32 to vector<16xi32>
        %mul3A_569 = arith.muli %iota3A, %mul3A_568 : vector<16xi32>
        %add3A_570 = arith.constant 0 : i32
        %add3A_571 = arith.addi %mul3A_479, %add3A_570 : i32
        %add3A_572 = arith.constant 5 : i32
        %add3A_573 = arith.addi %add3A_571, %add3A_572 : i32
        %add3A_574 = vector.broadcast %add3A_573 : i32 to vector<16xi32>
        %add3A_575 = arith.addi %mul3A_569, %add3A_574 : vector<16xi32>
        tpu.vector_store_idx %arg11[%add3A_575], %gather3A_566 : memref<27199xf32, #tpu.memory_space<vmem>>[vector<16xi32>], vector<16xf32>,
        %add3A_576 = arith.constant 300 : i32
        %add3A_577 = vector.broadcast %add3A_576 : i32 to vector<16xi32>
        %add3A_578 = arith.addi %broadcast_in_dim3A_477, %add3A_577 : vector<16xi32>
        %add3A_579 = arith.constant 0 : i32
        %add3A_580 = vector.broadcast %add3A_579 : i32 to vector<16xi32>
        %add3A_581 = arith.addi %iota3A, %add3A_580 : vector<16xi32>
        %gather3A_582 = tpu.vector_load_idx %arg9[%add3A_578, %add3A_581] : memref<800x32xf32, #tpu.memory_space<vmem>>[vector<16xi32>, vector<16xi32>], vector<16xf32>,
        %mul3A_583 = arith.constant 17 : i32
        %mul3A_584 = vector.broadcast %mul3A_583 : i32 to vector<16xi32>
        %mul3A_585 = arith.muli %iota3A, %mul3A_584 : vector<16xi32>
        %add3A_586 = arith.constant 0 : i32
        %add3A_587 = arith.addi %mul3A_479, %add3A_586 : i32
        %add3A_588 = arith.constant 6 : i32
        %add3A_589 = arith.addi %add3A_587, %add3A_588 : i32
        %add3A_590 = vector.broadcast %add3A_589 : i32 to vector<16xi32>
        %add3A_591 = arith.addi %mul3A_585, %add3A_590 : vector<16xi32>
        tpu.vector_store_idx %arg11[%add3A_591], %gather3A_582 : memref<27199xf32, #tpu.memory_space<vmem>>[vector<16xi32>], vector<16xf32>,
        %add3A_592 = arith.constant 350 : i32
        %add3A_593 = vector.broadcast %add3A_592 : i32 to vector<16xi32>
        %add3A_594 = arith.addi %broadcast_in_dim3A_477, %add3A_593 : vector<16xi32>
        %add3A_595 = arith.constant 0 : i32
        %add3A_596 = vector.broadcast %add3A_595 : i32 to vector<16xi32>
        %add3A_597 = arith.addi %iota3A, %add3A_596 : vector<16xi32>
        %gather3A_598 = tpu.vector_load_idx %arg9[%add3A_594, %add3A_597] : memref<800x32xf32, #tpu.memory_space<vmem>>[vector<16xi32>, vector<16xi32>], vector<16xf32>,
        %mul3A_599 = arith.constant 17 : i32
        %mul3A_600 = vector.broadcast %mul3A_599 : i32 to vector<16xi32>
        %mul3A_601 = arith.muli %iota3A, %mul3A_600 : vector<16xi32>
        %add3A_602 = arith.constant 0 : i32
        %add3A_603 = arith.addi %mul3A_479, %add3A_602 : i32
        %add3A_604 = arith.constant 7 : i32
        %add3A_605 = arith.addi %add3A_603, %add3A_604 : i32
        %add3A_606 = vector.broadcast %add3A_605 : i32 to vector<16xi32>
        %add3A_607 = arith.addi %mul3A_601, %add3A_606 : vector<16xi32>
        tpu.vector_store_idx %arg11[%add3A_607], %gather3A_598 : memref<27199xf32, #tpu.memory_space<vmem>>[vector<16xi32>], vector<16xf32>,
        %add3A_608 = arith.constant 400 : i32
        %add3A_609 = vector.broadcast %add3A_608 : i32 to vector<16xi32>
        %add3A_610 = arith.addi %broadcast_in_dim3A_477, %add3A_609 : vector<16xi32>
        %add3A_611 = arith.constant 0 : i32
        %add3A_612 = vector.broadcast %add3A_611 : i32 to vector<16xi32>
        %add3A_613 = arith.addi %iota3A, %add3A_612 : vector<16xi32>
        %gather3A_614 = tpu.vector_load_idx %arg9[%add3A_610, %add3A_613] : memref<800x32xf32, #tpu.memory_space<vmem>>[vector<16xi32>, vector<16xi32>], vector<16xf32>,
        %mul3A_615 = arith.constant 17 : i32
        %mul3A_616 = vector.broadcast %mul3A_615 : i32 to vector<16xi32>
        %mul3A_617 = arith.muli %iota3A, %mul3A_616 : vector<16xi32>
        %add3A_618 = arith.constant 0 : i32
        %add3A_619 = arith.addi %mul3A_479, %add3A_618 : i32
        %add3A_620 = arith.constant 8 : i32
        %add3A_621 = arith.addi %add3A_619, %add3A_620 : i32
        %add3A_622 = vector.broadcast %add3A_621 : i32 to vector<16xi32>
        %add3A_623 = arith.addi %mul3A_617, %add3A_622 : vector<16xi32>
        tpu.vector_store_idx %arg11[%add3A_623], %gather3A_614 : memref<27199xf32, #tpu.memory_space<vmem>>[vector<16xi32>], vector<16xf32>,
        %add3A_624 = arith.constant 450 : i32
        %add3A_625 = vector.broadcast %add3A_624 : i32 to vector<16xi32>
        %add3A_626 = arith.addi %broadcast_in_dim3A_477, %add3A_625 : vector<16xi32>
        %add3A_627 = arith.constant 0 : i32
        %add3A_628 = vector.broadcast %add3A_627 : i32 to vector<16xi32>
        %add3A_629 = arith.addi %iota3A, %add3A_628 : vector<16xi32>
        %gather3A_630 = tpu.vector_load_idx %arg9[%add3A_626, %add3A_629] : memref<800x32xf32, #tpu.memory_space<vmem>>[vector<16xi32>, vector<16xi32>], vector<16xf32>,
        %mul3A_631 = arith.constant 17 : i32
        %mul3A_632 = vector.broadcast %mul3A_631 : i32 to vector<16xi32>
        %mul3A_633 = arith.muli %iota3A, %mul3A_632 : vector<16xi32>
        %add3A_634 = arith.constant 0 : i32
        %add3A_635 = arith.addi %mul3A_479, %add3A_634 : i32
        %add3A_636 = arith.constant 9 : i32
        %add3A_637 = arith.addi %add3A_635, %add3A_636 : i32
        %add3A_638 = vector.broadcast %add3A_637 : i32 to vector<16xi32>
        %add3A_639 = arith.addi %mul3A_633, %add3A_638 : vector<16xi32>
        tpu.vector_store_idx %arg11[%add3A_639], %gather3A_630 : memref<27199xf32, #tpu.memory_space<vmem>>[vector<16xi32>], vector<16xf32>,
        %add3A_640 = arith.constant 500 : i32
        %add3A_641 = vector.broadcast %add3A_640 : i32 to vector<16xi32>
        %add3A_642 = arith.addi %broadcast_in_dim3A_477, %add3A_641 : vector<16xi32>
        %add3A_643 = arith.constant 0 : i32
        %add3A_644 = vector.broadcast %add3A_643 : i32 to vector<16xi32>
        %add3A_645 = arith.addi %iota3A, %add3A_644 : vector<16xi32>
        %gather3A_646 = tpu.vector_load_idx %arg9[%add3A_642, %add3A_645] : memref<800x32xf32, #tpu.memory_space<vmem>>[vector<16xi32>, vector<16xi32>], vector<16xf32>,
        %mul3A_647 = arith.constant 17 : i32
        %mul3A_648 = vector.broadcast %mul3A_647 : i32 to vector<16xi32>
        %mul3A_649 = arith.muli %iota3A, %mul3A_648 : vector<16xi32>
        %add3A_650 = arith.constant 0 : i32
        %add3A_651 = arith.addi %mul3A_479, %add3A_650 : i32
        %add3A_652 = arith.constant 10 : i32
        %add3A_653 = arith.addi %add3A_651, %add3A_652 : i32
        %add3A_654 = vector.broadcast %add3A_653 : i32 to vector<16xi32>
        %add3A_655 = arith.addi %mul3A_649, %add3A_654 : vector<16xi32>
        tpu.vector_store_idx %arg11[%add3A_655], %gather3A_646 : memref<27199xf32, #tpu.memory_space<vmem>>[vector<16xi32>], vector<16xf32>,
        %add3A_656 = arith.constant 550 : i32
        %add3A_657 = vector.broadcast %add3A_656 : i32 to vector<16xi32>
        %add3A_658 = arith.addi %broadcast_in_dim3A_477, %add3A_657 : vector<16xi32>
        %add3A_659 = arith.constant 0 : i32
        %add3A_660 = vector.broadcast %add3A_659 : i32 to vector<16xi32>
        %add3A_661 = arith.addi %iota3A, %add3A_660 : vector<16xi32>
        %gather3A_662 = tpu.vector_load_idx %arg9[%add3A_658, %add3A_661] : memref<800x32xf32, #tpu.memory_space<vmem>>[vector<16xi32>, vector<16xi32>], vector<16xf32>,
        %mul3A_663 = arith.constant 17 : i32
        %mul3A_664 = vector.broadcast %mul3A_663 : i32 to vector<16xi32>
        %mul3A_665 = arith.muli %iota3A, %mul3A_664 : vector<16xi32>
        %add3A_666 = arith.constant 0 : i32
        %add3A_667 = arith.addi %mul3A_479, %add3A_666 : i32
        %add3A_668 = arith.constant 11 : i32
        %add3A_669 = arith.addi %add3A_667, %add3A_668 : i32
        %add3A_670 = vector.broadcast %add3A_669 : i32 to vector<16xi32>
        %add3A_671 = arith.addi %mul3A_665, %add3A_670 : vector<16xi32>
        tpu.vector_store_idx %arg11[%add3A_671], %gather3A_662 : memref<27199xf32, #tpu.memory_space<vmem>>[vector<16xi32>], vector<16xf32>,
        %add3A_672 = arith.constant 600 : i32
        %add3A_673 = vector.broadcast %add3A_672 : i32 to vector<16xi32>
        %add3A_674 = arith.addi %broadcast_in_dim3A_477, %add3A_673 : vector<16xi32>
        %add3A_675 = arith.constant 0 : i32
        %add3A_676 = vector.broadcast %add3A_675 : i32 to vector<16xi32>
        %add3A_677 = arith.addi %iota3A, %add3A_676 : vector<16xi32>
        %gather3A_678 = tpu.vector_load_idx %arg9[%add3A_674, %add3A_677] : memref<800x32xf32, #tpu.memory_space<vmem>>[vector<16xi32>, vector<16xi32>], vector<16xf32>,
        %mul3A_679 = arith.constant 17 : i32
        %mul3A_680 = vector.broadcast %mul3A_679 : i32 to vector<16xi32>
        %mul3A_681 = arith.muli %iota3A, %mul3A_680 : vector<16xi32>
        %add3A_682 = arith.constant 0 : i32
        %add3A_683 = arith.addi %mul3A_479, %add3A_682 : i32
        %add3A_684 = arith.constant 12 : i32
        %add3A_685 = arith.addi %add3A_683, %add3A_684 : i32
        %add3A_686 = vector.broadcast %add3A_685 : i32 to vector<16xi32>
        %add3A_687 = arith.addi %mul3A_681, %add3A_686 : vector<16xi32>
        tpu.vector_store_idx %arg11[%add3A_687], %gather3A_678 : memref<27199xf32, #tpu.memory_space<vmem>>[vector<16xi32>], vector<16xf32>,
        %add3A_688 = arith.constant 650 : i32
        %add3A_689 = vector.broadcast %add3A_688 : i32 to vector<16xi32>
        %add3A_690 = arith.addi %broadcast_in_dim3A_477, %add3A_689 : vector<16xi32>
        %add3A_691 = arith.constant 0 : i32
        %add3A_692 = vector.broadcast %add3A_691 : i32 to vector<16xi32>
        %add3A_693 = arith.addi %iota3A, %add3A_692 : vector<16xi32>
        %gather3A_694 = tpu.vector_load_idx %arg9[%add3A_690, %add3A_693] : memref<800x32xf32, #tpu.memory_space<vmem>>[vector<16xi32>, vector<16xi32>], vector<16xf32>,
        %mul3A_695 = arith.constant 17 : i32
        %mul3A_696 = vector.broadcast %mul3A_695 : i32 to vector<16xi32>
        %mul3A_697 = arith.muli %iota3A, %mul3A_696 : vector<16xi32>
        %add3A_698 = arith.constant 0 : i32
        %add3A_699 = arith.addi %mul3A_479, %add3A_698 : i32
        %add3A_700 = arith.constant 13 : i32
        %add3A_701 = arith.addi %add3A_699, %add3A_700 : i32
        %add3A_702 = vector.broadcast %add3A_701 : i32 to vector<16xi32>
        %add3A_703 = arith.addi %mul3A_697, %add3A_702 : vector<16xi32>
        tpu.vector_store_idx %arg11[%add3A_703], %gather3A_694 : memref<27199xf32, #tpu.memory_space<vmem>>[vector<16xi32>], vector<16xf32>,
        %add3A_704 = arith.constant 700 : i32
        %add3A_705 = vector.broadcast %add3A_704 : i32 to vector<16xi32>
        %add3A_706 = arith.addi %broadcast_in_dim3A_477, %add3A_705 : vector<16xi32>
        %add3A_707 = arith.constant 0 : i32
        %add3A_708 = vector.broadcast %add3A_707 : i32 to vector<16xi32>
        %add3A_709 = arith.addi %iota3A, %add3A_708 : vector<16xi32>
        %gather3A_710 = tpu.vector_load_idx %arg9[%add3A_706, %add3A_709] : memref<800x32xf32, #tpu.memory_space<vmem>>[vector<16xi32>, vector<16xi32>], vector<16xf32>,
        %mul3A_711 = arith.constant 17 : i32
        %mul3A_712 = vector.broadcast %mul3A_711 : i32 to vector<16xi32>
        %mul3A_713 = arith.muli %iota3A, %mul3A_712 : vector<16xi32>
        %add3A_714 = arith.constant 0 : i32
        %add3A_715 = arith.addi %mul3A_479, %add3A_714 : i32
        %add3A_716 = arith.constant 14 : i32
        %add3A_717 = arith.addi %add3A_715, %add3A_716 : i32
        %add3A_718 = vector.broadcast %add3A_717 : i32 to vector<16xi32>
        %add3A_719 = arith.addi %mul3A_713, %add3A_718 : vector<16xi32>
        tpu.vector_store_idx %arg11[%add3A_719], %gather3A_710 : memref<27199xf32, #tpu.memory_space<vmem>>[vector<16xi32>], vector<16xf32>,
        %add3A_720 = arith.constant 750 : i32
        %add3A_721 = vector.broadcast %add3A_720 : i32 to vector<16xi32>
        %add3A_722 = arith.addi %broadcast_in_dim3A_477, %add3A_721 : vector<16xi32>
        %add3A_723 = arith.constant 0 : i32
        %add3A_724 = vector.broadcast %add3A_723 : i32 to vector<16xi32>
        %add3A_725 = arith.addi %iota3A, %add3A_724 : vector<16xi32>
        %gather3A_726 = tpu.vector_load_idx %arg9[%add3A_722, %add3A_725] : memref<800x32xf32, #tpu.memory_space<vmem>>[vector<16xi32>, vector<16xi32>], vector<16xf32>,
        %mul3A_727 = arith.constant 17 : i32
        %mul3A_728 = vector.broadcast %mul3A_727 : i32 to vector<16xi32>
        %mul3A_729 = arith.muli %iota3A, %mul3A_728 : vector<16xi32>
        %add3A_730 = arith.constant 0 : i32
        %add3A_731 = arith.addi %mul3A_479, %add3A_730 : i32
        %add3A_732 = arith.constant 15 : i32
        %add3A_733 = arith.addi %add3A_731, %add3A_732 : i32
        %add3A_734 = vector.broadcast %add3A_733 : i32 to vector<16xi32>
        %add3A_735 = arith.addi %mul3A_729, %add3A_734 : vector<16xi32>
        tpu.vector_store_idx %arg11[%add3A_735], %gather3A_726 : memref<27199xf32, #tpu.memory_space<vmem>>[vector<16xi32>], vector<16xf32>,
        %add3A_736 = arith.constant 0 : i32
        %add3A_737 = vector.broadcast %add3A_736 : i32 to vector<16xi32>
        %add3A_738 = arith.addi %broadcast_in_dim3A_477, %add3A_737 : vector<16xi32>
        %add3A_739 = arith.constant 16 : i32
        %add3A_740 = vector.broadcast %add3A_739 : i32 to vector<16xi32>
        %add3A_741 = arith.addi %iota3A, %add3A_740 : vector<16xi32>
        %gather3A_742 = tpu.vector_load_idx %arg9[%add3A_738, %add3A_741] : memref<800x32xf32, #tpu.memory_space<vmem>>[vector<16xi32>, vector<16xi32>], vector<16xf32>,
        %mul3A_743 = arith.constant 17 : i32
        %mul3A_744 = vector.broadcast %mul3A_743 : i32 to vector<16xi32>
        %mul3A_745 = arith.muli %iota3A, %mul3A_744 : vector<16xi32>
        %add3A_746 = arith.constant 272 : i32
        %add3A_747 = arith.addi %mul3A_479, %add3A_746 : i32
        %add3A_748 = arith.constant 0 : i32
        %add3A_749 = arith.addi %add3A_747, %add3A_748 : i32
        %add3A_750 = vector.broadcast %add3A_749 : i32 to vector<16xi32>
        %add3A_751 = arith.addi %mul3A_745, %add3A_750 : vector<16xi32>
        tpu.vector_store_idx %arg11[%add3A_751], %gather3A_742 : memref<27199xf32, #tpu.memory_space<vmem>>[vector<16xi32>], vector<16xf32>,
        %add3A_752 = arith.constant 50 : i32
        %add3A_753 = vector.broadcast %add3A_752 : i32 to vector<16xi32>
        %add3A_754 = arith.addi %broadcast_in_dim3A_477, %add3A_753 : vector<16xi32>
        %add3A_755 = arith.constant 16 : i32
        %add3A_756 = vector.broadcast %add3A_755 : i32 to vector<16xi32>
        %add3A_757 = arith.addi %iota3A, %add3A_756 : vector<16xi32>
        %gather3A_758 = tpu.vector_load_idx %arg9[%add3A_754, %add3A_757] : memref<800x32xf32, #tpu.memory_space<vmem>>[vector<16xi32>, vector<16xi32>], vector<16xf32>,
        %mul3A_759 = arith.constant 17 : i32
        %mul3A_760 = vector.broadcast %mul3A_759 : i32 to vector<16xi32>
        %mul3A_761 = arith.muli %iota3A, %mul3A_760 : vector<16xi32>
        %add3A_762 = arith.constant 272 : i32
        %add3A_763 = arith.addi %mul3A_479, %add3A_762 : i32
        %add3A_764 = arith.constant 1 : i32
        %add3A_765 = arith.addi %add3A_763, %add3A_764 : i32
        %add3A_766 = vector.broadcast %add3A_765 : i32 to vector<16xi32>
        %add3A_767 = arith.addi %mul3A_761, %add3A_766 : vector<16xi32>
        tpu.vector_store_idx %arg11[%add3A_767], %gather3A_758 : memref<27199xf32, #tpu.memory_space<vmem>>[vector<16xi32>], vector<16xf32>,
        %add3A_768 = arith.constant 100 : i32
        %add3A_769 = vector.broadcast %add3A_768 : i32 to vector<16xi32>
        %add3A_770 = arith.addi %broadcast_in_dim3A_477, %add3A_769 : vector<16xi32>
        %add3A_771 = arith.constant 16 : i32
        %add3A_772 = vector.broadcast %add3A_771 : i32 to vector<16xi32>
        %add3A_773 = arith.addi %iota3A, %add3A_772 : vector<16xi32>
        %gather3A_774 = tpu.vector_load_idx %arg9[%add3A_770, %add3A_773] : memref<800x32xf32, #tpu.memory_space<vmem>>[vector<16xi32>, vector<16xi32>], vector<16xf32>,
        %mul3A_775 = arith.constant 17 : i32
        %mul3A_776 = vector.broadcast %mul3A_775 : i32 to vector<16xi32>
        %mul3A_777 = arith.muli %iota3A, %mul3A_776 : vector<16xi32>
        %add3A_778 = arith.constant 272 : i32
        %add3A_779 = arith.addi %mul3A_479, %add3A_778 : i32
        %add3A_780 = arith.constant 2 : i32
        %add3A_781 = arith.addi %add3A_779, %add3A_780 : i32
        %add3A_782 = vector.broadcast %add3A_781 : i32 to vector<16xi32>
        %add3A_783 = arith.addi %mul3A_777, %add3A_782 : vector<16xi32>
        tpu.vector_store_idx %arg11[%add3A_783], %gather3A_774 : memref<27199xf32, #tpu.memory_space<vmem>>[vector<16xi32>], vector<16xf32>,
        %add3A_784 = arith.constant 150 : i32
        %add3A_785 = vector.broadcast %add3A_784 : i32 to vector<16xi32>
        %add3A_786 = arith.addi %broadcast_in_dim3A_477, %add3A_785 : vector<16xi32>
        %add3A_787 = arith.constant 16 : i32
        %add3A_788 = vector.broadcast %add3A_787 : i32 to vector<16xi32>
        %add3A_789 = arith.addi %iota3A, %add3A_788 : vector<16xi32>
        %gather3A_790 = tpu.vector_load_idx %arg9[%add3A_786, %add3A_789] : memref<800x32xf32, #tpu.memory_space<vmem>>[vector<16xi32>, vector<16xi32>], vector<16xf32>,
        %mul3A_791 = arith.constant 17 : i32
        %mul3A_792 = vector.broadcast %mul3A_791 : i32 to vector<16xi32>
        %mul3A_793 = arith.muli %iota3A, %mul3A_792 : vector<16xi32>
        %add3A_794 = arith.constant 272 : i32
        %add3A_795 = arith.addi %mul3A_479, %add3A_794 : i32
        %add3A_796 = arith.constant 3 : i32
        %add3A_797 = arith.addi %add3A_795, %add3A_796 : i32
        %add3A_798 = vector.broadcast %add3A_797 : i32 to vector<16xi32>
        %add3A_799 = arith.addi %mul3A_793, %add3A_798 : vector<16xi32>
        tpu.vector_store_idx %arg11[%add3A_799], %gather3A_790 : memref<27199xf32, #tpu.memory_space<vmem>>[vector<16xi32>], vector<16xf32>,
        %add3A_800 = arith.constant 200 : i32
        %add3A_801 = vector.broadcast %add3A_800 : i32 to vector<16xi32>
        %add3A_802 = arith.addi %broadcast_in_dim3A_477, %add3A_801 : vector<16xi32>
        %add3A_803 = arith.constant 16 : i32
        %add3A_804 = vector.broadcast %add3A_803 : i32 to vector<16xi32>
        %add3A_805 = arith.addi %iota3A, %add3A_804 : vector<16xi32>
        %gather3A_806 = tpu.vector_load_idx %arg9[%add3A_802, %add3A_805] : memref<800x32xf32, #tpu.memory_space<vmem>>[vector<16xi32>, vector<16xi32>], vector<16xf32>,
        %mul3A_807 = arith.constant 17 : i32
        %mul3A_808 = vector.broadcast %mul3A_807 : i32 to vector<16xi32>
        %mul3A_809 = arith.muli %iota3A, %mul3A_808 : vector<16xi32>
        %add3A_810 = arith.constant 272 : i32
        %add3A_811 = arith.addi %mul3A_479, %add3A_810 : i32
        %add3A_812 = arith.constant 4 : i32
        %add3A_813 = arith.addi %add3A_811, %add3A_812 : i32
        %add3A_814 = vector.broadcast %add3A_813 : i32 to vector<16xi32>
        %add3A_815 = arith.addi %mul3A_809, %add3A_814 : vector<16xi32>
        tpu.vector_store_idx %arg11[%add3A_815], %gather3A_806 : memref<27199xf32, #tpu.memory_space<vmem>>[vector<16xi32>], vector<16xf32>,
        %add3A_816 = arith.constant 250 : i32
        %add3A_817 = vector.broadcast %add3A_816 : i32 to vector<16xi32>
        %add3A_818 = arith.addi %broadcast_in_dim3A_477, %add3A_817 : vector<16xi32>
        %add3A_819 = arith.constant 16 : i32
        %add3A_820 = vector.broadcast %add3A_819 : i32 to vector<16xi32>
        %add3A_821 = arith.addi %iota3A, %add3A_820 : vector<16xi32>
        %gather3A_822 = tpu.vector_load_idx %arg9[%add3A_818, %add3A_821] : memref<800x32xf32, #tpu.memory_space<vmem>>[vector<16xi32>, vector<16xi32>], vector<16xf32>,
        %mul3A_823 = arith.constant 17 : i32
        %mul3A_824 = vector.broadcast %mul3A_823 : i32 to vector<16xi32>
        %mul3A_825 = arith.muli %iota3A, %mul3A_824 : vector<16xi32>
        %add3A_826 = arith.constant 272 : i32
        %add3A_827 = arith.addi %mul3A_479, %add3A_826 : i32
        %add3A_828 = arith.constant 5 : i32
        %add3A_829 = arith.addi %add3A_827, %add3A_828 : i32
        %add3A_830 = vector.broadcast %add3A_829 : i32 to vector<16xi32>
        %add3A_831 = arith.addi %mul3A_825, %add3A_830 : vector<16xi32>
        tpu.vector_store_idx %arg11[%add3A_831], %gather3A_822 : memref<27199xf32, #tpu.memory_space<vmem>>[vector<16xi32>], vector<16xf32>,
        %add3A_832 = arith.constant 300 : i32
        %add3A_833 = vector.broadcast %add3A_832 : i32 to vector<16xi32>
        %add3A_834 = arith.addi %broadcast_in_dim3A_477, %add3A_833 : vector<16xi32>
        %add3A_835 = arith.constant 16 : i32
        %add3A_836 = vector.broadcast %add3A_835 : i32 to vector<16xi32>
        %add3A_837 = arith.addi %iota3A, %add3A_836 : vector<16xi32>
        %gather3A_838 = tpu.vector_load_idx %arg9[%add3A_834, %add3A_837] : memref<800x32xf32, #tpu.memory_space<vmem>>[vector<16xi32>, vector<16xi32>], vector<16xf32>,
        %mul3A_839 = arith.constant 17 : i32
        %mul3A_840 = vector.broadcast %mul3A_839 : i32 to vector<16xi32>
        %mul3A_841 = arith.muli %iota3A, %mul3A_840 : vector<16xi32>
        %add3A_842 = arith.constant 272 : i32
        %add3A_843 = arith.addi %mul3A_479, %add3A_842 : i32
        %add3A_844 = arith.constant 6 : i32
        %add3A_845 = arith.addi %add3A_843, %add3A_844 : i32
        %add3A_846 = vector.broadcast %add3A_845 : i32 to vector<16xi32>
        %add3A_847 = arith.addi %mul3A_841, %add3A_846 : vector<16xi32>
        tpu.vector_store_idx %arg11[%add3A_847], %gather3A_838 : memref<27199xf32, #tpu.memory_space<vmem>>[vector<16xi32>], vector<16xf32>,
        %add3A_848 = arith.constant 350 : i32
        %add3A_849 = vector.broadcast %add3A_848 : i32 to vector<16xi32>
        %add3A_850 = arith.addi %broadcast_in_dim3A_477, %add3A_849 : vector<16xi32>
        %add3A_851 = arith.constant 16 : i32
        %add3A_852 = vector.broadcast %add3A_851 : i32 to vector<16xi32>
        %add3A_853 = arith.addi %iota3A, %add3A_852 : vector<16xi32>
        %gather3A_854 = tpu.vector_load_idx %arg9[%add3A_850, %add3A_853] : memref<800x32xf32, #tpu.memory_space<vmem>>[vector<16xi32>, vector<16xi32>], vector<16xf32>,
        %mul3A_855 = arith.constant 17 : i32
        %mul3A_856 = vector.broadcast %mul3A_855 : i32 to vector<16xi32>
        %mul3A_857 = arith.muli %iota3A, %mul3A_856 : vector<16xi32>
        %add3A_858 = arith.constant 272 : i32
        %add3A_859 = arith.addi %mul3A_479, %add3A_858 : i32
        %add3A_860 = arith.constant 7 : i32
        %add3A_861 = arith.addi %add3A_859, %add3A_860 : i32
        %add3A_862 = vector.broadcast %add3A_861 : i32 to vector<16xi32>
        %add3A_863 = arith.addi %mul3A_857, %add3A_862 : vector<16xi32>
        tpu.vector_store_idx %arg11[%add3A_863], %gather3A_854 : memref<27199xf32, #tpu.memory_space<vmem>>[vector<16xi32>], vector<16xf32>,
        %add3A_864 = arith.constant 400 : i32
        %add3A_865 = vector.broadcast %add3A_864 : i32 to vector<16xi32>
        %add3A_866 = arith.addi %broadcast_in_dim3A_477, %add3A_865 : vector<16xi32>
        %add3A_867 = arith.constant 16 : i32
        %add3A_868 = vector.broadcast %add3A_867 : i32 to vector<16xi32>
        %add3A_869 = arith.addi %iota3A, %add3A_868 : vector<16xi32>
        %gather3A_870 = tpu.vector_load_idx %arg9[%add3A_866, %add3A_869] : memref<800x32xf32, #tpu.memory_space<vmem>>[vector<16xi32>, vector<16xi32>], vector<16xf32>,
        %mul3A_871 = arith.constant 17 : i32
        %mul3A_872 = vector.broadcast %mul3A_871 : i32 to vector<16xi32>
        %mul3A_873 = arith.muli %iota3A, %mul3A_872 : vector<16xi32>
        %add3A_874 = arith.constant 272 : i32
        %add3A_875 = arith.addi %mul3A_479, %add3A_874 : i32
        %add3A_876 = arith.constant 8 : i32
        %add3A_877 = arith.addi %add3A_875, %add3A_876 : i32
        %add3A_878 = vector.broadcast %add3A_877 : i32 to vector<16xi32>
        %add3A_879 = arith.addi %mul3A_873, %add3A_878 : vector<16xi32>
        tpu.vector_store_idx %arg11[%add3A_879], %gather3A_870 : memref<27199xf32, #tpu.memory_space<vmem>>[vector<16xi32>], vector<16xf32>,
        %add3A_880 = arith.constant 450 : i32
        %add3A_881 = vector.broadcast %add3A_880 : i32 to vector<16xi32>
        %add3A_882 = arith.addi %broadcast_in_dim3A_477, %add3A_881 : vector<16xi32>
        %add3A_883 = arith.constant 16 : i32
        %add3A_884 = vector.broadcast %add3A_883 : i32 to vector<16xi32>
        %add3A_885 = arith.addi %iota3A, %add3A_884 : vector<16xi32>
        %gather3A_886 = tpu.vector_load_idx %arg9[%add3A_882, %add3A_885] : memref<800x32xf32, #tpu.memory_space<vmem>>[vector<16xi32>, vector<16xi32>], vector<16xf32>,
        %mul3A_887 = arith.constant 17 : i32
        %mul3A_888 = vector.broadcast %mul3A_887 : i32 to vector<16xi32>
        %mul3A_889 = arith.muli %iota3A, %mul3A_888 : vector<16xi32>
        %add3A_890 = arith.constant 272 : i32
        %add3A_891 = arith.addi %mul3A_479, %add3A_890 : i32
        %add3A_892 = arith.constant 9 : i32
        %add3A_893 = arith.addi %add3A_891, %add3A_892 : i32
        %add3A_894 = vector.broadcast %add3A_893 : i32 to vector<16xi32>
        %add3A_895 = arith.addi %mul3A_889, %add3A_894 : vector<16xi32>
        tpu.vector_store_idx %arg11[%add3A_895], %gather3A_886 : memref<27199xf32, #tpu.memory_space<vmem>>[vector<16xi32>], vector<16xf32>,
        %add3A_896 = arith.constant 500 : i32
        %add3A_897 = vector.broadcast %add3A_896 : i32 to vector<16xi32>
        %add3A_898 = arith.addi %broadcast_in_dim3A_477, %add3A_897 : vector<16xi32>
        %add3A_899 = arith.constant 16 : i32
        %add3A_900 = vector.broadcast %add3A_899 : i32 to vector<16xi32>
        %add3A_901 = arith.addi %iota3A, %add3A_900 : vector<16xi32>
        %gather3A_902 = tpu.vector_load_idx %arg9[%add3A_898, %add3A_901] : memref<800x32xf32, #tpu.memory_space<vmem>>[vector<16xi32>, vector<16xi32>], vector<16xf32>,
        %mul3A_903 = arith.constant 17 : i32
        %mul3A_904 = vector.broadcast %mul3A_903 : i32 to vector<16xi32>
        %mul3A_905 = arith.muli %iota3A, %mul3A_904 : vector<16xi32>
        %add3A_906 = arith.constant 272 : i32
        %add3A_907 = arith.addi %mul3A_479, %add3A_906 : i32
        %add3A_908 = arith.constant 10 : i32
        %add3A_909 = arith.addi %add3A_907, %add3A_908 : i32
        %add3A_910 = vector.broadcast %add3A_909 : i32 to vector<16xi32>
        %add3A_911 = arith.addi %mul3A_905, %add3A_910 : vector<16xi32>
        tpu.vector_store_idx %arg11[%add3A_911], %gather3A_902 : memref<27199xf32, #tpu.memory_space<vmem>>[vector<16xi32>], vector<16xf32>,
        %add3A_912 = arith.constant 550 : i32
        %add3A_913 = vector.broadcast %add3A_912 : i32 to vector<16xi32>
        %add3A_914 = arith.addi %broadcast_in_dim3A_477, %add3A_913 : vector<16xi32>
        %add3A_915 = arith.constant 16 : i32
        %add3A_916 = vector.broadcast %add3A_915 : i32 to vector<16xi32>
        %add3A_917 = arith.addi %iota3A, %add3A_916 : vector<16xi32>
        %gather3A_918 = tpu.vector_load_idx %arg9[%add3A_914, %add3A_917] : memref<800x32xf32, #tpu.memory_space<vmem>>[vector<16xi32>, vector<16xi32>], vector<16xf32>,
        %mul3A_919 = arith.constant 17 : i32
        %mul3A_920 = vector.broadcast %mul3A_919 : i32 to vector<16xi32>
        %mul3A_921 = arith.muli %iota3A, %mul3A_920 : vector<16xi32>
        %add3A_922 = arith.constant 272 : i32
        %add3A_923 = arith.addi %mul3A_479, %add3A_922 : i32
        %add3A_924 = arith.constant 11 : i32
        %add3A_925 = arith.addi %add3A_923, %add3A_924 : i32
        %add3A_926 = vector.broadcast %add3A_925 : i32 to vector<16xi32>
        %add3A_927 = arith.addi %mul3A_921, %add3A_926 : vector<16xi32>
        tpu.vector_store_idx %arg11[%add3A_927], %gather3A_918 : memref<27199xf32, #tpu.memory_space<vmem>>[vector<16xi32>], vector<16xf32>,
        %add3A_928 = arith.constant 600 : i32
        %add3A_929 = vector.broadcast %add3A_928 : i32 to vector<16xi32>
        %add3A_930 = arith.addi %broadcast_in_dim3A_477, %add3A_929 : vector<16xi32>
        %add3A_931 = arith.constant 16 : i32
        %add3A_932 = vector.broadcast %add3A_931 : i32 to vector<16xi32>
        %add3A_933 = arith.addi %iota3A, %add3A_932 : vector<16xi32>
        %gather3A_934 = tpu.vector_load_idx %arg9[%add3A_930, %add3A_933] : memref<800x32xf32, #tpu.memory_space<vmem>>[vector<16xi32>, vector<16xi32>], vector<16xf32>,
        %mul3A_935 = arith.constant 17 : i32
        %mul3A_936 = vector.broadcast %mul3A_935 : i32 to vector<16xi32>
        %mul3A_937 = arith.muli %iota3A, %mul3A_936 : vector<16xi32>
        %add3A_938 = arith.constant 272 : i32
        %add3A_939 = arith.addi %mul3A_479, %add3A_938 : i32
        %add3A_940 = arith.constant 12 : i32
        %add3A_941 = arith.addi %add3A_939, %add3A_940 : i32
        %add3A_942 = vector.broadcast %add3A_941 : i32 to vector<16xi32>
        %add3A_943 = arith.addi %mul3A_937, %add3A_942 : vector<16xi32>
        tpu.vector_store_idx %arg11[%add3A_943], %gather3A_934 : memref<27199xf32, #tpu.memory_space<vmem>>[vector<16xi32>], vector<16xf32>,
        %add3A_944 = arith.constant 650 : i32
        %add3A_945 = vector.broadcast %add3A_944 : i32 to vector<16xi32>
        %add3A_946 = arith.addi %broadcast_in_dim3A_477, %add3A_945 : vector<16xi32>
        %add3A_947 = arith.constant 16 : i32
        %add3A_948 = vector.broadcast %add3A_947 : i32 to vector<16xi32>
        %add3A_949 = arith.addi %iota3A, %add3A_948 : vector<16xi32>
        %gather3A_950 = tpu.vector_load_idx %arg9[%add3A_946, %add3A_949] : memref<800x32xf32, #tpu.memory_space<vmem>>[vector<16xi32>, vector<16xi32>], vector<16xf32>,
        %mul3A_951 = arith.constant 17 : i32
        %mul3A_952 = vector.broadcast %mul3A_951 : i32 to vector<16xi32>
        %mul3A_953 = arith.muli %iota3A, %mul3A_952 : vector<16xi32>
        %add3A_954 = arith.constant 272 : i32
        %add3A_955 = arith.addi %mul3A_479, %add3A_954 : i32
        %add3A_956 = arith.constant 13 : i32
        %add3A_957 = arith.addi %add3A_955, %add3A_956 : i32
        %add3A_958 = vector.broadcast %add3A_957 : i32 to vector<16xi32>
        %add3A_959 = arith.addi %mul3A_953, %add3A_958 : vector<16xi32>
        tpu.vector_store_idx %arg11[%add3A_959], %gather3A_950 : memref<27199xf32, #tpu.memory_space<vmem>>[vector<16xi32>], vector<16xf32>,
        %add3A_960 = arith.constant 700 : i32
        %add3A_961 = vector.broadcast %add3A_960 : i32 to vector<16xi32>
        %add3A_962 = arith.addi %broadcast_in_dim3A_477, %add3A_961 : vector<16xi32>
        %add3A_963 = arith.constant 16 : i32
        %add3A_964 = vector.broadcast %add3A_963 : i32 to vector<16xi32>
        %add3A_965 = arith.addi %iota3A, %add3A_964 : vector<16xi32>
        %gather3A_966 = tpu.vector_load_idx %arg9[%add3A_962, %add3A_965] : memref<800x32xf32, #tpu.memory_space<vmem>>[vector<16xi32>, vector<16xi32>], vector<16xf32>,
        %mul3A_967 = arith.constant 17 : i32
        %mul3A_968 = vector.broadcast %mul3A_967 : i32 to vector<16xi32>
        %mul3A_969 = arith.muli %iota3A, %mul3A_968 : vector<16xi32>
        %add3A_970 = arith.constant 272 : i32
        %add3A_971 = arith.addi %mul3A_479, %add3A_970 : i32
        %add3A_972 = arith.constant 14 : i32
        %add3A_973 = arith.addi %add3A_971, %add3A_972 : i32
        %add3A_974 = vector.broadcast %add3A_973 : i32 to vector<16xi32>
        %add3A_975 = arith.addi %mul3A_969, %add3A_974 : vector<16xi32>
        tpu.vector_store_idx %arg11[%add3A_975], %gather3A_966 : memref<27199xf32, #tpu.memory_space<vmem>>[vector<16xi32>], vector<16xf32>,
        %add3A_976 = arith.constant 750 : i32
        %add3A_977 = vector.broadcast %add3A_976 : i32 to vector<16xi32>
        %add3A_978 = arith.addi %broadcast_in_dim3A_477, %add3A_977 : vector<16xi32>
        %add3A_979 = arith.constant 16 : i32
        %add3A_980 = vector.broadcast %add3A_979 : i32 to vector<16xi32>
        %add3A_981 = arith.addi %iota3A, %add3A_980 : vector<16xi32>
        %gather3A_982 = tpu.vector_load_idx %arg9[%add3A_978, %add3A_981] : memref<800x32xf32, #tpu.memory_space<vmem>>[vector<16xi32>, vector<16xi32>], vector<16xf32>,
        %mul3A_983 = arith.constant 17 : i32
        %mul3A_984 = vector.broadcast %mul3A_983 : i32 to vector<16xi32>
        %mul3A_985 = arith.muli %iota3A, %mul3A_984 : vector<16xi32>
        %add3A_986 = arith.constant 272 : i32
        %add3A_987 = arith.addi %mul3A_479, %add3A_986 : i32
        %add3A_988 = arith.constant 15 : i32
        %add3A_989 = arith.addi %add3A_987, %add3A_988 : i32
        %add3A_990 = vector.broadcast %add3A_989 : i32 to vector<16xi32>
        %add3A_991 = arith.addi %mul3A_985, %add3A_990 : vector<16xi32>
        tpu.vector_store_idx %arg11[%add3A_991], %gather3A_982 : memref<27199xf32, #tpu.memory_space<vmem>>[vector<16xi32>], vector<16xf32>,
        %scan3A_992 = arith.constant 0 : i32
        scf.yield %scan3A_992 : i32
      }
      %scan3A_52 = arith.constant 50 : i32
      "tpu.trace_stop"() : () -> ()
      "tpu.trace_start"() <{level = 10 : i32, message = "pass1"}> : () -> ()
      %scan3A_53 = arith.constant 0 : i32
      %scan3A_54 = arith.constant 0 : i32
      %scan3A_55 = arith.constant 50 : i32
      %scan3A_56 = arith.addi %scan3A_54, %scan3A_55 : i32
      %scan3A_57 = arith.constant 1 : i32
      %scan3A_58 = scf.for %scan3A_475 = %scan3A_54 to %scan3A_56 step %scan3A_57 iter_args(%scan3A_476 = %scan3A_53) -> (i32)  : i32 {
        %mul3A_477 = arith.constant 544 : i32
        %mul3A_478 = arith.muli %scan3A_475, %mul3A_477 : i32
        %broadcast_in_dim3A_479 = arith.constant 0.000000e+00 : f32
        %broadcast_in_dim3A_480 = vector.broadcast %broadcast_in_dim3A_479 : f32 to vector<16xf32>
        %broadcast_in_dim3A_481 = arith.constant 0.000000e+00 : f32
        %broadcast_in_dim3A_482 = vector.broadcast %broadcast_in_dim3A_481 : f32 to vector<16xf32>
        %broadcast_in_dim3A_483 = arith.constant 0.000000e+00 : f32
        %broadcast_in_dim3A_484 = vector.broadcast %broadcast_in_dim3A_483 : f32 to vector<16xf32>
        %broadcast_in_dim3A_485 = arith.constant 0.000000e+00 : f32
        %broadcast_in_dim3A_486 = vector.broadcast %broadcast_in_dim3A_485 : f32 to vector<16xf32>
        %add3A_487 = arith.constant 0 : i32
        %add3A_488 = arith.addi %mul3A_478, %add3A_487 : i32
        %add3A_489 = vector.broadcast %add3A_488 : i32 to vector<16xi32>
        %add3A_490 = arith.addi %iota3A, %add3A_489 : vector<16xi32>
        %gather3A_491 = tpu.vector_load_idx %arg11[%add3A_490] : memref<27199xf32, #tpu.memory_space<vmem>>[vector<16xi32>], vector<16xf32>,
        %slice3A = vector.extract_strided_slice %gather3A {offsets = [0], sizes = [1], strides = [1]} : vector<16xf32> to vector<1xf32>
        %squeeze3A = vector.extract %slice3A[0] : f32 from vector<1xf32>
        %mul3A_492 = vector.broadcast %squeeze3A : f32 to vector<16xf32>
        %mul3A_493 = arith.mulf %gather3A_491, %mul3A_492 : vector<16xf32>
        %add3A_494 = arith.addf %broadcast_in_dim3A_480, %mul3A_493 : vector<16xf32>
        %add3A_495 = arith.constant 17 : i32
        %add3A_496 = arith.addi %mul3A_478, %add3A_495 : i32
        %add3A_497 = vector.broadcast %add3A_496 : i32 to vector<16xi32>
        %add3A_498 = arith.addi %iota3A, %add3A_497 : vector<16xi32>
        %gather3A_499 = tpu.vector_load_idx %arg11[%add3A_498] : memref<27199xf32, #tpu.memory_space<vmem>>[vector<16xi32>], vector<16xf32>,
        %slice3A_500 = vector.extract_strided_slice %gather3A {offsets = [1], sizes = [1], strides = [1]} : vector<16xf32> to vector<1xf32>
        %squeeze3A_501 = vector.extract %slice3A_500[0] : f32 from vector<1xf32>
        %mul3A_502 = vector.broadcast %squeeze3A_501 : f32 to vector<16xf32>
        %mul3A_503 = arith.mulf %gather3A_499, %mul3A_502 : vector<16xf32>
        %add3A_504 = arith.addf %broadcast_in_dim3A_482, %mul3A_503 : vector<16xf32>
        %add3A_505 = arith.constant 34 : i32
        %add3A_506 = arith.addi %mul3A_478, %add3A_505 : i32
        %add3A_507 = vector.broadcast %add3A_506 : i32 to vector<16xi32>
        %add3A_508 = arith.addi %iota3A, %add3A_507 : vector<16xi32>
        %gather3A_509 = tpu.vector_load_idx %arg11[%add3A_508] : memref<27199xf32, #tpu.memory_space<vmem>>[vector<16xi32>], vector<16xf32>,
        %slice3A_510 = vector.extract_strided_slice %gather3A {offsets = [2], sizes = [1], strides = [1]} : vector<16xf32> to vector<1xf32>
        %squeeze3A_511 = vector.extract %slice3A_510[0] : f32 from vector<1xf32>
        %mul3A_512 = vector.broadcast %squeeze3A_511 : f32 to vector<16xf32>
        %mul3A_513 = arith.mulf %gather3A_509, %mul3A_512 : vector<16xf32>
        %add3A_514 = arith.addf %broadcast_in_dim3A_484, %mul3A_513 : vector<16xf32>
        %add3A_515 = arith.constant 51 : i32
        %add3A_516 = arith.addi %mul3A_478, %add3A_515 : i32
        %add3A_517 = vector.broadcast %add3A_516 : i32 to vector<16xi32>
        %add3A_518 = arith.addi %iota3A, %add3A_517 : vector<16xi32>
        %gather3A_519 = tpu.vector_load_idx %arg11[%add3A_518] : memref<27199xf32, #tpu.memory_space<vmem>>[vector<16xi32>], vector<16xf32>,
        %slice3A_520 = vector.extract_strided_slice %gather3A {offsets = [3], sizes = [1], strides = [1]} : vector<16xf32> to vector<1xf32>
        %squeeze3A_521 = vector.extract %slice3A_520[0] : f32 from vector<1xf32>
        %mul3A_522 = vector.broadcast %squeeze3A_521 : f32 to vector<16xf32>
        %mul3A_523 = arith.mulf %gather3A_519, %mul3A_522 : vector<16xf32>
        %add3A_524 = arith.addf %broadcast_in_dim3A_486, %mul3A_523 : vector<16xf32>
        %add3A_525 = arith.constant 68 : i32
        %add3A_526 = arith.addi %mul3A_478, %add3A_525 : i32
        %add3A_527 = vector.broadcast %add3A_526 : i32 to vector<16xi32>
        %add3A_528 = arith.addi %iota3A, %add3A_527 : vector<16xi32>
        %gather3A_529 = tpu.vector_load_idx %arg11[%add3A_528] : memref<27199xf32, #tpu.memory_space<vmem>>[vector<16xi32>], vector<16xf32>,
        %slice3A_530 = vector.extract_strided_slice %gather3A {offsets = [4], sizes = [1], strides = [1]} : vector<16xf32> to vector<1xf32>
        %squeeze3A_531 = vector.extract %slice3A_530[0] : f32 from vector<1xf32>
        %mul3A_532 = vector.broadcast %squeeze3A_531 : f32 to vector<16xf32>
        %mul3A_533 = arith.mulf %gather3A_529, %mul3A_532 : vector<16xf32>
        %add3A_534 = arith.addf %add3A_494, %mul3A_533 : vector<16xf32>
        %add3A_535 = arith.constant 85 : i32
        %add3A_536 = arith.addi %mul3A_478, %add3A_535 : i32
        %add3A_537 = vector.broadcast %add3A_536 : i32 to vector<16xi32>
        %add3A_538 = arith.addi %iota3A, %add3A_537 : vector<16xi32>
        %gather3A_539 = tpu.vector_load_idx %arg11[%add3A_538] : memref<27199xf32, #tpu.memory_space<vmem>>[vector<16xi32>], vector<16xf32>,
        %slice3A_540 = vector.extract_strided_slice %gather3A {offsets = [5], sizes = [1], strides = [1]} : vector<16xf32> to vector<1xf32>
        %squeeze3A_541 = vector.extract %slice3A_540[0] : f32 from vector<1xf32>
        %mul3A_542 = vector.broadcast %squeeze3A_541 : f32 to vector<16xf32>
        %mul3A_543 = arith.mulf %gather3A_539, %mul3A_542 : vector<16xf32>
        %add3A_544 = arith.addf %add3A_504, %mul3A_543 : vector<16xf32>
        %add3A_545 = arith.constant 102 : i32
        %add3A_546 = arith.addi %mul3A_478, %add3A_545 : i32
        %add3A_547 = vector.broadcast %add3A_546 : i32 to vector<16xi32>
        %add3A_548 = arith.addi %iota3A, %add3A_547 : vector<16xi32>
        %gather3A_549 = tpu.vector_load_idx %arg11[%add3A_548] : memref<27199xf32, #tpu.memory_space<vmem>>[vector<16xi32>], vector<16xf32>,
        %slice3A_550 = vector.extract_strided_slice %gather3A {offsets = [6], sizes = [1], strides = [1]} : vector<16xf32> to vector<1xf32>
        %squeeze3A_551 = vector.extract %slice3A_550[0] : f32 from vector<1xf32>
        %mul3A_552 = vector.broadcast %squeeze3A_551 : f32 to vector<16xf32>
        %mul3A_553 = arith.mulf %gather3A_549, %mul3A_552 : vector<16xf32>
        %add3A_554 = arith.addf %add3A_514, %mul3A_553 : vector<16xf32>
        %add3A_555 = arith.constant 119 : i32
        %add3A_556 = arith.addi %mul3A_478, %add3A_555 : i32
        %add3A_557 = vector.broadcast %add3A_556 : i32 to vector<16xi32>
        %add3A_558 = arith.addi %iota3A, %add3A_557 : vector<16xi32>
        %gather3A_559 = tpu.vector_load_idx %arg11[%add3A_558] : memref<27199xf32, #tpu.memory_space<vmem>>[vector<16xi32>], vector<16xf32>,
        %slice3A_560 = vector.extract_strided_slice %gather3A {offsets = [7], sizes = [1], strides = [1]} : vector<16xf32> to vector<1xf32>
        %squeeze3A_561 = vector.extract %slice3A_560[0] : f32 from vector<1xf32>
        %mul3A_562 = vector.broadcast %squeeze3A_561 : f32 to vector<16xf32>
        %mul3A_563 = arith.mulf %gather3A_559, %mul3A_562 : vector<16xf32>
        %add3A_564 = arith.addf %add3A_524, %mul3A_563 : vector<16xf32>
        %add3A_565 = arith.constant 136 : i32
        %add3A_566 = arith.addi %mul3A_478, %add3A_565 : i32
        %add3A_567 = vector.broadcast %add3A_566 : i32 to vector<16xi32>
        %add3A_568 = arith.addi %iota3A, %add3A_567 : vector<16xi32>
        %gather3A_569 = tpu.vector_load_idx %arg11[%add3A_568] : memref<27199xf32, #tpu.memory_space<vmem>>[vector<16xi32>], vector<16xf32>,
        %slice3A_570 = vector.extract_strided_slice %gather3A {offsets = [8], sizes = [1], strides = [1]} : vector<16xf32> to vector<1xf32>
        %squeeze3A_571 = vector.extract %slice3A_570[0] : f32 from vector<1xf32>
        %mul3A_572 = vector.broadcast %squeeze3A_571 : f32 to vector<16xf32>
        %mul3A_573 = arith.mulf %gather3A_569, %mul3A_572 : vector<16xf32>
        %add3A_574 = arith.addf %add3A_534, %mul3A_573 : vector<16xf32>
        %add3A_575 = arith.constant 153 : i32
        %add3A_576 = arith.addi %mul3A_478, %add3A_575 : i32
        %add3A_577 = vector.broadcast %add3A_576 : i32 to vector<16xi32>
        %add3A_578 = arith.addi %iota3A, %add3A_577 : vector<16xi32>
        %gather3A_579 = tpu.vector_load_idx %arg11[%add3A_578] : memref<27199xf32, #tpu.memory_space<vmem>>[vector<16xi32>], vector<16xf32>,
        %slice3A_580 = vector.extract_strided_slice %gather3A {offsets = [9], sizes = [1], strides = [1]} : vector<16xf32> to vector<1xf32>
        %squeeze3A_581 = vector.extract %slice3A_580[0] : f32 from vector<1xf32>
        %mul3A_582 = vector.broadcast %squeeze3A_581 : f32 to vector<16xf32>
        %mul3A_583 = arith.mulf %gather3A_579, %mul3A_582 : vector<16xf32>
        %add3A_584 = arith.addf %add3A_544, %mul3A_583 : vector<16xf32>
        %add3A_585 = arith.constant 170 : i32
        %add3A_586 = arith.addi %mul3A_478, %add3A_585 : i32
        %add3A_587 = vector.broadcast %add3A_586 : i32 to vector<16xi32>
        %add3A_588 = arith.addi %iota3A, %add3A_587 : vector<16xi32>
        %gather3A_589 = tpu.vector_load_idx %arg11[%add3A_588] : memref<27199xf32, #tpu.memory_space<vmem>>[vector<16xi32>], vector<16xf32>,
        %slice3A_590 = vector.extract_strided_slice %gather3A {offsets = [10], sizes = [1], strides = [1]} : vector<16xf32> to vector<1xf32>
        %squeeze3A_591 = vector.extract %slice3A_590[0] : f32 from vector<1xf32>
        %mul3A_592 = vector.broadcast %squeeze3A_591 : f32 to vector<16xf32>
        %mul3A_593 = arith.mulf %gather3A_589, %mul3A_592 : vector<16xf32>
        %add3A_594 = arith.addf %add3A_554, %mul3A_593 : vector<16xf32>
        %add3A_595 = arith.constant 187 : i32
        %add3A_596 = arith.addi %mul3A_478, %add3A_595 : i32
        %add3A_597 = vector.broadcast %add3A_596 : i32 to vector<16xi32>
        %add3A_598 = arith.addi %iota3A, %add3A_597 : vector<16xi32>
        %gather3A_599 = tpu.vector_load_idx %arg11[%add3A_598] : memref<27199xf32, #tpu.memory_space<vmem>>[vector<16xi32>], vector<16xf32>,
        %slice3A_600 = vector.extract_strided_slice %gather3A {offsets = [11], sizes = [1], strides = [1]} : vector<16xf32> to vector<1xf32>
        %squeeze3A_601 = vector.extract %slice3A_600[0] : f32 from vector<1xf32>
        %mul3A_602 = vector.broadcast %squeeze3A_601 : f32 to vector<16xf32>
        %mul3A_603 = arith.mulf %gather3A_599, %mul3A_602 : vector<16xf32>
        %add3A_604 = arith.addf %add3A_564, %mul3A_603 : vector<16xf32>
        %add3A_605 = arith.constant 204 : i32
        %add3A_606 = arith.addi %mul3A_478, %add3A_605 : i32
        %add3A_607 = vector.broadcast %add3A_606 : i32 to vector<16xi32>
        %add3A_608 = arith.addi %iota3A, %add3A_607 : vector<16xi32>
        %gather3A_609 = tpu.vector_load_idx %arg11[%add3A_608] : memref<27199xf32, #tpu.memory_space<vmem>>[vector<16xi32>], vector<16xf32>,
        %slice3A_610 = vector.extract_strided_slice %gather3A {offsets = [12], sizes = [1], strides = [1]} : vector<16xf32> to vector<1xf32>
        %squeeze3A_611 = vector.extract %slice3A_610[0] : f32 from vector<1xf32>
        %mul3A_612 = vector.broadcast %squeeze3A_611 : f32 to vector<16xf32>
        %mul3A_613 = arith.mulf %gather3A_609, %mul3A_612 : vector<16xf32>
        %add3A_614 = arith.addf %add3A_574, %mul3A_613 : vector<16xf32>
        %add3A_615 = arith.constant 221 : i32
        %add3A_616 = arith.addi %mul3A_478, %add3A_615 : i32
        %add3A_617 = vector.broadcast %add3A_616 : i32 to vector<16xi32>
        %add3A_618 = arith.addi %iota3A, %add3A_617 : vector<16xi32>
        %gather3A_619 = tpu.vector_load_idx %arg11[%add3A_618] : memref<27199xf32, #tpu.memory_space<vmem>>[vector<16xi32>], vector<16xf32>,
        %slice3A_620 = vector.extract_strided_slice %gather3A {offsets = [13], sizes = [1], strides = [1]} : vector<16xf32> to vector<1xf32>
        %squeeze3A_621 = vector.extract %slice3A_620[0] : f32 from vector<1xf32>
        %mul3A_622 = vector.broadcast %squeeze3A_621 : f32 to vector<16xf32>
        %mul3A_623 = arith.mulf %gather3A_619, %mul3A_622 : vector<16xf32>
        %add3A_624 = arith.addf %add3A_584, %mul3A_623 : vector<16xf32>
        %add3A_625 = arith.constant 238 : i32
        %add3A_626 = arith.addi %mul3A_478, %add3A_625 : i32
        %add3A_627 = vector.broadcast %add3A_626 : i32 to vector<16xi32>
        %add3A_628 = arith.addi %iota3A, %add3A_627 : vector<16xi32>
        %gather3A_629 = tpu.vector_load_idx %arg11[%add3A_628] : memref<27199xf32, #tpu.memory_space<vmem>>[vector<16xi32>], vector<16xf32>,
        %slice3A_630 = vector.extract_strided_slice %gather3A {offsets = [14], sizes = [1], strides = [1]} : vector<16xf32> to vector<1xf32>
        %squeeze3A_631 = vector.extract %slice3A_630[0] : f32 from vector<1xf32>
        %mul3A_632 = vector.broadcast %squeeze3A_631 : f32 to vector<16xf32>
        %mul3A_633 = arith.mulf %gather3A_629, %mul3A_632 : vector<16xf32>
        %add3A_634 = arith.addf %add3A_594, %mul3A_633 : vector<16xf32>
        %add3A_635 = arith.constant 255 : i32
        %add3A_636 = arith.addi %mul3A_478, %add3A_635 : i32
        %add3A_637 = vector.broadcast %add3A_636 : i32 to vector<16xi32>
        %add3A_638 = arith.addi %iota3A, %add3A_637 : vector<16xi32>
        %gather3A_639 = tpu.vector_load_idx %arg11[%add3A_638] : memref<27199xf32, #tpu.memory_space<vmem>>[vector<16xi32>], vector<16xf32>,
        %slice3A_640 = vector.extract_strided_slice %gather3A {offsets = [15], sizes = [1], strides = [1]} : vector<16xf32> to vector<1xf32>
        %squeeze3A_641 = vector.extract %slice3A_640[0] : f32 from vector<1xf32>
        %mul3A_642 = vector.broadcast %squeeze3A_641 : f32 to vector<16xf32>
        %mul3A_643 = arith.mulf %gather3A_639, %mul3A_642 : vector<16xf32>
        %add3A_644 = arith.addf %add3A_604, %mul3A_643 : vector<16xf32>
        %add3A_645 = arith.constant 272 : i32
        %add3A_646 = arith.addi %mul3A_478, %add3A_645 : i32
        %add3A_647 = vector.broadcast %add3A_646 : i32 to vector<16xi32>
        %add3A_648 = arith.addi %iota3A, %add3A_647 : vector<16xi32>
        %gather3A_649 = tpu.vector_load_idx %arg11[%add3A_648] : memref<27199xf32, #tpu.memory_space<vmem>>[vector<16xi32>], vector<16xf32>,
        %slice3A_650 = vector.extract_strided_slice %gather3A_10 {offsets = [0], sizes = [1], strides = [1]} : vector<16xf32> to vector<1xf32>
        %squeeze3A_651 = vector.extract %slice3A_650[0] : f32 from vector<1xf32>
        %mul3A_652 = vector.broadcast %squeeze3A_651 : f32 to vector<16xf32>
        %mul3A_653 = arith.mulf %gather3A_649, %mul3A_652 : vector<16xf32>
        %add3A_654 = arith.addf %add3A_614, %mul3A_653 : vector<16xf32>
        %add3A_655 = arith.constant 289 : i32
        %add3A_656 = arith.addi %mul3A_478, %add3A_655 : i32
        %add3A_657 = vector.broadcast %add3A_656 : i32 to vector<16xi32>
        %add3A_658 = arith.addi %iota3A, %add3A_657 : vector<16xi32>
        %gather3A_659 = tpu.vector_load_idx %arg11[%add3A_658] : memref<27199xf32, #tpu.memory_space<vmem>>[vector<16xi32>], vector<16xf32>,
        %slice3A_660 = vector.extract_strided_slice %gather3A_10 {offsets = [1], sizes = [1], strides = [1]} : vector<16xf32> to vector<1xf32>
        %squeeze3A_661 = vector.extract %slice3A_660[0] : f32 from vector<1xf32>
        %mul3A_662 = vector.broadcast %squeeze3A_661 : f32 to vector<16xf32>
        %mul3A_663 = arith.mulf %gather3A_659, %mul3A_662 : vector<16xf32>
        %add3A_664 = arith.addf %add3A_624, %mul3A_663 : vector<16xf32>
        %add3A_665 = arith.constant 306 : i32
        %add3A_666 = arith.addi %mul3A_478, %add3A_665 : i32
        %add3A_667 = vector.broadcast %add3A_666 : i32 to vector<16xi32>
        %add3A_668 = arith.addi %iota3A, %add3A_667 : vector<16xi32>
        %gather3A_669 = tpu.vector_load_idx %arg11[%add3A_668] : memref<27199xf32, #tpu.memory_space<vmem>>[vector<16xi32>], vector<16xf32>,
        %slice3A_670 = vector.extract_strided_slice %gather3A_10 {offsets = [2], sizes = [1], strides = [1]} : vector<16xf32> to vector<1xf32>
        %squeeze3A_671 = vector.extract %slice3A_670[0] : f32 from vector<1xf32>
        %mul3A_672 = vector.broadcast %squeeze3A_671 : f32 to vector<16xf32>
        %mul3A_673 = arith.mulf %gather3A_669, %mul3A_672 : vector<16xf32>
        %add3A_674 = arith.addf %add3A_634, %mul3A_673 : vector<16xf32>
        %add3A_675 = arith.constant 323 : i32
        %add3A_676 = arith.addi %mul3A_478, %add3A_675 : i32
        %add3A_677 = vector.broadcast %add3A_676 : i32 to vector<16xi32>
        %add3A_678 = arith.addi %iota3A, %add3A_677 : vector<16xi32>
        %gather3A_679 = tpu.vector_load_idx %arg11[%add3A_678] : memref<27199xf32, #tpu.memory_space<vmem>>[vector<16xi32>], vector<16xf32>,
        %slice3A_680 = vector.extract_strided_slice %gather3A_10 {offsets = [3], sizes = [1], strides = [1]} : vector<16xf32> to vector<1xf32>
        %squeeze3A_681 = vector.extract %slice3A_680[0] : f32 from vector<1xf32>
        %mul3A_682 = vector.broadcast %squeeze3A_681 : f32 to vector<16xf32>
        %mul3A_683 = arith.mulf %gather3A_679, %mul3A_682 : vector<16xf32>
        %add3A_684 = arith.addf %add3A_644, %mul3A_683 : vector<16xf32>
        %add3A_685 = arith.constant 340 : i32
        %add3A_686 = arith.addi %mul3A_478, %add3A_685 : i32
        %add3A_687 = vector.broadcast %add3A_686 : i32 to vector<16xi32>
        %add3A_688 = arith.addi %iota3A, %add3A_687 : vector<16xi32>
        %gather3A_689 = tpu.vector_load_idx %arg11[%add3A_688] : memref<27199xf32, #tpu.memory_space<vmem>>[vector<16xi32>], vector<16xf32>,
        %slice3A_690 = vector.extract_strided_slice %gather3A_10 {offsets = [4], sizes = [1], strides = [1]} : vector<16xf32> to vector<1xf32>
        %squeeze3A_691 = vector.extract %slice3A_690[0] : f32 from vector<1xf32>
        %mul3A_692 = vector.broadcast %squeeze3A_691 : f32 to vector<16xf32>
        %mul3A_693 = arith.mulf %gather3A_689, %mul3A_692 : vector<16xf32>
        %add3A_694 = arith.addf %add3A_654, %mul3A_693 : vector<16xf32>
        %add3A_695 = arith.constant 357 : i32
        %add3A_696 = arith.addi %mul3A_478, %add3A_695 : i32
        %add3A_697 = vector.broadcast %add3A_696 : i32 to vector<16xi32>
        %add3A_698 = arith.addi %iota3A, %add3A_697 : vector<16xi32>
        %gather3A_699 = tpu.vector_load_idx %arg11[%add3A_698] : memref<27199xf32, #tpu.memory_space<vmem>>[vector<16xi32>], vector<16xf32>,
        %slice3A_700 = vector.extract_strided_slice %gather3A_10 {offsets = [5], sizes = [1], strides = [1]} : vector<16xf32> to vector<1xf32>
        %squeeze3A_701 = vector.extract %slice3A_700[0] : f32 from vector<1xf32>
        %mul3A_702 = vector.broadcast %squeeze3A_701 : f32 to vector<16xf32>
        %mul3A_703 = arith.mulf %gather3A_699, %mul3A_702 : vector<16xf32>
        %add3A_704 = arith.addf %add3A_664, %mul3A_703 : vector<16xf32>
        %add3A_705 = arith.constant 374 : i32
        %add3A_706 = arith.addi %mul3A_478, %add3A_705 : i32
        %add3A_707 = vector.broadcast %add3A_706 : i32 to vector<16xi32>
        %add3A_708 = arith.addi %iota3A, %add3A_707 : vector<16xi32>
        %gather3A_709 = tpu.vector_load_idx %arg11[%add3A_708] : memref<27199xf32, #tpu.memory_space<vmem>>[vector<16xi32>], vector<16xf32>,
        %slice3A_710 = vector.extract_strided_slice %gather3A_10 {offsets = [6], sizes = [1], strides = [1]} : vector<16xf32> to vector<1xf32>
        %squeeze3A_711 = vector.extract %slice3A_710[0] : f32 from vector<1xf32>
        %mul3A_712 = vector.broadcast %squeeze3A_711 : f32 to vector<16xf32>
        %mul3A_713 = arith.mulf %gather3A_709, %mul3A_712 : vector<16xf32>
        %add3A_714 = arith.addf %add3A_674, %mul3A_713 : vector<16xf32>
        %add3A_715 = arith.constant 391 : i32
        %add3A_716 = arith.addi %mul3A_478, %add3A_715 : i32
        %add3A_717 = vector.broadcast %add3A_716 : i32 to vector<16xi32>
        %add3A_718 = arith.addi %iota3A, %add3A_717 : vector<16xi32>
        %gather3A_719 = tpu.vector_load_idx %arg11[%add3A_718] : memref<27199xf32, #tpu.memory_space<vmem>>[vector<16xi32>], vector<16xf32>,
        %slice3A_720 = vector.extract_strided_slice %gather3A_10 {offsets = [7], sizes = [1], strides = [1]} : vector<16xf32> to vector<1xf32>
        %squeeze3A_721 = vector.extract %slice3A_720[0] : f32 from vector<1xf32>
        %mul3A_722 = vector.broadcast %squeeze3A_721 : f32 to vector<16xf32>
        %mul3A_723 = arith.mulf %gather3A_719, %mul3A_722 : vector<16xf32>
        %add3A_724 = arith.addf %add3A_684, %mul3A_723 : vector<16xf32>
        %add3A_725 = arith.constant 408 : i32
        %add3A_726 = arith.addi %mul3A_478, %add3A_725 : i32
        %add3A_727 = vector.broadcast %add3A_726 : i32 to vector<16xi32>
        %add3A_728 = arith.addi %iota3A, %add3A_727 : vector<16xi32>
        %gather3A_729 = tpu.vector_load_idx %arg11[%add3A_728] : memref<27199xf32, #tpu.memory_space<vmem>>[vector<16xi32>], vector<16xf32>,
        %slice3A_730 = vector.extract_strided_slice %gather3A_10 {offsets = [8], sizes = [1], strides = [1]} : vector<16xf32> to vector<1xf32>
        %squeeze3A_731 = vector.extract %slice3A_730[0] : f32 from vector<1xf32>
        %mul3A_732 = vector.broadcast %squeeze3A_731 : f32 to vector<16xf32>
        %mul3A_733 = arith.mulf %gather3A_729, %mul3A_732 : vector<16xf32>
        %add3A_734 = arith.addf %add3A_694, %mul3A_733 : vector<16xf32>
        %add3A_735 = arith.constant 425 : i32
        %add3A_736 = arith.addi %mul3A_478, %add3A_735 : i32
        %add3A_737 = vector.broadcast %add3A_736 : i32 to vector<16xi32>
        %add3A_738 = arith.addi %iota3A, %add3A_737 : vector<16xi32>
        %gather3A_739 = tpu.vector_load_idx %arg11[%add3A_738] : memref<27199xf32, #tpu.memory_space<vmem>>[vector<16xi32>], vector<16xf32>,
        %slice3A_740 = vector.extract_strided_slice %gather3A_10 {offsets = [9], sizes = [1], strides = [1]} : vector<16xf32> to vector<1xf32>
        %squeeze3A_741 = vector.extract %slice3A_740[0] : f32 from vector<1xf32>
        %mul3A_742 = vector.broadcast %squeeze3A_741 : f32 to vector<16xf32>
        %mul3A_743 = arith.mulf %gather3A_739, %mul3A_742 : vector<16xf32>
        %add3A_744 = arith.addf %add3A_704, %mul3A_743 : vector<16xf32>
        %add3A_745 = arith.constant 442 : i32
        %add3A_746 = arith.addi %mul3A_478, %add3A_745 : i32
        %add3A_747 = vector.broadcast %add3A_746 : i32 to vector<16xi32>
        %add3A_748 = arith.addi %iota3A, %add3A_747 : vector<16xi32>
        %gather3A_749 = tpu.vector_load_idx %arg11[%add3A_748] : memref<27199xf32, #tpu.memory_space<vmem>>[vector<16xi32>], vector<16xf32>,
        %slice3A_750 = vector.extract_strided_slice %gather3A_10 {offsets = [10], sizes = [1], strides = [1]} : vector<16xf32> to vector<1xf32>
        %squeeze3A_751 = vector.extract %slice3A_750[0] : f32 from vector<1xf32>
        %mul3A_752 = vector.broadcast %squeeze3A_751 : f32 to vector<16xf32>
        %mul3A_753 = arith.mulf %gather3A_749, %mul3A_752 : vector<16xf32>
        %add3A_754 = arith.addf %add3A_714, %mul3A_753 : vector<16xf32>
        %add3A_755 = arith.constant 459 : i32
        %add3A_756 = arith.addi %mul3A_478, %add3A_755 : i32
        %add3A_757 = vector.broadcast %add3A_756 : i32 to vector<16xi32>
        %add3A_758 = arith.addi %iota3A, %add3A_757 : vector<16xi32>
        %gather3A_759 = tpu.vector_load_idx %arg11[%add3A_758] : memref<27199xf32, #tpu.memory_space<vmem>>[vector<16xi32>], vector<16xf32>,
        %slice3A_760 = vector.extract_strided_slice %gather3A_10 {offsets = [11], sizes = [1], strides = [1]} : vector<16xf32> to vector<1xf32>
        %squeeze3A_761 = vector.extract %slice3A_760[0] : f32 from vector<1xf32>
        %mul3A_762 = vector.broadcast %squeeze3A_761 : f32 to vector<16xf32>
        %mul3A_763 = arith.mulf %gather3A_759, %mul3A_762 : vector<16xf32>
        %add3A_764 = arith.addf %add3A_724, %mul3A_763 : vector<16xf32>
        %add3A_765 = arith.constant 476 : i32
        %add3A_766 = arith.addi %mul3A_478, %add3A_765 : i32
        %add3A_767 = vector.broadcast %add3A_766 : i32 to vector<16xi32>
        %add3A_768 = arith.addi %iota3A, %add3A_767 : vector<16xi32>
        %gather3A_769 = tpu.vector_load_idx %arg11[%add3A_768] : memref<27199xf32, #tpu.memory_space<vmem>>[vector<16xi32>], vector<16xf32>,
        %slice3A_770 = vector.extract_strided_slice %gather3A_10 {offsets = [12], sizes = [1], strides = [1]} : vector<16xf32> to vector<1xf32>
        %squeeze3A_771 = vector.extract %slice3A_770[0] : f32 from vector<1xf32>
        %mul3A_772 = vector.broadcast %squeeze3A_771 : f32 to vector<16xf32>
        %mul3A_773 = arith.mulf %gather3A_769, %mul3A_772 : vector<16xf32>
        %add3A_774 = arith.addf %add3A_734, %mul3A_773 : vector<16xf32>
        %add3A_775 = arith.constant 493 : i32
        %add3A_776 = arith.addi %mul3A_478, %add3A_775 : i32
        %add3A_777 = vector.broadcast %add3A_776 : i32 to vector<16xi32>
        %add3A_778 = arith.addi %iota3A, %add3A_777 : vector<16xi32>
        %gather3A_779 = tpu.vector_load_idx %arg11[%add3A_778] : memref<27199xf32, #tpu.memory_space<vmem>>[vector<16xi32>], vector<16xf32>,
        %slice3A_780 = vector.extract_strided_slice %gather3A_10 {offsets = [13], sizes = [1], strides = [1]} : vector<16xf32> to vector<1xf32>
        %squeeze3A_781 = vector.extract %slice3A_780[0] : f32 from vector<1xf32>
        %mul3A_782 = vector.broadcast %squeeze3A_781 : f32 to vector<16xf32>
        %mul3A_783 = arith.mulf %gather3A_779, %mul3A_782 : vector<16xf32>
        %add3A_784 = arith.addf %add3A_744, %mul3A_783 : vector<16xf32>
        %add3A_785 = arith.constant 510 : i32
        %add3A_786 = arith.addi %mul3A_478, %add3A_785 : i32
        %add3A_787 = vector.broadcast %add3A_786 : i32 to vector<16xi32>
        %add3A_788 = arith.addi %iota3A, %add3A_787 : vector<16xi32>
        %gather3A_789 = tpu.vector_load_idx %arg11[%add3A_788] : memref<27199xf32, #tpu.memory_space<vmem>>[vector<16xi32>], vector<16xf32>,
        %slice3A_790 = vector.extract_strided_slice %gather3A_10 {offsets = [14], sizes = [1], strides = [1]} : vector<16xf32> to vector<1xf32>
        %squeeze3A_791 = vector.extract %slice3A_790[0] : f32 from vector<1xf32>
        %mul3A_792 = vector.broadcast %squeeze3A_791 : f32 to vector<16xf32>
        %mul3A_793 = arith.mulf %gather3A_789, %mul3A_792 : vector<16xf32>
        %add3A_794 = arith.addf %add3A_754, %mul3A_793 : vector<16xf32>
        %add3A_795 = arith.constant 527 : i32
        %add3A_796 = arith.addi %mul3A_478, %add3A_795 : i32
        %add3A_797 = vector.broadcast %add3A_796 : i32 to vector<16xi32>
        %add3A_798 = arith.addi %iota3A, %add3A_797 : vector<16xi32>
        %gather3A_799 = tpu.vector_load_idx %arg11[%add3A_798] : memref<27199xf32, #tpu.memory_space<vmem>>[vector<16xi32>], vector<16xf32>,
        %slice3A_800 = vector.extract_strided_slice %gather3A_10 {offsets = [15], sizes = [1], strides = [1]} : vector<16xf32> to vector<1xf32>
        %squeeze3A_801 = vector.extract %slice3A_800[0] : f32 from vector<1xf32>
        %mul3A_802 = vector.broadcast %squeeze3A_801 : f32 to vector<16xf32>
        %mul3A_803 = arith.mulf %gather3A_799, %mul3A_802 : vector<16xf32>
        %add3A_804 = arith.addf %add3A_764, %mul3A_803 : vector<16xf32>
        %add3A_805 = arith.addf %add3A_774, %add3A_784 : vector<16xf32>
        %add3A_806 = arith.addf %add3A_794, %add3A_804 : vector<16xf32>
        %add3A_807 = arith.addf %add3A_805, %add3A_806 : vector<16xf32>
        %mul3A_808 = arith.constant 16 : i32
        %mul3A_809 = arith.muli %scan3A_475, %mul3A_808 : i32
        %swap3A = arith.index_cast %mul3A_809 : i32 to index
        %swap3A_810 = tpu.vector_load %arg12[%swap3A] {strides = array<i32>} : memref<800xf32, #tpu.memory_space<vmem>>, vector<16xf32>,
        tpu.vector_store %arg12[%swap3A], %add3A_807 {strides = array<i32>} : memref<800xf32, #tpu.memory_space<vmem>>, vector<16xf32>,
        %scan3A_811 = arith.constant 0 : i32
        scf.yield %scan3A_811 : i32
      }
      %scan3A_59 = arith.constant 50 : i32
      %broadcast_in_dim3A_60 = arith.constant 0xFF800000 : f32
      "tpu.trace_stop"() : () -> ()
      %broadcast_in_dim3A_61 = vector.broadcast %broadcast_in_dim3A_60 : f32 to vector<16xf32>
      %scan3A_62 = arith.constant 0 : i32
      %scan3A_63 = arith.constant 50 : i32
      %scan3A_64 = arith.addi %scan3A_62, %scan3A_63 : i32
      %scan3A_65 = arith.constant 1 : i32
      %scan3A_66 = scf.for %scan3A_475 = %scan3A_62 to %scan3A_64 step %scan3A_65 iter_args(%scan3A_476 = %broadcast_in_dim3A_61) -> (vector<16xf32>)  : i32 {
        %mul3A_477 = arith.constant 16 : i32
        %mul3A_478 = arith.muli %scan3A_475, %mul3A_477 : i32
        %get3A = arith.index_cast %mul3A_478 : i32 to index
        %get3A_479 = tpu.vector_load %arg12[%get3A] {strides = array<i32>} : memref<800xf32, #tpu.memory_space<vmem>>, vector<16xf32>,
        %max3A = arith.maximumf %scan3A_476, %get3A_479 : vector<16xf32>
        scf.yield %max3A : vector<16xf32>
      }
      %scan3A_67 = arith.constant 50 : i32
      %broadcast_in_dim3A_68 = arith.constant 0.000000e+00 : f32
      "tpu.trace_start"() <{level = 10 : i32, message = "softmax"}> : () -> ()
      %broadcast_in_dim3A_69 = vector.broadcast %broadcast_in_dim3A_68 : f32 to vector<16xf32>
      %scan3A_70 = arith.constant 0 : i32
      %scan3A_71 = arith.constant 50 : i32
      %scan3A_72 = arith.addi %scan3A_70, %scan3A_71 : i32
      %scan3A_73 = arith.constant 1 : i32
      %scan3A_74 = scf.for %scan3A_475 = %scan3A_70 to %scan3A_72 step %scan3A_73 iter_args(%scan3A_476 = %broadcast_in_dim3A_69) -> (vector<16xf32>)  : i32 {
        %mul3A_477 = arith.constant 16 : i32
        %mul3A_478 = arith.muli %scan3A_475, %mul3A_477 : i32
        %get3A = arith.index_cast %mul3A_478 : i32 to index
        %get3A_479 = tpu.vector_load %arg12[%get3A] {strides = array<i32>} : memref<800xf32, #tpu.memory_space<vmem>>, vector<16xf32>,
        %sub3A = arith.subf %get3A_479, %scan3A_66 : vector<16xf32>
        %exp3A = math.exp %sub3A : vector<16xf32>
        %mul3A_480 = arith.constant 16 : i32
        %mul3A_481 = arith.muli %scan3A_475, %mul3A_480 : i32
        %swap3A = arith.index_cast %mul3A_481 : i32 to index
        %swap3A_482 = tpu.vector_load %arg12[%swap3A] {strides = array<i32>} : memref<800xf32, #tpu.memory_space<vmem>>, vector<16xf32>,
        tpu.vector_store %arg12[%swap3A], %exp3A {strides = array<i32>} : memref<800xf32, #tpu.memory_space<vmem>>, vector<16xf32>,
        %add3A_483 = arith.addf %scan3A_476, %exp3A : vector<16xf32>
        scf.yield %add3A_483 : vector<16xf32>
      }
      %scan3A_75 = arith.constant 50 : i32
      "tpu.trace_stop"() : () -> ()
      %div3A = arith.constant 1.000000e+00 : f32
      %div3A_76 = vector.broadcast %div3A : f32 to vector<16xf32>
      %div3A_77 = arith.divf %div3A_76, %scan3A_74 : vector<16xf32>
      %broadcast_in_dim3A_78 = arith.constant 0.000000e+00 : f32
      "tpu.trace_start"() <{level = 10 : i32, message = "pass2"}> : () -> ()
      %broadcast_in_dim3A_79 = vector.broadcast %broadcast_in_dim3A_78 : f32 to vector<16xf32>
      %broadcast_in_dim3A_80 = arith.constant 0.000000e+00 : f32
      %broadcast_in_dim3A_81 = vector.broadcast %broadcast_in_dim3A_80 : f32 to vector<16xf32>
      %broadcast_in_dim3A_82 = arith.constant 0.000000e+00 : f32
      %broadcast_in_dim3A_83 = vector.broadcast %broadcast_in_dim3A_82 : f32 to vector<16xf32>
      %broadcast_in_dim3A_84 = arith.constant 0.000000e+00 : f32
      %broadcast_in_dim3A_85 = vector.broadcast %broadcast_in_dim3A_84 : f32 to vector<16xf32>
      %broadcast_in_dim3A_86 = arith.constant 0.000000e+00 : f32
      %broadcast_in_dim3A_87 = vector.broadcast %broadcast_in_dim3A_86 : f32 to vector<16xf32>
      %broadcast_in_dim3A_88 = arith.constant 0.000000e+00 : f32
      %broadcast_in_dim3A_89 = vector.broadcast %broadcast_in_dim3A_88 : f32 to vector<16xf32>
      %broadcast_in_dim3A_90 = arith.constant 0.000000e+00 : f32
      %broadcast_in_dim3A_91 = vector.broadcast %broadcast_in_dim3A_90 : f32 to vector<16xf32>
      %broadcast_in_dim3A_92 = arith.constant 0.000000e+00 : f32
      %broadcast_in_dim3A_93 = vector.broadcast %broadcast_in_dim3A_92 : f32 to vector<16xf32>
      %broadcast_in_dim3A_94 = arith.constant 0.000000e+00 : f32
      %broadcast_in_dim3A_95 = vector.broadcast %broadcast_in_dim3A_94 : f32 to vector<16xf32>
      %broadcast_in_dim3A_96 = arith.constant 0.000000e+00 : f32
      %broadcast_in_dim3A_97 = vector.broadcast %broadcast_in_dim3A_96 : f32 to vector<16xf32>
      %broadcast_in_dim3A_98 = arith.constant 0.000000e+00 : f32
      %broadcast_in_dim3A_99 = vector.broadcast %broadcast_in_dim3A_98 : f32 to vector<16xf32>
      %broadcast_in_dim3A_100 = arith.constant 0.000000e+00 : f32
      %broadcast_in_dim3A_101 = vector.broadcast %broadcast_in_dim3A_100 : f32 to vector<16xf32>
      %broadcast_in_dim3A_102 = arith.constant 0.000000e+00 : f32
      %broadcast_in_dim3A_103 = vector.broadcast %broadcast_in_dim3A_102 : f32 to vector<16xf32>
      %broadcast_in_dim3A_104 = arith.constant 0.000000e+00 : f32
      %broadcast_in_dim3A_105 = vector.broadcast %broadcast_in_dim3A_104 : f32 to vector<16xf32>
      %broadcast_in_dim3A_106 = arith.constant 0.000000e+00 : f32
      %broadcast_in_dim3A_107 = vector.broadcast %broadcast_in_dim3A_106 : f32 to vector<16xf32>
      %broadcast_in_dim3A_108 = arith.constant 0.000000e+00 : f32
      %broadcast_in_dim3A_109 = vector.broadcast %broadcast_in_dim3A_108 : f32 to vector<16xf32>
      %scan3A_110 = arith.constant 0 : i32
      %scan3A_111 = arith.constant 50 : i32
      %scan3A_112 = arith.addi %scan3A_110, %scan3A_111 : i32
      %scan3A_113 = arith.constant 1 : i32
      %scan3A_114:16 = scf.for %scan3A_475 = %scan3A_110 to %scan3A_112 step %scan3A_113 iter_args(%scan3A_476 = %broadcast_in_dim3A_79, %scan3A_477 = %broadcast_in_dim3A_81, %scan3A_478 = %broadcast_in_dim3A_83, %scan3A_479 = %broadcast_in_dim3A_85, %scan3A_480 = %broadcast_in_dim3A_87, %scan3A_481 = %broadcast_in_dim3A_89, %scan3A_482 = %broadcast_in_dim3A_91, %scan3A_483 = %broadcast_in_dim3A_93, %scan3A_484 = %broadcast_in_dim3A_95, %scan3A_485 = %broadcast_in_dim3A_97, %scan3A_486 = %broadcast_in_dim3A_99, %scan3A_487 = %broadcast_in_dim3A_101, %scan3A_488 = %broadcast_in_dim3A_103, %scan3A_489 = %broadcast_in_dim3A_105, %scan3A_490 = %broadcast_in_dim3A_107, %scan3A_491 = %broadcast_in_dim3A_109) -> (vector<16xf32>, vector<16xf32>, vector<16xf32>, vector<16xf32>, vector<16xf32>, vector<16xf32>, vector<16xf32>, vector<16xf32>, vector<16xf32>, vector<16xf32>, vector<16xf32>, vector<16xf32>, vector<16xf32>, vector<16xf32>, vector<16xf32>, vector<16xf32>)  : i32 {
        %mul3A_492 = arith.constant 544 : i32
        %mul3A_493 = arith.muli %scan3A_475, %mul3A_492 : i32
        %mul3A_494 = arith.constant 16 : i32
        %mul3A_495 = arith.muli %scan3A_475, %mul3A_494 : i32
        %get3A = arith.index_cast %mul3A_495 : i32 to index
        %get3A_496 = tpu.vector_load %arg12[%get3A] {strides = array<i32>} : memref<800xf32, #tpu.memory_space<vmem>>, vector<16xf32>,
        %add3A_497 = arith.constant 0 : i32
        %add3A_498 = arith.addi %mul3A_493, %add3A_497 : i32
        %add3A_499 = vector.broadcast %add3A_498 : i32 to vector<16xi32>
        %add3A_500 = arith.addi %iota3A, %add3A_499 : vector<16xi32>
        %gather3A_501 = tpu.vector_load_idx %arg11[%add3A_500] : memref<27199xf32, #tpu.memory_space<vmem>>[vector<16xi32>], vector<16xf32>,
        %mul3A_502 = arith.mulf %gather3A_501, %get3A_496 : vector<16xf32>
        %add3A_503 = arith.addf %scan3A_476, %mul3A_502 : vector<16xf32>
        %add3A_504 = arith.constant 17 : i32
        %add3A_505 = arith.addi %mul3A_493, %add3A_504 : i32
        %add3A_506 = vector.broadcast %add3A_505 : i32 to vector<16xi32>
        %add3A_507 = arith.addi %iota3A, %add3A_506 : vector<16xi32>
        %gather3A_508 = tpu.vector_load_idx %arg11[%add3A_507] : memref<27199xf32, #tpu.memory_space<vmem>>[vector<16xi32>], vector<16xf32>,
        %mul3A_509 = arith.mulf %gather3A_508, %get3A_496 : vector<16xf32>
        %add3A_510 = arith.addf %scan3A_477, %mul3A_509 : vector<16xf32>
        %add3A_511 = arith.constant 34 : i32
        %add3A_512 = arith.addi %mul3A_493, %add3A_511 : i32
        %add3A_513 = vector.broadcast %add3A_512 : i32 to vector<16xi32>
        %add3A_514 = arith.addi %iota3A, %add3A_513 : vector<16xi32>
        %gather3A_515 = tpu.vector_load_idx %arg11[%add3A_514] : memref<27199xf32, #tpu.memory_space<vmem>>[vector<16xi32>], vector<16xf32>,
        %mul3A_516 = arith.mulf %gather3A_515, %get3A_496 : vector<16xf32>
        %add3A_517 = arith.addf %scan3A_478, %mul3A_516 : vector<16xf32>
        %add3A_518 = arith.constant 51 : i32
        %add3A_519 = arith.addi %mul3A_493, %add3A_518 : i32
        %add3A_520 = vector.broadcast %add3A_519 : i32 to vector<16xi32>
        %add3A_521 = arith.addi %iota3A, %add3A_520 : vector<16xi32>
        %gather3A_522 = tpu.vector_load_idx %arg11[%add3A_521] : memref<27199xf32, #tpu.memory_space<vmem>>[vector<16xi32>], vector<16xf32>,
        %mul3A_523 = arith.mulf %gather3A_522, %get3A_496 : vector<16xf32>
        %add3A_524 = arith.addf %scan3A_479, %mul3A_523 : vector<16xf32>
        %add3A_525 = arith.constant 68 : i32
        %add3A_526 = arith.addi %mul3A_493, %add3A_525 : i32
        %add3A_527 = vector.broadcast %add3A_526 : i32 to vector<16xi32>
        %add3A_528 = arith.addi %iota3A, %add3A_527 : vector<16xi32>
        %gather3A_529 = tpu.vector_load_idx %arg11[%add3A_528] : memref<27199xf32, #tpu.memory_space<vmem>>[vector<16xi32>], vector<16xf32>,
        %mul3A_530 = arith.mulf %gather3A_529, %get3A_496 : vector<16xf32>
        %add3A_531 = arith.addf %scan3A_480, %mul3A_530 : vector<16xf32>
        %add3A_532 = arith.constant 85 : i32
        %add3A_533 = arith.addi %mul3A_493, %add3A_532 : i32
        %add3A_534 = vector.broadcast %add3A_533 : i32 to vector<16xi32>
        %add3A_535 = arith.addi %iota3A, %add3A_534 : vector<16xi32>
        %gather3A_536 = tpu.vector_load_idx %arg11[%add3A_535] : memref<27199xf32, #tpu.memory_space<vmem>>[vector<16xi32>], vector<16xf32>,
        %mul3A_537 = arith.mulf %gather3A_536, %get3A_496 : vector<16xf32>
        %add3A_538 = arith.addf %scan3A_481, %mul3A_537 : vector<16xf32>
        %add3A_539 = arith.constant 102 : i32
        %add3A_540 = arith.addi %mul3A_493, %add3A_539 : i32
        %add3A_541 = vector.broadcast %add3A_540 : i32 to vector<16xi32>
        %add3A_542 = arith.addi %iota3A, %add3A_541 : vector<16xi32>
        %gather3A_543 = tpu.vector_load_idx %arg11[%add3A_542] : memref<27199xf32, #tpu.memory_space<vmem>>[vector<16xi32>], vector<16xf32>,
        %mul3A_544 = arith.mulf %gather3A_543, %get3A_496 : vector<16xf32>
        %add3A_545 = arith.addf %scan3A_482, %mul3A_544 : vector<16xf32>
        %add3A_546 = arith.constant 119 : i32
        %add3A_547 = arith.addi %mul3A_493, %add3A_546 : i32
        %add3A_548 = vector.broadcast %add3A_547 : i32 to vector<16xi32>
        %add3A_549 = arith.addi %iota3A, %add3A_548 : vector<16xi32>
        %gather3A_550 = tpu.vector_load_idx %arg11[%add3A_549] : memref<27199xf32, #tpu.memory_space<vmem>>[vector<16xi32>], vector<16xf32>,
        %mul3A_551 = arith.mulf %gather3A_550, %get3A_496 : vector<16xf32>
        %add3A_552 = arith.addf %scan3A_483, %mul3A_551 : vector<16xf32>
        %add3A_553 = arith.constant 136 : i32
        %add3A_554 = arith.addi %mul3A_493, %add3A_553 : i32
        %add3A_555 = vector.broadcast %add3A_554 : i32 to vector<16xi32>
        %add3A_556 = arith.addi %iota3A, %add3A_555 : vector<16xi32>
        %gather3A_557 = tpu.vector_load_idx %arg11[%add3A_556] : memref<27199xf32, #tpu.memory_space<vmem>>[vector<16xi32>], vector<16xf32>,
        %mul3A_558 = arith.mulf %gather3A_557, %get3A_496 : vector<16xf32>
        %add3A_559 = arith.addf %scan3A_484, %mul3A_558 : vector<16xf32>
        %add3A_560 = arith.constant 153 : i32
        %add3A_561 = arith.addi %mul3A_493, %add3A_560 : i32
        %add3A_562 = vector.broadcast %add3A_561 : i32 to vector<16xi32>
        %add3A_563 = arith.addi %iota3A, %add3A_562 : vector<16xi32>
        %gather3A_564 = tpu.vector_load_idx %arg11[%add3A_563] : memref<27199xf32, #tpu.memory_space<vmem>>[vector<16xi32>], vector<16xf32>,
        %mul3A_565 = arith.mulf %gather3A_564, %get3A_496 : vector<16xf32>
        %add3A_566 = arith.addf %scan3A_485, %mul3A_565 : vector<16xf32>
        %add3A_567 = arith.constant 170 : i32
        %add3A_568 = arith.addi %mul3A_493, %add3A_567 : i32
        %add3A_569 = vector.broadcast %add3A_568 : i32 to vector<16xi32>
        %add3A_570 = arith.addi %iota3A, %add3A_569 : vector<16xi32>
        %gather3A_571 = tpu.vector_load_idx %arg11[%add3A_570] : memref<27199xf32, #tpu.memory_space<vmem>>[vector<16xi32>], vector<16xf32>,
        %mul3A_572 = arith.mulf %gather3A_571, %get3A_496 : vector<16xf32>
        %add3A_573 = arith.addf %scan3A_486, %mul3A_572 : vector<16xf32>
        %add3A_574 = arith.constant 187 : i32
        %add3A_575 = arith.addi %mul3A_493, %add3A_574 : i32
        %add3A_576 = vector.broadcast %add3A_575 : i32 to vector<16xi32>
        %add3A_577 = arith.addi %iota3A, %add3A_576 : vector<16xi32>
        %gather3A_578 = tpu.vector_load_idx %arg11[%add3A_577] : memref<27199xf32, #tpu.memory_space<vmem>>[vector<16xi32>], vector<16xf32>,
        %mul3A_579 = arith.mulf %gather3A_578, %get3A_496 : vector<16xf32>
        %add3A_580 = arith.addf %scan3A_487, %mul3A_579 : vector<16xf32>
        %add3A_581 = arith.constant 204 : i32
        %add3A_582 = arith.addi %mul3A_493, %add3A_581 : i32
        %add3A_583 = vector.broadcast %add3A_582 : i32 to vector<16xi32>
        %add3A_584 = arith.addi %iota3A, %add3A_583 : vector<16xi32>
        %gather3A_585 = tpu.vector_load_idx %arg11[%add3A_584] : memref<27199xf32, #tpu.memory_space<vmem>>[vector<16xi32>], vector<16xf32>,
        %mul3A_586 = arith.mulf %gather3A_585, %get3A_496 : vector<16xf32>
        %add3A_587 = arith.addf %scan3A_488, %mul3A_586 : vector<16xf32>
        %add3A_588 = arith.constant 221 : i32
        %add3A_589 = arith.addi %mul3A_493, %add3A_588 : i32
        %add3A_590 = vector.broadcast %add3A_589 : i32 to vector<16xi32>
        %add3A_591 = arith.addi %iota3A, %add3A_590 : vector<16xi32>
        %gather3A_592 = tpu.vector_load_idx %arg11[%add3A_591] : memref<27199xf32, #tpu.memory_space<vmem>>[vector<16xi32>], vector<16xf32>,
        %mul3A_593 = arith.mulf %gather3A_592, %get3A_496 : vector<16xf32>
        %add3A_594 = arith.addf %scan3A_489, %mul3A_593 : vector<16xf32>
        %add3A_595 = arith.constant 238 : i32
        %add3A_596 = arith.addi %mul3A_493, %add3A_595 : i32
        %add3A_597 = vector.broadcast %add3A_596 : i32 to vector<16xi32>
        %add3A_598 = arith.addi %iota3A, %add3A_597 : vector<16xi32>
        %gather3A_599 = tpu.vector_load_idx %arg11[%add3A_598] : memref<27199xf32, #tpu.memory_space<vmem>>[vector<16xi32>], vector<16xf32>,
        %mul3A_600 = arith.mulf %gather3A_599, %get3A_496 : vector<16xf32>
        %add3A_601 = arith.addf %scan3A_490, %mul3A_600 : vector<16xf32>
        %add3A_602 = arith.constant 255 : i32
        %add3A_603 = arith.addi %mul3A_493, %add3A_602 : i32
        %add3A_604 = vector.broadcast %add3A_603 : i32 to vector<16xi32>
        %add3A_605 = arith.addi %iota3A, %add3A_604 : vector<16xi32>
        %gather3A_606 = tpu.vector_load_idx %arg11[%add3A_605] : memref<27199xf32, #tpu.memory_space<vmem>>[vector<16xi32>], vector<16xf32>,
        %mul3A_607 = arith.mulf %gather3A_606, %get3A_496 : vector<16xf32>
        %add3A_608 = arith.addf %scan3A_491, %mul3A_607 : vector<16xf32>
        scf.yield %add3A_503, %add3A_510, %add3A_517, %add3A_524, %add3A_531, %add3A_538, %add3A_545, %add3A_552, %add3A_559, %add3A_566, %add3A_573, %add3A_580, %add3A_587, %add3A_594, %add3A_601, %add3A_608 : vector<16xf32>, vector<16xf32>, vector<16xf32>, vector<16xf32>, vector<16xf32>, vector<16xf32>, vector<16xf32>, vector<16xf32>, vector<16xf32>, vector<16xf32>, vector<16xf32>, vector<16xf32>, vector<16xf32>, vector<16xf32>, vector<16xf32>, vector<16xf32>
      }
      %scan3A_115 = arith.constant 50 : i32
      %broadcast_in_dim3A_116 = arith.constant 0 : i32
      "tpu.trace_stop"() : () -> ()
      %broadcast_in_dim3A_117 = vector.broadcast %broadcast_in_dim3A_116 : i32 to vector<16xi32>
      %mul3A_118 = arith.mulf %scan3A_114#0, %div3A_77 : vector<16xf32>
      tpu.vector_store_idx %arg13[%iota3A, %broadcast_in_dim3A_117], %mul3A_118 : memref<16x32xf32, #tpu.memory_space<vmem>>[vector<16xi32>, vector<16xi32>], vector<16xf32>,
      %broadcast_in_dim3A_119 = arith.constant 1 : i32
      %broadcast_in_dim3A_120 = vector.broadcast %broadcast_in_dim3A_119 : i32 to vector<16xi32>
      %mul3A_121 = arith.mulf %scan3A_114#1, %div3A_77 : vector<16xf32>
      tpu.vector_store_idx %arg13[%iota3A, %broadcast_in_dim3A_120], %mul3A_121 : memref<16x32xf32, #tpu.memory_space<vmem>>[vector<16xi32>, vector<16xi32>], vector<16xf32>,
      %broadcast_in_dim3A_122 = arith.constant 2 : i32
      %broadcast_in_dim3A_123 = vector.broadcast %broadcast_in_dim3A_122 : i32 to vector<16xi32>
      %mul3A_124 = arith.mulf %scan3A_114#2, %div3A_77 : vector<16xf32>
      tpu.vector_store_idx %arg13[%iota3A, %broadcast_in_dim3A_123], %mul3A_124 : memref<16x32xf32, #tpu.memory_space<vmem>>[vector<16xi32>, vector<16xi32>], vector<16xf32>,
      %broadcast_in_dim3A_125 = arith.constant 3 : i32
      %broadcast_in_dim3A_126 = vector.broadcast %broadcast_in_dim3A_125 : i32 to vector<16xi32>
      %mul3A_127 = arith.mulf %scan3A_114#3, %div3A_77 : vector<16xf32>
      tpu.vector_store_idx %arg13[%iota3A, %broadcast_in_dim3A_126], %mul3A_127 : memref<16x32xf32, #tpu.memory_space<vmem>>[vector<16xi32>, vector<16xi32>], vector<16xf32>,
      %broadcast_in_dim3A_128 = arith.constant 4 : i32
      %broadcast_in_dim3A_129 = vector.broadcast %broadcast_in_dim3A_128 : i32 to vector<16xi32>
      %mul3A_130 = arith.mulf %scan3A_114#4, %div3A_77 : vector<16xf32>
      tpu.vector_store_idx %arg13[%iota3A, %broadcast_in_dim3A_129], %mul3A_130 : memref<16x32xf32, #tpu.memory_space<vmem>>[vector<16xi32>, vector<16xi32>], vector<16xf32>,
      %broadcast_in_dim3A_131 = arith.constant 5 : i32
      %broadcast_in_dim3A_132 = vector.broadcast %broadcast_in_dim3A_131 : i32 to vector<16xi32>
      %mul3A_133 = arith.mulf %scan3A_114#5, %div3A_77 : vector<16xf32>
      tpu.vector_store_idx %arg13[%iota3A, %broadcast_in_dim3A_132], %mul3A_133 : memref<16x32xf32, #tpu.memory_space<vmem>>[vector<16xi32>, vector<16xi32>], vector<16xf32>,
      %broadcast_in_dim3A_134 = arith.constant 6 : i32
      %broadcast_in_dim3A_135 = vector.broadcast %broadcast_in_dim3A_134 : i32 to vector<16xi32>
      %mul3A_136 = arith.mulf %scan3A_114#6, %div3A_77 : vector<16xf32>
      tpu.vector_store_idx %arg13[%iota3A, %broadcast_in_dim3A_135], %mul3A_136 : memref<16x32xf32, #tpu.memory_space<vmem>>[vector<16xi32>, vector<16xi32>], vector<16xf32>,
      %broadcast_in_dim3A_137 = arith.constant 7 : i32
      %broadcast_in_dim3A_138 = vector.broadcast %broadcast_in_dim3A_137 : i32 to vector<16xi32>
      %mul3A_139 = arith.mulf %scan3A_114#7, %div3A_77 : vector<16xf32>
      tpu.vector_store_idx %arg13[%iota3A, %broadcast_in_dim3A_138], %mul3A_139 : memref<16x32xf32, #tpu.memory_space<vmem>>[vector<16xi32>, vector<16xi32>], vector<16xf32>,
      %broadcast_in_dim3A_140 = arith.constant 8 : i32
      %broadcast_in_dim3A_141 = vector.broadcast %broadcast_in_dim3A_140 : i32 to vector<16xi32>
      %mul3A_142 = arith.mulf %scan3A_114#8, %div3A_77 : vector<16xf32>
      tpu.vector_store_idx %arg13[%iota3A, %broadcast_in_dim3A_141], %mul3A_142 : memref<16x32xf32, #tpu.memory_space<vmem>>[vector<16xi32>, vector<16xi32>], vector<16xf32>,
      %broadcast_in_dim3A_143 = arith.constant 9 : i32
      %broadcast_in_dim3A_144 = vector.broadcast %broadcast_in_dim3A_143 : i32 to vector<16xi32>
      %mul3A_145 = arith.mulf %scan3A_114#9, %div3A_77 : vector<16xf32>
      tpu.vector_store_idx %arg13[%iota3A, %broadcast_in_dim3A_144], %mul3A_145 : memref<16x32xf32, #tpu.memory_space<vmem>>[vector<16xi32>, vector<16xi32>], vector<16xf32>,
      %broadcast_in_dim3A_146 = arith.constant 10 : i32
      %broadcast_in_dim3A_147 = vector.broadcast %broadcast_in_dim3A_146 : i32 to vector<16xi32>
      %mul3A_148 = arith.mulf %scan3A_114#10, %div3A_77 : vector<16xf32>
      tpu.vector_store_idx %arg13[%iota3A, %broadcast_in_dim3A_147], %mul3A_148 : memref<16x32xf32, #tpu.memory_space<vmem>>[vector<16xi32>, vector<16xi32>], vector<16xf32>,
      %broadcast_in_dim3A_149 = arith.constant 11 : i32
      %broadcast_in_dim3A_150 = vector.broadcast %broadcast_in_dim3A_149 : i32 to vector<16xi32>
      %mul3A_151 = arith.mulf %scan3A_114#11, %div3A_77 : vector<16xf32>
      tpu.vector_store_idx %arg13[%iota3A, %broadcast_in_dim3A_150], %mul3A_151 : memref<16x32xf32, #tpu.memory_space<vmem>>[vector<16xi32>, vector<16xi32>], vector<16xf32>,
      %broadcast_in_dim3A_152 = arith.constant 12 : i32
      %broadcast_in_dim3A_153 = vector.broadcast %broadcast_in_dim3A_152 : i32 to vector<16xi32>
      %mul3A_154 = arith.mulf %scan3A_114#12, %div3A_77 : vector<16xf32>
      tpu.vector_store_idx %arg13[%iota3A, %broadcast_in_dim3A_153], %mul3A_154 : memref<16x32xf32, #tpu.memory_space<vmem>>[vector<16xi32>, vector<16xi32>], vector<16xf32>,
      %broadcast_in_dim3A_155 = arith.constant 13 : i32
      %broadcast_in_dim3A_156 = vector.broadcast %broadcast_in_dim3A_155 : i32 to vector<16xi32>
      %mul3A_157 = arith.mulf %scan3A_114#13, %div3A_77 : vector<16xf32>
      tpu.vector_store_idx %arg13[%iota3A, %broadcast_in_dim3A_156], %mul3A_157 : memref<16x32xf32, #tpu.memory_space<vmem>>[vector<16xi32>, vector<16xi32>], vector<16xf32>,
      %broadcast_in_dim3A_158 = arith.constant 14 : i32
      %broadcast_in_dim3A_159 = vector.broadcast %broadcast_in_dim3A_158 : i32 to vector<16xi32>
      %mul3A_160 = arith.mulf %scan3A_114#14, %div3A_77 : vector<16xf32>
      tpu.vector_store_idx %arg13[%iota3A, %broadcast_in_dim3A_159], %mul3A_160 : memref<16x32xf32, #tpu.memory_space<vmem>>[vector<16xi32>, vector<16xi32>], vector<16xf32>,
      %broadcast_in_dim3A_161 = arith.constant 15 : i32
      %broadcast_in_dim3A_162 = vector.broadcast %broadcast_in_dim3A_161 : i32 to vector<16xi32>
      %mul3A_163 = arith.mulf %scan3A_114#15, %div3A_77 : vector<16xf32>
      tpu.vector_store_idx %arg13[%iota3A, %broadcast_in_dim3A_162], %mul3A_163 : memref<16x32xf32, #tpu.memory_space<vmem>>[vector<16xi32>, vector<16xi32>], vector<16xf32>,
      %broadcast_in_dim3A_164 = arith.constant 0.000000e+00 : f32
      "tpu.trace_start"() <{level = 10 : i32, message = "pass2"}> : () -> ()
      %broadcast_in_dim3A_165 = vector.broadcast %broadcast_in_dim3A_164 : f32 to vector<16xf32>
      %broadcast_in_dim3A_166 = arith.constant 0.000000e+00 : f32
      %broadcast_in_dim3A_167 = vector.broadcast %broadcast_in_dim3A_166 : f32 to vector<16xf32>
      %broadcast_in_dim3A_168 = arith.constant 0.000000e+00 : f32
      %broadcast_in_dim3A_169 = vector.broadcast %broadcast_in_dim3A_168 : f32 to vector<16xf32>
      %broadcast_in_dim3A_170 = arith.constant 0.000000e+00 : f32
      %broadcast_in_dim3A_171 = vector.broadcast %broadcast_in_dim3A_170 : f32 to vector<16xf32>
      %broadcast_in_dim3A_172 = arith.constant 0.000000e+00 : f32
      %broadcast_in_dim3A_173 = vector.broadcast %broadcast_in_dim3A_172 : f32 to vector<16xf32>
      %broadcast_in_dim3A_174 = arith.constant 0.000000e+00 : f32
      %broadcast_in_dim3A_175 = vector.broadcast %broadcast_in_dim3A_174 : f32 to vector<16xf32>
      %broadcast_in_dim3A_176 = arith.constant 0.000000e+00 : f32
      %broadcast_in_dim3A_177 = vector.broadcast %broadcast_in_dim3A_176 : f32 to vector<16xf32>
      %broadcast_in_dim3A_178 = arith.constant 0.000000e+00 : f32
      %broadcast_in_dim3A_179 = vector.broadcast %broadcast_in_dim3A_178 : f32 to vector<16xf32>
      %broadcast_in_dim3A_180 = arith.constant 0.000000e+00 : f32
      %broadcast_in_dim3A_181 = vector.broadcast %broadcast_in_dim3A_180 : f32 to vector<16xf32>
      %broadcast_in_dim3A_182 = arith.constant 0.000000e+00 : f32
      %broadcast_in_dim3A_183 = vector.broadcast %broadcast_in_dim3A_182 : f32 to vector<16xf32>
      %broadcast_in_dim3A_184 = arith.constant 0.000000e+00 : f32
      %broadcast_in_dim3A_185 = vector.broadcast %broadcast_in_dim3A_184 : f32 to vector<16xf32>
      %broadcast_in_dim3A_186 = arith.constant 0.000000e+00 : f32
      %broadcast_in_dim3A_187 = vector.broadcast %broadcast_in_dim3A_186 : f32 to vector<16xf32>
      %broadcast_in_dim3A_188 = arith.constant 0.000000e+00 : f32
      %broadcast_in_dim3A_189 = vector.broadcast %broadcast_in_dim3A_188 : f32 to vector<16xf32>
      %broadcast_in_dim3A_190 = arith.constant 0.000000e+00 : f32
      %broadcast_in_dim3A_191 = vector.broadcast %broadcast_in_dim3A_190 : f32 to vector<16xf32>
      %broadcast_in_dim3A_192 = arith.constant 0.000000e+00 : f32
      %broadcast_in_dim3A_193 = vector.broadcast %broadcast_in_dim3A_192 : f32 to vector<16xf32>
      %broadcast_in_dim3A_194 = arith.constant 0.000000e+00 : f32
      %broadcast_in_dim3A_195 = vector.broadcast %broadcast_in_dim3A_194 : f32 to vector<16xf32>
      %scan3A_196 = arith.constant 0 : i32
      %scan3A_197 = arith.constant 50 : i32
      %scan3A_198 = arith.addi %scan3A_196, %scan3A_197 : i32
      %scan3A_199 = arith.constant 1 : i32
      %scan3A_200:16 = scf.for %scan3A_475 = %scan3A_196 to %scan3A_198 step %scan3A_199 iter_args(%scan3A_476 = %broadcast_in_dim3A_165, %scan3A_477 = %broadcast_in_dim3A_167, %scan3A_478 = %broadcast_in_dim3A_169, %scan3A_479 = %broadcast_in_dim3A_171, %scan3A_480 = %broadcast_in_dim3A_173, %scan3A_481 = %broadcast_in_dim3A_175, %scan3A_482 = %broadcast_in_dim3A_177, %scan3A_483 = %broadcast_in_dim3A_179, %scan3A_484 = %broadcast_in_dim3A_181, %scan3A_485 = %broadcast_in_dim3A_183, %scan3A_486 = %broadcast_in_dim3A_185, %scan3A_487 = %broadcast_in_dim3A_187, %scan3A_488 = %broadcast_in_dim3A_189, %scan3A_489 = %broadcast_in_dim3A_191, %scan3A_490 = %broadcast_in_dim3A_193, %scan3A_491 = %broadcast_in_dim3A_195) -> (vector<16xf32>, vector<16xf32>, vector<16xf32>, vector<16xf32>, vector<16xf32>, vector<16xf32>, vector<16xf32>, vector<16xf32>, vector<16xf32>, vector<16xf32>, vector<16xf32>, vector<16xf32>, vector<16xf32>, vector<16xf32>, vector<16xf32>, vector<16xf32>)  : i32 {
        %mul3A_492 = arith.constant 544 : i32
        %mul3A_493 = arith.muli %scan3A_475, %mul3A_492 : i32
        %mul3A_494 = arith.constant 16 : i32
        %mul3A_495 = arith.muli %scan3A_475, %mul3A_494 : i32
        %get3A = arith.index_cast %mul3A_495 : i32 to index
        %get3A_496 = tpu.vector_load %arg12[%get3A] {strides = array<i32>} : memref<800xf32, #tpu.memory_space<vmem>>, vector<16xf32>,
        %add3A_497 = arith.constant 272 : i32
        %add3A_498 = arith.addi %mul3A_493, %add3A_497 : i32
        %add3A_499 = vector.broadcast %add3A_498 : i32 to vector<16xi32>
        %add3A_500 = arith.addi %iota3A, %add3A_499 : vector<16xi32>
        %gather3A_501 = tpu.vector_load_idx %arg11[%add3A_500] : memref<27199xf32, #tpu.memory_space<vmem>>[vector<16xi32>], vector<16xf32>,
        %mul3A_502 = arith.mulf %gather3A_501, %get3A_496 : vector<16xf32>
        %add3A_503 = arith.addf %scan3A_476, %mul3A_502 : vector<16xf32>
        %add3A_504 = arith.constant 289 : i32
        %add3A_505 = arith.addi %mul3A_493, %add3A_504 : i32
        %add3A_506 = vector.broadcast %add3A_505 : i32 to vector<16xi32>
        %add3A_507 = arith.addi %iota3A, %add3A_506 : vector<16xi32>
        %gather3A_508 = tpu.vector_load_idx %arg11[%add3A_507] : memref<27199xf32, #tpu.memory_space<vmem>>[vector<16xi32>], vector<16xf32>,
        %mul3A_509 = arith.mulf %gather3A_508, %get3A_496 : vector<16xf32>
        %add3A_510 = arith.addf %scan3A_477, %mul3A_509 : vector<16xf32>
        %add3A_511 = arith.constant 306 : i32
        %add3A_512 = arith.addi %mul3A_493, %add3A_511 : i32
        %add3A_513 = vector.broadcast %add3A_512 : i32 to vector<16xi32>
        %add3A_514 = arith.addi %iota3A, %add3A_513 : vector<16xi32>
        %gather3A_515 = tpu.vector_load_idx %arg11[%add3A_514] : memref<27199xf32, #tpu.memory_space<vmem>>[vector<16xi32>], vector<16xf32>,
        %mul3A_516 = arith.mulf %gather3A_515, %get3A_496 : vector<16xf32>
        %add3A_517 = arith.addf %scan3A_478, %mul3A_516 : vector<16xf32>
        %add3A_518 = arith.constant 323 : i32
        %add3A_519 = arith.addi %mul3A_493, %add3A_518 : i32
        %add3A_520 = vector.broadcast %add3A_519 : i32 to vector<16xi32>
        %add3A_521 = arith.addi %iota3A, %add3A_520 : vector<16xi32>
        %gather3A_522 = tpu.vector_load_idx %arg11[%add3A_521] : memref<27199xf32, #tpu.memory_space<vmem>>[vector<16xi32>], vector<16xf32>,
        %mul3A_523 = arith.mulf %gather3A_522, %get3A_496 : vector<16xf32>
        %add3A_524 = arith.addf %scan3A_479, %mul3A_523 : vector<16xf32>
        %add3A_525 = arith.constant 340 : i32
        %add3A_526 = arith.addi %mul3A_493, %add3A_525 : i32
        %add3A_527 = vector.broadcast %add3A_526 : i32 to vector<16xi32>
        %add3A_528 = arith.addi %iota3A, %add3A_527 : vector<16xi32>
        %gather3A_529 = tpu.vector_load_idx %arg11[%add3A_528] : memref<27199xf32, #tpu.memory_space<vmem>>[vector<16xi32>], vector<16xf32>,
        %mul3A_530 = arith.mulf %gather3A_529, %get3A_496 : vector<16xf32>
        %add3A_531 = arith.addf %scan3A_480, %mul3A_530 : vector<16xf32>
        %add3A_532 = arith.constant 357 : i32
        %add3A_533 = arith.addi %mul3A_493, %add3A_532 : i32
        %add3A_534 = vector.broadcast %add3A_533 : i32 to vector<16xi32>
        %add3A_535 = arith.addi %iota3A, %add3A_534 : vector<16xi32>
        %gather3A_536 = tpu.vector_load_idx %arg11[%add3A_535] : memref<27199xf32, #tpu.memory_space<vmem>>[vector<16xi32>], vector<16xf32>,
        %mul3A_537 = arith.mulf %gather3A_536, %get3A_496 : vector<16xf32>
        %add3A_538 = arith.addf %scan3A_481, %mul3A_537 : vector<16xf32>
        %add3A_539 = arith.constant 374 : i32
        %add3A_540 = arith.addi %mul3A_493, %add3A_539 : i32
        %add3A_541 = vector.broadcast %add3A_540 : i32 to vector<16xi32>
        %add3A_542 = arith.addi %iota3A, %add3A_541 : vector<16xi32>
        %gather3A_543 = tpu.vector_load_idx %arg11[%add3A_542] : memref<27199xf32, #tpu.memory_space<vmem>>[vector<16xi32>], vector<16xf32>,
        %mul3A_544 = arith.mulf %gather3A_543, %get3A_496 : vector<16xf32>
        %add3A_545 = arith.addf %scan3A_482, %mul3A_544 : vector<16xf32>
        %add3A_546 = arith.constant 391 : i32
        %add3A_547 = arith.addi %mul3A_493, %add3A_546 : i32
        %add3A_548 = vector.broadcast %add3A_547 : i32 to vector<16xi32>
        %add3A_549 = arith.addi %iota3A, %add3A_548 : vector<16xi32>
        %gather3A_550 = tpu.vector_load_idx %arg11[%add3A_549] : memref<27199xf32, #tpu.memory_space<vmem>>[vector<16xi32>], vector<16xf32>,
        %mul3A_551 = arith.mulf %gather3A_550, %get3A_496 : vector<16xf32>
        %add3A_552 = arith.addf %scan3A_483, %mul3A_551 : vector<16xf32>
        %add3A_553 = arith.constant 408 : i32
        %add3A_554 = arith.addi %mul3A_493, %add3A_553 : i32
        %add3A_555 = vector.broadcast %add3A_554 : i32 to vector<16xi32>
        %add3A_556 = arith.addi %iota3A, %add3A_555 : vector<16xi32>
        %gather3A_557 = tpu.vector_load_idx %arg11[%add3A_556] : memref<27199xf32, #tpu.memory_space<vmem>>[vector<16xi32>], vector<16xf32>,
        %mul3A_558 = arith.mulf %gather3A_557, %get3A_496 : vector<16xf32>
        %add3A_559 = arith.addf %scan3A_484, %mul3A_558 : vector<16xf32>
        %add3A_560 = arith.constant 425 : i32
        %add3A_561 = arith.addi %mul3A_493, %add3A_560 : i32
        %add3A_562 = vector.broadcast %add3A_561 : i32 to vector<16xi32>
        %add3A_563 = arith.addi %iota3A, %add3A_562 : vector<16xi32>
        %gather3A_564 = tpu.vector_load_idx %arg11[%add3A_563] : memref<27199xf32, #tpu.memory_space<vmem>>[vector<16xi32>], vector<16xf32>,
        %mul3A_565 = arith.mulf %gather3A_564, %get3A_496 : vector<16xf32>
        %add3A_566 = arith.addf %scan3A_485, %mul3A_565 : vector<16xf32>
        %add3A_567 = arith.constant 442 : i32
        %add3A_568 = arith.addi %mul3A_493, %add3A_567 : i32
        %add3A_569 = vector.broadcast %add3A_568 : i32 to vector<16xi32>
        %add3A_570 = arith.addi %iota3A, %add3A_569 : vector<16xi32>
        %gather3A_571 = tpu.vector_load_idx %arg11[%add3A_570] : memref<27199xf32, #tpu.memory_space<vmem>>[vector<16xi32>], vector<16xf32>,
        %mul3A_572 = arith.mulf %gather3A_571, %get3A_496 : vector<16xf32>
        %add3A_573 = arith.addf %scan3A_486, %mul3A_572 : vector<16xf32>
        %add3A_574 = arith.constant 459 : i32
        %add3A_575 = arith.addi %mul3A_493, %add3A_574 : i32
        %add3A_576 = vector.broadcast %add3A_575 : i32 to vector<16xi32>
        %add3A_577 = arith.addi %iota3A, %add3A_576 : vector<16xi32>
        %gather3A_578 = tpu.vector_load_idx %arg11[%add3A_577] : memref<27199xf32, #tpu.memory_space<vmem>>[vector<16xi32>], vector<16xf32>,
        %mul3A_579 = arith.mulf %gather3A_578, %get3A_496 : vector<16xf32>
        %add3A_580 = arith.addf %scan3A_487, %mul3A_579 : vector<16xf32>
        %add3A_581 = arith.constant 476 : i32
        %add3A_582 = arith.addi %mul3A_493, %add3A_581 : i32
        %add3A_583 = vector.broadcast %add3A_582 : i32 to vector<16xi32>
        %add3A_584 = arith.addi %iota3A, %add3A_583 : vector<16xi32>
        %gather3A_585 = tpu.vector_load_idx %arg11[%add3A_584] : memref<27199xf32, #tpu.memory_space<vmem>>[vector<16xi32>], vector<16xf32>,
        %mul3A_586 = arith.mulf %gather3A_585, %get3A_496 : vector<16xf32>
        %add3A_587 = arith.addf %scan3A_488, %mul3A_586 : vector<16xf32>
        %add3A_588 = arith.constant 493 : i32
        %add3A_589 = arith.addi %mul3A_493, %add3A_588 : i32
        %add3A_590 = vector.broadcast %add3A_589 : i32 to vector<16xi32>
        %add3A_591 = arith.addi %iota3A, %add3A_590 : vector<16xi32>
        %gather3A_592 = tpu.vector_load_idx %arg11[%add3A_591] : memref<27199xf32, #tpu.memory_space<vmem>>[vector<16xi32>], vector<16xf32>,
        %mul3A_593 = arith.mulf %gather3A_592, %get3A_496 : vector<16xf32>
        %add3A_594 = arith.addf %scan3A_489, %mul3A_593 : vector<16xf32>
        %add3A_595 = arith.constant 510 : i32
        %add3A_596 = arith.addi %mul3A_493, %add3A_595 : i32
        %add3A_597 = vector.broadcast %add3A_596 : i32 to vector<16xi32>
        %add3A_598 = arith.addi %iota3A, %add3A_597 : vector<16xi32>
        %gather3A_599 = tpu.vector_load_idx %arg11[%add3A_598] : memref<27199xf32, #tpu.memory_space<vmem>>[vector<16xi32>], vector<16xf32>,
        %mul3A_600 = arith.mulf %gather3A_599, %get3A_496 : vector<16xf32>
        %add3A_601 = arith.addf %scan3A_490, %mul3A_600 : vector<16xf32>
        %add3A_602 = arith.constant 527 : i32
        %add3A_603 = arith.addi %mul3A_493, %add3A_602 : i32
        %add3A_604 = vector.broadcast %add3A_603 : i32 to vector<16xi32>
        %add3A_605 = arith.addi %iota3A, %add3A_604 : vector<16xi32>
        %gather3A_606 = tpu.vector_load_idx %arg11[%add3A_605] : memref<27199xf32, #tpu.memory_space<vmem>>[vector<16xi32>], vector<16xf32>,
        %mul3A_607 = arith.mulf %gather3A_606, %get3A_496 : vector<16xf32>
        %add3A_608 = arith.addf %scan3A_491, %mul3A_607 : vector<16xf32>
        scf.yield %add3A_503, %add3A_510, %add3A_517, %add3A_524, %add3A_531, %add3A_538, %add3A_545, %add3A_552, %add3A_559, %add3A_566, %add3A_573, %add3A_580, %add3A_587, %add3A_594, %add3A_601, %add3A_608 : vector<16xf32>, vector<16xf32>, vector<16xf32>, vector<16xf32>, vector<16xf32>, vector<16xf32>, vector<16xf32>, vector<16xf32>, vector<16xf32>, vector<16xf32>, vector<16xf32>, vector<16xf32>, vector<16xf32>, vector<16xf32>, vector<16xf32>, vector<16xf32>
      }
      %scan3A_201 = arith.constant 50 : i32
      %broadcast_in_dim3A_202 = arith.constant 16 : i32
      "tpu.trace_stop"() : () -> ()
      %broadcast_in_dim3A_203 = vector.broadcast %broadcast_in_dim3A_202 : i32 to vector<16xi32>
      %mul3A_204 = arith.mulf %scan3A_200#0, %div3A_77 : vector<16xf32>
      tpu.vector_store_idx %arg13[%iota3A, %broadcast_in_dim3A_203], %mul3A_204 : memref<16x32xf32, #tpu.memory_space<vmem>>[vector<16xi32>, vector<16xi32>], vector<16xf32>,
      %broadcast_in_dim3A_205 = arith.constant 17 : i32
      %broadcast_in_dim3A_206 = vector.broadcast %broadcast_in_dim3A_205 : i32 to vector<16xi32>
      %mul3A_207 = arith.mulf %scan3A_200#1, %div3A_77 : vector<16xf32>
      tpu.vector_store_idx %arg13[%iota3A, %broadcast_in_dim3A_206], %mul3A_207 : memref<16x32xf32, #tpu.memory_space<vmem>>[vector<16xi32>, vector<16xi32>], vector<16xf32>,
      %broadcast_in_dim3A_208 = arith.constant 18 : i32
      %broadcast_in_dim3A_209 = vector.broadcast %broadcast_in_dim3A_208 : i32 to vector<16xi32>
      %mul3A_210 = arith.mulf %scan3A_200#2, %div3A_77 : vector<16xf32>
      tpu.vector_store_idx %arg13[%iota3A, %broadcast_in_dim3A_209], %mul3A_210 : memref<16x32xf32, #tpu.memory_space<vmem>>[vector<16xi32>, vector<16xi32>], vector<16xf32>,
      %broadcast_in_dim3A_211 = arith.constant 19 : i32
      %broadcast_in_dim3A_212 = vector.broadcast %broadcast_in_dim3A_211 : i32 to vector<16xi32>
      %mul3A_213 = arith.mulf %scan3A_200#3, %div3A_77 : vector<16xf32>
      tpu.vector_store_idx %arg13[%iota3A, %broadcast_in_dim3A_212], %mul3A_213 : memref<16x32xf32, #tpu.memory_space<vmem>>[vector<16xi32>, vector<16xi32>], vector<16xf32>,
      %broadcast_in_dim3A_214 = arith.constant 20 : i32
      %broadcast_in_dim3A_215 = vector.broadcast %broadcast_in_dim3A_214 : i32 to vector<16xi32>
      %mul3A_216 = arith.mulf %scan3A_200#4, %div3A_77 : vector<16xf32>
      tpu.vector_store_idx %arg13[%iota3A, %broadcast_in_dim3A_215], %mul3A_216 : memref<16x32xf32, #tpu.memory_space<vmem>>[vector<16xi32>, vector<16xi32>], vector<16xf32>,
      %broadcast_in_dim3A_217 = arith.constant 21 : i32
      %broadcast_in_dim3A_218 = vector.broadcast %broadcast_in_dim3A_217 : i32 to vector<16xi32>
      %mul3A_219 = arith.mulf %scan3A_200#5, %div3A_77 : vector<16xf32>
      tpu.vector_store_idx %arg13[%iota3A, %broadcast_in_dim3A_218], %mul3A_219 : memref<16x32xf32, #tpu.memory_space<vmem>>[vector<16xi32>, vector<16xi32>], vector<16xf32>,
      %broadcast_in_dim3A_220 = arith.constant 22 : i32
      %broadcast_in_dim3A_221 = vector.broadcast %broadcast_in_dim3A_220 : i32 to vector<16xi32>
      %mul3A_222 = arith.mulf %scan3A_200#6, %div3A_77 : vector<16xf32>
      tpu.vector_store_idx %arg13[%iota3A, %broadcast_in_dim3A_221], %mul3A_222 : memref<16x32xf32, #tpu.memory_space<vmem>>[vector<16xi32>, vector<16xi32>], vector<16xf32>,
      %broadcast_in_dim3A_223 = arith.constant 23 : i32
      %broadcast_in_dim3A_224 = vector.broadcast %broadcast_in_dim3A_223 : i32 to vector<16xi32>
      %mul3A_225 = arith.mulf %scan3A_200#7, %div3A_77 : vector<16xf32>
      tpu.vector_store_idx %arg13[%iota3A, %broadcast_in_dim3A_224], %mul3A_225 : memref<16x32xf32, #tpu.memory_space<vmem>>[vector<16xi32>, vector<16xi32>], vector<16xf32>,
      %broadcast_in_dim3A_226 = arith.constant 24 : i32
      %broadcast_in_dim3A_227 = vector.broadcast %broadcast_in_dim3A_226 : i32 to vector<16xi32>
      %mul3A_228 = arith.mulf %scan3A_200#8, %div3A_77 : vector<16xf32>
      tpu.vector_store_idx %arg13[%iota3A, %broadcast_in_dim3A_227], %mul3A_228 : memref<16x32xf32, #tpu.memory_space<vmem>>[vector<16xi32>, vector<16xi32>], vector<16xf32>,
      %broadcast_in_dim3A_229 = arith.constant 25 : i32
      %broadcast_in_dim3A_230 = vector.broadcast %broadcast_in_dim3A_229 : i32 to vector<16xi32>
      %mul3A_231 = arith.mulf %scan3A_200#9, %div3A_77 : vector<16xf32>
      tpu.vector_store_idx %arg13[%iota3A, %broadcast_in_dim3A_230], %mul3A_231 : memref<16x32xf32, #tpu.memory_space<vmem>>[vector<16xi32>, vector<16xi32>], vector<16xf32>,
      %broadcast_in_dim3A_232 = arith.constant 26 : i32
      %broadcast_in_dim3A_233 = vector.broadcast %broadcast_in_dim3A_232 : i32 to vector<16xi32>
      %mul3A_234 = arith.mulf %scan3A_200#10, %div3A_77 : vector<16xf32>
      tpu.vector_store_idx %arg13[%iota3A, %broadcast_in_dim3A_233], %mul3A_234 : memref<16x32xf32, #tpu.memory_space<vmem>>[vector<16xi32>, vector<16xi32>], vector<16xf32>,
      %broadcast_in_dim3A_235 = arith.constant 27 : i32
      %broadcast_in_dim3A_236 = vector.broadcast %broadcast_in_dim3A_235 : i32 to vector<16xi32>
      %mul3A_237 = arith.mulf %scan3A_200#11, %div3A_77 : vector<16xf32>
      tpu.vector_store_idx %arg13[%iota3A, %broadcast_in_dim3A_236], %mul3A_237 : memref<16x32xf32, #tpu.memory_space<vmem>>[vector<16xi32>, vector<16xi32>], vector<16xf32>,
      %broadcast_in_dim3A_238 = arith.constant 28 : i32
      %broadcast_in_dim3A_239 = vector.broadcast %broadcast_in_dim3A_238 : i32 to vector<16xi32>
      %mul3A_240 = arith.mulf %scan3A_200#12, %div3A_77 : vector<16xf32>
      tpu.vector_store_idx %arg13[%iota3A, %broadcast_in_dim3A_239], %mul3A_240 : memref<16x32xf32, #tpu.memory_space<vmem>>[vector<16xi32>, vector<16xi32>], vector<16xf32>,
      %broadcast_in_dim3A_241 = arith.constant 29 : i32
      %broadcast_in_dim3A_242 = vector.broadcast %broadcast_in_dim3A_241 : i32 to vector<16xi32>
      %mul3A_243 = arith.mulf %scan3A_200#13, %div3A_77 : vector<16xf32>
      tpu.vector_store_idx %arg13[%iota3A, %broadcast_in_dim3A_242], %mul3A_243 : memref<16x32xf32, #tpu.memory_space<vmem>>[vector<16xi32>, vector<16xi32>], vector<16xf32>,
      %broadcast_in_dim3A_244 = arith.constant 30 : i32
      %broadcast_in_dim3A_245 = vector.broadcast %broadcast_in_dim3A_244 : i32 to vector<16xi32>
      %mul3A_246 = arith.mulf %scan3A_200#14, %div3A_77 : vector<16xf32>
      tpu.vector_store_idx %arg13[%iota3A, %broadcast_in_dim3A_245], %mul3A_246 : memref<16x32xf32, #tpu.memory_space<vmem>>[vector<16xi32>, vector<16xi32>], vector<16xf32>,
      %broadcast_in_dim3A_247 = arith.constant 31 : i32
      %broadcast_in_dim3A_248 = vector.broadcast %broadcast_in_dim3A_247 : i32 to vector<16xi32>
      %mul3A_249 = arith.mulf %scan3A_200#15, %div3A_77 : vector<16xf32>
      tpu.vector_store_idx %arg13[%iota3A, %broadcast_in_dim3A_248], %mul3A_249 : memref<16x32xf32, #tpu.memory_space<vmem>>[vector<16xi32>, vector<16xi32>], vector<16xf32>,
      "tpu.region"() ({
        %run_scoped3A = tpu.sem_alloc : memref<!tpu.dma_semaphore, #tpu.memory_space<semaphore_mem>>
        %dma_start3A_475 = arith.constant 0 : i32
        %dma_start3A_476 = tpu.memref_slice %arg5[%add3A_40, %dma_start3A_475] : memref<16384x32xf32, #tpu.memory_space<hbm>> -> memref<16x32xf32, #tpu.memory_space<hbm>>
        %dma_start3A_477 = arith.constant 0 : i32
        %dma_start3A_478 = tpu.memref_slice %arg5[%add3A_40, %dma_start3A_477] : memref<16384x32xf32, #tpu.memory_space<hbm>> -> memref<16x32xf32, #tpu.memory_space<hbm>>
        tpu.enqueue_dma source(%arg13 : memref<16x32xf32, #tpu.memory_space<vmem>>) target(%dma_start3A_478 : memref<16x32xf32, #tpu.memory_space<hbm>>) target_semaphore(%run_scoped3A : memref<!tpu.dma_semaphore, #tpu.memory_space<semaphore_mem>>)
        %dma_wait3A_479 = arith.constant 0 : i32
        %dma_wait3A_480 = tpu.memref_slice %arg5[%add3A_40, %dma_wait3A_479] : memref<16384x32xf32, #tpu.memory_space<hbm>> -> memref<16x32xf32, #tpu.memory_space<hbm>>
        %dma_wait3A_481 = arith.constant 0 : i32
        %dma_wait3A_482 = tpu.memref_slice %arg5[%add3A_40, %dma_wait3A_481] : memref<16384x32xf32, #tpu.memory_space<hbm>> -> memref<16x32xf32, #tpu.memory_space<hbm>>
        tpu.wait_dma2 semaphore(%run_scoped3A : memref<!tpu.dma_semaphore, #tpu.memory_space<semaphore_mem>>) src(%arg13 : memref<16x32xf32, #tpu.memory_space<vmem>>) dst(%dma_wait3A_482 : memref<16x32xf32, #tpu.memory_space<hbm>>)
        tpu.yield
      }) : () -> ()
      %mul3A_250 = arith.constant 2 : i32
      %mul3A_251 = arith.muli %mul3A_250, %scan3A_29 : i32
      %add3A_252 = arith.constant 1 : i32
      %add3A_253 = arith.addi %mul3A_251, %add3A_252 : i32
      %add3A_254 = arith.constant 1 : i32
      %add3A_255 = arith.addi %add3A_253, %add3A_254 : i32
      %lt3A_256 = arith.constant 32 : i32
      %lt3A_257 = arith.cmpi slt, %add3A_255, %lt3A_256 : i32
      %convert_element_type3A_258 = arith.extui %lt3A_257 : i1 to i32
      %cond3A_259 = arith.constant 0 : i32
      %cond3A_260 = arith.cmpi ne, %convert_element_type3A_258, %cond3A_259 : i32
      scf.if %cond3A_260 {
        %mul3A_475 = arith.constant 800 : i32
        %mul3A_476 = arith.muli %add3A_255, %mul3A_475 : i32
        %dma_start3A_477 = tpu.memref_slice %arg8[%mul3A_476] : memref<25600xi32, #tpu.memory_space<vmem>> -> memref<800xi32, #tpu.memory_space<vmem>>
        %dma_start3A_478 = arith.constant 0 : i32
        %dma_start3A_479 = arith.constant 0 : i32
        %dma_start3A_480 = tpu.memref_slice %arg3[%dma_start3A_478, %dma_start3A_479] : memref<1000000x32xf32, #tpu.memory_space<hbm>> -> memref<1000000x32xf32, #tpu.memory_space<hbm>>
        tpu.enqueue_indirect_dma source(%dma_start3A_480 : memref<1000000x32xf32, #tpu.memory_space<hbm>>) target(%arg9 : memref<800x32xf32, #tpu.memory_space<vmem>>) offsets(%dma_start3A_477 : memref<800xi32, #tpu.memory_space<vmem>>) semaphore(%arg14 : memref<!tpu.dma_semaphore, #tpu.memory_space<semaphore_mem>>)
      } else {
      }
      %mul3A_261 = arith.constant 16 : i32
      %mul3A_262 = arith.muli %add3A_253, %mul3A_261 : i32
      %add3A_263 = arith.addi %mul3A_2, %mul3A_262 : i32
      "tpu.trace_start"() <{level = 10 : i32, message = "gwait"}> : () -> ()
      %mul3A_264 = arith.constant 800 : i32
      %mul3A_265 = arith.muli %add3A_253, %mul3A_264 : i32
      %dma_wait3A_266 = tpu.memref_slice %arg8[%mul3A_265] : memref<25600xi32, #tpu.memory_space<vmem>> -> memref<800xi32, #tpu.memory_space<vmem>>
      %dma_wait3A_267 = arith.constant 0 : i32
      %dma_wait3A_268 = arith.constant 0 : i32
      %dma_wait3A_269 = tpu.memref_slice %arg3[%dma_wait3A_267, %dma_wait3A_268] : memref<1000000x32xf32, #tpu.memory_space<hbm>> -> memref<1000000x32xf32, #tpu.memory_space<hbm>>
      tpu.wait_indirect_dma semaphore(%arg15 : memref<!tpu.dma_semaphore, #tpu.memory_space<semaphore_mem>>) src(%dma_wait3A_269 : memref<1000000x32xf32, #tpu.memory_space<hbm>>) dst(%arg10 : memref<800x32xf32, #tpu.memory_space<vmem>>)
      "tpu.trace_stop"() : () -> ()
      "tpu.trace_start"() <{level = 10 : i32, message = "repack"}> : () -> ()
      %scan3A_270 = arith.constant 0 : i32
      %scan3A_271 = arith.constant 0 : i32
      %scan3A_272 = arith.constant 50 : i32
      %scan3A_273 = arith.addi %scan3A_271, %scan3A_272 : i32
      %scan3A_274 = arith.constant 1 : i32
      %scan3A_275 = scf.for %scan3A_475 = %scan3A_271 to %scan3A_273 step %scan3A_274 iter_args(%scan3A_476 = %scan3A_270) -> (i32)  : i32 {
        %broadcast_in_dim3A_477 = vector.broadcast %scan3A_475 : i32 to vector<16xi32>
        %mul3A_478 = arith.constant 544 : i32
        %mul3A_479 = arith.muli %scan3A_475, %mul3A_478 : i32
        %add3A_480 = arith.constant 0 : i32
        %add3A_481 = vector.broadcast %add3A_480 : i32 to vector<16xi32>
        %add3A_482 = arith.addi %broadcast_in_dim3A_477, %add3A_481 : vector<16xi32>
        %add3A_483 = arith.constant 0 : i32
        %add3A_484 = vector.broadcast %add3A_483 : i32 to vector<16xi32>
        %add3A_485 = arith.addi %iota3A, %add3A_484 : vector<16xi32>
        %gather3A_486 = tpu.vector_load_idx %arg10[%add3A_482, %add3A_485] : memref<800x32xf32, #tpu.memory_space<vmem>>[vector<16xi32>, vector<16xi32>], vector<16xf32>,
        %mul3A_487 = arith.constant 17 : i32
        %mul3A_488 = vector.broadcast %mul3A_487 : i32 to vector<16xi32>
        %mul3A_489 = arith.muli %iota3A, %mul3A_488 : vector<16xi32>
        %add3A_490 = arith.constant 0 : i32
        %add3A_491 = arith.addi %mul3A_479, %add3A_490 : i32
        %add3A_492 = arith.constant 0 : i32
        %add3A_493 = arith.addi %add3A_491, %add3A_492 : i32
        %add3A_494 = vector.broadcast %add3A_493 : i32 to vector<16xi32>
        %add3A_495 = arith.addi %mul3A_489, %add3A_494 : vector<16xi32>
        tpu.vector_store_idx %arg11[%add3A_495], %gather3A_486 : memref<27199xf32, #tpu.memory_space<vmem>>[vector<16xi32>], vector<16xf32>,
        %add3A_496 = arith.constant 50 : i32
        %add3A_497 = vector.broadcast %add3A_496 : i32 to vector<16xi32>
        %add3A_498 = arith.addi %broadcast_in_dim3A_477, %add3A_497 : vector<16xi32>
        %add3A_499 = arith.constant 0 : i32
        %add3A_500 = vector.broadcast %add3A_499 : i32 to vector<16xi32>
        %add3A_501 = arith.addi %iota3A, %add3A_500 : vector<16xi32>
        %gather3A_502 = tpu.vector_load_idx %arg10[%add3A_498, %add3A_501] : memref<800x32xf32, #tpu.memory_space<vmem>>[vector<16xi32>, vector<16xi32>], vector<16xf32>,
        %mul3A_503 = arith.constant 17 : i32
        %mul3A_504 = vector.broadcast %mul3A_503 : i32 to vector<16xi32>
        %mul3A_505 = arith.muli %iota3A, %mul3A_504 : vector<16xi32>
        %add3A_506 = arith.constant 0 : i32
        %add3A_507 = arith.addi %mul3A_479, %add3A_506 : i32
        %add3A_508 = arith.constant 1 : i32
        %add3A_509 = arith.addi %add3A_507, %add3A_508 : i32
        %add3A_510 = vector.broadcast %add3A_509 : i32 to vector<16xi32>
        %add3A_511 = arith.addi %mul3A_505, %add3A_510 : vector<16xi32>
        tpu.vector_store_idx %arg11[%add3A_511], %gather3A_502 : memref<27199xf32, #tpu.memory_space<vmem>>[vector<16xi32>], vector<16xf32>,
        %add3A_512 = arith.constant 100 : i32
        %add3A_513 = vector.broadcast %add3A_512 : i32 to vector<16xi32>
        %add3A_514 = arith.addi %broadcast_in_dim3A_477, %add3A_513 : vector<16xi32>
        %add3A_515 = arith.constant 0 : i32
        %add3A_516 = vector.broadcast %add3A_515 : i32 to vector<16xi32>
        %add3A_517 = arith.addi %iota3A, %add3A_516 : vector<16xi32>
        %gather3A_518 = tpu.vector_load_idx %arg10[%add3A_514, %add3A_517] : memref<800x32xf32, #tpu.memory_space<vmem>>[vector<16xi32>, vector<16xi32>], vector<16xf32>,
        %mul3A_519 = arith.constant 17 : i32
        %mul3A_520 = vector.broadcast %mul3A_519 : i32 to vector<16xi32>
        %mul3A_521 = arith.muli %iota3A, %mul3A_520 : vector<16xi32>
        %add3A_522 = arith.constant 0 : i32
        %add3A_523 = arith.addi %mul3A_479, %add3A_522 : i32
        %add3A_524 = arith.constant 2 : i32
        %add3A_525 = arith.addi %add3A_523, %add3A_524 : i32
        %add3A_526 = vector.broadcast %add3A_525 : i32 to vector<16xi32>
        %add3A_527 = arith.addi %mul3A_521, %add3A_526 : vector<16xi32>
        tpu.vector_store_idx %arg11[%add3A_527], %gather3A_518 : memref<27199xf32, #tpu.memory_space<vmem>>[vector<16xi32>], vector<16xf32>,
        %add3A_528 = arith.constant 150 : i32
        %add3A_529 = vector.broadcast %add3A_528 : i32 to vector<16xi32>
        %add3A_530 = arith.addi %broadcast_in_dim3A_477, %add3A_529 : vector<16xi32>
        %add3A_531 = arith.constant 0 : i32
        %add3A_532 = vector.broadcast %add3A_531 : i32 to vector<16xi32>
        %add3A_533 = arith.addi %iota3A, %add3A_532 : vector<16xi32>
        %gather3A_534 = tpu.vector_load_idx %arg10[%add3A_530, %add3A_533] : memref<800x32xf32, #tpu.memory_space<vmem>>[vector<16xi32>, vector<16xi32>], vector<16xf32>,
        %mul3A_535 = arith.constant 17 : i32
        %mul3A_536 = vector.broadcast %mul3A_535 : i32 to vector<16xi32>
        %mul3A_537 = arith.muli %iota3A, %mul3A_536 : vector<16xi32>
        %add3A_538 = arith.constant 0 : i32
        %add3A_539 = arith.addi %mul3A_479, %add3A_538 : i32
        %add3A_540 = arith.constant 3 : i32
        %add3A_541 = arith.addi %add3A_539, %add3A_540 : i32
        %add3A_542 = vector.broadcast %add3A_541 : i32 to vector<16xi32>
        %add3A_543 = arith.addi %mul3A_537, %add3A_542 : vector<16xi32>
        tpu.vector_store_idx %arg11[%add3A_543], %gather3A_534 : memref<27199xf32, #tpu.memory_space<vmem>>[vector<16xi32>], vector<16xf32>,
        %add3A_544 = arith.constant 200 : i32
        %add3A_545 = vector.broadcast %add3A_544 : i32 to vector<16xi32>
        %add3A_546 = arith.addi %broadcast_in_dim3A_477, %add3A_545 : vector<16xi32>
        %add3A_547 = arith.constant 0 : i32
        %add3A_548 = vector.broadcast %add3A_547 : i32 to vector<16xi32>
        %add3A_549 = arith.addi %iota3A, %add3A_548 : vector<16xi32>
        %gather3A_550 = tpu.vector_load_idx %arg10[%add3A_546, %add3A_549] : memref<800x32xf32, #tpu.memory_space<vmem>>[vector<16xi32>, vector<16xi32>], vector<16xf32>,
        %mul3A_551 = arith.constant 17 : i32
        %mul3A_552 = vector.broadcast %mul3A_551 : i32 to vector<16xi32>
        %mul3A_553 = arith.muli %iota3A, %mul3A_552 : vector<16xi32>
        %add3A_554 = arith.constant 0 : i32
        %add3A_555 = arith.addi %mul3A_479, %add3A_554 : i32
        %add3A_556 = arith.constant 4 : i32
        %add3A_557 = arith.addi %add3A_555, %add3A_556 : i32
        %add3A_558 = vector.broadcast %add3A_557 : i32 to vector<16xi32>
        %add3A_559 = arith.addi %mul3A_553, %add3A_558 : vector<16xi32>
        tpu.vector_store_idx %arg11[%add3A_559], %gather3A_550 : memref<27199xf32, #tpu.memory_space<vmem>>[vector<16xi32>], vector<16xf32>,
        %add3A_560 = arith.constant 250 : i32
        %add3A_561 = vector.broadcast %add3A_560 : i32 to vector<16xi32>
        %add3A_562 = arith.addi %broadcast_in_dim3A_477, %add3A_561 : vector<16xi32>
        %add3A_563 = arith.constant 0 : i32
        %add3A_564 = vector.broadcast %add3A_563 : i32 to vector<16xi32>
        %add3A_565 = arith.addi %iota3A, %add3A_564 : vector<16xi32>
        %gather3A_566 = tpu.vector_load_idx %arg10[%add3A_562, %add3A_565] : memref<800x32xf32, #tpu.memory_space<vmem>>[vector<16xi32>, vector<16xi32>], vector<16xf32>,
        %mul3A_567 = arith.constant 17 : i32
        %mul3A_568 = vector.broadcast %mul3A_567 : i32 to vector<16xi32>
        %mul3A_569 = arith.muli %iota3A, %mul3A_568 : vector<16xi32>
        %add3A_570 = arith.constant 0 : i32
        %add3A_571 = arith.addi %mul3A_479, %add3A_570 : i32
        %add3A_572 = arith.constant 5 : i32
        %add3A_573 = arith.addi %add3A_571, %add3A_572 : i32
        %add3A_574 = vector.broadcast %add3A_573 : i32 to vector<16xi32>
        %add3A_575 = arith.addi %mul3A_569, %add3A_574 : vector<16xi32>
        tpu.vector_store_idx %arg11[%add3A_575], %gather3A_566 : memref<27199xf32, #tpu.memory_space<vmem>>[vector<16xi32>], vector<16xf32>,
        %add3A_576 = arith.constant 300 : i32
        %add3A_577 = vector.broadcast %add3A_576 : i32 to vector<16xi32>
        %add3A_578 = arith.addi %broadcast_in_dim3A_477, %add3A_577 : vector<16xi32>
        %add3A_579 = arith.constant 0 : i32
        %add3A_580 = vector.broadcast %add3A_579 : i32 to vector<16xi32>
        %add3A_581 = arith.addi %iota3A, %add3A_580 : vector<16xi32>
        %gather3A_582 = tpu.vector_load_idx %arg10[%add3A_578, %add3A_581] : memref<800x32xf32, #tpu.memory_space<vmem>>[vector<16xi32>, vector<16xi32>], vector<16xf32>,
        %mul3A_583 = arith.constant 17 : i32
        %mul3A_584 = vector.broadcast %mul3A_583 : i32 to vector<16xi32>
        %mul3A_585 = arith.muli %iota3A, %mul3A_584 : vector<16xi32>
        %add3A_586 = arith.constant 0 : i32
        %add3A_587 = arith.addi %mul3A_479, %add3A_586 : i32
        %add3A_588 = arith.constant 6 : i32
        %add3A_589 = arith.addi %add3A_587, %add3A_588 : i32
        %add3A_590 = vector.broadcast %add3A_589 : i32 to vector<16xi32>
        %add3A_591 = arith.addi %mul3A_585, %add3A_590 : vector<16xi32>
        tpu.vector_store_idx %arg11[%add3A_591], %gather3A_582 : memref<27199xf32, #tpu.memory_space<vmem>>[vector<16xi32>], vector<16xf32>,
        %add3A_592 = arith.constant 350 : i32
        %add3A_593 = vector.broadcast %add3A_592 : i32 to vector<16xi32>
        %add3A_594 = arith.addi %broadcast_in_dim3A_477, %add3A_593 : vector<16xi32>
        %add3A_595 = arith.constant 0 : i32
        %add3A_596 = vector.broadcast %add3A_595 : i32 to vector<16xi32>
        %add3A_597 = arith.addi %iota3A, %add3A_596 : vector<16xi32>
        %gather3A_598 = tpu.vector_load_idx %arg10[%add3A_594, %add3A_597] : memref<800x32xf32, #tpu.memory_space<vmem>>[vector<16xi32>, vector<16xi32>], vector<16xf32>,
        %mul3A_599 = arith.constant 17 : i32
        %mul3A_600 = vector.broadcast %mul3A_599 : i32 to vector<16xi32>
        %mul3A_601 = arith.muli %iota3A, %mul3A_600 : vector<16xi32>
        %add3A_602 = arith.constant 0 : i32
        %add3A_603 = arith.addi %mul3A_479, %add3A_602 : i32
        %add3A_604 = arith.constant 7 : i32
        %add3A_605 = arith.addi %add3A_603, %add3A_604 : i32
        %add3A_606 = vector.broadcast %add3A_605 : i32 to vector<16xi32>
        %add3A_607 = arith.addi %mul3A_601, %add3A_606 : vector<16xi32>
        tpu.vector_store_idx %arg11[%add3A_607], %gather3A_598 : memref<27199xf32, #tpu.memory_space<vmem>>[vector<16xi32>], vector<16xf32>,
        %add3A_608 = arith.constant 400 : i32
        %add3A_609 = vector.broadcast %add3A_608 : i32 to vector<16xi32>
        %add3A_610 = arith.addi %broadcast_in_dim3A_477, %add3A_609 : vector<16xi32>
        %add3A_611 = arith.constant 0 : i32
        %add3A_612 = vector.broadcast %add3A_611 : i32 to vector<16xi32>
        %add3A_613 = arith.addi %iota3A, %add3A_612 : vector<16xi32>
        %gather3A_614 = tpu.vector_load_idx %arg10[%add3A_610, %add3A_613] : memref<800x32xf32, #tpu.memory_space<vmem>>[vector<16xi32>, vector<16xi32>], vector<16xf32>,
        %mul3A_615 = arith.constant 17 : i32
        %mul3A_616 = vector.broadcast %mul3A_615 : i32 to vector<16xi32>
        %mul3A_617 = arith.muli %iota3A, %mul3A_616 : vector<16xi32>
        %add3A_618 = arith.constant 0 : i32
        %add3A_619 = arith.addi %mul3A_479, %add3A_618 : i32
        %add3A_620 = arith.constant 8 : i32
        %add3A_621 = arith.addi %add3A_619, %add3A_620 : i32
        %add3A_622 = vector.broadcast %add3A_621 : i32 to vector<16xi32>
        %add3A_623 = arith.addi %mul3A_617, %add3A_622 : vector<16xi32>
        tpu.vector_store_idx %arg11[%add3A_623], %gather3A_614 : memref<27199xf32, #tpu.memory_space<vmem>>[vector<16xi32>], vector<16xf32>,
        %add3A_624 = arith.constant 450 : i32
        %add3A_625 = vector.broadcast %add3A_624 : i32 to vector<16xi32>
        %add3A_626 = arith.addi %broadcast_in_dim3A_477, %add3A_625 : vector<16xi32>
        %add3A_627 = arith.constant 0 : i32
        %add3A_628 = vector.broadcast %add3A_627 : i32 to vector<16xi32>
        %add3A_629 = arith.addi %iota3A, %add3A_628 : vector<16xi32>
        %gather3A_630 = tpu.vector_load_idx %arg10[%add3A_626, %add3A_629] : memref<800x32xf32, #tpu.memory_space<vmem>>[vector<16xi32>, vector<16xi32>], vector<16xf32>,
        %mul3A_631 = arith.constant 17 : i32
        %mul3A_632 = vector.broadcast %mul3A_631 : i32 to vector<16xi32>
        %mul3A_633 = arith.muli %iota3A, %mul3A_632 : vector<16xi32>
        %add3A_634 = arith.constant 0 : i32
        %add3A_635 = arith.addi %mul3A_479, %add3A_634 : i32
        %add3A_636 = arith.constant 9 : i32
        %add3A_637 = arith.addi %add3A_635, %add3A_636 : i32
        %add3A_638 = vector.broadcast %add3A_637 : i32 to vector<16xi32>
        %add3A_639 = arith.addi %mul3A_633, %add3A_638 : vector<16xi32>
        tpu.vector_store_idx %arg11[%add3A_639], %gather3A_630 : memref<27199xf32, #tpu.memory_space<vmem>>[vector<16xi32>], vector<16xf32>,
        %add3A_640 = arith.constant 500 : i32
        %add3A_641 = vector.broadcast %add3A_640 : i32 to vector<16xi32>
        %add3A_642 = arith.addi %broadcast_in_dim3A_477, %add3A_641 : vector<16xi32>
        %add3A_643 = arith.constant 0 : i32
        %add3A_644 = vector.broadcast %add3A_643 : i32 to vector<16xi32>
        %add3A_645 = arith.addi %iota3A, %add3A_644 : vector<16xi32>
        %gather3A_646 = tpu.vector_load_idx %arg10[%add3A_642, %add3A_645] : memref<800x32xf32, #tpu.memory_space<vmem>>[vector<16xi32>, vector<16xi32>], vector<16xf32>,
        %mul3A_647 = arith.constant 17 : i32
        %mul3A_648 = vector.broadcast %mul3A_647 : i32 to vector<16xi32>
        %mul3A_649 = arith.muli %iota3A, %mul3A_648 : vector<16xi32>
        %add3A_650 = arith.constant 0 : i32
        %add3A_651 = arith.addi %mul3A_479, %add3A_650 : i32
        %add3A_652 = arith.constant 10 : i32
        %add3A_653 = arith.addi %add3A_651, %add3A_652 : i32
        %add3A_654 = vector.broadcast %add3A_653 : i32 to vector<16xi32>
        %add3A_655 = arith.addi %mul3A_649, %add3A_654 : vector<16xi32>
        tpu.vector_store_idx %arg11[%add3A_655], %gather3A_646 : memref<27199xf32, #tpu.memory_space<vmem>>[vector<16xi32>], vector<16xf32>,
        %add3A_656 = arith.constant 550 : i32
        %add3A_657 = vector.broadcast %add3A_656 : i32 to vector<16xi32>
        %add3A_658 = arith.addi %broadcast_in_dim3A_477, %add3A_657 : vector<16xi32>
        %add3A_659 = arith.constant 0 : i32
        %add3A_660 = vector.broadcast %add3A_659 : i32 to vector<16xi32>
        %add3A_661 = arith.addi %iota3A, %add3A_660 : vector<16xi32>
        %gather3A_662 = tpu.vector_load_idx %arg10[%add3A_658, %add3A_661] : memref<800x32xf32, #tpu.memory_space<vmem>>[vector<16xi32>, vector<16xi32>], vector<16xf32>,
        %mul3A_663 = arith.constant 17 : i32
        %mul3A_664 = vector.broadcast %mul3A_663 : i32 to vector<16xi32>
        %mul3A_665 = arith.muli %iota3A, %mul3A_664 : vector<16xi32>
        %add3A_666 = arith.constant 0 : i32
        %add3A_667 = arith.addi %mul3A_479, %add3A_666 : i32
        %add3A_668 = arith.constant 11 : i32
        %add3A_669 = arith.addi %add3A_667, %add3A_668 : i32
        %add3A_670 = vector.broadcast %add3A_669 : i32 to vector<16xi32>
        %add3A_671 = arith.addi %mul3A_665, %add3A_670 : vector<16xi32>
        tpu.vector_store_idx %arg11[%add3A_671], %gather3A_662 : memref<27199xf32, #tpu.memory_space<vmem>>[vector<16xi32>], vector<16xf32>,
        %add3A_672 = arith.constant 600 : i32
        %add3A_673 = vector.broadcast %add3A_672 : i32 to vector<16xi32>
        %add3A_674 = arith.addi %broadcast_in_dim3A_477, %add3A_673 : vector<16xi32>
        %add3A_675 = arith.constant 0 : i32
        %add3A_676 = vector.broadcast %add3A_675 : i32 to vector<16xi32>
        %add3A_677 = arith.addi %iota3A, %add3A_676 : vector<16xi32>
        %gather3A_678 = tpu.vector_load_idx %arg10[%add3A_674, %add3A_677] : memref<800x32xf32, #tpu.memory_space<vmem>>[vector<16xi32>, vector<16xi32>], vector<16xf32>,
        %mul3A_679 = arith.constant 17 : i32
        %mul3A_680 = vector.broadcast %mul3A_679 : i32 to vector<16xi32>
        %mul3A_681 = arith.muli %iota3A, %mul3A_680 : vector<16xi32>
        %add3A_682 = arith.constant 0 : i32
        %add3A_683 = arith.addi %mul3A_479, %add3A_682 : i32
        %add3A_684 = arith.constant 12 : i32
        %add3A_685 = arith.addi %add3A_683, %add3A_684 : i32
        %add3A_686 = vector.broadcast %add3A_685 : i32 to vector<16xi32>
        %add3A_687 = arith.addi %mul3A_681, %add3A_686 : vector<16xi32>
        tpu.vector_store_idx %arg11[%add3A_687], %gather3A_678 : memref<27199xf32, #tpu.memory_space<vmem>>[vector<16xi32>], vector<16xf32>,
        %add3A_688 = arith.constant 650 : i32
        %add3A_689 = vector.broadcast %add3A_688 : i32 to vector<16xi32>
        %add3A_690 = arith.addi %broadcast_in_dim3A_477, %add3A_689 : vector<16xi32>
        %add3A_691 = arith.constant 0 : i32
        %add3A_692 = vector.broadcast %add3A_691 : i32 to vector<16xi32>
        %add3A_693 = arith.addi %iota3A, %add3A_692 : vector<16xi32>
        %gather3A_694 = tpu.vector_load_idx %arg10[%add3A_690, %add3A_693] : memref<800x32xf32, #tpu.memory_space<vmem>>[vector<16xi32>, vector<16xi32>], vector<16xf32>,
        %mul3A_695 = arith.constant 17 : i32
        %mul3A_696 = vector.broadcast %mul3A_695 : i32 to vector<16xi32>
        %mul3A_697 = arith.muli %iota3A, %mul3A_696 : vector<16xi32>
        %add3A_698 = arith.constant 0 : i32
        %add3A_699 = arith.addi %mul3A_479, %add3A_698 : i32
        %add3A_700 = arith.constant 13 : i32
        %add3A_701 = arith.addi %add3A_699, %add3A_700 : i32
        %add3A_702 = vector.broadcast %add3A_701 : i32 to vector<16xi32>
        %add3A_703 = arith.addi %mul3A_697, %add3A_702 : vector<16xi32>
        tpu.vector_store_idx %arg11[%add3A_703], %gather3A_694 : memref<27199xf32, #tpu.memory_space<vmem>>[vector<16xi32>], vector<16xf32>,
        %add3A_704 = arith.constant 700 : i32
        %add3A_705 = vector.broadcast %add3A_704 : i32 to vector<16xi32>
        %add3A_706 = arith.addi %broadcast_in_dim3A_477, %add3A_705 : vector<16xi32>
        %add3A_707 = arith.constant 0 : i32
        %add3A_708 = vector.broadcast %add3A_707 : i32 to vector<16xi32>
        %add3A_709 = arith.addi %iota3A, %add3A_708 : vector<16xi32>
        %gather3A_710 = tpu.vector_load_idx %arg10[%add3A_706, %add3A_709] : memref<800x32xf32, #tpu.memory_space<vmem>>[vector<16xi32>, vector<16xi32>], vector<16xf32>,
        %mul3A_711 = arith.constant 17 : i32
        %mul3A_712 = vector.broadcast %mul3A_711 : i32 to vector<16xi32>
        %mul3A_713 = arith.muli %iota3A, %mul3A_712 : vector<16xi32>
        %add3A_714 = arith.constant 0 : i32
        %add3A_715 = arith.addi %mul3A_479, %add3A_714 : i32
        %add3A_716 = arith.constant 14 : i32
        %add3A_717 = arith.addi %add3A_715, %add3A_716 : i32
        %add3A_718 = vector.broadcast %add3A_717 : i32 to vector<16xi32>
        %add3A_719 = arith.addi %mul3A_713, %add3A_718 : vector<16xi32>
        tpu.vector_store_idx %arg11[%add3A_719], %gather3A_710 : memref<27199xf32, #tpu.memory_space<vmem>>[vector<16xi32>], vector<16xf32>,
        %add3A_720 = arith.constant 750 : i32
        %add3A_721 = vector.broadcast %add3A_720 : i32 to vector<16xi32>
        %add3A_722 = arith.addi %broadcast_in_dim3A_477, %add3A_721 : vector<16xi32>
        %add3A_723 = arith.constant 0 : i32
        %add3A_724 = vector.broadcast %add3A_723 : i32 to vector<16xi32>
        %add3A_725 = arith.addi %iota3A, %add3A_724 : vector<16xi32>
        %gather3A_726 = tpu.vector_load_idx %arg10[%add3A_722, %add3A_725] : memref<800x32xf32, #tpu.memory_space<vmem>>[vector<16xi32>, vector<16xi32>], vector<16xf32>,
        %mul3A_727 = arith.constant 17 : i32
        %mul3A_728 = vector.broadcast %mul3A_727 : i32 to vector<16xi32>
        %mul3A_729 = arith.muli %iota3A, %mul3A_728 : vector<16xi32>
        %add3A_730 = arith.constant 0 : i32
        %add3A_731 = arith.addi %mul3A_479, %add3A_730 : i32
        %add3A_732 = arith.constant 15 : i32
        %add3A_733 = arith.addi %add3A_731, %add3A_732 : i32
        %add3A_734 = vector.broadcast %add3A_733 : i32 to vector<16xi32>
        %add3A_735 = arith.addi %mul3A_729, %add3A_734 : vector<16xi32>
        tpu.vector_store_idx %arg11[%add3A_735], %gather3A_726 : memref<27199xf32, #tpu.memory_space<vmem>>[vector<16xi32>], vector<16xf32>,
        %add3A_736 = arith.constant 0 : i32
        %add3A_737 = vector.broadcast %add3A_736 : i32 to vector<16xi32>
        %add3A_738 = arith.addi %broadcast_in_dim3A_477, %add3A_737 : vector<16xi32>
        %add3A_739 = arith.constant 16 : i32
        %add3A_740 = vector.broadcast %add3A_739 : i32 to vector<16xi32>
        %add3A_741 = arith.addi %iota3A, %add3A_740 : vector<16xi32>
        %gather3A_742 = tpu.vector_load_idx %arg10[%add3A_738, %add3A_741] : memref<800x32xf32, #tpu.memory_space<vmem>>[vector<16xi32>, vector<16xi32>], vector<16xf32>,
        %mul3A_743 = arith.constant 17 : i32
        %mul3A_744 = vector.broadcast %mul3A_743 : i32 to vector<16xi32>
        %mul3A_745 = arith.muli %iota3A, %mul3A_744 : vector<16xi32>
        %add3A_746 = arith.constant 272 : i32
        %add3A_747 = arith.addi %mul3A_479, %add3A_746 : i32
        %add3A_748 = arith.constant 0 : i32
        %add3A_749 = arith.addi %add3A_747, %add3A_748 : i32
        %add3A_750 = vector.broadcast %add3A_749 : i32 to vector<16xi32>
        %add3A_751 = arith.addi %mul3A_745, %add3A_750 : vector<16xi32>
        tpu.vector_store_idx %arg11[%add3A_751], %gather3A_742 : memref<27199xf32, #tpu.memory_space<vmem>>[vector<16xi32>], vector<16xf32>,
        %add3A_752 = arith.constant 50 : i32
        %add3A_753 = vector.broadcast %add3A_752 : i32 to vector<16xi32>
        %add3A_754 = arith.addi %broadcast_in_dim3A_477, %add3A_753 : vector<16xi32>
        %add3A_755 = arith.constant 16 : i32
        %add3A_756 = vector.broadcast %add3A_755 : i32 to vector<16xi32>
        %add3A_757 = arith.addi %iota3A, %add3A_756 : vector<16xi32>
        %gather3A_758 = tpu.vector_load_idx %arg10[%add3A_754, %add3A_757] : memref<800x32xf32, #tpu.memory_space<vmem>>[vector<16xi32>, vector<16xi32>], vector<16xf32>,
        %mul3A_759 = arith.constant 17 : i32
        %mul3A_760 = vector.broadcast %mul3A_759 : i32 to vector<16xi32>
        %mul3A_761 = arith.muli %iota3A, %mul3A_760 : vector<16xi32>
        %add3A_762 = arith.constant 272 : i32
        %add3A_763 = arith.addi %mul3A_479, %add3A_762 : i32
        %add3A_764 = arith.constant 1 : i32
        %add3A_765 = arith.addi %add3A_763, %add3A_764 : i32
        %add3A_766 = vector.broadcast %add3A_765 : i32 to vector<16xi32>
        %add3A_767 = arith.addi %mul3A_761, %add3A_766 : vector<16xi32>
        tpu.vector_store_idx %arg11[%add3A_767], %gather3A_758 : memref<27199xf32, #tpu.memory_space<vmem>>[vector<16xi32>], vector<16xf32>,
        %add3A_768 = arith.constant 100 : i32
        %add3A_769 = vector.broadcast %add3A_768 : i32 to vector<16xi32>
        %add3A_770 = arith.addi %broadcast_in_dim3A_477, %add3A_769 : vector<16xi32>
        %add3A_771 = arith.constant 16 : i32
        %add3A_772 = vector.broadcast %add3A_771 : i32 to vector<16xi32>
        %add3A_773 = arith.addi %iota3A, %add3A_772 : vector<16xi32>
        %gather3A_774 = tpu.vector_load_idx %arg10[%add3A_770, %add3A_773] : memref<800x32xf32, #tpu.memory_space<vmem>>[vector<16xi32>, vector<16xi32>], vector<16xf32>,
        %mul3A_775 = arith.constant 17 : i32
        %mul3A_776 = vector.broadcast %mul3A_775 : i32 to vector<16xi32>
        %mul3A_777 = arith.muli %iota3A, %mul3A_776 : vector<16xi32>
        %add3A_778 = arith.constant 272 : i32
        %add3A_779 = arith.addi %mul3A_479, %add3A_778 : i32
        %add3A_780 = arith.constant 2 : i32
        %add3A_781 = arith.addi %add3A_779, %add3A_780 : i32
        %add3A_782 = vector.broadcast %add3A_781 : i32 to vector<16xi32>
        %add3A_783 = arith.addi %mul3A_777, %add3A_782 : vector<16xi32>
        tpu.vector_store_idx %arg11[%add3A_783], %gather3A_774 : memref<27199xf32, #tpu.memory_space<vmem>>[vector<16xi32>], vector<16xf32>,
        %add3A_784 = arith.constant 150 : i32
        %add3A_785 = vector.broadcast %add3A_784 : i32 to vector<16xi32>
        %add3A_786 = arith.addi %broadcast_in_dim3A_477, %add3A_785 : vector<16xi32>
        %add3A_787 = arith.constant 16 : i32
        %add3A_788 = vector.broadcast %add3A_787 : i32 to vector<16xi32>
        %add3A_789 = arith.addi %iota3A, %add3A_788 : vector<16xi32>
        %gather3A_790 = tpu.vector_load_idx %arg10[%add3A_786, %add3A_789] : memref<800x32xf32, #tpu.memory_space<vmem>>[vector<16xi32>, vector<16xi32>], vector<16xf32>,
        %mul3A_791 = arith.constant 17 : i32
        %mul3A_792 = vector.broadcast %mul3A_791 : i32 to vector<16xi32>
        %mul3A_793 = arith.muli %iota3A, %mul3A_792 : vector<16xi32>
        %add3A_794 = arith.constant 272 : i32
        %add3A_795 = arith.addi %mul3A_479, %add3A_794 : i32
        %add3A_796 = arith.constant 3 : i32
        %add3A_797 = arith.addi %add3A_795, %add3A_796 : i32
        %add3A_798 = vector.broadcast %add3A_797 : i32 to vector<16xi32>
        %add3A_799 = arith.addi %mul3A_793, %add3A_798 : vector<16xi32>
        tpu.vector_store_idx %arg11[%add3A_799], %gather3A_790 : memref<27199xf32, #tpu.memory_space<vmem>>[vector<16xi32>], vector<16xf32>,
        %add3A_800 = arith.constant 200 : i32
        %add3A_801 = vector.broadcast %add3A_800 : i32 to vector<16xi32>
        %add3A_802 = arith.addi %broadcast_in_dim3A_477, %add3A_801 : vector<16xi32>
        %add3A_803 = arith.constant 16 : i32
        %add3A_804 = vector.broadcast %add3A_803 : i32 to vector<16xi32>
        %add3A_805 = arith.addi %iota3A, %add3A_804 : vector<16xi32>
        %gather3A_806 = tpu.vector_load_idx %arg10[%add3A_802, %add3A_805] : memref<800x32xf32, #tpu.memory_space<vmem>>[vector<16xi32>, vector<16xi32>], vector<16xf32>,
        %mul3A_807 = arith.constant 17 : i32
        %mul3A_808 = vector.broadcast %mul3A_807 : i32 to vector<16xi32>
        %mul3A_809 = arith.muli %iota3A, %mul3A_808 : vector<16xi32>
        %add3A_810 = arith.constant 272 : i32
        %add3A_811 = arith.addi %mul3A_479, %add3A_810 : i32
        %add3A_812 = arith.constant 4 : i32
        %add3A_813 = arith.addi %add3A_811, %add3A_812 : i32
        %add3A_814 = vector.broadcast %add3A_813 : i32 to vector<16xi32>
        %add3A_815 = arith.addi %mul3A_809, %add3A_814 : vector<16xi32>
        tpu.vector_store_idx %arg11[%add3A_815], %gather3A_806 : memref<27199xf32, #tpu.memory_space<vmem>>[vector<16xi32>], vector<16xf32>,
        %add3A_816 = arith.constant 250 : i32
        %add3A_817 = vector.broadcast %add3A_816 : i32 to vector<16xi32>
        %add3A_818 = arith.addi %broadcast_in_dim3A_477, %add3A_817 : vector<16xi32>
        %add3A_819 = arith.constant 16 : i32
        %add3A_820 = vector.broadcast %add3A_819 : i32 to vector<16xi32>
        %add3A_821 = arith.addi %iota3A, %add3A_820 : vector<16xi32>
        %gather3A_822 = tpu.vector_load_idx %arg10[%add3A_818, %add3A_821] : memref<800x32xf32, #tpu.memory_space<vmem>>[vector<16xi32>, vector<16xi32>], vector<16xf32>,
        %mul3A_823 = arith.constant 17 : i32
        %mul3A_824 = vector.broadcast %mul3A_823 : i32 to vector<16xi32>
        %mul3A_825 = arith.muli %iota3A, %mul3A_824 : vector<16xi32>
        %add3A_826 = arith.constant 272 : i32
        %add3A_827 = arith.addi %mul3A_479, %add3A_826 : i32
        %add3A_828 = arith.constant 5 : i32
        %add3A_829 = arith.addi %add3A_827, %add3A_828 : i32
        %add3A_830 = vector.broadcast %add3A_829 : i32 to vector<16xi32>
        %add3A_831 = arith.addi %mul3A_825, %add3A_830 : vector<16xi32>
        tpu.vector_store_idx %arg11[%add3A_831], %gather3A_822 : memref<27199xf32, #tpu.memory_space<vmem>>[vector<16xi32>], vector<16xf32>,
        %add3A_832 = arith.constant 300 : i32
        %add3A_833 = vector.broadcast %add3A_832 : i32 to vector<16xi32>
        %add3A_834 = arith.addi %broadcast_in_dim3A_477, %add3A_833 : vector<16xi32>
        %add3A_835 = arith.constant 16 : i32
        %add3A_836 = vector.broadcast %add3A_835 : i32 to vector<16xi32>
        %add3A_837 = arith.addi %iota3A, %add3A_836 : vector<16xi32>
        %gather3A_838 = tpu.vector_load_idx %arg10[%add3A_834, %add3A_837] : memref<800x32xf32, #tpu.memory_space<vmem>>[vector<16xi32>, vector<16xi32>], vector<16xf32>,
        %mul3A_839 = arith.constant 17 : i32
        %mul3A_840 = vector.broadcast %mul3A_839 : i32 to vector<16xi32>
        %mul3A_841 = arith.muli %iota3A, %mul3A_840 : vector<16xi32>
        %add3A_842 = arith.constant 272 : i32
        %add3A_843 = arith.addi %mul3A_479, %add3A_842 : i32
        %add3A_844 = arith.constant 6 : i32
        %add3A_845 = arith.addi %add3A_843, %add3A_844 : i32
        %add3A_846 = vector.broadcast %add3A_845 : i32 to vector<16xi32>
        %add3A_847 = arith.addi %mul3A_841, %add3A_846 : vector<16xi32>
        tpu.vector_store_idx %arg11[%add3A_847], %gather3A_838 : memref<27199xf32, #tpu.memory_space<vmem>>[vector<16xi32>], vector<16xf32>,
        %add3A_848 = arith.constant 350 : i32
        %add3A_849 = vector.broadcast %add3A_848 : i32 to vector<16xi32>
        %add3A_850 = arith.addi %broadcast_in_dim3A_477, %add3A_849 : vector<16xi32>
        %add3A_851 = arith.constant 16 : i32
        %add3A_852 = vector.broadcast %add3A_851 : i32 to vector<16xi32>
        %add3A_853 = arith.addi %iota3A, %add3A_852 : vector<16xi32>
        %gather3A_854 = tpu.vector_load_idx %arg10[%add3A_850, %add3A_853] : memref<800x32xf32, #tpu.memory_space<vmem>>[vector<16xi32>, vector<16xi32>], vector<16xf32>,
        %mul3A_855 = arith.constant 17 : i32
        %mul3A_856 = vector.broadcast %mul3A_855 : i32 to vector<16xi32>
        %mul3A_857 = arith.muli %iota3A, %mul3A_856 : vector<16xi32>
        %add3A_858 = arith.constant 272 : i32
        %add3A_859 = arith.addi %mul3A_479, %add3A_858 : i32
        %add3A_860 = arith.constant 7 : i32
        %add3A_861 = arith.addi %add3A_859, %add3A_860 : i32
        %add3A_862 = vector.broadcast %add3A_861 : i32 to vector<16xi32>
        %add3A_863 = arith.addi %mul3A_857, %add3A_862 : vector<16xi32>
        tpu.vector_store_idx %arg11[%add3A_863], %gather3A_854 : memref<27199xf32, #tpu.memory_space<vmem>>[vector<16xi32>], vector<16xf32>,
        %add3A_864 = arith.constant 400 : i32
        %add3A_865 = vector.broadcast %add3A_864 : i32 to vector<16xi32>
        %add3A_866 = arith.addi %broadcast_in_dim3A_477, %add3A_865 : vector<16xi32>
        %add3A_867 = arith.constant 16 : i32
        %add3A_868 = vector.broadcast %add3A_867 : i32 to vector<16xi32>
        %add3A_869 = arith.addi %iota3A, %add3A_868 : vector<16xi32>
        %gather3A_870 = tpu.vector_load_idx %arg10[%add3A_866, %add3A_869] : memref<800x32xf32, #tpu.memory_space<vmem>>[vector<16xi32>, vector<16xi32>], vector<16xf32>,
        %mul3A_871 = arith.constant 17 : i32
        %mul3A_872 = vector.broadcast %mul3A_871 : i32 to vector<16xi32>
        %mul3A_873 = arith.muli %iota3A, %mul3A_872 : vector<16xi32>
        %add3A_874 = arith.constant 272 : i32
        %add3A_875 = arith.addi %mul3A_479, %add3A_874 : i32
        %add3A_876 = arith.constant 8 : i32
        %add3A_877 = arith.addi %add3A_875, %add3A_876 : i32
        %add3A_878 = vector.broadcast %add3A_877 : i32 to vector<16xi32>
        %add3A_879 = arith.addi %mul3A_873, %add3A_878 : vector<16xi32>
        tpu.vector_store_idx %arg11[%add3A_879], %gather3A_870 : memref<27199xf32, #tpu.memory_space<vmem>>[vector<16xi32>], vector<16xf32>,
        %add3A_880 = arith.constant 450 : i32
        %add3A_881 = vector.broadcast %add3A_880 : i32 to vector<16xi32>
        %add3A_882 = arith.addi %broadcast_in_dim3A_477, %add3A_881 : vector<16xi32>
        %add3A_883 = arith.constant 16 : i32
        %add3A_884 = vector.broadcast %add3A_883 : i32 to vector<16xi32>
        %add3A_885 = arith.addi %iota3A, %add3A_884 : vector<16xi32>
        %gather3A_886 = tpu.vector_load_idx %arg10[%add3A_882, %add3A_885] : memref<800x32xf32, #tpu.memory_space<vmem>>[vector<16xi32>, vector<16xi32>], vector<16xf32>,
        %mul3A_887 = arith.constant 17 : i32
        %mul3A_888 = vector.broadcast %mul3A_887 : i32 to vector<16xi32>
        %mul3A_889 = arith.muli %iota3A, %mul3A_888 : vector<16xi32>
        %add3A_890 = arith.constant 272 : i32
        %add3A_891 = arith.addi %mul3A_479, %add3A_890 : i32
        %add3A_892 = arith.constant 9 : i32
        %add3A_893 = arith.addi %add3A_891, %add3A_892 : i32
        %add3A_894 = vector.broadcast %add3A_893 : i32 to vector<16xi32>
        %add3A_895 = arith.addi %mul3A_889, %add3A_894 : vector<16xi32>
        tpu.vector_store_idx %arg11[%add3A_895], %gather3A_886 : memref<27199xf32, #tpu.memory_space<vmem>>[vector<16xi32>], vector<16xf32>,
        %add3A_896 = arith.constant 500 : i32
        %add3A_897 = vector.broadcast %add3A_896 : i32 to vector<16xi32>
        %add3A_898 = arith.addi %broadcast_in_dim3A_477, %add3A_897 : vector<16xi32>
        %add3A_899 = arith.constant 16 : i32
        %add3A_900 = vector.broadcast %add3A_899 : i32 to vector<16xi32>
        %add3A_901 = arith.addi %iota3A, %add3A_900 : vector<16xi32>
        %gather3A_902 = tpu.vector_load_idx %arg10[%add3A_898, %add3A_901] : memref<800x32xf32, #tpu.memory_space<vmem>>[vector<16xi32>, vector<16xi32>], vector<16xf32>,
        %mul3A_903 = arith.constant 17 : i32
        %mul3A_904 = vector.broadcast %mul3A_903 : i32 to vector<16xi32>
        %mul3A_905 = arith.muli %iota3A, %mul3A_904 : vector<16xi32>
        %add3A_906 = arith.constant 272 : i32
        %add3A_907 = arith.addi %mul3A_479, %add3A_906 : i32
        %add3A_908 = arith.constant 10 : i32
        %add3A_909 = arith.addi %add3A_907, %add3A_908 : i32
        %add3A_910 = vector.broadcast %add3A_909 : i32 to vector<16xi32>
        %add3A_911 = arith.addi %mul3A_905, %add3A_910 : vector<16xi32>
        tpu.vector_store_idx %arg11[%add3A_911], %gather3A_902 : memref<27199xf32, #tpu.memory_space<vmem>>[vector<16xi32>], vector<16xf32>,
        %add3A_912 = arith.constant 550 : i32
        %add3A_913 = vector.broadcast %add3A_912 : i32 to vector<16xi32>
        %add3A_914 = arith.addi %broadcast_in_dim3A_477, %add3A_913 : vector<16xi32>
        %add3A_915 = arith.constant 16 : i32
        %add3A_916 = vector.broadcast %add3A_915 : i32 to vector<16xi32>
        %add3A_917 = arith.addi %iota3A, %add3A_916 : vector<16xi32>
        %gather3A_918 = tpu.vector_load_idx %arg10[%add3A_914, %add3A_917] : memref<800x32xf32, #tpu.memory_space<vmem>>[vector<16xi32>, vector<16xi32>], vector<16xf32>,
        %mul3A_919 = arith.constant 17 : i32
        %mul3A_920 = vector.broadcast %mul3A_919 : i32 to vector<16xi32>
        %mul3A_921 = arith.muli %iota3A, %mul3A_920 : vector<16xi32>
        %add3A_922 = arith.constant 272 : i32
        %add3A_923 = arith.addi %mul3A_479, %add3A_922 : i32
        %add3A_924 = arith.constant 11 : i32
        %add3A_925 = arith.addi %add3A_923, %add3A_924 : i32
        %add3A_926 = vector.broadcast %add3A_925 : i32 to vector<16xi32>
        %add3A_927 = arith.addi %mul3A_921, %add3A_926 : vector<16xi32>
        tpu.vector_store_idx %arg11[%add3A_927], %gather3A_918 : memref<27199xf32, #tpu.memory_space<vmem>>[vector<16xi32>], vector<16xf32>,
        %add3A_928 = arith.constant 600 : i32
        %add3A_929 = vector.broadcast %add3A_928 : i32 to vector<16xi32>
        %add3A_930 = arith.addi %broadcast_in_dim3A_477, %add3A_929 : vector<16xi32>
        %add3A_931 = arith.constant 16 : i32
        %add3A_932 = vector.broadcast %add3A_931 : i32 to vector<16xi32>
        %add3A_933 = arith.addi %iota3A, %add3A_932 : vector<16xi32>
        %gather3A_934 = tpu.vector_load_idx %arg10[%add3A_930, %add3A_933] : memref<800x32xf32, #tpu.memory_space<vmem>>[vector<16xi32>, vector<16xi32>], vector<16xf32>,
        %mul3A_935 = arith.constant 17 : i32
        %mul3A_936 = vector.broadcast %mul3A_935 : i32 to vector<16xi32>
        %mul3A_937 = arith.muli %iota3A, %mul3A_936 : vector<16xi32>
        %add3A_938 = arith.constant 272 : i32
        %add3A_939 = arith.addi %mul3A_479, %add3A_938 : i32
        %add3A_940 = arith.constant 12 : i32
        %add3A_941 = arith.addi %add3A_939, %add3A_940 : i32
        %add3A_942 = vector.broadcast %add3A_941 : i32 to vector<16xi32>
        %add3A_943 = arith.addi %mul3A_937, %add3A_942 : vector<16xi32>
        tpu.vector_store_idx %arg11[%add3A_943], %gather3A_934 : memref<27199xf32, #tpu.memory_space<vmem>>[vector<16xi32>], vector<16xf32>,
        %add3A_944 = arith.constant 650 : i32
        %add3A_945 = vector.broadcast %add3A_944 : i32 to vector<16xi32>
        %add3A_946 = arith.addi %broadcast_in_dim3A_477, %add3A_945 : vector<16xi32>
        %add3A_947 = arith.constant 16 : i32
        %add3A_948 = vector.broadcast %add3A_947 : i32 to vector<16xi32>
        %add3A_949 = arith.addi %iota3A, %add3A_948 : vector<16xi32>
        %gather3A_950 = tpu.vector_load_idx %arg10[%add3A_946, %add3A_949] : memref<800x32xf32, #tpu.memory_space<vmem>>[vector<16xi32>, vector<16xi32>], vector<16xf32>,
        %mul3A_951 = arith.constant 17 : i32
        %mul3A_952 = vector.broadcast %mul3A_951 : i32 to vector<16xi32>
        %mul3A_953 = arith.muli %iota3A, %mul3A_952 : vector<16xi32>
        %add3A_954 = arith.constant 272 : i32
        %add3A_955 = arith.addi %mul3A_479, %add3A_954 : i32
        %add3A_956 = arith.constant 13 : i32
        %add3A_957 = arith.addi %add3A_955, %add3A_956 : i32
        %add3A_958 = vector.broadcast %add3A_957 : i32 to vector<16xi32>
        %add3A_959 = arith.addi %mul3A_953, %add3A_958 : vector<16xi32>
        tpu.vector_store_idx %arg11[%add3A_959], %gather3A_950 : memref<27199xf32, #tpu.memory_space<vmem>>[vector<16xi32>], vector<16xf32>,
        %add3A_960 = arith.constant 700 : i32
        %add3A_961 = vector.broadcast %add3A_960 : i32 to vector<16xi32>
        %add3A_962 = arith.addi %broadcast_in_dim3A_477, %add3A_961 : vector<16xi32>
        %add3A_963 = arith.constant 16 : i32
        %add3A_964 = vector.broadcast %add3A_963 : i32 to vector<16xi32>
        %add3A_965 = arith.addi %iota3A, %add3A_964 : vector<16xi32>
        %gather3A_966 = tpu.vector_load_idx %arg10[%add3A_962, %add3A_965] : memref<800x32xf32, #tpu.memory_space<vmem>>[vector<16xi32>, vector<16xi32>], vector<16xf32>,
        %mul3A_967 = arith.constant 17 : i32
        %mul3A_968 = vector.broadcast %mul3A_967 : i32 to vector<16xi32>
        %mul3A_969 = arith.muli %iota3A, %mul3A_968 : vector<16xi32>
        %add3A_970 = arith.constant 272 : i32
        %add3A_971 = arith.addi %mul3A_479, %add3A_970 : i32
        %add3A_972 = arith.constant 14 : i32
        %add3A_973 = arith.addi %add3A_971, %add3A_972 : i32
        %add3A_974 = vector.broadcast %add3A_973 : i32 to vector<16xi32>
        %add3A_975 = arith.addi %mul3A_969, %add3A_974 : vector<16xi32>
        tpu.vector_store_idx %arg11[%add3A_975], %gather3A_966 : memref<27199xf32, #tpu.memory_space<vmem>>[vector<16xi32>], vector<16xf32>,
        %add3A_976 = arith.constant 750 : i32
        %add3A_977 = vector.broadcast %add3A_976 : i32 to vector<16xi32>
        %add3A_978 = arith.addi %broadcast_in_dim3A_477, %add3A_977 : vector<16xi32>
        %add3A_979 = arith.constant 16 : i32
        %add3A_980 = vector.broadcast %add3A_979 : i32 to vector<16xi32>
        %add3A_981 = arith.addi %iota3A, %add3A_980 : vector<16xi32>
        %gather3A_982 = tpu.vector_load_idx %arg10[%add3A_978, %add3A_981] : memref<800x32xf32, #tpu.memory_space<vmem>>[vector<16xi32>, vector<16xi32>], vector<16xf32>,
        %mul3A_983 = arith.constant 17 : i32
        %mul3A_984 = vector.broadcast %mul3A_983 : i32 to vector<16xi32>
        %mul3A_985 = arith.muli %iota3A, %mul3A_984 : vector<16xi32>
        %add3A_986 = arith.constant 272 : i32
        %add3A_987 = arith.addi %mul3A_479, %add3A_986 : i32
        %add3A_988 = arith.constant 15 : i32
        %add3A_989 = arith.addi %add3A_987, %add3A_988 : i32
        %add3A_990 = vector.broadcast %add3A_989 : i32 to vector<16xi32>
        %add3A_991 = arith.addi %mul3A_985, %add3A_990 : vector<16xi32>
        tpu.vector_store_idx %arg11[%add3A_991], %gather3A_982 : memref<27199xf32, #tpu.memory_space<vmem>>[vector<16xi32>], vector<16xf32>,
        %scan3A_992 = arith.constant 0 : i32
        scf.yield %scan3A_992 : i32
      }
      %scan3A_276 = arith.constant 50 : i32
      "tpu.trace_stop"() : () -> ()
      "tpu.trace_start"() <{level = 10 : i32, message = "pass1"}> : () -> ()
      %scan3A_277 = arith.constant 0 : i32
      %scan3A_278 = arith.constant 0 : i32
      %scan3A_279 = arith.constant 50 : i32
      %scan3A_280 = arith.addi %scan3A_278, %scan3A_279 : i32
      %scan3A_281 = arith.constant 1 : i32
      %scan3A_282 = scf.for %scan3A_475 = %scan3A_278 to %scan3A_280 step %scan3A_281 iter_args(%scan3A_476 = %scan3A_277) -> (i32)  : i32 {
        %mul3A_477 = arith.constant 544 : i32
        %mul3A_478 = arith.muli %scan3A_475, %mul3A_477 : i32
        %broadcast_in_dim3A_479 = arith.constant 0.000000e+00 : f32
        %broadcast_in_dim3A_480 = vector.broadcast %broadcast_in_dim3A_479 : f32 to vector<16xf32>
        %broadcast_in_dim3A_481 = arith.constant 0.000000e+00 : f32
        %broadcast_in_dim3A_482 = vector.broadcast %broadcast_in_dim3A_481 : f32 to vector<16xf32>
        %broadcast_in_dim3A_483 = arith.constant 0.000000e+00 : f32
        %broadcast_in_dim3A_484 = vector.broadcast %broadcast_in_dim3A_483 : f32 to vector<16xf32>
        %broadcast_in_dim3A_485 = arith.constant 0.000000e+00 : f32
        %broadcast_in_dim3A_486 = vector.broadcast %broadcast_in_dim3A_485 : f32 to vector<16xf32>
        %add3A_487 = arith.constant 0 : i32
        %add3A_488 = arith.addi %mul3A_478, %add3A_487 : i32
        %add3A_489 = vector.broadcast %add3A_488 : i32 to vector<16xi32>
        %add3A_490 = arith.addi %iota3A, %add3A_489 : vector<16xi32>
        %gather3A_491 = tpu.vector_load_idx %arg11[%add3A_490] : memref<27199xf32, #tpu.memory_space<vmem>>[vector<16xi32>], vector<16xf32>,
        %slice3A = vector.extract_strided_slice %gather3A {offsets = [0], sizes = [1], strides = [1]} : vector<16xf32> to vector<1xf32>
        %squeeze3A = vector.extract %slice3A[0] : f32 from vector<1xf32>
        %mul3A_492 = vector.broadcast %squeeze3A : f32 to vector<16xf32>
        %mul3A_493 = arith.mulf %gather3A_491, %mul3A_492 : vector<16xf32>
        %add3A_494 = arith.addf %broadcast_in_dim3A_480, %mul3A_493 : vector<16xf32>
        %add3A_495 = arith.constant 17 : i32
        %add3A_496 = arith.addi %mul3A_478, %add3A_495 : i32
        %add3A_497 = vector.broadcast %add3A_496 : i32 to vector<16xi32>
        %add3A_498 = arith.addi %iota3A, %add3A_497 : vector<16xi32>
        %gather3A_499 = tpu.vector_load_idx %arg11[%add3A_498] : memref<27199xf32, #tpu.memory_space<vmem>>[vector<16xi32>], vector<16xf32>,
        %slice3A_500 = vector.extract_strided_slice %gather3A {offsets = [1], sizes = [1], strides = [1]} : vector<16xf32> to vector<1xf32>
        %squeeze3A_501 = vector.extract %slice3A_500[0] : f32 from vector<1xf32>
        %mul3A_502 = vector.broadcast %squeeze3A_501 : f32 to vector<16xf32>
        %mul3A_503 = arith.mulf %gather3A_499, %mul3A_502 : vector<16xf32>
        %add3A_504 = arith.addf %broadcast_in_dim3A_482, %mul3A_503 : vector<16xf32>
        %add3A_505 = arith.constant 34 : i32
        %add3A_506 = arith.addi %mul3A_478, %add3A_505 : i32
        %add3A_507 = vector.broadcast %add3A_506 : i32 to vector<16xi32>
        %add3A_508 = arith.addi %iota3A, %add3A_507 : vector<16xi32>
        %gather3A_509 = tpu.vector_load_idx %arg11[%add3A_508] : memref<27199xf32, #tpu.memory_space<vmem>>[vector<16xi32>], vector<16xf32>,
        %slice3A_510 = vector.extract_strided_slice %gather3A {offsets = [2], sizes = [1], strides = [1]} : vector<16xf32> to vector<1xf32>
        %squeeze3A_511 = vector.extract %slice3A_510[0] : f32 from vector<1xf32>
        %mul3A_512 = vector.broadcast %squeeze3A_511 : f32 to vector<16xf32>
        %mul3A_513 = arith.mulf %gather3A_509, %mul3A_512 : vector<16xf32>
        %add3A_514 = arith.addf %broadcast_in_dim3A_484, %mul3A_513 : vector<16xf32>
        %add3A_515 = arith.constant 51 : i32
        %add3A_516 = arith.addi %mul3A_478, %add3A_515 : i32
        %add3A_517 = vector.broadcast %add3A_516 : i32 to vector<16xi32>
        %add3A_518 = arith.addi %iota3A, %add3A_517 : vector<16xi32>
        %gather3A_519 = tpu.vector_load_idx %arg11[%add3A_518] : memref<27199xf32, #tpu.memory_space<vmem>>[vector<16xi32>], vector<16xf32>,
        %slice3A_520 = vector.extract_strided_slice %gather3A {offsets = [3], sizes = [1], strides = [1]} : vector<16xf32> to vector<1xf32>
        %squeeze3A_521 = vector.extract %slice3A_520[0] : f32 from vector<1xf32>
        %mul3A_522 = vector.broadcast %squeeze3A_521 : f32 to vector<16xf32>
        %mul3A_523 = arith.mulf %gather3A_519, %mul3A_522 : vector<16xf32>
        %add3A_524 = arith.addf %broadcast_in_dim3A_486, %mul3A_523 : vector<16xf32>
        %add3A_525 = arith.constant 68 : i32
        %add3A_526 = arith.addi %mul3A_478, %add3A_525 : i32
        %add3A_527 = vector.broadcast %add3A_526 : i32 to vector<16xi32>
        %add3A_528 = arith.addi %iota3A, %add3A_527 : vector<16xi32>
        %gather3A_529 = tpu.vector_load_idx %arg11[%add3A_528] : memref<27199xf32, #tpu.memory_space<vmem>>[vector<16xi32>], vector<16xf32>,
        %slice3A_530 = vector.extract_strided_slice %gather3A {offsets = [4], sizes = [1], strides = [1]} : vector<16xf32> to vector<1xf32>
        %squeeze3A_531 = vector.extract %slice3A_530[0] : f32 from vector<1xf32>
        %mul3A_532 = vector.broadcast %squeeze3A_531 : f32 to vector<16xf32>
        %mul3A_533 = arith.mulf %gather3A_529, %mul3A_532 : vector<16xf32>
        %add3A_534 = arith.addf %add3A_494, %mul3A_533 : vector<16xf32>
        %add3A_535 = arith.constant 85 : i32
        %add3A_536 = arith.addi %mul3A_478, %add3A_535 : i32
        %add3A_537 = vector.broadcast %add3A_536 : i32 to vector<16xi32>
        %add3A_538 = arith.addi %iota3A, %add3A_537 : vector<16xi32>
        %gather3A_539 = tpu.vector_load_idx %arg11[%add3A_538] : memref<27199xf32, #tpu.memory_space<vmem>>[vector<16xi32>], vector<16xf32>,
        %slice3A_540 = vector.extract_strided_slice %gather3A {offsets = [5], sizes = [1], strides = [1]} : vector<16xf32> to vector<1xf32>
        %squeeze3A_541 = vector.extract %slice3A_540[0] : f32 from vector<1xf32>
        %mul3A_542 = vector.broadcast %squeeze3A_541 : f32 to vector<16xf32>
        %mul3A_543 = arith.mulf %gather3A_539, %mul3A_542 : vector<16xf32>
        %add3A_544 = arith.addf %add3A_504, %mul3A_543 : vector<16xf32>
        %add3A_545 = arith.constant 102 : i32
        %add3A_546 = arith.addi %mul3A_478, %add3A_545 : i32
        %add3A_547 = vector.broadcast %add3A_546 : i32 to vector<16xi32>
        %add3A_548 = arith.addi %iota3A, %add3A_547 : vector<16xi32>
        %gather3A_549 = tpu.vector_load_idx %arg11[%add3A_548] : memref<27199xf32, #tpu.memory_space<vmem>>[vector<16xi32>], vector<16xf32>,
        %slice3A_550 = vector.extract_strided_slice %gather3A {offsets = [6], sizes = [1], strides = [1]} : vector<16xf32> to vector<1xf32>
        %squeeze3A_551 = vector.extract %slice3A_550[0] : f32 from vector<1xf32>
        %mul3A_552 = vector.broadcast %squeeze3A_551 : f32 to vector<16xf32>
        %mul3A_553 = arith.mulf %gather3A_549, %mul3A_552 : vector<16xf32>
        %add3A_554 = arith.addf %add3A_514, %mul3A_553 : vector<16xf32>
        %add3A_555 = arith.constant 119 : i32
        %add3A_556 = arith.addi %mul3A_478, %add3A_555 : i32
        %add3A_557 = vector.broadcast %add3A_556 : i32 to vector<16xi32>
        %add3A_558 = arith.addi %iota3A, %add3A_557 : vector<16xi32>
        %gather3A_559 = tpu.vector_load_idx %arg11[%add3A_558] : memref<27199xf32, #tpu.memory_space<vmem>>[vector<16xi32>], vector<16xf32>,
        %slice3A_560 = vector.extract_strided_slice %gather3A {offsets = [7], sizes = [1], strides = [1]} : vector<16xf32> to vector<1xf32>
        %squeeze3A_561 = vector.extract %slice3A_560[0] : f32 from vector<1xf32>
        %mul3A_562 = vector.broadcast %squeeze3A_561 : f32 to vector<16xf32>
        %mul3A_563 = arith.mulf %gather3A_559, %mul3A_562 : vector<16xf32>
        %add3A_564 = arith.addf %add3A_524, %mul3A_563 : vector<16xf32>
        %add3A_565 = arith.constant 136 : i32
        %add3A_566 = arith.addi %mul3A_478, %add3A_565 : i32
        %add3A_567 = vector.broadcast %add3A_566 : i32 to vector<16xi32>
        %add3A_568 = arith.addi %iota3A, %add3A_567 : vector<16xi32>
        %gather3A_569 = tpu.vector_load_idx %arg11[%add3A_568] : memref<27199xf32, #tpu.memory_space<vmem>>[vector<16xi32>], vector<16xf32>,
        %slice3A_570 = vector.extract_strided_slice %gather3A {offsets = [8], sizes = [1], strides = [1]} : vector<16xf32> to vector<1xf32>
        %squeeze3A_571 = vector.extract %slice3A_570[0] : f32 from vector<1xf32>
        %mul3A_572 = vector.broadcast %squeeze3A_571 : f32 to vector<16xf32>
        %mul3A_573 = arith.mulf %gather3A_569, %mul3A_572 : vector<16xf32>
        %add3A_574 = arith.addf %add3A_534, %mul3A_573 : vector<16xf32>
        %add3A_575 = arith.constant 153 : i32
        %add3A_576 = arith.addi %mul3A_478, %add3A_575 : i32
        %add3A_577 = vector.broadcast %add3A_576 : i32 to vector<16xi32>
        %add3A_578 = arith.addi %iota3A, %add3A_577 : vector<16xi32>
        %gather3A_579 = tpu.vector_load_idx %arg11[%add3A_578] : memref<27199xf32, #tpu.memory_space<vmem>>[vector<16xi32>], vector<16xf32>,
        %slice3A_580 = vector.extract_strided_slice %gather3A {offsets = [9], sizes = [1], strides = [1]} : vector<16xf32> to vector<1xf32>
        %squeeze3A_581 = vector.extract %slice3A_580[0] : f32 from vector<1xf32>
        %mul3A_582 = vector.broadcast %squeeze3A_581 : f32 to vector<16xf32>
        %mul3A_583 = arith.mulf %gather3A_579, %mul3A_582 : vector<16xf32>
        %add3A_584 = arith.addf %add3A_544, %mul3A_583 : vector<16xf32>
        %add3A_585 = arith.constant 170 : i32
        %add3A_586 = arith.addi %mul3A_478, %add3A_585 : i32
        %add3A_587 = vector.broadcast %add3A_586 : i32 to vector<16xi32>
        %add3A_588 = arith.addi %iota3A, %add3A_587 : vector<16xi32>
        %gather3A_589 = tpu.vector_load_idx %arg11[%add3A_588] : memref<27199xf32, #tpu.memory_space<vmem>>[vector<16xi32>], vector<16xf32>,
        %slice3A_590 = vector.extract_strided_slice %gather3A {offsets = [10], sizes = [1], strides = [1]} : vector<16xf32> to vector<1xf32>
        %squeeze3A_591 = vector.extract %slice3A_590[0] : f32 from vector<1xf32>
        %mul3A_592 = vector.broadcast %squeeze3A_591 : f32 to vector<16xf32>
        %mul3A_593 = arith.mulf %gather3A_589, %mul3A_592 : vector<16xf32>
        %add3A_594 = arith.addf %add3A_554, %mul3A_593 : vector<16xf32>
        %add3A_595 = arith.constant 187 : i32
        %add3A_596 = arith.addi %mul3A_478, %add3A_595 : i32
        %add3A_597 = vector.broadcast %add3A_596 : i32 to vector<16xi32>
        %add3A_598 = arith.addi %iota3A, %add3A_597 : vector<16xi32>
        %gather3A_599 = tpu.vector_load_idx %arg11[%add3A_598] : memref<27199xf32, #tpu.memory_space<vmem>>[vector<16xi32>], vector<16xf32>,
        %slice3A_600 = vector.extract_strided_slice %gather3A {offsets = [11], sizes = [1], strides = [1]} : vector<16xf32> to vector<1xf32>
        %squeeze3A_601 = vector.extract %slice3A_600[0] : f32 from vector<1xf32>
        %mul3A_602 = vector.broadcast %squeeze3A_601 : f32 to vector<16xf32>
        %mul3A_603 = arith.mulf %gather3A_599, %mul3A_602 : vector<16xf32>
        %add3A_604 = arith.addf %add3A_564, %mul3A_603 : vector<16xf32>
        %add3A_605 = arith.constant 204 : i32
        %add3A_606 = arith.addi %mul3A_478, %add3A_605 : i32
        %add3A_607 = vector.broadcast %add3A_606 : i32 to vector<16xi32>
        %add3A_608 = arith.addi %iota3A, %add3A_607 : vector<16xi32>
        %gather3A_609 = tpu.vector_load_idx %arg11[%add3A_608] : memref<27199xf32, #tpu.memory_space<vmem>>[vector<16xi32>], vector<16xf32>,
        %slice3A_610 = vector.extract_strided_slice %gather3A {offsets = [12], sizes = [1], strides = [1]} : vector<16xf32> to vector<1xf32>
        %squeeze3A_611 = vector.extract %slice3A_610[0] : f32 from vector<1xf32>
        %mul3A_612 = vector.broadcast %squeeze3A_611 : f32 to vector<16xf32>
        %mul3A_613 = arith.mulf %gather3A_609, %mul3A_612 : vector<16xf32>
        %add3A_614 = arith.addf %add3A_574, %mul3A_613 : vector<16xf32>
        %add3A_615 = arith.constant 221 : i32
        %add3A_616 = arith.addi %mul3A_478, %add3A_615 : i32
        %add3A_617 = vector.broadcast %add3A_616 : i32 to vector<16xi32>
        %add3A_618 = arith.addi %iota3A, %add3A_617 : vector<16xi32>
        %gather3A_619 = tpu.vector_load_idx %arg11[%add3A_618] : memref<27199xf32, #tpu.memory_space<vmem>>[vector<16xi32>], vector<16xf32>,
        %slice3A_620 = vector.extract_strided_slice %gather3A {offsets = [13], sizes = [1], strides = [1]} : vector<16xf32> to vector<1xf32>
        %squeeze3A_621 = vector.extract %slice3A_620[0] : f32 from vector<1xf32>
        %mul3A_622 = vector.broadcast %squeeze3A_621 : f32 to vector<16xf32>
        %mul3A_623 = arith.mulf %gather3A_619, %mul3A_622 : vector<16xf32>
        %add3A_624 = arith.addf %add3A_584, %mul3A_623 : vector<16xf32>
        %add3A_625 = arith.constant 238 : i32
        %add3A_626 = arith.addi %mul3A_478, %add3A_625 : i32
        %add3A_627 = vector.broadcast %add3A_626 : i32 to vector<16xi32>
        %add3A_628 = arith.addi %iota3A, %add3A_627 : vector<16xi32>
        %gather3A_629 = tpu.vector_load_idx %arg11[%add3A_628] : memref<27199xf32, #tpu.memory_space<vmem>>[vector<16xi32>], vector<16xf32>,
        %slice3A_630 = vector.extract_strided_slice %gather3A {offsets = [14], sizes = [1], strides = [1]} : vector<16xf32> to vector<1xf32>
        %squeeze3A_631 = vector.extract %slice3A_630[0] : f32 from vector<1xf32>
        %mul3A_632 = vector.broadcast %squeeze3A_631 : f32 to vector<16xf32>
        %mul3A_633 = arith.mulf %gather3A_629, %mul3A_632 : vector<16xf32>
        %add3A_634 = arith.addf %add3A_594, %mul3A_633 : vector<16xf32>
        %add3A_635 = arith.constant 255 : i32
        %add3A_636 = arith.addi %mul3A_478, %add3A_635 : i32
        %add3A_637 = vector.broadcast %add3A_636 : i32 to vector<16xi32>
        %add3A_638 = arith.addi %iota3A, %add3A_637 : vector<16xi32>
        %gather3A_639 = tpu.vector_load_idx %arg11[%add3A_638] : memref<27199xf32, #tpu.memory_space<vmem>>[vector<16xi32>], vector<16xf32>,
        %slice3A_640 = vector.extract_strided_slice %gather3A {offsets = [15], sizes = [1], strides = [1]} : vector<16xf32> to vector<1xf32>
        %squeeze3A_641 = vector.extract %slice3A_640[0] : f32 from vector<1xf32>
        %mul3A_642 = vector.broadcast %squeeze3A_641 : f32 to vector<16xf32>
        %mul3A_643 = arith.mulf %gather3A_639, %mul3A_642 : vector<16xf32>
        %add3A_644 = arith.addf %add3A_604, %mul3A_643 : vector<16xf32>
        %add3A_645 = arith.constant 272 : i32
        %add3A_646 = arith.addi %mul3A_478, %add3A_645 : i32
        %add3A_647 = vector.broadcast %add3A_646 : i32 to vector<16xi32>
        %add3A_648 = arith.addi %iota3A, %add3A_647 : vector<16xi32>
        %gather3A_649 = tpu.vector_load_idx %arg11[%add3A_648] : memref<27199xf32, #tpu.memory_space<vmem>>[vector<16xi32>], vector<16xf32>,
        %slice3A_650 = vector.extract_strided_slice %gather3A_10 {offsets = [0], sizes = [1], strides = [1]} : vector<16xf32> to vector<1xf32>
        %squeeze3A_651 = vector.extract %slice3A_650[0] : f32 from vector<1xf32>
        %mul3A_652 = vector.broadcast %squeeze3A_651 : f32 to vector<16xf32>
        %mul3A_653 = arith.mulf %gather3A_649, %mul3A_652 : vector<16xf32>
        %add3A_654 = arith.addf %add3A_614, %mul3A_653 : vector<16xf32>
        %add3A_655 = arith.constant 289 : i32
        %add3A_656 = arith.addi %mul3A_478, %add3A_655 : i32
        %add3A_657 = vector.broadcast %add3A_656 : i32 to vector<16xi32>
        %add3A_658 = arith.addi %iota3A, %add3A_657 : vector<16xi32>
        %gather3A_659 = tpu.vector_load_idx %arg11[%add3A_658] : memref<27199xf32, #tpu.memory_space<vmem>>[vector<16xi32>], vector<16xf32>,
        %slice3A_660 = vector.extract_strided_slice %gather3A_10 {offsets = [1], sizes = [1], strides = [1]} : vector<16xf32> to vector<1xf32>
        %squeeze3A_661 = vector.extract %slice3A_660[0] : f32 from vector<1xf32>
        %mul3A_662 = vector.broadcast %squeeze3A_661 : f32 to vector<16xf32>
        %mul3A_663 = arith.mulf %gather3A_659, %mul3A_662 : vector<16xf32>
        %add3A_664 = arith.addf %add3A_624, %mul3A_663 : vector<16xf32>
        %add3A_665 = arith.constant 306 : i32
        %add3A_666 = arith.addi %mul3A_478, %add3A_665 : i32
        %add3A_667 = vector.broadcast %add3A_666 : i32 to vector<16xi32>
        %add3A_668 = arith.addi %iota3A, %add3A_667 : vector<16xi32>
        %gather3A_669 = tpu.vector_load_idx %arg11[%add3A_668] : memref<27199xf32, #tpu.memory_space<vmem>>[vector<16xi32>], vector<16xf32>,
        %slice3A_670 = vector.extract_strided_slice %gather3A_10 {offsets = [2], sizes = [1], strides = [1]} : vector<16xf32> to vector<1xf32>
        %squeeze3A_671 = vector.extract %slice3A_670[0] : f32 from vector<1xf32>
        %mul3A_672 = vector.broadcast %squeeze3A_671 : f32 to vector<16xf32>
        %mul3A_673 = arith.mulf %gather3A_669, %mul3A_672 : vector<16xf32>
        %add3A_674 = arith.addf %add3A_634, %mul3A_673 : vector<16xf32>
        %add3A_675 = arith.constant 323 : i32
        %add3A_676 = arith.addi %mul3A_478, %add3A_675 : i32
        %add3A_677 = vector.broadcast %add3A_676 : i32 to vector<16xi32>
        %add3A_678 = arith.addi %iota3A, %add3A_677 : vector<16xi32>
        %gather3A_679 = tpu.vector_load_idx %arg11[%add3A_678] : memref<27199xf32, #tpu.memory_space<vmem>>[vector<16xi32>], vector<16xf32>,
        %slice3A_680 = vector.extract_strided_slice %gather3A_10 {offsets = [3], sizes = [1], strides = [1]} : vector<16xf32> to vector<1xf32>
        %squeeze3A_681 = vector.extract %slice3A_680[0] : f32 from vector<1xf32>
        %mul3A_682 = vector.broadcast %squeeze3A_681 : f32 to vector<16xf32>
        %mul3A_683 = arith.mulf %gather3A_679, %mul3A_682 : vector<16xf32>
        %add3A_684 = arith.addf %add3A_644, %mul3A_683 : vector<16xf32>
        %add3A_685 = arith.constant 340 : i32
        %add3A_686 = arith.addi %mul3A_478, %add3A_685 : i32
        %add3A_687 = vector.broadcast %add3A_686 : i32 to vector<16xi32>
        %add3A_688 = arith.addi %iota3A, %add3A_687 : vector<16xi32>
        %gather3A_689 = tpu.vector_load_idx %arg11[%add3A_688] : memref<27199xf32, #tpu.memory_space<vmem>>[vector<16xi32>], vector<16xf32>,
        %slice3A_690 = vector.extract_strided_slice %gather3A_10 {offsets = [4], sizes = [1], strides = [1]} : vector<16xf32> to vector<1xf32>
        %squeeze3A_691 = vector.extract %slice3A_690[0] : f32 from vector<1xf32>
        %mul3A_692 = vector.broadcast %squeeze3A_691 : f32 to vector<16xf32>
        %mul3A_693 = arith.mulf %gather3A_689, %mul3A_692 : vector<16xf32>
        %add3A_694 = arith.addf %add3A_654, %mul3A_693 : vector<16xf32>
        %add3A_695 = arith.constant 357 : i32
        %add3A_696 = arith.addi %mul3A_478, %add3A_695 : i32
        %add3A_697 = vector.broadcast %add3A_696 : i32 to vector<16xi32>
        %add3A_698 = arith.addi %iota3A, %add3A_697 : vector<16xi32>
        %gather3A_699 = tpu.vector_load_idx %arg11[%add3A_698] : memref<27199xf32, #tpu.memory_space<vmem>>[vector<16xi32>], vector<16xf32>,
        %slice3A_700 = vector.extract_strided_slice %gather3A_10 {offsets = [5], sizes = [1], strides = [1]} : vector<16xf32> to vector<1xf32>
        %squeeze3A_701 = vector.extract %slice3A_700[0] : f32 from vector<1xf32>
        %mul3A_702 = vector.broadcast %squeeze3A_701 : f32 to vector<16xf32>
        %mul3A_703 = arith.mulf %gather3A_699, %mul3A_702 : vector<16xf32>
        %add3A_704 = arith.addf %add3A_664, %mul3A_703 : vector<16xf32>
        %add3A_705 = arith.constant 374 : i32
        %add3A_706 = arith.addi %mul3A_478, %add3A_705 : i32
        %add3A_707 = vector.broadcast %add3A_706 : i32 to vector<16xi32>
        %add3A_708 = arith.addi %iota3A, %add3A_707 : vector<16xi32>
        %gather3A_709 = tpu.vector_load_idx %arg11[%add3A_708] : memref<27199xf32, #tpu.memory_space<vmem>>[vector<16xi32>], vector<16xf32>,
        %slice3A_710 = vector.extract_strided_slice %gather3A_10 {offsets = [6], sizes = [1], strides = [1]} : vector<16xf32> to vector<1xf32>
        %squeeze3A_711 = vector.extract %slice3A_710[0] : f32 from vector<1xf32>
        %mul3A_712 = vector.broadcast %squeeze3A_711 : f32 to vector<16xf32>
        %mul3A_713 = arith.mulf %gather3A_709, %mul3A_712 : vector<16xf32>
        %add3A_714 = arith.addf %add3A_674, %mul3A_713 : vector<16xf32>
        %add3A_715 = arith.constant 391 : i32
        %add3A_716 = arith.addi %mul3A_478, %add3A_715 : i32
        %add3A_717 = vector.broadcast %add3A_716 : i32 to vector<16xi32>
        %add3A_718 = arith.addi %iota3A, %add3A_717 : vector<16xi32>
        %gather3A_719 = tpu.vector_load_idx %arg11[%add3A_718] : memref<27199xf32, #tpu.memory_space<vmem>>[vector<16xi32>], vector<16xf32>,
        %slice3A_720 = vector.extract_strided_slice %gather3A_10 {offsets = [7], sizes = [1], strides = [1]} : vector<16xf32> to vector<1xf32>
        %squeeze3A_721 = vector.extract %slice3A_720[0] : f32 from vector<1xf32>
        %mul3A_722 = vector.broadcast %squeeze3A_721 : f32 to vector<16xf32>
        %mul3A_723 = arith.mulf %gather3A_719, %mul3A_722 : vector<16xf32>
        %add3A_724 = arith.addf %add3A_684, %mul3A_723 : vector<16xf32>
        %add3A_725 = arith.constant 408 : i32
        %add3A_726 = arith.addi %mul3A_478, %add3A_725 : i32
        %add3A_727 = vector.broadcast %add3A_726 : i32 to vector<16xi32>
        %add3A_728 = arith.addi %iota3A, %add3A_727 : vector<16xi32>
        %gather3A_729 = tpu.vector_load_idx %arg11[%add3A_728] : memref<27199xf32, #tpu.memory_space<vmem>>[vector<16xi32>], vector<16xf32>,
        %slice3A_730 = vector.extract_strided_slice %gather3A_10 {offsets = [8], sizes = [1], strides = [1]} : vector<16xf32> to vector<1xf32>
        %squeeze3A_731 = vector.extract %slice3A_730[0] : f32 from vector<1xf32>
        %mul3A_732 = vector.broadcast %squeeze3A_731 : f32 to vector<16xf32>
        %mul3A_733 = arith.mulf %gather3A_729, %mul3A_732 : vector<16xf32>
        %add3A_734 = arith.addf %add3A_694, %mul3A_733 : vector<16xf32>
        %add3A_735 = arith.constant 425 : i32
        %add3A_736 = arith.addi %mul3A_478, %add3A_735 : i32
        %add3A_737 = vector.broadcast %add3A_736 : i32 to vector<16xi32>
        %add3A_738 = arith.addi %iota3A, %add3A_737 : vector<16xi32>
        %gather3A_739 = tpu.vector_load_idx %arg11[%add3A_738] : memref<27199xf32, #tpu.memory_space<vmem>>[vector<16xi32>], vector<16xf32>,
        %slice3A_740 = vector.extract_strided_slice %gather3A_10 {offsets = [9], sizes = [1], strides = [1]} : vector<16xf32> to vector<1xf32>
        %squeeze3A_741 = vector.extract %slice3A_740[0] : f32 from vector<1xf32>
        %mul3A_742 = vector.broadcast %squeeze3A_741 : f32 to vector<16xf32>
        %mul3A_743 = arith.mulf %gather3A_739, %mul3A_742 : vector<16xf32>
        %add3A_744 = arith.addf %add3A_704, %mul3A_743 : vector<16xf32>
        %add3A_745 = arith.constant 442 : i32
        %add3A_746 = arith.addi %mul3A_478, %add3A_745 : i32
        %add3A_747 = vector.broadcast %add3A_746 : i32 to vector<16xi32>
        %add3A_748 = arith.addi %iota3A, %add3A_747 : vector<16xi32>
        %gather3A_749 = tpu.vector_load_idx %arg11[%add3A_748] : memref<27199xf32, #tpu.memory_space<vmem>>[vector<16xi32>], vector<16xf32>,
        %slice3A_750 = vector.extract_strided_slice %gather3A_10 {offsets = [10], sizes = [1], strides = [1]} : vector<16xf32> to vector<1xf32>
        %squeeze3A_751 = vector.extract %slice3A_750[0] : f32 from vector<1xf32>
        %mul3A_752 = vector.broadcast %squeeze3A_751 : f32 to vector<16xf32>
        %mul3A_753 = arith.mulf %gather3A_749, %mul3A_752 : vector<16xf32>
        %add3A_754 = arith.addf %add3A_714, %mul3A_753 : vector<16xf32>
        %add3A_755 = arith.constant 459 : i32
        %add3A_756 = arith.addi %mul3A_478, %add3A_755 : i32
        %add3A_757 = vector.broadcast %add3A_756 : i32 to vector<16xi32>
        %add3A_758 = arith.addi %iota3A, %add3A_757 : vector<16xi32>
        %gather3A_759 = tpu.vector_load_idx %arg11[%add3A_758] : memref<27199xf32, #tpu.memory_space<vmem>>[vector<16xi32>], vector<16xf32>,
        %slice3A_760 = vector.extract_strided_slice %gather3A_10 {offsets = [11], sizes = [1], strides = [1]} : vector<16xf32> to vector<1xf32>
        %squeeze3A_761 = vector.extract %slice3A_760[0] : f32 from vector<1xf32>
        %mul3A_762 = vector.broadcast %squeeze3A_761 : f32 to vector<16xf32>
        %mul3A_763 = arith.mulf %gather3A_759, %mul3A_762 : vector<16xf32>
        %add3A_764 = arith.addf %add3A_724, %mul3A_763 : vector<16xf32>
        %add3A_765 = arith.constant 476 : i32
        %add3A_766 = arith.addi %mul3A_478, %add3A_765 : i32
        %add3A_767 = vector.broadcast %add3A_766 : i32 to vector<16xi32>
        %add3A_768 = arith.addi %iota3A, %add3A_767 : vector<16xi32>
        %gather3A_769 = tpu.vector_load_idx %arg11[%add3A_768] : memref<27199xf32, #tpu.memory_space<vmem>>[vector<16xi32>], vector<16xf32>,
        %slice3A_770 = vector.extract_strided_slice %gather3A_10 {offsets = [12], sizes = [1], strides = [1]} : vector<16xf32> to vector<1xf32>
        %squeeze3A_771 = vector.extract %slice3A_770[0] : f32 from vector<1xf32>
        %mul3A_772 = vector.broadcast %squeeze3A_771 : f32 to vector<16xf32>
        %mul3A_773 = arith.mulf %gather3A_769, %mul3A_772 : vector<16xf32>
        %add3A_774 = arith.addf %add3A_734, %mul3A_773 : vector<16xf32>
        %add3A_775 = arith.constant 493 : i32
        %add3A_776 = arith.addi %mul3A_478, %add3A_775 : i32
        %add3A_777 = vector.broadcast %add3A_776 : i32 to vector<16xi32>
        %add3A_778 = arith.addi %iota3A, %add3A_777 : vector<16xi32>
        %gather3A_779 = tpu.vector_load_idx %arg11[%add3A_778] : memref<27199xf32, #tpu.memory_space<vmem>>[vector<16xi32>], vector<16xf32>,
        %slice3A_780 = vector.extract_strided_slice %gather3A_10 {offsets = [13], sizes = [1], strides = [1]} : vector<16xf32> to vector<1xf32>
        %squeeze3A_781 = vector.extract %slice3A_780[0] : f32 from vector<1xf32>
        %mul3A_782 = vector.broadcast %squeeze3A_781 : f32 to vector<16xf32>
        %mul3A_783 = arith.mulf %gather3A_779, %mul3A_782 : vector<16xf32>
        %add3A_784 = arith.addf %add3A_744, %mul3A_783 : vector<16xf32>
        %add3A_785 = arith.constant 510 : i32
        %add3A_786 = arith.addi %mul3A_478, %add3A_785 : i32
        %add3A_787 = vector.broadcast %add3A_786 : i32 to vector<16xi32>
        %add3A_788 = arith.addi %iota3A, %add3A_787 : vector<16xi32>
        %gather3A_789 = tpu.vector_load_idx %arg11[%add3A_788] : memref<27199xf32, #tpu.memory_space<vmem>>[vector<16xi32>], vector<16xf32>,
        %slice3A_790 = vector.extract_strided_slice %gather3A_10 {offsets = [14], sizes = [1], strides = [1]} : vector<16xf32> to vector<1xf32>
        %squeeze3A_791 = vector.extract %slice3A_790[0] : f32 from vector<1xf32>
        %mul3A_792 = vector.broadcast %squeeze3A_791 : f32 to vector<16xf32>
        %mul3A_793 = arith.mulf %gather3A_789, %mul3A_792 : vector<16xf32>
        %add3A_794 = arith.addf %add3A_754, %mul3A_793 : vector<16xf32>
        %add3A_795 = arith.constant 527 : i32
        %add3A_796 = arith.addi %mul3A_478, %add3A_795 : i32
        %add3A_797 = vector.broadcast %add3A_796 : i32 to vector<16xi32>
        %add3A_798 = arith.addi %iota3A, %add3A_797 : vector<16xi32>
        %gather3A_799 = tpu.vector_load_idx %arg11[%add3A_798] : memref<27199xf32, #tpu.memory_space<vmem>>[vector<16xi32>], vector<16xf32>,
        %slice3A_800 = vector.extract_strided_slice %gather3A_10 {offsets = [15], sizes = [1], strides = [1]} : vector<16xf32> to vector<1xf32>
        %squeeze3A_801 = vector.extract %slice3A_800[0] : f32 from vector<1xf32>
        %mul3A_802 = vector.broadcast %squeeze3A_801 : f32 to vector<16xf32>
        %mul3A_803 = arith.mulf %gather3A_799, %mul3A_802 : vector<16xf32>
        %add3A_804 = arith.addf %add3A_764, %mul3A_803 : vector<16xf32>
        %add3A_805 = arith.addf %add3A_774, %add3A_784 : vector<16xf32>
        %add3A_806 = arith.addf %add3A_794, %add3A_804 : vector<16xf32>
        %add3A_807 = arith.addf %add3A_805, %add3A_806 : vector<16xf32>
        %mul3A_808 = arith.constant 16 : i32
        %mul3A_809 = arith.muli %scan3A_475, %mul3A_808 : i32
        %swap3A = arith.index_cast %mul3A_809 : i32 to index
        %swap3A_810 = tpu.vector_load %arg12[%swap3A] {strides = array<i32>} : memref<800xf32, #tpu.memory_space<vmem>>, vector<16xf32>,
        tpu.vector_store %arg12[%swap3A], %add3A_807 {strides = array<i32>} : memref<800xf32, #tpu.memory_space<vmem>>, vector<16xf32>,
        %scan3A_811 = arith.constant 0 : i32
        scf.yield %scan3A_811 : i32
      }
      %scan3A_283 = arith.constant 50 : i32
      %broadcast_in_dim3A_284 = arith.constant 0xFF800000 : f32
      "tpu.trace_stop"() : () -> ()
      %broadcast_in_dim3A_285 = vector.broadcast %broadcast_in_dim3A_284 : f32 to vector<16xf32>
      %scan3A_286 = arith.constant 0 : i32
      %scan3A_287 = arith.constant 50 : i32
      %scan3A_288 = arith.addi %scan3A_286, %scan3A_287 : i32
      %scan3A_289 = arith.constant 1 : i32
      %scan3A_290 = scf.for %scan3A_475 = %scan3A_286 to %scan3A_288 step %scan3A_289 iter_args(%scan3A_476 = %broadcast_in_dim3A_285) -> (vector<16xf32>)  : i32 {
        %mul3A_477 = arith.constant 16 : i32
        %mul3A_478 = arith.muli %scan3A_475, %mul3A_477 : i32
        %get3A = arith.index_cast %mul3A_478 : i32 to index
        %get3A_479 = tpu.vector_load %arg12[%get3A] {strides = array<i32>} : memref<800xf32, #tpu.memory_space<vmem>>, vector<16xf32>,
        %max3A = arith.maximumf %scan3A_476, %get3A_479 : vector<16xf32>
        scf.yield %max3A : vector<16xf32>
      }
      %scan3A_291 = arith.constant 50 : i32
      %broadcast_in_dim3A_292 = arith.constant 0.000000e+00 : f32
      "tpu.trace_start"() <{level = 10 : i32, message = "softmax"}> : () -> ()
      %broadcast_in_dim3A_293 = vector.broadcast %broadcast_in_dim3A_292 : f32 to vector<16xf32>
      %scan3A_294 = arith.constant 0 : i32
      %scan3A_295 = arith.constant 50 : i32
      %scan3A_296 = arith.addi %scan3A_294, %scan3A_295 : i32
      %scan3A_297 = arith.constant 1 : i32
      %scan3A_298 = scf.for %scan3A_475 = %scan3A_294 to %scan3A_296 step %scan3A_297 iter_args(%scan3A_476 = %broadcast_in_dim3A_293) -> (vector<16xf32>)  : i32 {
        %mul3A_477 = arith.constant 16 : i32
        %mul3A_478 = arith.muli %scan3A_475, %mul3A_477 : i32
        %get3A = arith.index_cast %mul3A_478 : i32 to index
        %get3A_479 = tpu.vector_load %arg12[%get3A] {strides = array<i32>} : memref<800xf32, #tpu.memory_space<vmem>>, vector<16xf32>,
        %sub3A = arith.subf %get3A_479, %scan3A_290 : vector<16xf32>
        %exp3A = math.exp %sub3A : vector<16xf32>
        %mul3A_480 = arith.constant 16 : i32
        %mul3A_481 = arith.muli %scan3A_475, %mul3A_480 : i32
        %swap3A = arith.index_cast %mul3A_481 : i32 to index
        %swap3A_482 = tpu.vector_load %arg12[%swap3A] {strides = array<i32>} : memref<800xf32, #tpu.memory_space<vmem>>, vector<16xf32>,
        tpu.vector_store %arg12[%swap3A], %exp3A {strides = array<i32>} : memref<800xf32, #tpu.memory_space<vmem>>, vector<16xf32>,
        %add3A_483 = arith.addf %scan3A_476, %exp3A : vector<16xf32>
        scf.yield %add3A_483 : vector<16xf32>
      }
      %scan3A_299 = arith.constant 50 : i32
      "tpu.trace_stop"() : () -> ()
      %div3A_300 = arith.constant 1.000000e+00 : f32
      %div3A_301 = vector.broadcast %div3A_300 : f32 to vector<16xf32>
      %div3A_302 = arith.divf %div3A_301, %scan3A_298 : vector<16xf32>
      %broadcast_in_dim3A_303 = arith.constant 0.000000e+00 : f32
      "tpu.trace_start"() <{level = 10 : i32, message = "pass2"}> : () -> ()
      %broadcast_in_dim3A_304 = vector.broadcast %broadcast_in_dim3A_303 : f32 to vector<16xf32>
      %broadcast_in_dim3A_305 = arith.constant 0.000000e+00 : f32
      %broadcast_in_dim3A_306 = vector.broadcast %broadcast_in_dim3A_305 : f32 to vector<16xf32>
      %broadcast_in_dim3A_307 = arith.constant 0.000000e+00 : f32
      %broadcast_in_dim3A_308 = vector.broadcast %broadcast_in_dim3A_307 : f32 to vector<16xf32>
      %broadcast_in_dim3A_309 = arith.constant 0.000000e+00 : f32
      %broadcast_in_dim3A_310 = vector.broadcast %broadcast_in_dim3A_309 : f32 to vector<16xf32>
      %broadcast_in_dim3A_311 = arith.constant 0.000000e+00 : f32
      %broadcast_in_dim3A_312 = vector.broadcast %broadcast_in_dim3A_311 : f32 to vector<16xf32>
      %broadcast_in_dim3A_313 = arith.constant 0.000000e+00 : f32
      %broadcast_in_dim3A_314 = vector.broadcast %broadcast_in_dim3A_313 : f32 to vector<16xf32>
      %broadcast_in_dim3A_315 = arith.constant 0.000000e+00 : f32
      %broadcast_in_dim3A_316 = vector.broadcast %broadcast_in_dim3A_315 : f32 to vector<16xf32>
      %broadcast_in_dim3A_317 = arith.constant 0.000000e+00 : f32
      %broadcast_in_dim3A_318 = vector.broadcast %broadcast_in_dim3A_317 : f32 to vector<16xf32>
      %broadcast_in_dim3A_319 = arith.constant 0.000000e+00 : f32
      %broadcast_in_dim3A_320 = vector.broadcast %broadcast_in_dim3A_319 : f32 to vector<16xf32>
      %broadcast_in_dim3A_321 = arith.constant 0.000000e+00 : f32
      %broadcast_in_dim3A_322 = vector.broadcast %broadcast_in_dim3A_321 : f32 to vector<16xf32>
      %broadcast_in_dim3A_323 = arith.constant 0.000000e+00 : f32
      %broadcast_in_dim3A_324 = vector.broadcast %broadcast_in_dim3A_323 : f32 to vector<16xf32>
      %broadcast_in_dim3A_325 = arith.constant 0.000000e+00 : f32
      %broadcast_in_dim3A_326 = vector.broadcast %broadcast_in_dim3A_325 : f32 to vector<16xf32>
      %broadcast_in_dim3A_327 = arith.constant 0.000000e+00 : f32
      %broadcast_in_dim3A_328 = vector.broadcast %broadcast_in_dim3A_327 : f32 to vector<16xf32>
      %broadcast_in_dim3A_329 = arith.constant 0.000000e+00 : f32
      %broadcast_in_dim3A_330 = vector.broadcast %broadcast_in_dim3A_329 : f32 to vector<16xf32>
      %broadcast_in_dim3A_331 = arith.constant 0.000000e+00 : f32
      %broadcast_in_dim3A_332 = vector.broadcast %broadcast_in_dim3A_331 : f32 to vector<16xf32>
      %broadcast_in_dim3A_333 = arith.constant 0.000000e+00 : f32
      %broadcast_in_dim3A_334 = vector.broadcast %broadcast_in_dim3A_333 : f32 to vector<16xf32>
      %scan3A_335 = arith.constant 0 : i32
      %scan3A_336 = arith.constant 50 : i32
      %scan3A_337 = arith.addi %scan3A_335, %scan3A_336 : i32
      %scan3A_338 = arith.constant 1 : i32
      %scan3A_339:16 = scf.for %scan3A_475 = %scan3A_335 to %scan3A_337 step %scan3A_338 iter_args(%scan3A_476 = %broadcast_in_dim3A_304, %scan3A_477 = %broadcast_in_dim3A_306, %scan3A_478 = %broadcast_in_dim3A_308, %scan3A_479 = %broadcast_in_dim3A_310, %scan3A_480 = %broadcast_in_dim3A_312, %scan3A_481 = %broadcast_in_dim3A_314, %scan3A_482 = %broadcast_in_dim3A_316, %scan3A_483 = %broadcast_in_dim3A_318, %scan3A_484 = %broadcast_in_dim3A_320, %scan3A_485 = %broadcast_in_dim3A_322, %scan3A_486 = %broadcast_in_dim3A_324, %scan3A_487 = %broadcast_in_dim3A_326, %scan3A_488 = %broadcast_in_dim3A_328, %scan3A_489 = %broadcast_in_dim3A_330, %scan3A_490 = %broadcast_in_dim3A_332, %scan3A_491 = %broadcast_in_dim3A_334) -> (vector<16xf32>, vector<16xf32>, vector<16xf32>, vector<16xf32>, vector<16xf32>, vector<16xf32>, vector<16xf32>, vector<16xf32>, vector<16xf32>, vector<16xf32>, vector<16xf32>, vector<16xf32>, vector<16xf32>, vector<16xf32>, vector<16xf32>, vector<16xf32>)  : i32 {
        %mul3A_492 = arith.constant 544 : i32
        %mul3A_493 = arith.muli %scan3A_475, %mul3A_492 : i32
        %mul3A_494 = arith.constant 16 : i32
        %mul3A_495 = arith.muli %scan3A_475, %mul3A_494 : i32
        %get3A = arith.index_cast %mul3A_495 : i32 to index
        %get3A_496 = tpu.vector_load %arg12[%get3A] {strides = array<i32>} : memref<800xf32, #tpu.memory_space<vmem>>, vector<16xf32>,
        %add3A_497 = arith.constant 0 : i32
        %add3A_498 = arith.addi %mul3A_493, %add3A_497 : i32
        %add3A_499 = vector.broadcast %add3A_498 : i32 to vector<16xi32>
        %add3A_500 = arith.addi %iota3A, %add3A_499 : vector<16xi32>
        %gather3A_501 = tpu.vector_load_idx %arg11[%add3A_500] : memref<27199xf32, #tpu.memory_space<vmem>>[vector<16xi32>], vector<16xf32>,
        %mul3A_502 = arith.mulf %gather3A_501, %get3A_496 : vector<16xf32>
        %add3A_503 = arith.addf %scan3A_476, %mul3A_502 : vector<16xf32>
        %add3A_504 = arith.constant 17 : i32
        %add3A_505 = arith.addi %mul3A_493, %add3A_504 : i32
        %add3A_506 = vector.broadcast %add3A_505 : i32 to vector<16xi32>
        %add3A_507 = arith.addi %iota3A, %add3A_506 : vector<16xi32>
        %gather3A_508 = tpu.vector_load_idx %arg11[%add3A_507] : memref<27199xf32, #tpu.memory_space<vmem>>[vector<16xi32>], vector<16xf32>,
        %mul3A_509 = arith.mulf %gather3A_508, %get3A_496 : vector<16xf32>
        %add3A_510 = arith.addf %scan3A_477, %mul3A_509 : vector<16xf32>
        %add3A_511 = arith.constant 34 : i32
        %add3A_512 = arith.addi %mul3A_493, %add3A_511 : i32
        %add3A_513 = vector.broadcast %add3A_512 : i32 to vector<16xi32>
        %add3A_514 = arith.addi %iota3A, %add3A_513 : vector<16xi32>
        %gather3A_515 = tpu.vector_load_idx %arg11[%add3A_514] : memref<27199xf32, #tpu.memory_space<vmem>>[vector<16xi32>], vector<16xf32>,
        %mul3A_516 = arith.mulf %gather3A_515, %get3A_496 : vector<16xf32>
        %add3A_517 = arith.addf %scan3A_478, %mul3A_516 : vector<16xf32>
        %add3A_518 = arith.constant 51 : i32
        %add3A_519 = arith.addi %mul3A_493, %add3A_518 : i32
        %add3A_520 = vector.broadcast %add3A_519 : i32 to vector<16xi32>
        %add3A_521 = arith.addi %iota3A, %add3A_520 : vector<16xi32>
        %gather3A_522 = tpu.vector_load_idx %arg11[%add3A_521] : memref<27199xf32, #tpu.memory_space<vmem>>[vector<16xi32>], vector<16xf32>,
        %mul3A_523 = arith.mulf %gather3A_522, %get3A_496 : vector<16xf32>
        %add3A_524 = arith.addf %scan3A_479, %mul3A_523 : vector<16xf32>
        %add3A_525 = arith.constant 68 : i32
        %add3A_526 = arith.addi %mul3A_493, %add3A_525 : i32
        %add3A_527 = vector.broadcast %add3A_526 : i32 to vector<16xi32>
        %add3A_528 = arith.addi %iota3A, %add3A_527 : vector<16xi32>
        %gather3A_529 = tpu.vector_load_idx %arg11[%add3A_528] : memref<27199xf32, #tpu.memory_space<vmem>>[vector<16xi32>], vector<16xf32>,
        %mul3A_530 = arith.mulf %gather3A_529, %get3A_496 : vector<16xf32>
        %add3A_531 = arith.addf %scan3A_480, %mul3A_530 : vector<16xf32>
        %add3A_532 = arith.constant 85 : i32
        %add3A_533 = arith.addi %mul3A_493, %add3A_532 : i32
        %add3A_534 = vector.broadcast %add3A_533 : i32 to vector<16xi32>
        %add3A_535 = arith.addi %iota3A, %add3A_534 : vector<16xi32>
        %gather3A_536 = tpu.vector_load_idx %arg11[%add3A_535] : memref<27199xf32, #tpu.memory_space<vmem>>[vector<16xi32>], vector<16xf32>,
        %mul3A_537 = arith.mulf %gather3A_536, %get3A_496 : vector<16xf32>
        %add3A_538 = arith.addf %scan3A_481, %mul3A_537 : vector<16xf32>
        %add3A_539 = arith.constant 102 : i32
        %add3A_540 = arith.addi %mul3A_493, %add3A_539 : i32
        %add3A_541 = vector.broadcast %add3A_540 : i32 to vector<16xi32>
        %add3A_542 = arith.addi %iota3A, %add3A_541 : vector<16xi32>
        %gather3A_543 = tpu.vector_load_idx %arg11[%add3A_542] : memref<27199xf32, #tpu.memory_space<vmem>>[vector<16xi32>], vector<16xf32>,
        %mul3A_544 = arith.mulf %gather3A_543, %get3A_496 : vector<16xf32>
        %add3A_545 = arith.addf %scan3A_482, %mul3A_544 : vector<16xf32>
        %add3A_546 = arith.constant 119 : i32
        %add3A_547 = arith.addi %mul3A_493, %add3A_546 : i32
        %add3A_548 = vector.broadcast %add3A_547 : i32 to vector<16xi32>
        %add3A_549 = arith.addi %iota3A, %add3A_548 : vector<16xi32>
        %gather3A_550 = tpu.vector_load_idx %arg11[%add3A_549] : memref<27199xf32, #tpu.memory_space<vmem>>[vector<16xi32>], vector<16xf32>,
        %mul3A_551 = arith.mulf %gather3A_550, %get3A_496 : vector<16xf32>
        %add3A_552 = arith.addf %scan3A_483, %mul3A_551 : vector<16xf32>
        %add3A_553 = arith.constant 136 : i32
        %add3A_554 = arith.addi %mul3A_493, %add3A_553 : i32
        %add3A_555 = vector.broadcast %add3A_554 : i32 to vector<16xi32>
        %add3A_556 = arith.addi %iota3A, %add3A_555 : vector<16xi32>
        %gather3A_557 = tpu.vector_load_idx %arg11[%add3A_556] : memref<27199xf32, #tpu.memory_space<vmem>>[vector<16xi32>], vector<16xf32>,
        %mul3A_558 = arith.mulf %gather3A_557, %get3A_496 : vector<16xf32>
        %add3A_559 = arith.addf %scan3A_484, %mul3A_558 : vector<16xf32>
        %add3A_560 = arith.constant 153 : i32
        %add3A_561 = arith.addi %mul3A_493, %add3A_560 : i32
        %add3A_562 = vector.broadcast %add3A_561 : i32 to vector<16xi32>
        %add3A_563 = arith.addi %iota3A, %add3A_562 : vector<16xi32>
        %gather3A_564 = tpu.vector_load_idx %arg11[%add3A_563] : memref<27199xf32, #tpu.memory_space<vmem>>[vector<16xi32>], vector<16xf32>,
        %mul3A_565 = arith.mulf %gather3A_564, %get3A_496 : vector<16xf32>
        %add3A_566 = arith.addf %scan3A_485, %mul3A_565 : vector<16xf32>
        %add3A_567 = arith.constant 170 : i32
        %add3A_568 = arith.addi %mul3A_493, %add3A_567 : i32
        %add3A_569 = vector.broadcast %add3A_568 : i32 to vector<16xi32>
        %add3A_570 = arith.addi %iota3A, %add3A_569 : vector<16xi32>
        %gather3A_571 = tpu.vector_load_idx %arg11[%add3A_570] : memref<27199xf32, #tpu.memory_space<vmem>>[vector<16xi32>], vector<16xf32>,
        %mul3A_572 = arith.mulf %gather3A_571, %get3A_496 : vector<16xf32>
        %add3A_573 = arith.addf %scan3A_486, %mul3A_572 : vector<16xf32>
        %add3A_574 = arith.constant 187 : i32
        %add3A_575 = arith.addi %mul3A_493, %add3A_574 : i32
        %add3A_576 = vector.broadcast %add3A_575 : i32 to vector<16xi32>
        %add3A_577 = arith.addi %iota3A, %add3A_576 : vector<16xi32>
        %gather3A_578 = tpu.vector_load_idx %arg11[%add3A_577] : memref<27199xf32, #tpu.memory_space<vmem>>[vector<16xi32>], vector<16xf32>,
        %mul3A_579 = arith.mulf %gather3A_578, %get3A_496 : vector<16xf32>
        %add3A_580 = arith.addf %scan3A_487, %mul3A_579 : vector<16xf32>
        %add3A_581 = arith.constant 204 : i32
        %add3A_582 = arith.addi %mul3A_493, %add3A_581 : i32
        %add3A_583 = vector.broadcast %add3A_582 : i32 to vector<16xi32>
        %add3A_584 = arith.addi %iota3A, %add3A_583 : vector<16xi32>
        %gather3A_585 = tpu.vector_load_idx %arg11[%add3A_584] : memref<27199xf32, #tpu.memory_space<vmem>>[vector<16xi32>], vector<16xf32>,
        %mul3A_586 = arith.mulf %gather3A_585, %get3A_496 : vector<16xf32>
        %add3A_587 = arith.addf %scan3A_488, %mul3A_586 : vector<16xf32>
        %add3A_588 = arith.constant 221 : i32
        %add3A_589 = arith.addi %mul3A_493, %add3A_588 : i32
        %add3A_590 = vector.broadcast %add3A_589 : i32 to vector<16xi32>
        %add3A_591 = arith.addi %iota3A, %add3A_590 : vector<16xi32>
        %gather3A_592 = tpu.vector_load_idx %arg11[%add3A_591] : memref<27199xf32, #tpu.memory_space<vmem>>[vector<16xi32>], vector<16xf32>,
        %mul3A_593 = arith.mulf %gather3A_592, %get3A_496 : vector<16xf32>
        %add3A_594 = arith.addf %scan3A_489, %mul3A_593 : vector<16xf32>
        %add3A_595 = arith.constant 238 : i32
        %add3A_596 = arith.addi %mul3A_493, %add3A_595 : i32
        %add3A_597 = vector.broadcast %add3A_596 : i32 to vector<16xi32>
        %add3A_598 = arith.addi %iota3A, %add3A_597 : vector<16xi32>
        %gather3A_599 = tpu.vector_load_idx %arg11[%add3A_598] : memref<27199xf32, #tpu.memory_space<vmem>>[vector<16xi32>], vector<16xf32>,
        %mul3A_600 = arith.mulf %gather3A_599, %get3A_496 : vector<16xf32>
        %add3A_601 = arith.addf %scan3A_490, %mul3A_600 : vector<16xf32>
        %add3A_602 = arith.constant 255 : i32
        %add3A_603 = arith.addi %mul3A_493, %add3A_602 : i32
        %add3A_604 = vector.broadcast %add3A_603 : i32 to vector<16xi32>
        %add3A_605 = arith.addi %iota3A, %add3A_604 : vector<16xi32>
        %gather3A_606 = tpu.vector_load_idx %arg11[%add3A_605] : memref<27199xf32, #tpu.memory_space<vmem>>[vector<16xi32>], vector<16xf32>,
        %mul3A_607 = arith.mulf %gather3A_606, %get3A_496 : vector<16xf32>
        %add3A_608 = arith.addf %scan3A_491, %mul3A_607 : vector<16xf32>
        scf.yield %add3A_503, %add3A_510, %add3A_517, %add3A_524, %add3A_531, %add3A_538, %add3A_545, %add3A_552, %add3A_559, %add3A_566, %add3A_573, %add3A_580, %add3A_587, %add3A_594, %add3A_601, %add3A_608 : vector<16xf32>, vector<16xf32>, vector<16xf32>, vector<16xf32>, vector<16xf32>, vector<16xf32>, vector<16xf32>, vector<16xf32>, vector<16xf32>, vector<16xf32>, vector<16xf32>, vector<16xf32>, vector<16xf32>, vector<16xf32>, vector<16xf32>, vector<16xf32>
      }
      %scan3A_340 = arith.constant 50 : i32
      %broadcast_in_dim3A_341 = arith.constant 0 : i32
      "tpu.trace_stop"() : () -> ()
      %broadcast_in_dim3A_342 = vector.broadcast %broadcast_in_dim3A_341 : i32 to vector<16xi32>
      %mul3A_343 = arith.mulf %scan3A_339#0, %div3A_302 : vector<16xf32>
      tpu.vector_store_idx %arg13[%iota3A, %broadcast_in_dim3A_342], %mul3A_343 : memref<16x32xf32, #tpu.memory_space<vmem>>[vector<16xi32>, vector<16xi32>], vector<16xf32>,
      %broadcast_in_dim3A_344 = arith.constant 1 : i32
      %broadcast_in_dim3A_345 = vector.broadcast %broadcast_in_dim3A_344 : i32 to vector<16xi32>
      %mul3A_346 = arith.mulf %scan3A_339#1, %div3A_302 : vector<16xf32>
      tpu.vector_store_idx %arg13[%iota3A, %broadcast_in_dim3A_345], %mul3A_346 : memref<16x32xf32, #tpu.memory_space<vmem>>[vector<16xi32>, vector<16xi32>], vector<16xf32>,
      %broadcast_in_dim3A_347 = arith.constant 2 : i32
      %broadcast_in_dim3A_348 = vector.broadcast %broadcast_in_dim3A_347 : i32 to vector<16xi32>
      %mul3A_349 = arith.mulf %scan3A_339#2, %div3A_302 : vector<16xf32>
      tpu.vector_store_idx %arg13[%iota3A, %broadcast_in_dim3A_348], %mul3A_349 : memref<16x32xf32, #tpu.memory_space<vmem>>[vector<16xi32>, vector<16xi32>], vector<16xf32>,
      %broadcast_in_dim3A_350 = arith.constant 3 : i32
      %broadcast_in_dim3A_351 = vector.broadcast %broadcast_in_dim3A_350 : i32 to vector<16xi32>
      %mul3A_352 = arith.mulf %scan3A_339#3, %div3A_302 : vector<16xf32>
      tpu.vector_store_idx %arg13[%iota3A, %broadcast_in_dim3A_351], %mul3A_352 : memref<16x32xf32, #tpu.memory_space<vmem>>[vector<16xi32>, vector<16xi32>], vector<16xf32>,
      %broadcast_in_dim3A_353 = arith.constant 4 : i32
      %broadcast_in_dim3A_354 = vector.broadcast %broadcast_in_dim3A_353 : i32 to vector<16xi32>
      %mul3A_355 = arith.mulf %scan3A_339#4, %div3A_302 : vector<16xf32>
      tpu.vector_store_idx %arg13[%iota3A, %broadcast_in_dim3A_354], %mul3A_355 : memref<16x32xf32, #tpu.memory_space<vmem>>[vector<16xi32>, vector<16xi32>], vector<16xf32>,
      %broadcast_in_dim3A_356 = arith.constant 5 : i32
      %broadcast_in_dim3A_357 = vector.broadcast %broadcast_in_dim3A_356 : i32 to vector<16xi32>
      %mul3A_358 = arith.mulf %scan3A_339#5, %div3A_302 : vector<16xf32>
      tpu.vector_store_idx %arg13[%iota3A, %broadcast_in_dim3A_357], %mul3A_358 : memref<16x32xf32, #tpu.memory_space<vmem>>[vector<16xi32>, vector<16xi32>], vector<16xf32>,
      %broadcast_in_dim3A_359 = arith.constant 6 : i32
      %broadcast_in_dim3A_360 = vector.broadcast %broadcast_in_dim3A_359 : i32 to vector<16xi32>
      %mul3A_361 = arith.mulf %scan3A_339#6, %div3A_302 : vector<16xf32>
      tpu.vector_store_idx %arg13[%iota3A, %broadcast_in_dim3A_360], %mul3A_361 : memref<16x32xf32, #tpu.memory_space<vmem>>[vector<16xi32>, vector<16xi32>], vector<16xf32>,
      %broadcast_in_dim3A_362 = arith.constant 7 : i32
      %broadcast_in_dim3A_363 = vector.broadcast %broadcast_in_dim3A_362 : i32 to vector<16xi32>
      %mul3A_364 = arith.mulf %scan3A_339#7, %div3A_302 : vector<16xf32>
      tpu.vector_store_idx %arg13[%iota3A, %broadcast_in_dim3A_363], %mul3A_364 : memref<16x32xf32, #tpu.memory_space<vmem>>[vector<16xi32>, vector<16xi32>], vector<16xf32>,
      %broadcast_in_dim3A_365 = arith.constant 8 : i32
      %broadcast_in_dim3A_366 = vector.broadcast %broadcast_in_dim3A_365 : i32 to vector<16xi32>
      %mul3A_367 = arith.mulf %scan3A_339#8, %div3A_302 : vector<16xf32>
      tpu.vector_store_idx %arg13[%iota3A, %broadcast_in_dim3A_366], %mul3A_367 : memref<16x32xf32, #tpu.memory_space<vmem>>[vector<16xi32>, vector<16xi32>], vector<16xf32>,
      %broadcast_in_dim3A_368 = arith.constant 9 : i32
      %broadcast_in_dim3A_369 = vector.broadcast %broadcast_in_dim3A_368 : i32 to vector<16xi32>
      %mul3A_370 = arith.mulf %scan3A_339#9, %div3A_302 : vector<16xf32>
      tpu.vector_store_idx %arg13[%iota3A, %broadcast_in_dim3A_369], %mul3A_370 : memref<16x32xf32, #tpu.memory_space<vmem>>[vector<16xi32>, vector<16xi32>], vector<16xf32>,
      %broadcast_in_dim3A_371 = arith.constant 10 : i32
      %broadcast_in_dim3A_372 = vector.broadcast %broadcast_in_dim3A_371 : i32 to vector<16xi32>
      %mul3A_373 = arith.mulf %scan3A_339#10, %div3A_302 : vector<16xf32>
      tpu.vector_store_idx %arg13[%iota3A, %broadcast_in_dim3A_372], %mul3A_373 : memref<16x32xf32, #tpu.memory_space<vmem>>[vector<16xi32>, vector<16xi32>], vector<16xf32>,
      %broadcast_in_dim3A_374 = arith.constant 11 : i32
      %broadcast_in_dim3A_375 = vector.broadcast %broadcast_in_dim3A_374 : i32 to vector<16xi32>
      %mul3A_376 = arith.mulf %scan3A_339#11, %div3A_302 : vector<16xf32>
      tpu.vector_store_idx %arg13[%iota3A, %broadcast_in_dim3A_375], %mul3A_376 : memref<16x32xf32, #tpu.memory_space<vmem>>[vector<16xi32>, vector<16xi32>], vector<16xf32>,
      %broadcast_in_dim3A_377 = arith.constant 12 : i32
      %broadcast_in_dim3A_378 = vector.broadcast %broadcast_in_dim3A_377 : i32 to vector<16xi32>
      %mul3A_379 = arith.mulf %scan3A_339#12, %div3A_302 : vector<16xf32>
      tpu.vector_store_idx %arg13[%iota3A, %broadcast_in_dim3A_378], %mul3A_379 : memref<16x32xf32, #tpu.memory_space<vmem>>[vector<16xi32>, vector<16xi32>], vector<16xf32>,
      %broadcast_in_dim3A_380 = arith.constant 13 : i32
      %broadcast_in_dim3A_381 = vector.broadcast %broadcast_in_dim3A_380 : i32 to vector<16xi32>
      %mul3A_382 = arith.mulf %scan3A_339#13, %div3A_302 : vector<16xf32>
      tpu.vector_store_idx %arg13[%iota3A, %broadcast_in_dim3A_381], %mul3A_382 : memref<16x32xf32, #tpu.memory_space<vmem>>[vector<16xi32>, vector<16xi32>], vector<16xf32>,
      %broadcast_in_dim3A_383 = arith.constant 14 : i32
      %broadcast_in_dim3A_384 = vector.broadcast %broadcast_in_dim3A_383 : i32 to vector<16xi32>
      %mul3A_385 = arith.mulf %scan3A_339#14, %div3A_302 : vector<16xf32>
      tpu.vector_store_idx %arg13[%iota3A, %broadcast_in_dim3A_384], %mul3A_385 : memref<16x32xf32, #tpu.memory_space<vmem>>[vector<16xi32>, vector<16xi32>], vector<16xf32>,
      %broadcast_in_dim3A_386 = arith.constant 15 : i32
      %broadcast_in_dim3A_387 = vector.broadcast %broadcast_in_dim3A_386 : i32 to vector<16xi32>
      %mul3A_388 = arith.mulf %scan3A_339#15, %div3A_302 : vector<16xf32>
      tpu.vector_store_idx %arg13[%iota3A, %broadcast_in_dim3A_387], %mul3A_388 : memref<16x32xf32, #tpu.memory_space<vmem>>[vector<16xi32>, vector<16xi32>], vector<16xf32>,
      %broadcast_in_dim3A_389 = arith.constant 0.000000e+00 : f32
      "tpu.trace_start"() <{level = 10 : i32, message = "pass2"}> : () -> ()
      %broadcast_in_dim3A_390 = vector.broadcast %broadcast_in_dim3A_389 : f32 to vector<16xf32>
      %broadcast_in_dim3A_391 = arith.constant 0.000000e+00 : f32
      %broadcast_in_dim3A_392 = vector.broadcast %broadcast_in_dim3A_391 : f32 to vector<16xf32>
      %broadcast_in_dim3A_393 = arith.constant 0.000000e+00 : f32
      %broadcast_in_dim3A_394 = vector.broadcast %broadcast_in_dim3A_393 : f32 to vector<16xf32>
      %broadcast_in_dim3A_395 = arith.constant 0.000000e+00 : f32
      %broadcast_in_dim3A_396 = vector.broadcast %broadcast_in_dim3A_395 : f32 to vector<16xf32>
      %broadcast_in_dim3A_397 = arith.constant 0.000000e+00 : f32
      %broadcast_in_dim3A_398 = vector.broadcast %broadcast_in_dim3A_397 : f32 to vector<16xf32>
      %broadcast_in_dim3A_399 = arith.constant 0.000000e+00 : f32
      %broadcast_in_dim3A_400 = vector.broadcast %broadcast_in_dim3A_399 : f32 to vector<16xf32>
      %broadcast_in_dim3A_401 = arith.constant 0.000000e+00 : f32
      %broadcast_in_dim3A_402 = vector.broadcast %broadcast_in_dim3A_401 : f32 to vector<16xf32>
      %broadcast_in_dim3A_403 = arith.constant 0.000000e+00 : f32
      %broadcast_in_dim3A_404 = vector.broadcast %broadcast_in_dim3A_403 : f32 to vector<16xf32>
      %broadcast_in_dim3A_405 = arith.constant 0.000000e+00 : f32
      %broadcast_in_dim3A_406 = vector.broadcast %broadcast_in_dim3A_405 : f32 to vector<16xf32>
      %broadcast_in_dim3A_407 = arith.constant 0.000000e+00 : f32
      %broadcast_in_dim3A_408 = vector.broadcast %broadcast_in_dim3A_407 : f32 to vector<16xf32>
      %broadcast_in_dim3A_409 = arith.constant 0.000000e+00 : f32
      %broadcast_in_dim3A_410 = vector.broadcast %broadcast_in_dim3A_409 : f32 to vector<16xf32>
      %broadcast_in_dim3A_411 = arith.constant 0.000000e+00 : f32
      %broadcast_in_dim3A_412 = vector.broadcast %broadcast_in_dim3A_411 : f32 to vector<16xf32>
      %broadcast_in_dim3A_413 = arith.constant 0.000000e+00 : f32
      %broadcast_in_dim3A_414 = vector.broadcast %broadcast_in_dim3A_413 : f32 to vector<16xf32>
      %broadcast_in_dim3A_415 = arith.constant 0.000000e+00 : f32
      %broadcast_in_dim3A_416 = vector.broadcast %broadcast_in_dim3A_415 : f32 to vector<16xf32>
      %broadcast_in_dim3A_417 = arith.constant 0.000000e+00 : f32
      %broadcast_in_dim3A_418 = vector.broadcast %broadcast_in_dim3A_417 : f32 to vector<16xf32>
      %broadcast_in_dim3A_419 = arith.constant 0.000000e+00 : f32
      %broadcast_in_dim3A_420 = vector.broadcast %broadcast_in_dim3A_419 : f32 to vector<16xf32>
      %scan3A_421 = arith.constant 0 : i32
      %scan3A_422 = arith.constant 50 : i32
      %scan3A_423 = arith.addi %scan3A_421, %scan3A_422 : i32
      %scan3A_424 = arith.constant 1 : i32
      %scan3A_425:16 = scf.for %scan3A_475 = %scan3A_421 to %scan3A_423 step %scan3A_424 iter_args(%scan3A_476 = %broadcast_in_dim3A_390, %scan3A_477 = %broadcast_in_dim3A_392, %scan3A_478 = %broadcast_in_dim3A_394, %scan3A_479 = %broadcast_in_dim3A_396, %scan3A_480 = %broadcast_in_dim3A_398, %scan3A_481 = %broadcast_in_dim3A_400, %scan3A_482 = %broadcast_in_dim3A_402, %scan3A_483 = %broadcast_in_dim3A_404, %scan3A_484 = %broadcast_in_dim3A_406, %scan3A_485 = %broadcast_in_dim3A_408, %scan3A_486 = %broadcast_in_dim3A_410, %scan3A_487 = %broadcast_in_dim3A_412, %scan3A_488 = %broadcast_in_dim3A_414, %scan3A_489 = %broadcast_in_dim3A_416, %scan3A_490 = %broadcast_in_dim3A_418, %scan3A_491 = %broadcast_in_dim3A_420) -> (vector<16xf32>, vector<16xf32>, vector<16xf32>, vector<16xf32>, vector<16xf32>, vector<16xf32>, vector<16xf32>, vector<16xf32>, vector<16xf32>, vector<16xf32>, vector<16xf32>, vector<16xf32>, vector<16xf32>, vector<16xf32>, vector<16xf32>, vector<16xf32>)  : i32 {
        %mul3A_492 = arith.constant 544 : i32
        %mul3A_493 = arith.muli %scan3A_475, %mul3A_492 : i32
        %mul3A_494 = arith.constant 16 : i32
        %mul3A_495 = arith.muli %scan3A_475, %mul3A_494 : i32
        %get3A = arith.index_cast %mul3A_495 : i32 to index
        %get3A_496 = tpu.vector_load %arg12[%get3A] {strides = array<i32>} : memref<800xf32, #tpu.memory_space<vmem>>, vector<16xf32>,
        %add3A_497 = arith.constant 272 : i32
        %add3A_498 = arith.addi %mul3A_493, %add3A_497 : i32
        %add3A_499 = vector.broadcast %add3A_498 : i32 to vector<16xi32>
        %add3A_500 = arith.addi %iota3A, %add3A_499 : vector<16xi32>
        %gather3A_501 = tpu.vector_load_idx %arg11[%add3A_500] : memref<27199xf32, #tpu.memory_space<vmem>>[vector<16xi32>], vector<16xf32>,
        %mul3A_502 = arith.mulf %gather3A_501, %get3A_496 : vector<16xf32>
        %add3A_503 = arith.addf %scan3A_476, %mul3A_502 : vector<16xf32>
        %add3A_504 = arith.constant 289 : i32
        %add3A_505 = arith.addi %mul3A_493, %add3A_504 : i32
        %add3A_506 = vector.broadcast %add3A_505 : i32 to vector<16xi32>
        %add3A_507 = arith.addi %iota3A, %add3A_506 : vector<16xi32>
        %gather3A_508 = tpu.vector_load_idx %arg11[%add3A_507] : memref<27199xf32, #tpu.memory_space<vmem>>[vector<16xi32>], vector<16xf32>,
        %mul3A_509 = arith.mulf %gather3A_508, %get3A_496 : vector<16xf32>
        %add3A_510 = arith.addf %scan3A_477, %mul3A_509 : vector<16xf32>
        %add3A_511 = arith.constant 306 : i32
        %add3A_512 = arith.addi %mul3A_493, %add3A_511 : i32
        %add3A_513 = vector.broadcast %add3A_512 : i32 to vector<16xi32>
        %add3A_514 = arith.addi %iota3A, %add3A_513 : vector<16xi32>
        %gather3A_515 = tpu.vector_load_idx %arg11[%add3A_514] : memref<27199xf32, #tpu.memory_space<vmem>>[vector<16xi32>], vector<16xf32>,
        %mul3A_516 = arith.mulf %gather3A_515, %get3A_496 : vector<16xf32>
        %add3A_517 = arith.addf %scan3A_478, %mul3A_516 : vector<16xf32>
        %add3A_518 = arith.constant 323 : i32
        %add3A_519 = arith.addi %mul3A_493, %add3A_518 : i32
        %add3A_520 = vector.broadcast %add3A_519 : i32 to vector<16xi32>
        %add3A_521 = arith.addi %iota3A, %add3A_520 : vector<16xi32>
        %gather3A_522 = tpu.vector_load_idx %arg11[%add3A_521] : memref<27199xf32, #tpu.memory_space<vmem>>[vector<16xi32>], vector<16xf32>,
        %mul3A_523 = arith.mulf %gather3A_522, %get3A_496 : vector<16xf32>
        %add3A_524 = arith.addf %scan3A_479, %mul3A_523 : vector<16xf32>
        %add3A_525 = arith.constant 340 : i32
        %add3A_526 = arith.addi %mul3A_493, %add3A_525 : i32
        %add3A_527 = vector.broadcast %add3A_526 : i32 to vector<16xi32>
        %add3A_528 = arith.addi %iota3A, %add3A_527 : vector<16xi32>
        %gather3A_529 = tpu.vector_load_idx %arg11[%add3A_528] : memref<27199xf32, #tpu.memory_space<vmem>>[vector<16xi32>], vector<16xf32>,
        %mul3A_530 = arith.mulf %gather3A_529, %get3A_496 : vector<16xf32>
        %add3A_531 = arith.addf %scan3A_480, %mul3A_530 : vector<16xf32>
        %add3A_532 = arith.constant 357 : i32
        %add3A_533 = arith.addi %mul3A_493, %add3A_532 : i32
        %add3A_534 = vector.broadcast %add3A_533 : i32 to vector<16xi32>
        %add3A_535 = arith.addi %iota3A, %add3A_534 : vector<16xi32>
        %gather3A_536 = tpu.vector_load_idx %arg11[%add3A_535] : memref<27199xf32, #tpu.memory_space<vmem>>[vector<16xi32>], vector<16xf32>,
        %mul3A_537 = arith.mulf %gather3A_536, %get3A_496 : vector<16xf32>
        %add3A_538 = arith.addf %scan3A_481, %mul3A_537 : vector<16xf32>
        %add3A_539 = arith.constant 374 : i32
        %add3A_540 = arith.addi %mul3A_493, %add3A_539 : i32
        %add3A_541 = vector.broadcast %add3A_540 : i32 to vector<16xi32>
        %add3A_542 = arith.addi %iota3A, %add3A_541 : vector<16xi32>
        %gather3A_543 = tpu.vector_load_idx %arg11[%add3A_542] : memref<27199xf32, #tpu.memory_space<vmem>>[vector<16xi32>], vector<16xf32>,
        %mul3A_544 = arith.mulf %gather3A_543, %get3A_496 : vector<16xf32>
        %add3A_545 = arith.addf %scan3A_482, %mul3A_544 : vector<16xf32>
        %add3A_546 = arith.constant 391 : i32
        %add3A_547 = arith.addi %mul3A_493, %add3A_546 : i32
        %add3A_548 = vector.broadcast %add3A_547 : i32 to vector<16xi32>
        %add3A_549 = arith.addi %iota3A, %add3A_548 : vector<16xi32>
        %gather3A_550 = tpu.vector_load_idx %arg11[%add3A_549] : memref<27199xf32, #tpu.memory_space<vmem>>[vector<16xi32>], vector<16xf32>,
        %mul3A_551 = arith.mulf %gather3A_550, %get3A_496 : vector<16xf32>
        %add3A_552 = arith.addf %scan3A_483, %mul3A_551 : vector<16xf32>
        %add3A_553 = arith.constant 408 : i32
        %add3A_554 = arith.addi %mul3A_493, %add3A_553 : i32
        %add3A_555 = vector.broadcast %add3A_554 : i32 to vector<16xi32>
        %add3A_556 = arith.addi %iota3A, %add3A_555 : vector<16xi32>
        %gather3A_557 = tpu.vector_load_idx %arg11[%add3A_556] : memref<27199xf32, #tpu.memory_space<vmem>>[vector<16xi32>], vector<16xf32>,
        %mul3A_558 = arith.mulf %gather3A_557, %get3A_496 : vector<16xf32>
        %add3A_559 = arith.addf %scan3A_484, %mul3A_558 : vector<16xf32>
        %add3A_560 = arith.constant 425 : i32
        %add3A_561 = arith.addi %mul3A_493, %add3A_560 : i32
        %add3A_562 = vector.broadcast %add3A_561 : i32 to vector<16xi32>
        %add3A_563 = arith.addi %iota3A, %add3A_562 : vector<16xi32>
        %gather3A_564 = tpu.vector_load_idx %arg11[%add3A_563] : memref<27199xf32, #tpu.memory_space<vmem>>[vector<16xi32>], vector<16xf32>,
        %mul3A_565 = arith.mulf %gather3A_564, %get3A_496 : vector<16xf32>
        %add3A_566 = arith.addf %scan3A_485, %mul3A_565 : vector<16xf32>
        %add3A_567 = arith.constant 442 : i32
        %add3A_568 = arith.addi %mul3A_493, %add3A_567 : i32
        %add3A_569 = vector.broadcast %add3A_568 : i32 to vector<16xi32>
        %add3A_570 = arith.addi %iota3A, %add3A_569 : vector<16xi32>
        %gather3A_571 = tpu.vector_load_idx %arg11[%add3A_570] : memref<27199xf32, #tpu.memory_space<vmem>>[vector<16xi32>], vector<16xf32>,
        %mul3A_572 = arith.mulf %gather3A_571, %get3A_496 : vector<16xf32>
        %add3A_573 = arith.addf %scan3A_486, %mul3A_572 : vector<16xf32>
        %add3A_574 = arith.constant 459 : i32
        %add3A_575 = arith.addi %mul3A_493, %add3A_574 : i32
        %add3A_576 = vector.broadcast %add3A_575 : i32 to vector<16xi32>
        %add3A_577 = arith.addi %iota3A, %add3A_576 : vector<16xi32>
        %gather3A_578 = tpu.vector_load_idx %arg11[%add3A_577] : memref<27199xf32, #tpu.memory_space<vmem>>[vector<16xi32>], vector<16xf32>,
        %mul3A_579 = arith.mulf %gather3A_578, %get3A_496 : vector<16xf32>
        %add3A_580 = arith.addf %scan3A_487, %mul3A_579 : vector<16xf32>
        %add3A_581 = arith.constant 476 : i32
        %add3A_582 = arith.addi %mul3A_493, %add3A_581 : i32
        %add3A_583 = vector.broadcast %add3A_582 : i32 to vector<16xi32>
        %add3A_584 = arith.addi %iota3A, %add3A_583 : vector<16xi32>
        %gather3A_585 = tpu.vector_load_idx %arg11[%add3A_584] : memref<27199xf32, #tpu.memory_space<vmem>>[vector<16xi32>], vector<16xf32>,
        %mul3A_586 = arith.mulf %gather3A_585, %get3A_496 : vector<16xf32>
        %add3A_587 = arith.addf %scan3A_488, %mul3A_586 : vector<16xf32>
        %add3A_588 = arith.constant 493 : i32
        %add3A_589 = arith.addi %mul3A_493, %add3A_588 : i32
        %add3A_590 = vector.broadcast %add3A_589 : i32 to vector<16xi32>
        %add3A_591 = arith.addi %iota3A, %add3A_590 : vector<16xi32>
        %gather3A_592 = tpu.vector_load_idx %arg11[%add3A_591] : memref<27199xf32, #tpu.memory_space<vmem>>[vector<16xi32>], vector<16xf32>,
        %mul3A_593 = arith.mulf %gather3A_592, %get3A_496 : vector<16xf32>
        %add3A_594 = arith.addf %scan3A_489, %mul3A_593 : vector<16xf32>
        %add3A_595 = arith.constant 510 : i32
        %add3A_596 = arith.addi %mul3A_493, %add3A_595 : i32
        %add3A_597 = vector.broadcast %add3A_596 : i32 to vector<16xi32>
        %add3A_598 = arith.addi %iota3A, %add3A_597 : vector<16xi32>
        %gather3A_599 = tpu.vector_load_idx %arg11[%add3A_598] : memref<27199xf32, #tpu.memory_space<vmem>>[vector<16xi32>], vector<16xf32>,
        %mul3A_600 = arith.mulf %gather3A_599, %get3A_496 : vector<16xf32>
        %add3A_601 = arith.addf %scan3A_490, %mul3A_600 : vector<16xf32>
        %add3A_602 = arith.constant 527 : i32
        %add3A_603 = arith.addi %mul3A_493, %add3A_602 : i32
        %add3A_604 = vector.broadcast %add3A_603 : i32 to vector<16xi32>
        %add3A_605 = arith.addi %iota3A, %add3A_604 : vector<16xi32>
        %gather3A_606 = tpu.vector_load_idx %arg11[%add3A_605] : memref<27199xf32, #tpu.memory_space<vmem>>[vector<16xi32>], vector<16xf32>,
        %mul3A_607 = arith.mulf %gather3A_606, %get3A_496 : vector<16xf32>
        %add3A_608 = arith.addf %scan3A_491, %mul3A_607 : vector<16xf32>
        scf.yield %add3A_503, %add3A_510, %add3A_517, %add3A_524, %add3A_531, %add3A_538, %add3A_545, %add3A_552, %add3A_559, %add3A_566, %add3A_573, %add3A_580, %add3A_587, %add3A_594, %add3A_601, %add3A_608 : vector<16xf32>, vector<16xf32>, vector<16xf32>, vector<16xf32>, vector<16xf32>, vector<16xf32>, vector<16xf32>, vector<16xf32>, vector<16xf32>, vector<16xf32>, vector<16xf32>, vector<16xf32>, vector<16xf32>, vector<16xf32>, vector<16xf32>, vector<16xf32>
      }
      %scan3A_426 = arith.constant 50 : i32
      %broadcast_in_dim3A_427 = arith.constant 16 : i32
      "tpu.trace_stop"() : () -> ()
      %broadcast_in_dim3A_428 = vector.broadcast %broadcast_in_dim3A_427 : i32 to vector<16xi32>
      %mul3A_429 = arith.mulf %scan3A_425#0, %div3A_302 : vector<16xf32>
      tpu.vector_store_idx %arg13[%iota3A, %broadcast_in_dim3A_428], %mul3A_429 : memref<16x32xf32, #tpu.memory_space<vmem>>[vector<16xi32>, vector<16xi32>], vector<16xf32>,
      %broadcast_in_dim3A_430 = arith.constant 17 : i32
      %broadcast_in_dim3A_431 = vector.broadcast %broadcast_in_dim3A_430 : i32 to vector<16xi32>
      %mul3A_432 = arith.mulf %scan3A_425#1, %div3A_302 : vector<16xf32>
      tpu.vector_store_idx %arg13[%iota3A, %broadcast_in_dim3A_431], %mul3A_432 : memref<16x32xf32, #tpu.memory_space<vmem>>[vector<16xi32>, vector<16xi32>], vector<16xf32>,
      %broadcast_in_dim3A_433 = arith.constant 18 : i32
      %broadcast_in_dim3A_434 = vector.broadcast %broadcast_in_dim3A_433 : i32 to vector<16xi32>
      %mul3A_435 = arith.mulf %scan3A_425#2, %div3A_302 : vector<16xf32>
      tpu.vector_store_idx %arg13[%iota3A, %broadcast_in_dim3A_434], %mul3A_435 : memref<16x32xf32, #tpu.memory_space<vmem>>[vector<16xi32>, vector<16xi32>], vector<16xf32>,
      %broadcast_in_dim3A_436 = arith.constant 19 : i32
      %broadcast_in_dim3A_437 = vector.broadcast %broadcast_in_dim3A_436 : i32 to vector<16xi32>
      %mul3A_438 = arith.mulf %scan3A_425#3, %div3A_302 : vector<16xf32>
      tpu.vector_store_idx %arg13[%iota3A, %broadcast_in_dim3A_437], %mul3A_438 : memref<16x32xf32, #tpu.memory_space<vmem>>[vector<16xi32>, vector<16xi32>], vector<16xf32>,
      %broadcast_in_dim3A_439 = arith.constant 20 : i32
      %broadcast_in_dim3A_440 = vector.broadcast %broadcast_in_dim3A_439 : i32 to vector<16xi32>
      %mul3A_441 = arith.mulf %scan3A_425#4, %div3A_302 : vector<16xf32>
      tpu.vector_store_idx %arg13[%iota3A, %broadcast_in_dim3A_440], %mul3A_441 : memref<16x32xf32, #tpu.memory_space<vmem>>[vector<16xi32>, vector<16xi32>], vector<16xf32>,
      %broadcast_in_dim3A_442 = arith.constant 21 : i32
      %broadcast_in_dim3A_443 = vector.broadcast %broadcast_in_dim3A_442 : i32 to vector<16xi32>
      %mul3A_444 = arith.mulf %scan3A_425#5, %div3A_302 : vector<16xf32>
      tpu.vector_store_idx %arg13[%iota3A, %broadcast_in_dim3A_443], %mul3A_444 : memref<16x32xf32, #tpu.memory_space<vmem>>[vector<16xi32>, vector<16xi32>], vector<16xf32>,
      %broadcast_in_dim3A_445 = arith.constant 22 : i32
      %broadcast_in_dim3A_446 = vector.broadcast %broadcast_in_dim3A_445 : i32 to vector<16xi32>
      %mul3A_447 = arith.mulf %scan3A_425#6, %div3A_302 : vector<16xf32>
      tpu.vector_store_idx %arg13[%iota3A, %broadcast_in_dim3A_446], %mul3A_447 : memref<16x32xf32, #tpu.memory_space<vmem>>[vector<16xi32>, vector<16xi32>], vector<16xf32>,
      %broadcast_in_dim3A_448 = arith.constant 23 : i32
      %broadcast_in_dim3A_449 = vector.broadcast %broadcast_in_dim3A_448 : i32 to vector<16xi32>
      %mul3A_450 = arith.mulf %scan3A_425#7, %div3A_302 : vector<16xf32>
      tpu.vector_store_idx %arg13[%iota3A, %broadcast_in_dim3A_449], %mul3A_450 : memref<16x32xf32, #tpu.memory_space<vmem>>[vector<16xi32>, vector<16xi32>], vector<16xf32>,
      %broadcast_in_dim3A_451 = arith.constant 24 : i32
      %broadcast_in_dim3A_452 = vector.broadcast %broadcast_in_dim3A_451 : i32 to vector<16xi32>
      %mul3A_453 = arith.mulf %scan3A_425#8, %div3A_302 : vector<16xf32>
      tpu.vector_store_idx %arg13[%iota3A, %broadcast_in_dim3A_452], %mul3A_453 : memref<16x32xf32, #tpu.memory_space<vmem>>[vector<16xi32>, vector<16xi32>], vector<16xf32>,
      %broadcast_in_dim3A_454 = arith.constant 25 : i32
      %broadcast_in_dim3A_455 = vector.broadcast %broadcast_in_dim3A_454 : i32 to vector<16xi32>
      %mul3A_456 = arith.mulf %scan3A_425#9, %div3A_302 : vector<16xf32>
      tpu.vector_store_idx %arg13[%iota3A, %broadcast_in_dim3A_455], %mul3A_456 : memref<16x32xf32, #tpu.memory_space<vmem>>[vector<16xi32>, vector<16xi32>], vector<16xf32>,
      %broadcast_in_dim3A_457 = arith.constant 26 : i32
      %broadcast_in_dim3A_458 = vector.broadcast %broadcast_in_dim3A_457 : i32 to vector<16xi32>
      %mul3A_459 = arith.mulf %scan3A_425#10, %div3A_302 : vector<16xf32>
      tpu.vector_store_idx %arg13[%iota3A, %broadcast_in_dim3A_458], %mul3A_459 : memref<16x32xf32, #tpu.memory_space<vmem>>[vector<16xi32>, vector<16xi32>], vector<16xf32>,
      %broadcast_in_dim3A_460 = arith.constant 27 : i32
      %broadcast_in_dim3A_461 = vector.broadcast %broadcast_in_dim3A_460 : i32 to vector<16xi32>
      %mul3A_462 = arith.mulf %scan3A_425#11, %div3A_302 : vector<16xf32>
      tpu.vector_store_idx %arg13[%iota3A, %broadcast_in_dim3A_461], %mul3A_462 : memref<16x32xf32, #tpu.memory_space<vmem>>[vector<16xi32>, vector<16xi32>], vector<16xf32>,
      %broadcast_in_dim3A_463 = arith.constant 28 : i32
      %broadcast_in_dim3A_464 = vector.broadcast %broadcast_in_dim3A_463 : i32 to vector<16xi32>
      %mul3A_465 = arith.mulf %scan3A_425#12, %div3A_302 : vector<16xf32>
      tpu.vector_store_idx %arg13[%iota3A, %broadcast_in_dim3A_464], %mul3A_465 : memref<16x32xf32, #tpu.memory_space<vmem>>[vector<16xi32>, vector<16xi32>], vector<16xf32>,
      %broadcast_in_dim3A_466 = arith.constant 29 : i32
      %broadcast_in_dim3A_467 = vector.broadcast %broadcast_in_dim3A_466 : i32 to vector<16xi32>
      %mul3A_468 = arith.mulf %scan3A_425#13, %div3A_302 : vector<16xf32>
      tpu.vector_store_idx %arg13[%iota3A, %broadcast_in_dim3A_467], %mul3A_468 : memref<16x32xf32, #tpu.memory_space<vmem>>[vector<16xi32>, vector<16xi32>], vector<16xf32>,
      %broadcast_in_dim3A_469 = arith.constant 30 : i32
      %broadcast_in_dim3A_470 = vector.broadcast %broadcast_in_dim3A_469 : i32 to vector<16xi32>
      %mul3A_471 = arith.mulf %scan3A_425#14, %div3A_302 : vector<16xf32>
      tpu.vector_store_idx %arg13[%iota3A, %broadcast_in_dim3A_470], %mul3A_471 : memref<16x32xf32, #tpu.memory_space<vmem>>[vector<16xi32>, vector<16xi32>], vector<16xf32>,
      %broadcast_in_dim3A_472 = arith.constant 31 : i32
      %broadcast_in_dim3A_473 = vector.broadcast %broadcast_in_dim3A_472 : i32 to vector<16xi32>
      %mul3A_474 = arith.mulf %scan3A_425#15, %div3A_302 : vector<16xf32>
      tpu.vector_store_idx %arg13[%iota3A, %broadcast_in_dim3A_473], %mul3A_474 : memref<16x32xf32, #tpu.memory_space<vmem>>[vector<16xi32>, vector<16xi32>], vector<16xf32>,
      "tpu.region"() ({
        %run_scoped3A = tpu.sem_alloc : memref<!tpu.dma_semaphore, #tpu.memory_space<semaphore_mem>>
        %dma_start3A_475 = arith.constant 0 : i32
        %dma_start3A_476 = tpu.memref_slice %arg5[%add3A_263, %dma_start3A_475] : memref<16384x32xf32, #tpu.memory_space<hbm>> -> memref<16x32xf32, #tpu.memory_space<hbm>>
        %dma_start3A_477 = arith.constant 0 : i32
        %dma_start3A_478 = tpu.memref_slice %arg5[%add3A_263, %dma_start3A_477] : memref<16384x32xf32, #tpu.memory_space<hbm>> -> memref<16x32xf32, #tpu.memory_space<hbm>>
        tpu.enqueue_dma source(%arg13 : memref<16x32xf32, #tpu.memory_space<vmem>>) target(%dma_start3A_478 : memref<16x32xf32, #tpu.memory_space<hbm>>) target_semaphore(%run_scoped3A : memref<!tpu.dma_semaphore, #tpu.memory_space<semaphore_mem>>)
        %dma_wait3A_479 = arith.constant 0 : i32
        %dma_wait3A_480 = tpu.memref_slice %arg5[%add3A_263, %dma_wait3A_479] : memref<16384x32xf32, #tpu.memory_space<hbm>> -> memref<16x32xf32, #tpu.memory_space<hbm>>
        %dma_wait3A_481 = arith.constant 0 : i32
        %dma_wait3A_482 = tpu.memref_slice %arg5[%add3A_263, %dma_wait3A_481] : memref<16384x32xf32, #tpu.memory_space<hbm>> -> memref<16x32xf32, #tpu.memory_space<hbm>>
        tpu.wait_dma2 semaphore(%run_scoped3A : memref<!tpu.dma_semaphore, #tpu.memory_space<semaphore_mem>>) src(%arg13 : memref<16x32xf32, #tpu.memory_space<vmem>>) dst(%dma_wait3A_482 : memref<16x32xf32, #tpu.memory_space<hbm>>)
        tpu.yield
      }) : () -> ()
    }
    %scan3A_28 = arith.constant 16 : i32
    return
  }
}

</mosaic_0001>

<sc_bundles>
// kernel: kernel.3.cloned.1.call-start
scs
__scs_entry_jumppad:
0x0: {  	(pc) =	sbr.rel $0x88, $3  }
0x1: {  	(tag) =	ssettag $0x0;
	lr =	simm.s32 $0x1  }
0x2: {  	[smem:$0x3F9E] =	sst lr;
	_ =	strace $0xD0000000  }
0x3: {  	_ = 	snop  }
0x4: {  	_ = 	snop  }
0x5: {  	_ = 	snop  }
0x6: {  	_ = 	snop  }
0x7: {  	_ = 	snop  }
__scs_overlays_trampoline_lowered:
0x8: {  	[smem:$0x3FAD] =	sst s0  }
0x9: {  	[smem:$0x3FAE] =	sst s1  }
0xa: {  	[smem:$0x3FAF] =	sst s2  }
0xb: {  	[smem:$0x3FB0] =	sst s3  }
0xc: {  	[smem:$0x3FB1] =	sst s4  }
0xd: {  	[smem:$0x3FB2] =	sst s5  }
0xe: {  	[smem:$0x3FB3] =	sst s6  }
0xf: {  	[smem:$0x3FB4] =	sst s7  }
0x10: {  	[smem:$0x3FB5] =	sst s8  }
0x11: {  	[smem:$0x3FB6] =	sst s9;
	s0 =	simm.s32 @!p0 $0x0  }
0x12: {  	s1 =	sld [smem:$0x3F9C];
	s0 =	simm.s32 @p0 $0x1  }
0x13: {  	[smem:$0x3FB7] =	sst s0;
	s0 =	simm.s32 @!p1 $0x0  }
0x14: {  	s2 =	sld [smem:$0x3F9B];
	s0 =	simm.s32 @p1 $0x1  }
0x15: {  	[smem:$0x3FB8] =	sst s0;
	s0 =	simm.s32 @!p2 $0x0  }
0x16: {  	s3 =	sld [smem:$0x3FDB];
	s0 =	simm.s32 @p2 $0x1  }
0x17: {  	s4 =	simm.s32 $0x1BF5;
	[smem:$0x3FBA] =	sst s0  }
0x18: {  	s0 =	sld [smem:$0x3F9D];
	_ =	swait.ge [sflag:s4], $0x0  }
0x19: {  	s7 =	sld [smem:$0x3F9E]  }
0x1a: {  	s8 =	sadd.s32 $0xFFFFE003, lr  }
0x1b: {  	s9 =	sadd.s32 $0xFFFFFEF7, lr;
	s5 =	simm.s32 $0xFFFFFFFF;
	p2 =	slt.u32 s8, $0xFFFFF086  }
0x1c: {  	p1 =	slt.u32 s9, $0xF7A;
	s5 =	simm.s32 @!p2 $0x0  }
0x1d: {  	s5 =	simm.s32 @p1 $0x1;
	p0 =	seq.s32 s7, s2  }
0x1e: {  	s7 =	smul.u32 @!p0 $0xF7A, s2;
	p2 =	seq.s32 @!p0 s5, $0x0  }
0x1f: {  	s9 =	smul.u32 $0xF7A, s1;
	s8 =	simm.s32 @!p0 $0x1BF5;
	p2 =	por !p2, p0  }
0x20: {  	[sflag:s8] =	ssyncset.s32 @!p0 $0xFFFFF086;
	s6 =	sadd.s32 @!p0 s3, s7;
	s7 =	simm.s32 @!p0 $0x108  }
0x21: {  	s3 =	sadd.s32 s3, s9;
	s6 =	sadd.s32 @!p0 $0x88, s6;
	s7 =	simm.s32 @p2 $0x1082  }
0x22: {  	[simem:s7], [sflag:s8] =	dma.local @!p0 [hbm:s6], $0xF7A  }
0x23: {  	s9 =	sor.u32 $0xD0000000, s2;
	s6 =	simm.s32 $0x108;
	_ =	swait.ge @!p0 [sflag:s8], $0x0  }
0x24: {  	s3 =	sadd.s32 $0x88, s3;
	s6 =	simm.s32 @!p1 $0x1082;
	[sflag:s4] =	ssyncset.s32 $0xFFFFF086  }
0x25: {  	[simem:s6], [sflag:s4] =	dma.local [hbm:s3], $0xF7A  }
0x26: {  	[smem:$0x3F9E] =	sst s1;
	(tag) =	ssettag s2;
	_ =	strace s9  }
0x27: {  	s1 =	sld [smem:$0x3FAE]  }
0x28: {  	s2 =	sld [smem:$0x3FAF]  }
0x29: {  	s4 =	sld [smem:$0x3FB1]  }
0x2a: {  	p0 =	seq.s32 s5, $0x0;
	s5 =	sld [smem:$0x3FB2]  }
0x2b: {  	s6 =	sld [smem:$0x3FB3]  }
0x2c: {  	s7 =	sld [smem:$0x3FB4]  }
0x2d: {  	s3 =	simm.s32 $0x108;
	s8 =	sld [smem:$0x3FB5]  }
0x2e: {  	s3 =	simm.s32 @!p0 $0x1082;
	s9 =	sld [smem:$0x3FB6]  }
0x2f: {  	lr =	sadd.s32 s0, s3;
	s0 =	sld [smem:$0x3FAD]  }
0x30: {  	s3 =	sld [smem:$0x3FB0]  }
0x31: {  	[smem:$0x3FB9] =	sst s10  }
0x32: {  	s10 =	sld [smem:$0x3FB7];
	_ =	sdelay $0x3  }
0x33: {  	p0 =	seq.s32 s10, $0x1;
	s10 =	sld [smem:$0x3FB9];
	_ =	sdelay $0x3  }
0x34: {  	[smem:$0x3FB9] =	sst s10  }
0x35: {  	s10 =	sld [smem:$0x3FB8];
	_ =	sdelay $0x3  }
0x36: {  	p1 =	seq.s32 s10, $0x1;
	s10 =	sld [smem:$0x3FB9];
	_ =	sdelay $0x3  }
0x37: {  	[smem:$0x3FB9] =	sst s10  }
0x38: {  	s10 =	sld [smem:$0x3FBA]  }
0x39: {  	_ = 	snop;
	(pc) =	sbr.ind lr, $3  }
0x3a: {  	_ = 	snop  }
0x3b: {  	_ = 	snop  }
0x3c: {  	p2 =	seq.s32 s10, $0x1;
	s10 =	sld [smem:$0x3FB9]  }
0x3d: {  	_ =	shalt  }
0x3e: {  	_ =	shalt  }
0x3f: {  	_ =	shalt  }
0x40: {  	_ =	shalt  }
0x41: {  	_ =	shalt  }
0x42: {  	_ =	shalt  }
0x43: {  	_ =	shalt  }
0x44: {  	_ =	shalt  }
0x45: {  	_ =	shalt  }
0x46: {  	_ =	shalt  }
0x47: {  	_ =	shalt  }
0x48: {  	_ =	shalt  }
0x49: {  	_ =	shalt  }
0x4a: {  	_ =	shalt  }
0x4b: {  	_ =	shalt  }
0x4c: {  	_ =	shalt  }
0x4d: {  	_ =	shalt  }
0x4e: {  	_ =	shalt  }
0x4f: {  	_ =	shalt  }
0x50: {  	_ =	shalt  }
0x51: {  	_ =	shalt  }
0x52: {  	_ =	shalt  }
0x53: {  	_ =	shalt  }
0x54: {  	_ =	shalt  }
0x55: {  	_ =	shalt  }
0x56: {  	_ =	shalt  }
0x57: {  	_ =	shalt  }
0x58: {  	_ =	shalt  }
0x59: {  	_ =	shalt  }
0x5a: {  	_ =	shalt  }
0x5b: {  	_ =	shalt  }
0x5c: {  	_ =	shalt  }
0x5d: {  	_ =	shalt  }
0x5e: {  	_ =	shalt  }
0x5f: {  	_ =	shalt  }
0x60: {  	_ =	shalt  }
0x61: {  	_ =	shalt  }
0x62: {  	_ =	shalt  }
0x63: {  	_ =	shalt  }
0x64: {  	_ =	shalt  }
0x65: {  	_ =	shalt  }
0x66: {  	_ =	shalt  }
0x67: {  	_ =	shalt  }
0x68: {  	_ =	shalt  }
0x69: {  	_ =	shalt  }
0x6a: {  	_ =	shalt  }
0x6b: {  	_ =	shalt  }
0x6c: {  	_ =	shalt  }
0x6d: {  	_ =	shalt  }
0x6e: {  	_ =	shalt  }
0x6f: {  	_ =	shalt  }
0x70: {  	_ =	shalt  }
0x71: {  	_ =	shalt  }
0x72: {  	_ =	shalt  }
0x73: {  	_ =	shalt  }
0x74: {  	_ =	shalt  }
0x75: {  	_ =	shalt  }
0x76: {  	_ =	shalt  }
0x77: {  	_ =	shalt  }
0x78: {  	_ =	shalt  }
0x79: {  	_ =	shalt  }
0x7a: {  	_ =	shalt  }
0x7b: {  	_ =	shalt  }
0x7c: {  	_ =	shalt  }
0x7d: {  	_ =	shalt  }
0x7e: {  	_ =	shalt  }
0x7f: {  	_ =	shalt  }
0x80: {  	_ =	shalt  }
0x81: {  	_ =	shalt  }
0x82: {  	_ =	shalt  }
0x83: {  	_ =	shalt  }
0x84: {  	_ =	shalt  }
0x85: {  	_ =	shalt  }
0x86: {  	_ =	shalt  }
0x87: {  	_ =	shalt  }
.Lfunc_end0:
.L_simem_size_0:
called_computation_lowered:
.L_overlay_start_0:
0x88: {  	s2 =	sld [smem:$0x3FD9]  }
0x89: {  	s3 =	sld [smem:$0x3FFE];
	_ =	sdelay $0x1  }
0x8a: {  	s1 =	srdreg.scid  }
0x8b: {  	s0 =	sand.u32 $0x1, s1  }
0x8c: {  	s17 =	sshll.u32 s0, $0xA;
	s2 =	sadd.s32 s3, s2  }
0x8d: {  	s2 =	sadd.s32 s2, s17  }
0x8e: {  	[smem:$0x3FC5] =	sst s2  }
0x8f: {  	_ = 	snop  }
0x90: {  	s2 =	sld [smem:$0x3FD0];
	(tm) =	ssettm $0x1  }
0x91: {  	s18 =	sld [smem:$0x3FFB];
	_ =	sdelay $0x3  }
0x92: {  	_ =	strace s18  }
0x93: {  	s3 =	sld [smem:$0x3FFC];
	_ =	sdelay $0x3  }
0x94: {  	_ =	strace s3  }
0x95: {  	s3 =	sld [smem:$0x3FFD];
	_ =	sdelay $0x3  }
0x96: {  	_ =	strace s3  }
0x97: {  	_ =	strace $0x8FFFFFFF  }
0x98: {  	s19 =	sld [smem:$0x3FDB];
	_ =	sdelay $0x1  }
0x99: {  	s4 =	simm.s32 $_scs_section_size  }
0x9a: {  	s5 =	simm.s32 $_size__tile_overlayer_lowered;
	s6 =	simm.s32 $_tile_overlayer_lowered  }
0x9b: {  	s22 =	simm.s32 $0x1BFF;
	s21 =	sshll.u32 s6, $0x1;
	s3 =	sadd.s32 s4, s19  }
0x9c: {  	s7 =	simm.s32 $0x0;
	s20 =	sshll.u32 s5, $0x1;
	s5 =	sadd.s32 s21, s3  }
0x9d: {  	[timem:s7], [sflag:s22] =	dma.local [hbm:s5], s20  }
0x9e: {  	_ =	swait.ge [sflag:s22], s20  }
0x9f: {  	s4 =	ssub.s32 $0x0, s20;
	[sflag:s22] =	ssyncset.done $0x0  }
0xa0: {  	[sflag:s22] =	ssyncadd.s32 s4;
	_ =	sdelay $0x1  }
0xa1: {  	s23 =	simm.s32 $0x1B8B  }
0xa2: {  	_ =	swait.ge [sflag:s23], $0x1  }
0xa3: {  	[sflag:s23] =	ssyncset.done $0x0  }
0xa4: {  	s25 =	simm.s32 $0x1B8E;
	s24 =	sld [smem:$0x3FFE];
	[sflag:s23] =	ssyncadd.s32 $0xFFFFFFFF  }
0xa5: {  	s26 =	simm.s32 $execute0_lowered;
	[smem:$0x3FD2] =	sst s25  }
0xa6: {  	s5 =	sshll.u32 s26, $0x1;
	_ =	strace $0x80000046;
	[dreg:$0x1] =	wrdreg $0xFFFFFFFF  }
0xa7: {  	s28 =	simm.s32 $_size_execute0_lowered;
	s3 =	sadd.s32 s3, s5;
	[dreg:$0x0] =	wrdreg $0x0  }
0xa8: {  	s5 =	sshll.u32 s28, $0x1;
	[dreg:$0x2] =	wrdreg s3  }
0xa9: {  	[dreg:$0x3] =	wrdreg s5  }
0xaa: {  	[dreg:$0x4] =	wrdreg $0xC0  }
0xab: {  	_ =	task [dreg:s7], $0x5FFFF  }
0xac: {  	[dreg:$0x1] =	wrdreg $0xFFFFFFFF  }
0xad: {  	[dreg:$0x0] =	wrdreg $0x60  }
0xae: {  	[dreg:$0x2] =	wrdreg s24  }
0xaf: {  	[dreg:$0x3] =	wrdreg s2  }
0xb0: {  	[dreg:$0x4] =	wrdreg $0x9  }
0xb1: {  	_ =	task.clear_ibuf [dreg:s7], $0x5FFFF;
	_ =	strace $0x90000046  }
0xb2: {  	s29 =	simm.s32 $0x9;
	_ =	strace $0x80000054  }
0xb3: {  	_ =	swait.ge [sflag:s29], $0x1  }
0xb4: {  	[sflag:s29] =	ssyncadd.s32 $0xFFFFFFFF  }
0xb5: {  	_ =	strace $0x90000054  }
0xb6: {  	_ =	sfence  }
0xb7: {  	s30 =	sld [smem:$0x0];
	_ =	sdelay $0x2  }
0xb8: {  	s31 =	sshll.u32 s1, $0xD;
	s1 =	sshrl.u32 s1, $0x2  }
0xb9: {  	s3 =	sand.u32 $0x4000, s31;
	s1 =	sadd.s32 s1, s30  }
0xba: {  	s0 =	sor.u32 s3, s0;
	s1 =	sshll.u32 s1, $0x11  }
0xbb: {  	s0 =	sor.u32 s1, s0  }
0xbc: {  	s0 =	sadd.s32 $0x8F2B, s0  }
0xbd: {  	[sflag:s0] =	ssyncadd.remote.s32 $0x1  }
0xbe: {  	_ =	sfence.sel $0xFFFF  }
0xbf: {  	[dreg:$0x0] =	wrdreg $0xFFFFFFFF;
	(pc) =	sbr.abs _section_cstart, $3  }
0xc0: {  	[dreg:$0x1] =	wrdreg $0xFFFFFFFF  }
0xc1: {  	_ =	task.clear_ibuf [dreg:s7], $0x2FFFF;
	_ =	strace $0x9FFFFFFF  }
0xc2: {  	(tm) =	ssettm $0x7FFFFFFF  }
0xc3: {  	_ =	shalt  }
tec
execute0_lowered:
.L_overlay_start_1:
0x0: {  	(tag) =	ssettag $0x1  }
0x1: {  	v0 =	vlaneseq.u32  }
0x2: {  	v1 =	vmul.u32 $0x8, v0  }
0x3: {  	s5 =	rddreg [dreg:$0x0]  }
0x4: {  	s7 =	rddreg [dreg:$0x1];
	s1 =	simm.s32 $0x0;
	[tilespmem:$0x1FDC0] =	vst v1;
	v1 =	vor.u32 $0x80, v1  }
0x5: {  	v6 =	vor.u32 $0x20, v0;
	[smem:$0x7FF] =	sst s1;
	[tilespmem:$0x1FDD0] =	vst v1  }
0x6: {  	s0 =	rddreg [dreg:$0x2];
	v7 =	vor.u32 $0x30, v0;
	_ =	strace $0x80000047;
	[tilespmem:$0x1FDE0] =	vst v6  }
0x7: {  	v9 =	vor.u32 $0x40, v0;
	[tilespmem:$0x1FDF0] =	vst v7  }
0x8: {  	v12 =	vor.u32 $0x50, v0;
	[tilespmem:$0x1FE00] =	vst v9  }
0x9: {  	v13 =	vor.u32 $0x60, v0;
	[tilespmem:$0x1FE10] =	vst v12  }
0xa: {  	v14 =	vor.u32 $0x70, v0;
	[tilespmem:$0x1FE20] =	vst v13  }
0xb: {  	v45 =	vor.u32 $0x640, v0;
	[tilespmem:$0x1FE30] =	vst v14  }
0xc: {  	v55 =	vor.u32 $0xC80, v0;
	[tilespmem:$0x1FE40] =	vst v45  }
0xd: {  	v56 =	vor.u32 $0x12C0, v0;
	[tilespmem:$0x1FE50] =	vst v55  }
0xe: {  	v19 =	vor.u32 $0x1900, v0;
	[tilespmem:$0x1FE60] =	vst v56  }
0xf: {  	v20 =	vor.u32 $0x1F40, v0;
	[tilespmem:$0x1FE70] =	vst v19  }
0x10: {  	v21 =	vor.u32 $0x2580, v0;
	[tilespmem:$0x1FE80] =	vst v20  }
0x11: {  	v22 =	vor.u32 $0x2BC0, v0;
	[tilespmem:$0x1FE90] =	vst v21  }
0x12: {  	v23 =	vor.u32 $0x3200, v0;
	[tilespmem:$0x1FEA0] =	vst v22  }
0x13: {  	v24 =	vor.u32 $0x3840, v0;
	[tilespmem:$0x1FEB0] =	vst v23  }
0x14: {  	v25 =	vor.u32 $0x3E80, v0;
	[tilespmem:$0x1FEC0] =	vst v24  }
0x15: {  	v26 =	vor.u32 $0x44C0, v0;
	[tilespmem:$0x1FED0] =	vst v25  }
0x16: {  	v27 =	vor.u32 $0x4B00, v0;
	[tilespmem:$0x1FEE0] =	vst v26  }
0x17: {  	v28 =	vor.u32 $0x5140, v0;
	[tilespmem:$0x1FEF0] =	vst v27  }
0x18: {  	v29 =	vor.u32 $0x5780, v0;
	[tilespmem:$0x1FF00] =	vst v28  }
0x19: {  	v30 =	vor.u32 $0x5DC0, v0;
	[tilespmem:$0x1FF10] =	vst v29  }
0x1a: {  	v31 =	vor.u32 $0x650, v0;
	[tilespmem:$0x1FF20] =	vst v30  }
0x1b: {  	v32 =	vor.u32 $0xC90, v0;
	[tilespmem:$0x1FF30] =	vst v31  }
0x1c: {  	v33 =	vor.u32 $0x12D0, v0;
	[tilespmem:$0x1FF40] =	vst v32  }
0x1d: {  	v34 =	vor.u32 $0x1910, v0;
	[tilespmem:$0x1FF50] =	vst v33  }
0x1e: {  	v35 =	vor.u32 $0x1F50, v0;
	[tilespmem:$0x1FF60] =	vst v34  }
0x1f: {  	s4 =	srdreg.scid;
	s2 =	stileid.u32;
	v36 =	vor.u32 $0x2590, v0;
	[tilespmem:$0x1FF70] =	vst v35  }
0x20: {  	s11 =	simm.s32 $0xD80;
	s12 =	simm.s32 $0x320;
	s13 =	simm.s32 $0x7180;
	v37 =	vor.u32 $0x2BD0, v0;
	[tilespmem:$0x1FF80] =	vst v36  }
0x21: {  	s14 =	simm.s32 $0xD580;
	s15 =	simm.s32 $0x1;
	s16 =	simm.s32 $0x13980;
	v38 =	vor.u32 $0x3210, v0;
	[tilespmem:$0x1FF90] =	vst v37  }
0x22: {  	s17 =	simm.s32 $0x1A6E0;
	s18 =	simm.s32 $0x2;
	s19 =	simm.s32 $0x0;
	v39 =	vor.u32 $0x3850, v0;
	[tilespmem:$0x1FFA0] =	vst v38  }
0x23: {  	s3 =	sadd.s32 $0x800, s5;
	s6 =	sand.u32 $0x1, s4;
	s8 =	sshll.u32 s2, $0x1;
	v40 =	vor.u32 $0x3E90, v0;
	[tilespmem:$0x1FFB0] =	vst v39  }
0x24: {  	s4 =	sadd.s32 $0xF42C00, s5;
	v41 =	vor.u32 $0x44D0, v0;
	s9 =	ssub.s32 $0x2, s6;
	s6 =	sor.u32 s6, s8;
	[tilespmem:$0x1FFC0] =	vst v40  }
0x25: {  	s5 =	sadd.s32 $0x19800, s5;
	v42 =	vor.u32 $0x4B10, v0;
	s31 =	sshrl.u32 s9, $0x1;
	s10 =	sshll.u32 s6, $0xB;
	[tilespmem:$0x1FFD0] =	vst v41  }
0x26: {  	v3 =	vor.u32 $0x10, v0;
	s6 =	smul.u32 $0xC8, s6;
	s8 =	ssub.s32 s9, s31;
	s7 =	sadd.s32 s7, s10;
	[tilespmem:$0x1FFE0] =	vst v42  }
0x27: {  	v10 =	vmul.u32 $0x11, v0;
	v11 =	vand.u32 $0x7, v0;
	s9 =	simm.s32 $0x3;
	s10 =	simm.s32 $0x100;
	s8 =	smax.u32 s8, $0x1;
	[tilespmem:$0x1FFF0] =	vst v3  }
.LBB2_1:
0x28: {  	[tilespmem:s1], [sflag:$0x3] =	stream.linear.gather [hbm4b:s5+s1], $0x100, $0x38;
	[tilespmem:$0x1A8E0] =	vst v63  }
0x29: {  	_ =	swait.ge [sflag:s9], $0x100  }
0x2a: {  	v1 =	vld [tilespmem:$0x1FDC0]  }
0x2b: {  	v2 =	vld [tilespmem:$0x1FDD0];
	_ =	sdelay $0x4  }
0x2c: {  	[sflag:s9] =	ssyncset.done $0x0  }
0x2d: {  	[sflag:s9] =	ssyncadd.s32 $0xFFFFFF00  }
0x2e: {  	v1 =	vld.idx.msk [tilespmem:v1+s1+$0x0], $0xffff  }
0x2f: {  	s20 =	simm.s32 $0x0;
	s21 =	simm.s32 $0x0;
	v8 =	vld.idx.msk [tilespmem:v2+s1+$0x0], $0xffff  }
.LBB2_2:
0x30: {  	s22 =	smul.u32 $0x19, s21;
	_ =	sdelay $0x1  }
0x31: {  	s22 =	sadd.s32 s6, s22  }
0x32: {  	s23 =	simm.s32 $0x0;
	s22 =	sshll.u32 s22, $0x4  }
0x33: {  	s24 =	simm.s32 $0x0;
	v2 =	vor.u32 s23, v0;
	s22 =	sadd.s32 s3, s22  }
0x34: {  	[tilespmem:s10], [sflag:$0x3] =	stream.linear.gather [hbm4b:s22+s24], $0xC80, $0x38;
	[tilespmem:$0x1A8E0] =	vst v63  }
0x35: {  	_ =	swait.ge [sflag:s9], $0xC80  }
0x36: {  	[sflag:s9] =	ssyncset.done $0x0  }
0x37: {  	s22 =	sadd.s32 $0x0, s20;
	[sflag:s9] =	ssyncadd.s32 $0xFFFFF380  }
0x38: {  	v4 =	vor.u32 s22, v0;
	v2 =	vld.idx.msk [tilespmem:v2+s10+$0x0], $0xffff  }
0x39: {  	v5 =	vor.u32 s23, v3;
	_ =	sdelay $0x3  }
0x3a: {  	s25 =	sadd.s32 $0x10, s22;
	[tilespmem:v4+s11+$0x0] =	vst.idx.msk $0xffff, v2  }
0x3b: {  	v4 =	vor.u32 s25, v0;
	v2 =	vld.idx.msk [tilespmem:v5+s10+$0x0], $0xffff  }
0x3c: {  	v5 =	vor.u32 s23, v6;
	_ =	sdelay $0x3  }
0x3d: {  	s26 =	sadd.s32 $0x20, s22;
	[tilespmem:v4+s11+$0x0] =	vst.idx.msk $0xffff, v2  }
0x3e: {  	v4 =	vor.u32 s26, v0;
	v2 =	vld.idx.msk [tilespmem:v5+s10+$0x0], $0xffff  }
0x3f: {  	v5 =	vor.u32 s23, v7;
	_ =	sdelay $0x3  }
0x40: {  	s28 =	sadd.s32 $0x30, s22;
	[tilespmem:v4+s11+$0x0] =	vst.idx.msk $0xffff, v2  }
0x41: {  	v4 =	vor.u32 s28, v0;
	v2 =	vld.idx.msk [tilespmem:v5+s10+$0x0], $0xffff  }
0x42: {  	v5 =	vor.u32 s23, v9;
	_ =	sdelay $0x3  }
0x43: {  	s29 =	sadd.s32 $0x40, s22;
	[tilespmem:v4+s11+$0x0] =	vst.idx.msk $0xffff, v2  }
0x44: {  	v4 =	vor.u32 s29, v0;
	v2 =	vld.idx.msk [tilespmem:v5+s10+$0x0], $0xffff  }
0x45: {  	v5 =	vor.u32 s23, v12;
	_ =	sdelay $0x3  }
0x46: {  	s30 =	sadd.s32 $0x50, s22;
	[tilespmem:v4+s11+$0x0] =	vst.idx.msk $0xffff, v2  }
0x47: {  	v4 =	vor.u32 s30, v0;
	v2 =	vld.idx.msk [tilespmem:v5+s10+$0x0], $0xffff  }
0x48: {  	v5 =	vor.u32 s23, v13;
	_ =	sdelay $0x3  }
0x49: {  	s31 =	sadd.s32 $0x60, s22;
	[tilespmem:v4+s11+$0x0] =	vst.idx.msk $0xffff, v2  }
0x4a: {  	v4 =	vor.u32 s31, v0;
	v2 =	vld.idx.msk [tilespmem:v5+s10+$0x0], $0xffff  }
0x4b: {  	v5 =	vor.u32 s23, v14;
	_ =	sdelay $0x3  }
0x4c: {  	s24 =	simm.s32 $0x1;
	s26 =	sadd.s32 $0x70, s22;
	[tilespmem:v4+s11+$0x0] =	vst.idx.msk $0xffff, v2  }
0x4d: {  	s25 =	simm.s32 $0x100;
	s22 =	simm.s32 $0x80;
	s23 =	simm.s32 $0x80;
	v4 =	vor.u32 s26, v0;
	v2 =	vld.idx.msk [tilespmem:v5+s10+$0x0], $0xffff  }
.LBB2_3:
0x4e: {  	p0 =	sne.s32 s25, $0xC00;
	v5 =	vor.u32 s22, v0;
	_ =	sdelay $0x3  }
0x4f: {  	[tilespmem:v4+s11+$0x0] =	vst.idx.msk $0xffff, v2  }
0x50: {  	s26 =	sadd.s32 s23, s20;
	s23 =	smov.u32 s25;
	v2 =	vld.idx.msk [tilespmem:v5+s10+$0x0], $0xffff  }
0x51: {  	v4 =	vor.u32 s26, v0  }
0x52: {  	v5 =	vor.u32 s22, v3;
	_ =	sdelay $0x3  }
0x53: {  	[tilespmem:v4+s11+$0x0] =	vst.idx.msk $0xffff, v2  }
0x54: {  	s28 =	sadd.s32 $0x10, s26;
	v2 =	vld.idx.msk [tilespmem:v5+s10+$0x0], $0xffff  }
0x55: {  	v4 =	vor.u32 s28, v0  }
0x56: {  	v5 =	vor.u32 s22, v6;
	_ =	sdelay $0x3  }
0x57: {  	[tilespmem:v4+s11+$0x0] =	vst.idx.msk $0xffff, v2  }
0x58: {  	s28 =	sadd.s32 $0x20, s26;
	v2 =	vld.idx.msk [tilespmem:v5+s10+$0x0], $0xffff  }
0x59: {  	v4 =	vor.u32 s28, v0  }
0x5a: {  	v5 =	vor.u32 s22, v7;
	_ =	sdelay $0x3  }
0x5b: {  	[tilespmem:v4+s11+$0x0] =	vst.idx.msk $0xffff, v2  }
0x5c: {  	s28 =	sadd.s32 $0x30, s26;
	v2 =	vld.idx.msk [tilespmem:v5+s10+$0x0], $0xffff  }
0x5d: {  	v4 =	vor.u32 s28, v0  }
0x5e: {  	v5 =	vor.u32 s22, v9;
	_ =	sdelay $0x3  }
0x5f: {  	[tilespmem:v4+s11+$0x0] =	vst.idx.msk $0xffff, v2  }
0x60: {  	s28 =	sadd.s32 $0x40, s26;
	v2 =	vld.idx.msk [tilespmem:v5+s10+$0x0], $0xffff  }
0x61: {  	v4 =	vor.u32 s28, v0  }
0x62: {  	v5 =	vor.u32 s22, v12;
	_ =	sdelay $0x3  }
0x63: {  	[tilespmem:v4+s11+$0x0] =	vst.idx.msk $0xffff, v2  }
0x64: {  	s28 =	sadd.s32 $0x50, s26;
	v2 =	vld.idx.msk [tilespmem:v5+s10+$0x0], $0xffff  }
0x65: {  	v4 =	vor.u32 s28, v0  }
0x66: {  	v5 =	vor.u32 s22, v13;
	_ =	sdelay $0x3  }
0x67: {  	[tilespmem:v4+s11+$0x0] =	vst.idx.msk $0xffff, v2  }
0x68: {  	s28 =	sadd.s32 $0x60, s26;
	v2 =	vld.idx.msk [tilespmem:v5+s10+$0x0], $0xffff  }
0x69: {  	v4 =	vor.u32 s28, v0  }
0x6a: {  	v5 =	vor.u32 s22, v14;
	_ =	sdelay $0x1  }
.Ltmp0:
0x6b: {  	(pc) =	sbr.rel @p0 .LBB2_3-.Ltmp0, $4  }
0x6c: {  	_ = 	snop  }
0x6d: {  	[tilespmem:v4+s11+$0x0] =	vst.idx.msk $0xffff, v2  }
0x6e: {  	s24 =	sadd.s32 $0x1, s24;
	s26 =	sadd.s32 $0x70, s26;
	v2 =	vld.idx.msk [tilespmem:v5+s10+$0x0], $0xffff  }
0x6f: {  	s25 =	sadd.s32 $0x80, s25;
	s22 =	sshll.u32 s24, $0x7;
	v4 =	vor.u32 s26, v0  }
0x70: {  	v5 =	vor.u32 s22, v0;
	_ =	sdelay $0x3  }
0x71: {  	s23 =	sadd.s32 s23, s20;
	[tilespmem:v4+s11+$0x0] =	vst.idx.msk $0xffff, v2  }
0x72: {  	v4 =	vor.u32 s23, v0;
	v2 =	vld.idx.msk [tilespmem:v5+s10+$0x0], $0xffff  }
0x73: {  	v5 =	vor.u32 s22, v3;
	_ =	sdelay $0x3  }
0x74: {  	s24 =	sadd.s32 $0x10, s23;
	[tilespmem:v4+s11+$0x0] =	vst.idx.msk $0xffff, v2  }
0x75: {  	v4 =	vor.u32 s24, v0;
	v2 =	vld.idx.msk [tilespmem:v5+s10+$0x0], $0xffff  }
0x76: {  	v5 =	vor.u32 s22, v6;
	_ =	sdelay $0x3  }
0x77: {  	s25 =	sadd.s32 $0x20, s23;
	[tilespmem:v4+s11+$0x0] =	vst.idx.msk $0xffff, v2  }
0x78: {  	v4 =	vor.u32 s25, v0;
	v2 =	vld.idx.msk [tilespmem:v5+s10+$0x0], $0xffff  }
0x79: {  	v5 =	vor.u32 s22, v7;
	_ =	sdelay $0x3  }
0x7a: {  	s26 =	sadd.s32 $0x30, s23;
	[tilespmem:v4+s11+$0x0] =	vst.idx.msk $0xffff, v2  }
0x7b: {  	v4 =	vor.u32 s26, v0;
	v2 =	vld.idx.msk [tilespmem:v5+s10+$0x0], $0xffff  }
0x7c: {  	v5 =	vor.u32 s22, v9;
	_ =	sdelay $0x3  }
0x7d: {  	s28 =	sadd.s32 $0x40, s23;
	[tilespmem:v4+s11+$0x0] =	vst.idx.msk $0xffff, v2  }
0x7e: {  	v4 =	vor.u32 s28, v0;
	v2 =	vld.idx.msk [tilespmem:v5+s10+$0x0], $0xffff  }
0x7f: {  	v5 =	vor.u32 s22, v12;
	_ =	sdelay $0x3  }
0x80: {  	s29 =	sadd.s32 $0x50, s23;
	[tilespmem:v4+s11+$0x0] =	vst.idx.msk $0xffff, v2  }
0x81: {  	v4 =	vor.u32 s29, v0;
	v2 =	vld.idx.msk [tilespmem:v5+s10+$0x0], $0xffff  }
0x82: {  	v5 =	vor.u32 s22, v13;
	_ =	sdelay $0x3  }
0x83: {  	s30 =	sadd.s32 $0x60, s23;
	[tilespmem:v4+s11+$0x0] =	vst.idx.msk $0xffff, v2  }
0x84: {  	v4 =	vor.u32 s30, v0;
	v2 =	vld.idx.msk [tilespmem:v5+s10+$0x0], $0xffff  }
0x85: {  	v5 =	vor.u32 s22, v14;
	_ =	sdelay $0x3  }
0x86: {  	s21 =	sadd.s32 $0x1, s21;
	s31 =	sadd.s32 $0x70, s23;
	[tilespmem:v4+s11+$0x0] =	vst.idx.msk $0xffff, v2  }
0x87: {  	p0 =	sne.s32 s21, $0x8;
	v4 =	vor.u32 s31, v0;
	v2 =	vld.idx.msk [tilespmem:v5+s10+$0x0], $0xffff  }
.Ltmp1:
0x88: {  	_ = 	snop;
	(pc) =	sbr.rel @p0 .LBB2_2-.Ltmp1, $2  }
0x89: {  	_ =	sdelay $0x2  }
0x8a: {  	s20 =	sadd.s32 $0xC80, s20;
	[tilespmem:v4+s11+$0x0] =	vst.idx.msk $0xffff, v2  }
0x8b: {  	v2 =	vbroadcast v1, $0xD  }
0x8c: {  	[tilespmem:s13], [sflag:$0x1] =	stream.indirect.gather [hbm4b:s4+s12], $0x20, s11, s12, $0xb8;
	v12 =	vbroadcast v8, $0xE;
	[tilespmem:$0x1A8E0] =	vst v63  }
0x8d: {  	v48 =	vbroadcast v1, $0x0;
	[tilespmem:$0x1FBD0] =	vst v2  }
0x8e: {  	v46 =	vbroadcast v1, $0x1;
	[tilespmem:$0x1FC20] =	vst v12  }
0x8f: {  	v49 =	vbroadcast v1, $0x2;
	[tilespmem:$0x1FC40] =	vst v48  }
0x90: {  	v50 =	vbroadcast v1, $0x3;
	[tilespmem:$0x1FC50] =	vst v46  }
0x91: {  	v51 =	vbroadcast v1, $0x4;
	[tilespmem:$0x1FC60] =	vst v49  }
0x92: {  	v52 =	vbroadcast v1, $0x5;
	[tilespmem:$0x1FC70] =	vst v50  }
0x93: {  	v53 =	vbroadcast v1, $0x6;
	[tilespmem:$0x1FC80] =	vst v51  }
0x94: {  	v54 =	vbroadcast v1, $0x7;
	[tilespmem:$0x1FC90] =	vst v52  }
0x95: {  	v58 =	vbroadcast v1, $0x8;
	[tilespmem:$0x1FCA0] =	vst v53  }
0x96: {  	v57 =	vbroadcast v1, $0x9;
	[tilespmem:$0x1FCB0] =	vst v54  }
0x97: {  	v44 =	vbroadcast v1, $0xA;
	[tilespmem:$0x1FCC0] =	vst v58  }
0x98: {  	v43 =	vbroadcast v1, $0xB;
	[tilespmem:$0x1FCD0] =	vst v57  }
0x99: {  	v47 =	vbroadcast v1, $0xC;
	[tilespmem:$0x1FCE0] =	vst v44  }
0x9a: {  	v63 =	vbroadcast v8, $0x8;
	[tilespmem:$0x1FCF0] =	vst v43  }
0x9b: {  	v4 =	vbroadcast v8, $0xA;
	[tilespmem:$0x1FD00] =	vst v47  }
0x9c: {  	v5 =	vbroadcast v1, $0xF;
	[tilespmem:$0x1FD10] =	vst v63  }
0x9d: {  	v7 =	vbroadcast v8, $0x0;
	v2 =	vbroadcast v1, $0xE;
	[tilespmem:$0x1FD40] =	vst v4  }
0x9e: {  	v9 =	vbroadcast v8, $0xC;
	[tilespmem:$0x1FD50] =	vst v5  }
0x9f: {  	[tilespmem:$0x1FD60] =	vst v7;
	v1 =	vmov v2;
	v2 =	vbroadcast v8, $0x3  }
0xa0: {  	v59 =	vbroadcast v8, $0x1;
	[tilespmem:$0x1FD70] =	vst v9  }
0xa1: {  	[tilespmem:$0x1FBE0] =	vst v2;
	v2 =	vbroadcast v8, $0x4  }
0xa2: {  	v60 =	vbroadcast v8, $0xD;
	[tilespmem:$0x1FD80] =	vst v59  }
0xa3: {  	[tilespmem:$0x1FBF0] =	vst v2;
	v2 =	vbroadcast v8, $0x5  }
0xa4: {  	v61 =	vbroadcast v8, $0x2;
	[tilespmem:$0x1FD90] =	vst v60  }
0xa5: {  	[tilespmem:$0x1FC00] =	vst v2;
	v2 =	vbroadcast v8, $0x6  }
0xa6: {  	v62 =	vbroadcast v8, $0x7;
	v6 =	vbroadcast v8, $0xB;
	[tilespmem:$0x1FDA0] =	vst v61  }
0xa7: {  	[tilespmem:$0x1FC10] =	vst v2;
	v2 =	vbroadcast v8, $0x9;
	v8 =	vbroadcast v8, $0xF  }
0xa8: {  	[tilespmem:$0x1FDB0] =	vst v6  }
0xa9: {  	[tilespmem:$0x1FD30] =	vst v1  }
0xaa: {  	[tilespmem:$0x1FC30] =	vst v8  }
0xab: {  	s20 =	simm.s32 $0x0;
	s21 =	simm.s32 $0x0;
	[tilespmem:$0x1FD20] =	vst v2;
	v8 =	vmov v9  }
.LBB2_6:
0xac: {  	s22 =	sshllo.u32 s21, $0x1  }
0xad: {  	s23 =	smul.u32 $0xC80, s22;
	_ =	sdelay $0x1  }
0xae: {  	v9 =	vmov s20;
	s23 =	sshra.s32 s23, $0x2  }
0xaf: {  	v9 =	vshll.u32 v9, $0x5;
	s23 =	sadd.s32 $0xD80, s23  }
0xb0: {  	v14 =	vbroadcast v9, $0x0;
	[tilespmem:s14], [sflag:$0x2] =	stream.indirect.gather [hbm4b:s4+s12], $0x20, s23, s12, $0xb8;
	[tilespmem:$0x1A8E0] =	vst v63  }
0xb1: {  	_ =	strace $0x80000048  }
0xb2: {  	v9 =	vor.u32 v0, v14;
	_ =	swait.ge [sflag:s15], $0x6400  }
0xb3: {  	[sflag:s15] =	ssyncset.done $0x0  }
0xb4: {  	s30 =	simm.s32 $0x0;
	[sflag:s15] =	ssyncadd.s32 $0xFFFF9C00  }
0xb5: {  	v12 =	vadd.s32 s30, v10;
	_ =	strace $0x90000048  }
0xb6: {  	v12 =	vand.u32 $0x1FFF8, v12;
	_ =	strace $0x80000049  }
0xb7: {  	v12 =	vor.u32 v11, v12;
	v9 =	vld.idx.msk [tilespmem:v9+s13+$0x0], $0xffff  }
0xb8: {  	v13 =	vadd.s32 v45, v14;
	_ =	sdelay $0x3  }
0xb9: {  	s31 =	simm.s32 $0x1;
	[tilespmem:v12+s16+$0x0] =	vst.idx.msk $0xffff, v9  }
0xba: {  	v12 =	vadd.s32 s31, v10;
	v9 =	vld.idx.msk [tilespmem:v13+s13+$0x0], $0xffff  }
0xbb: {  	v13 =	vadd.s32 v55, v14;
	_ =	sdelay $0x3  }
0xbc: {  	s24 =	simm.s32 $0x2;
	[tilespmem:v12+s16+$0x0] =	vst.idx.msk $0xffff, v9  }
0xbd: {  	v12 =	vadd.s32 s24, v10;
	v9 =	vld.idx.msk [tilespmem:v13+s13+$0x0], $0xffff  }
0xbe: {  	v13 =	vadd.s32 v56, v14;
	_ =	sdelay $0x3  }
0xbf: {  	s25 =	simm.s32 $0x3;
	[tilespmem:v12+s16+$0x0] =	vst.idx.msk $0xffff, v9  }
0xc0: {  	v12 =	vadd.s32 s25, v10;
	v9 =	vld.idx.msk [tilespmem:v13+s13+$0x0], $0xffff  }
0xc1: {  	v13 =	vadd.s32 v19, v14;
	_ =	sdelay $0x3  }
0xc2: {  	s26 =	simm.s32 $0x4;
	[tilespmem:v12+s16+$0x0] =	vst.idx.msk $0xffff, v9  }
0xc3: {  	v12 =	vadd.s32 s26, v10;
	v9 =	vld.idx.msk [tilespmem:v13+s13+$0x0], $0xffff  }
0xc4: {  	v13 =	vadd.s32 v20, v14;
	_ =	sdelay $0x3  }
0xc5: {  	s28 =	simm.s32 $0x5;
	[tilespmem:v12+s16+$0x0] =	vst.idx.msk $0xffff, v9  }
0xc6: {  	v12 =	vadd.s32 s28, v10;
	v9 =	vld.idx.msk [tilespmem:v13+s13+$0x0], $0xffff  }
0xc7: {  	v13 =	vadd.s32 v21, v14;
	_ =	sdelay $0x3  }
0xc8: {  	s29 =	simm.s32 $0x6;
	[tilespmem:v12+s16+$0x0] =	vst.idx.msk $0xffff, v9  }
0xc9: {  	v12 =	vadd.s32 s29, v10;
	v9 =	vld.idx.msk [tilespmem:v13+s13+$0x0], $0xffff  }
0xca: {  	v13 =	vadd.s32 v22, v14;
	_ =	sdelay $0x3  }
0xcb: {  	s30 =	simm.s32 $0x7;
	[tilespmem:v12+s16+$0x0] =	vst.idx.msk $0xffff, v9  }
0xcc: {  	v12 =	vadd.s32 s30, v10;
	v9 =	vld.idx.msk [tilespmem:v13+s13+$0x0], $0xffff  }
0xcd: {  	v13 =	vadd.s32 v23, v14;
	_ =	sdelay $0x1  }
0xce: {  	s31 =	simm.s32 $0x8  }
0xcf: {  	v15 =	vadd.s32 s31, v10  }
0xd0: {  	[tilespmem:v12+s16+$0x0] =	vst.idx.msk $0xffff, v9;
	v9 =	vand.u32 $0x1FFF8, v15  }
0xd1: {  	v12 =	vld.idx.msk [tilespmem:v13+s13+$0x0], $0xffff;
	v9 =	vor.u32 v11, v9  }
0xd2: {  	v13 =	vadd.s32 v24, v14;
	_ =	sdelay $0x3  }
0xd3: {  	s24 =	simm.s32 $0x9;
	[tilespmem:v9+s16+$0x0] =	vst.idx.msk $0xffff, v12  }
0xd4: {  	v12 =	vadd.s32 s24, v10;
	v9 =	vld.idx.msk [tilespmem:v13+s13+$0x0], $0xffff  }
0xd5: {  	v13 =	vadd.s32 v25, v14;
	_ =	sdelay $0x3  }
0xd6: {  	s25 =	simm.s32 $0xA;
	[tilespmem:v12+s16+$0x0] =	vst.idx.msk $0xffff, v9  }
0xd7: {  	v12 =	vadd.s32 s25, v10;
	v9 =	vld.idx.msk [tilespmem:v13+s13+$0x0], $0xffff  }
0xd8: {  	v13 =	vadd.s32 v26, v14;
	_ =	sdelay $0x3  }
0xd9: {  	s26 =	simm.s32 $0xB;
	[tilespmem:v12+s16+$0x0] =	vst.idx.msk $0xffff, v9  }
0xda: {  	v12 =	vadd.s32 s26, v10;
	v9 =	vld.idx.msk [tilespmem:v13+s13+$0x0], $0xffff  }
0xdb: {  	v13 =	vadd.s32 v27, v14;
	_ =	sdelay $0x3  }
0xdc: {  	s28 =	simm.s32 $0xC;
	[tilespmem:v12+s16+$0x0] =	vst.idx.msk $0xffff, v9  }
0xdd: {  	v12 =	vadd.s32 s28, v10;
	v9 =	vld.idx.msk [tilespmem:v13+s13+$0x0], $0xffff  }
0xde: {  	v13 =	vadd.s32 v28, v14;
	_ =	sdelay $0x3  }
0xdf: {  	s29 =	simm.s32 $0xD;
	[tilespmem:v12+s16+$0x0] =	vst.idx.msk $0xffff, v9  }
0xe0: {  	v12 =	vadd.s32 s29, v10;
	v9 =	vld.idx.msk [tilespmem:v13+s13+$0x0], $0xffff  }
0xe1: {  	v13 =	vadd.s32 v29, v14;
	_ =	sdelay $0x3  }
0xe2: {  	s30 =	simm.s32 $0xE;
	[tilespmem:v12+s16+$0x0] =	vst.idx.msk $0xffff, v9  }
0xe3: {  	v12 =	vadd.s32 s30, v10;
	v9 =	vld.idx.msk [tilespmem:v13+s13+$0x0], $0xffff  }
0xe4: {  	v13 =	vadd.s32 v30, v14;
	_ =	sdelay $0x3  }
0xe5: {  	s31 =	simm.s32 $0xF;
	[tilespmem:v12+s16+$0x0] =	vst.idx.msk $0xffff, v9  }
0xe6: {  	v12 =	vadd.s32 s31, v10;
	v9 =	vld.idx.msk [tilespmem:v13+s13+$0x0], $0xffff  }
0xe7: {  	v13 =	vor.u32 v3, v14;
	_ =	sdelay $0x1  }
0xe8: {  	s24 =	simm.s32 $0x110  }
0xe9: {  	v15 =	vadd.s32 s24, v10  }
0xea: {  	[tilespmem:v12+s16+$0x0] =	vst.idx.msk $0xffff, v9;
	v9 =	vand.u32 $0x3FFF8, v15  }
0xeb: {  	v12 =	vld.idx.msk [tilespmem:v13+s13+$0x0], $0xffff;
	v9 =	vor.u32 v11, v9  }
0xec: {  	v13 =	vadd.s32 v31, v14;
	_ =	sdelay $0x3  }
0xed: {  	s25 =	simm.s32 $0x111;
	[tilespmem:v9+s16+$0x0] =	vst.idx.msk $0xffff, v12  }
0xee: {  	v12 =	vadd.s32 s25, v10;
	v9 =	vld.idx.msk [tilespmem:v13+s13+$0x0], $0xffff  }
0xef: {  	v13 =	vadd.s32 v32, v14;
	_ =	sdelay $0x3  }
0xf0: {  	s26 =	simm.s32 $0x112;
	[tilespmem:v12+s16+$0x0] =	vst.idx.msk $0xffff, v9  }
0xf1: {  	v12 =	vadd.s32 s26, v10;
	v9 =	vld.idx.msk [tilespmem:v13+s13+$0x0], $0xffff  }
0xf2: {  	v13 =	vadd.s32 v33, v14;
	_ =	sdelay $0x3  }
0xf3: {  	s28 =	simm.s32 $0x113;
	[tilespmem:v12+s16+$0x0] =	vst.idx.msk $0xffff, v9  }
0xf4: {  	v12 =	vadd.s32 s28, v10;
	v9 =	vld.idx.msk [tilespmem:v13+s13+$0x0], $0xffff  }
0xf5: {  	v13 =	vadd.s32 v34, v14;
	_ =	sdelay $0x3  }
0xf6: {  	s29 =	simm.s32 $0x114;
	[tilespmem:v12+s16+$0x0] =	vst.idx.msk $0xffff, v9  }
0xf7: {  	v12 =	vadd.s32 s29, v10;
	v9 =	vld.idx.msk [tilespmem:v13+s13+$0x0], $0xffff  }
0xf8: {  	v13 =	vadd.s32 v35, v14;
	_ =	sdelay $0x3  }
0xf9: {  	s30 =	simm.s32 $0x115;
	[tilespmem:v12+s16+$0x0] =	vst.idx.msk $0xffff, v9  }
0xfa: {  	v12 =	vadd.s32 s30, v10;
	v9 =	vld.idx.msk [tilespmem:v13+s13+$0x0], $0xffff  }
0xfb: {  	v13 =	vadd.s32 v36, v14;
	_ =	sdelay $0x3  }
0xfc: {  	s31 =	simm.s32 $0x116;
	[tilespmem:v12+s16+$0x0] =	vst.idx.msk $0xffff, v9  }
0xfd: {  	v12 =	vadd.s32 s31, v10;
	v9 =	vld.idx.msk [tilespmem:v13+s13+$0x0], $0xffff  }
0xfe: {  	v13 =	vadd.s32 v37, v14;
	_ =	sdelay $0x3  }
0xff: {  	s24 =	simm.s32 $0x117;
	[tilespmem:v12+s16+$0x0] =	vst.idx.msk $0xffff, v9  }
0x100: {  	v12 =	vadd.s32 s24, v10;
	v9 =	vld.idx.msk [tilespmem:v13+s13+$0x0], $0xffff  }
0x101: {  	v13 =	vadd.s32 v38, v14;
	_ =	sdelay $0x1  }
0x102: {  	s25 =	simm.s32 $0x118  }
0x103: {  	v15 =	vadd.s32 s25, v10  }
0x104: {  	[tilespmem:v12+s16+$0x0] =	vst.idx.msk $0xffff, v9;
	v9 =	vand.u32 $0x3FFF8, v15  }
0x105: {  	v12 =	vld.idx.msk [tilespmem:v13+s13+$0x0], $0xffff;
	v9 =	vor.u32 v11, v9  }
0x106: {  	v13 =	vadd.s32 v39, v14;
	_ =	sdelay $0x3  }
0x107: {  	s26 =	simm.s32 $0x119;
	[tilespmem:v9+s16+$0x0] =	vst.idx.msk $0xffff, v12  }
0x108: {  	v12 =	vadd.s32 s26, v10;
	v9 =	vld.idx.msk [tilespmem:v13+s13+$0x0], $0xffff  }
0x109: {  	v13 =	vadd.s32 v40, v14;
	_ =	sdelay $0x3  }
0x10a: {  	s28 =	simm.s32 $0x11A;
	[tilespmem:v12+s16+$0x0] =	vst.idx.msk $0xffff, v9  }
0x10b: {  	v12 =	vadd.s32 s28, v10;
	v9 =	vld.idx.msk [tilespmem:v13+s13+$0x0], $0xffff  }
0x10c: {  	v13 =	vadd.s32 v41, v14;
	_ =	sdelay $0x3  }
0x10d: {  	s29 =	simm.s32 $0x11B;
	[tilespmem:v12+s16+$0x0] =	vst.idx.msk $0xffff, v9  }
0x10e: {  	v12 =	vadd.s32 s29, v10;
	v9 =	vld.idx.msk [tilespmem:v13+s13+$0x0], $0xffff  }
0x10f: {  	v13 =	vadd.s32 v42, v14;
	_ =	sdelay $0x3  }
0x110: {  	s30 =	simm.s32 $0x11C;
	[tilespmem:v12+s16+$0x0] =	vst.idx.msk $0xffff, v9  }
0x111: {  	v6 =	vor.u32 $0x5150, v0;
	v12 =	vld.idx.msk [tilespmem:v13+s13+$0x0], $0xffff;
	v13 =	vadd.s32 s30, v10  }
0x112: {  	v15 =	vadd.s32 v6, v14;
	_ =	sdelay $0x3  }
0x113: {  	s31 =	simm.s32 $0x11D;
	[tilespmem:v13+s16+$0x0] =	vst.idx.msk $0xffff, v12  }
0x114: {  	v13 =	vor.u32 $0x5790, v0;
	v12 =	vld.idx.msk [tilespmem:v15+s13+$0x0], $0xffff;
	v15 =	vadd.s32 s31, v10  }
0x115: {  	v16 =	vadd.s32 v13, v14;
	_ =	sdelay $0x3  }
0x116: {  	s26 =	simm.s32 $0x11E;
	[tilespmem:v15+s16+$0x0] =	vst.idx.msk $0xffff, v12  }
0x117: {  	v17 =	vadd.s32 s26, v10;
	v9 =	vor.u32 $0x5DD0, v0;
	v15 =	vld.idx.msk [tilespmem:v16+s13+$0x0], $0xffff  }
0x118: {  	v16 =	vadd.s32 v9, v14;
	_ =	sdelay $0x1  }
0x119: {  	s25 =	simm.s32 $0x1  }
0x11a: {  	v4 =	vmov v62;
	s23 =	simm.s32 $0x33F;
	s24 =	simm.s32 $0x11F;
	s26 =	simm.s32 $0x55F;
	v14 =	vmov s25  }
.LBB2_7:
0x11b: {  	p0 =	sne.s32 s26, $0x693F;
	v14 =	vshll.u32 v14, $0x5;
	[tilespmem:v17+s16+$0x0] =	vst.idx.msk $0xffff, v15  }
0x11c: {  	v14 =	vbroadcast v14, $0x0;
	v15 =	vld.idx.msk [tilespmem:v16+s13+$0x0], $0xffff  }
0x11d: {  	v16 =	vadd.s32 s24, v10;
	s24 =	smov.u32 s23;
	s23 =	smov.u32 s26  }
0x11e: {  	v17 =	vor.u32 v0, v14;
	_ =	sdelay $0x2  }
0x11f: {  	s28 =	sadd.s32 $0xFFFFFEE1, s24  }
0x120: {  	v18 =	vadd.s32 s28, v10;
	[tilespmem:v16+s16+$0x0] =	vst.idx.msk $0xffff, v15  }
0x121: {  	v16 =	vand.u32 $0x1FFF8, v18;
	v15 =	vld.idx.msk [tilespmem:v17+s13+$0x0], $0xffff  }
0x122: {  	v16 =	vor.u32 v11, v16  }
0x123: {  	v17 =	vadd.s32 v45, v14;
	_ =	sdelay $0x3  }
0x124: {  	[tilespmem:v16+s16+$0x0] =	vst.idx.msk $0xffff, v15  }
0x125: {  	s28 =	sadd.s32 $0xFFFFFEE2, s24;
	v15 =	vld.idx.msk [tilespmem:v17+s13+$0x0], $0xffff  }
0x126: {  	v16 =	vadd.s32 s28, v10  }
0x127: {  	v17 =	vadd.s32 v55, v14;
	_ =	sdelay $0x3  }
0x128: {  	[tilespmem:v16+s16+$0x0] =	vst.idx.msk $0xffff, v15  }
0x129: {  	s28 =	sadd.s32 $0xFFFFFEE3, s24;
	v15 =	vld.idx.msk [tilespmem:v17+s13+$0x0], $0xffff  }
0x12a: {  	v16 =	vadd.s32 s28, v10  }
0x12b: {  	v17 =	vadd.s32 v56, v14;
	_ =	sdelay $0x3  }
0x12c: {  	[tilespmem:v16+s16+$0x0] =	vst.idx.msk $0xffff, v15  }
0x12d: {  	s28 =	sadd.s32 $0xFFFFFEE4, s24;
	v15 =	vld.idx.msk [tilespmem:v17+s13+$0x0], $0xffff  }
0x12e: {  	v16 =	vadd.s32 s28, v10  }
0x12f: {  	v17 =	vadd.s32 v19, v14;
	_ =	sdelay $0x3  }
0x130: {  	[tilespmem:v16+s16+$0x0] =	vst.idx.msk $0xffff, v15  }
0x131: {  	s28 =	sadd.s32 $0xFFFFFEE5, s24;
	v15 =	vld.idx.msk [tilespmem:v17+s13+$0x0], $0xffff  }
0x132: {  	v16 =	vadd.s32 s28, v10  }
0x133: {  	v17 =	vadd.s32 v20, v14;
	_ =	sdelay $0x3  }
0x134: {  	[tilespmem:v16+s16+$0x0] =	vst.idx.msk $0xffff, v15  }
0x135: {  	s28 =	sadd.s32 $0xFFFFFEE6, s24;
	v15 =	vld.idx.msk [tilespmem:v17+s13+$0x0], $0xffff  }
0x136: {  	v16 =	vadd.s32 s28, v10  }
0x137: {  	v17 =	vadd.s32 v21, v14;
	_ =	sdelay $0x3  }
0x138: {  	[tilespmem:v16+s16+$0x0] =	vst.idx.msk $0xffff, v15  }
0x139: {  	s28 =	sadd.s32 $0xFFFFFEE7, s24;
	v15 =	vld.idx.msk [tilespmem:v17+s13+$0x0], $0xffff  }
0x13a: {  	v16 =	vadd.s32 s28, v10  }
0x13b: {  	v17 =	vadd.s32 v22, v14;
	_ =	sdelay $0x3  }
0x13c: {  	[tilespmem:v16+s16+$0x0] =	vst.idx.msk $0xffff, v15  }
0x13d: {  	s28 =	sadd.s32 $0xFFFFFEE8, s24;
	v15 =	vld.idx.msk [tilespmem:v17+s13+$0x0], $0xffff  }
0x13e: {  	v16 =	vadd.s32 s28, v10  }
0x13f: {  	v17 =	vadd.s32 v23, v14;
	_ =	sdelay $0x2  }
0x140: {  	s28 =	sadd.s32 $0xFFFFFEE9, s24  }
0x141: {  	[tilespmem:v16+s16+$0x0] =	vst.idx.msk $0xffff, v15;
	v15 =	vadd.s32 s28, v10  }
0x142: {  	v16 =	vld.idx.msk [tilespmem:v17+s13+$0x0], $0xffff;
	v15 =	vand.u32 $0x1FFF8, v15  }
0x143: {  	v15 =	vor.u32 v11, v15  }
0x144: {  	v17 =	vadd.s32 v24, v14;
	_ =	sdelay $0x3  }
0x145: {  	[tilespmem:v15+s16+$0x0] =	vst.idx.msk $0xffff, v16  }
0x146: {  	s28 =	sadd.s32 $0xFFFFFEEA, s24;
	v15 =	vld.idx.msk [tilespmem:v17+s13+$0x0], $0xffff  }
0x147: {  	v16 =	vadd.s32 s28, v10  }
0x148: {  	v17 =	vadd.s32 v25, v14;
	_ =	sdelay $0x3  }
0x149: {  	[tilespmem:v16+s16+$0x0] =	vst.idx.msk $0xffff, v15  }
0x14a: {  	s28 =	sadd.s32 $0xFFFFFEEB, s24;
	v15 =	vld.idx.msk [tilespmem:v17+s13+$0x0], $0xffff  }
0x14b: {  	v16 =	vadd.s32 s28, v10  }
0x14c: {  	v17 =	vadd.s32 v26, v14;
	_ =	sdelay $0x3  }
0x14d: {  	[tilespmem:v16+s16+$0x0] =	vst.idx.msk $0xffff, v15  }
0x14e: {  	s28 =	sadd.s32 $0xFFFFFEEC, s24;
	v15 =	vld.idx.msk [tilespmem:v17+s13+$0x0], $0xffff  }
0x14f: {  	v16 =	vadd.s32 s28, v10  }
0x150: {  	v17 =	vadd.s32 v27, v14;
	_ =	sdelay $0x3  }
0x151: {  	[tilespmem:v16+s16+$0x0] =	vst.idx.msk $0xffff, v15  }
0x152: {  	s28 =	sadd.s32 $0xFFFFFEED, s24;
	v15 =	vld.idx.msk [tilespmem:v17+s13+$0x0], $0xffff  }
0x153: {  	v16 =	vadd.s32 s28, v10  }
0x154: {  	v17 =	vadd.s32 v28, v14;
	_ =	sdelay $0x3  }
0x155: {  	[tilespmem:v16+s16+$0x0] =	vst.idx.msk $0xffff, v15  }
0x156: {  	s28 =	sadd.s32 $0xFFFFFEEE, s24;
	v15 =	vld.idx.msk [tilespmem:v17+s13+$0x0], $0xffff  }
0x157: {  	v16 =	vadd.s32 s28, v10  }
0x158: {  	v17 =	vadd.s32 v29, v14;
	_ =	sdelay $0x3  }
0x159: {  	[tilespmem:v16+s16+$0x0] =	vst.idx.msk $0xffff, v15  }
0x15a: {  	s28 =	sadd.s32 $0xFFFFFEEF, s24;
	v15 =	vld.idx.msk [tilespmem:v17+s13+$0x0], $0xffff  }
0x15b: {  	v16 =	vadd.s32 s28, v10  }
0x15c: {  	v17 =	vadd.s32 v30, v14;
	_ =	sdelay $0x3  }
0x15d: {  	[tilespmem:v16+s16+$0x0] =	vst.idx.msk $0xffff, v15  }
0x15e: {  	s28 =	sadd.s32 $0xFFFFFEF0, s24;
	v15 =	vld.idx.msk [tilespmem:v17+s13+$0x0], $0xffff  }
0x15f: {  	v16 =	vadd.s32 s28, v10  }
0x160: {  	v17 =	vor.u32 v3, v14;
	_ =	sdelay $0x2  }
0x161: {  	s28 =	sadd.s32 $0xFFFFFFF1, s24  }
0x162: {  	[tilespmem:v16+s16+$0x0] =	vst.idx.msk $0xffff, v15;
	v15 =	vadd.s32 s28, v10  }
0x163: {  	v16 =	vld.idx.msk [tilespmem:v17+s13+$0x0], $0xffff;
	v15 =	vand.u32 $0x3FFF8, v15  }
0x164: {  	v15 =	vor.u32 v11, v15  }
0x165: {  	v17 =	vadd.s32 v31, v14;
	_ =	sdelay $0x3  }
0x166: {  	[tilespmem:v15+s16+$0x0] =	vst.idx.msk $0xffff, v16  }
0x167: {  	s28 =	sadd.s32 $0xFFFFFFF2, s24;
	v15 =	vld.idx.msk [tilespmem:v17+s13+$0x0], $0xffff  }
0x168: {  	v16 =	vadd.s32 s28, v10  }
0x169: {  	v17 =	vadd.s32 v32, v14;
	_ =	sdelay $0x3  }
0x16a: {  	[tilespmem:v16+s16+$0x0] =	vst.idx.msk $0xffff, v15  }
0x16b: {  	s28 =	sadd.s32 $0xFFFFFFF3, s24;
	v15 =	vld.idx.msk [tilespmem:v17+s13+$0x0], $0xffff  }
0x16c: {  	v16 =	vadd.s32 s28, v10  }
0x16d: {  	v17 =	vadd.s32 v33, v14;
	_ =	sdelay $0x3  }
0x16e: {  	[tilespmem:v16+s16+$0x0] =	vst.idx.msk $0xffff, v15  }
0x16f: {  	s28 =	sadd.s32 $0xFFFFFFF4, s24;
	v15 =	vld.idx.msk [tilespmem:v17+s13+$0x0], $0xffff  }
0x170: {  	v16 =	vadd.s32 s28, v10  }
0x171: {  	v17 =	vadd.s32 v34, v14;
	_ =	sdelay $0x3  }
0x172: {  	[tilespmem:v16+s16+$0x0] =	vst.idx.msk $0xffff, v15  }
0x173: {  	s28 =	sadd.s32 $0xFFFFFFF5, s24;
	v15 =	vld.idx.msk [tilespmem:v17+s13+$0x0], $0xffff  }
0x174: {  	v16 =	vadd.s32 s28, v10  }
0x175: {  	v17 =	vadd.s32 v35, v14;
	_ =	sdelay $0x3  }
0x176: {  	[tilespmem:v16+s16+$0x0] =	vst.idx.msk $0xffff, v15  }
0x177: {  	s28 =	sadd.s32 $0xFFFFFFF6, s24;
	v15 =	vld.idx.msk [tilespmem:v17+s13+$0x0], $0xffff  }
0x178: {  	v16 =	vadd.s32 s28, v10  }
0x179: {  	v17 =	vadd.s32 v36, v14;
	_ =	sdelay $0x3  }
0x17a: {  	[tilespmem:v16+s16+$0x0] =	vst.idx.msk $0xffff, v15  }
0x17b: {  	s28 =	sadd.s32 $0xFFFFFFF7, s24;
	v15 =	vld.idx.msk [tilespmem:v17+s13+$0x0], $0xffff  }
0x17c: {  	v16 =	vadd.s32 s28, v10  }
0x17d: {  	v17 =	vadd.s32 v37, v14;
	_ =	sdelay $0x3  }
0x17e: {  	[tilespmem:v16+s16+$0x0] =	vst.idx.msk $0xffff, v15  }
0x17f: {  	s28 =	sadd.s32 $0xFFFFFFF8, s24;
	v15 =	vld.idx.msk [tilespmem:v17+s13+$0x0], $0xffff  }
0x180: {  	v16 =	vadd.s32 s28, v10  }
0x181: {  	v17 =	vadd.s32 v38, v14;
	_ =	sdelay $0x2  }
0x182: {  	s28 =	sadd.s32 $0xFFFFFFF9, s24  }
0x183: {  	[tilespmem:v16+s16+$0x0] =	vst.idx.msk $0xffff, v15;
	v15 =	vadd.s32 s28, v10  }
0x184: {  	v16 =	vld.idx.msk [tilespmem:v17+s13+$0x0], $0xffff;
	v15 =	vand.u32 $0x3FFF8, v15  }
0x185: {  	v15 =	vor.u32 v11, v15  }
0x186: {  	v17 =	vadd.s32 v39, v14;
	_ =	sdelay $0x3  }
0x187: {  	[tilespmem:v15+s16+$0x0] =	vst.idx.msk $0xffff, v16  }
0x188: {  	s28 =	sadd.s32 $0xFFFFFFFA, s24;
	v15 =	vld.idx.msk [tilespmem:v17+s13+$0x0], $0xffff  }
0x189: {  	v16 =	vadd.s32 s28, v10  }
0x18a: {  	v17 =	vadd.s32 v40, v14;
	_ =	sdelay $0x3  }
0x18b: {  	[tilespmem:v16+s16+$0x0] =	vst.idx.msk $0xffff, v15  }
0x18c: {  	s28 =	sadd.s32 $0xFFFFFFFB, s24;
	v15 =	vld.idx.msk [tilespmem:v17+s13+$0x0], $0xffff  }
0x18d: {  	v16 =	vadd.s32 s28, v10  }
0x18e: {  	v17 =	vadd.s32 v41, v14;
	_ =	sdelay $0x3  }
0x18f: {  	[tilespmem:v16+s16+$0x0] =	vst.idx.msk $0xffff, v15  }
0x190: {  	s28 =	sadd.s32 $0xFFFFFFFC, s24;
	v15 =	vld.idx.msk [tilespmem:v17+s13+$0x0], $0xffff  }
0x191: {  	v16 =	vadd.s32 s28, v10  }
0x192: {  	v17 =	vadd.s32 v42, v14;
	_ =	sdelay $0x3  }
0x193: {  	[tilespmem:v16+s16+$0x0] =	vst.idx.msk $0xffff, v15  }
0x194: {  	s28 =	sadd.s32 $0xFFFFFFFD, s24;
	v15 =	vld.idx.msk [tilespmem:v17+s13+$0x0], $0xffff  }
0x195: {  	v16 =	vadd.s32 s28, v10  }
0x196: {  	v17 =	vadd.s32 v6, v14;
	_ =	sdelay $0x3  }
0x197: {  	[tilespmem:v16+s16+$0x0] =	vst.idx.msk $0xffff, v15  }
0x198: {  	s28 =	sadd.s32 $0xFFFFFFFE, s24;
	v15 =	vld.idx.msk [tilespmem:v17+s13+$0x0], $0xffff  }
0x199: {  	v16 =	vadd.s32 s28, v10  }
0x19a: {  	v17 =	vadd.s32 v13, v14;
	_ =	sdelay $0x3  }
0x19b: {  	[tilespmem:v16+s16+$0x0] =	vst.idx.msk $0xffff, v15  }
0x19c: {  	s28 =	sadd.s32 $0xFFFFFFFF, s24;
	v15 =	vld.idx.msk [tilespmem:v17+s13+$0x0], $0xffff  }
.Ltmp2:
0x19d: {  	v17 =	vadd.s32 s28, v10;
	(pc) =	sbr.rel @p0 .LBB2_7-.Ltmp2, $3  }
0x19e: {  	v16 =	vadd.s32 v9, v14;
	_ =	sdelay $0x1  }
0x19f: {  	s25 =	sadd.s32 $0x1, s25  }
0x1a0: {  	s26 =	sadd.s32 $0x220, s26;
	v14 =	vmov s25  }
0x1a1: {  	_ =	sdelay $0x2  }
0x1a2: {  	v14 =	vshll.u32 v14, $0x5  }
0x1a3: {  	[tilespmem:v17+s16+$0x0] =	vst.idx.msk $0xffff, v15;
	v14 =	vbroadcast v14, $0x0  }
0x1a4: {  	v15 =	vld.idx.msk [tilespmem:v16+s13+$0x0], $0xffff;
	v16 =	vadd.s32 s24, v10  }
0x1a5: {  	v17 =	vor.u32 v0, v14;
	_ =	sdelay $0x1  }
0x1a6: {  	s31 =	sadd.s32 $0xFFFFFEE1, s23  }
0x1a7: {  	v18 =	vadd.s32 s31, v10  }
0x1a8: {  	[tilespmem:v16+s16+$0x0] =	vst.idx.msk $0xffff, v15;
	v15 =	vand.u32 $0x1FFF8, v18  }
0x1a9: {  	v15 =	vor.u32 v11, v15;
	v16 =	vld.idx.msk [tilespmem:v17+s13+$0x0], $0xffff  }
0x1aa: {  	v17 =	vadd.s32 v45, v14;
	_ =	sdelay $0x3  }
0x1ab: {  	s25 =	sadd.s32 $0xFFFFFEE2, s23;
	[tilespmem:v15+s16+$0x0] =	vst.idx.msk $0xffff, v16  }
0x1ac: {  	v16 =	vadd.s32 s25, v10;
	v15 =	vld.idx.msk [tilespmem:v17+s13+$0x0], $0xffff  }
0x1ad: {  	v17 =	vadd.s32 v55, v14;
	_ =	sdelay $0x3  }
0x1ae: {  	s26 =	sadd.s32 $0xFFFFFEE3, s23;
	[tilespmem:v16+s16+$0x0] =	vst.idx.msk $0xffff, v15  }
0x1af: {  	v16 =	vadd.s32 s26, v10;
	v15 =	vld.idx.msk [tilespmem:v17+s13+$0x0], $0xffff  }
0x1b0: {  	v17 =	vadd.s32 v56, v14;
	_ =	sdelay $0x3  }
0x1b1: {  	s28 =	sadd.s32 $0xFFFFFEE4, s23;
	[tilespmem:v16+s16+$0x0] =	vst.idx.msk $0xffff, v15  }
0x1b2: {  	v16 =	vadd.s32 s28, v10;
	v15 =	vld.idx.msk [tilespmem:v17+s13+$0x0], $0xffff  }
0x1b3: {  	v17 =	vadd.s32 v19, v14;
	_ =	sdelay $0x3  }
0x1b4: {  	s29 =	sadd.s32 $0xFFFFFEE5, s23;
	[tilespmem:v16+s16+$0x0] =	vst.idx.msk $0xffff, v15  }
0x1b5: {  	v16 =	vadd.s32 s29, v10;
	v15 =	vld.idx.msk [tilespmem:v17+s13+$0x0], $0xffff  }
0x1b6: {  	v17 =	vadd.s32 v20, v14;
	_ =	sdelay $0x3  }
0x1b7: {  	s30 =	sadd.s32 $0xFFFFFEE6, s23;
	[tilespmem:v16+s16+$0x0] =	vst.idx.msk $0xffff, v15  }
0x1b8: {  	v16 =	vadd.s32 s30, v10;
	v15 =	vld.idx.msk [tilespmem:v17+s13+$0x0], $0xffff  }
0x1b9: {  	v17 =	vadd.s32 v21, v14;
	_ =	sdelay $0x3  }
0x1ba: {  	s31 =	sadd.s32 $0xFFFFFEE7, s23;
	[tilespmem:v16+s16+$0x0] =	vst.idx.msk $0xffff, v15  }
0x1bb: {  	v16 =	vadd.s32 s31, v10;
	v15 =	vld.idx.msk [tilespmem:v17+s13+$0x0], $0xffff  }
0x1bc: {  	v17 =	vadd.s32 v22, v14;
	_ =	sdelay $0x3  }
0x1bd: {  	s25 =	sadd.s32 $0xFFFFFEE8, s23;
	[tilespmem:v16+s16+$0x0] =	vst.idx.msk $0xffff, v15  }
0x1be: {  	v16 =	vadd.s32 s25, v10;
	v15 =	vld.idx.msk [tilespmem:v17+s13+$0x0], $0xffff  }
0x1bf: {  	v17 =	vadd.s32 v23, v14;
	_ =	sdelay $0x1  }
0x1c0: {  	s26 =	sadd.s32 $0xFFFFFEE9, s23  }
0x1c1: {  	v18 =	vadd.s32 s26, v10  }
0x1c2: {  	[tilespmem:v16+s16+$0x0] =	vst.idx.msk $0xffff, v15;
	v15 =	vand.u32 $0x1FFF8, v18  }
0x1c3: {  	v16 =	vld.idx.msk [tilespmem:v17+s13+$0x0], $0xffff;
	v15 =	vor.u32 v11, v15  }
0x1c4: {  	v17 =	vadd.s32 v24, v14;
	_ =	sdelay $0x3  }
0x1c5: {  	s28 =	sadd.s32 $0xFFFFFEEA, s23;
	[tilespmem:v15+s16+$0x0] =	vst.idx.msk $0xffff, v16  }
0x1c6: {  	v16 =	vadd.s32 s28, v10;
	v15 =	vld.idx.msk [tilespmem:v17+s13+$0x0], $0xffff  }
0x1c7: {  	v17 =	vadd.s32 v25, v14;
	_ =	sdelay $0x3  }
0x1c8: {  	s29 =	sadd.s32 $0xFFFFFEEB, s23;
	[tilespmem:v16+s16+$0x0] =	vst.idx.msk $0xffff, v15  }
0x1c9: {  	v16 =	vadd.s32 s29, v10;
	v15 =	vld.idx.msk [tilespmem:v17+s13+$0x0], $0xffff  }
0x1ca: {  	v17 =	vadd.s32 v26, v14;
	_ =	sdelay $0x3  }
0x1cb: {  	s30 =	sadd.s32 $0xFFFFFEEC, s23;
	[tilespmem:v16+s16+$0x0] =	vst.idx.msk $0xffff, v15  }
0x1cc: {  	v16 =	vadd.s32 s30, v10;
	v15 =	vld.idx.msk [tilespmem:v17+s13+$0x0], $0xffff  }
0x1cd: {  	v17 =	vadd.s32 v27, v14;
	_ =	sdelay $0x3  }
0x1ce: {  	s31 =	sadd.s32 $0xFFFFFEED, s23;
	[tilespmem:v16+s16+$0x0] =	vst.idx.msk $0xffff, v15  }
0x1cf: {  	v16 =	vadd.s32 s31, v10;
	v15 =	vld.idx.msk [tilespmem:v17+s13+$0x0], $0xffff  }
0x1d0: {  	v17 =	vadd.s32 v28, v14;
	_ =	sdelay $0x3  }
0x1d1: {  	s25 =	sadd.s32 $0xFFFFFEEE, s23;
	[tilespmem:v16+s16+$0x0] =	vst.idx.msk $0xffff, v15  }
0x1d2: {  	v16 =	vadd.s32 s25, v10;
	v15 =	vld.idx.msk [tilespmem:v17+s13+$0x0], $0xffff  }
0x1d3: {  	v17 =	vadd.s32 v29, v14;
	_ =	sdelay $0x3  }
0x1d4: {  	s26 =	sadd.s32 $0xFFFFFEEF, s23;
	[tilespmem:v16+s16+$0x0] =	vst.idx.msk $0xffff, v15  }
0x1d5: {  	v16 =	vadd.s32 s26, v10;
	v15 =	vld.idx.msk [tilespmem:v17+s13+$0x0], $0xffff  }
0x1d6: {  	v17 =	vadd.s32 v30, v14;
	_ =	sdelay $0x3  }
0x1d7: {  	s28 =	sadd.s32 $0xFFFFFEF0, s23;
	[tilespmem:v16+s16+$0x0] =	vst.idx.msk $0xffff, v15  }
0x1d8: {  	v16 =	vadd.s32 s28, v10;
	v15 =	vld.idx.msk [tilespmem:v17+s13+$0x0], $0xffff  }
0x1d9: {  	v17 =	vor.u32 v3, v14;
	_ =	sdelay $0x1  }
0x1da: {  	s29 =	sadd.s32 $0xFFFFFFF1, s23  }
0x1db: {  	v18 =	vadd.s32 s29, v10  }
0x1dc: {  	[tilespmem:v16+s16+$0x0] =	vst.idx.msk $0xffff, v15;
	v15 =	vand.u32 $0x3FFF8, v18  }
0x1dd: {  	v16 =	vld.idx.msk [tilespmem:v17+s13+$0x0], $0xffff;
	v15 =	vor.u32 v11, v15  }
0x1de: {  	v17 =	vadd.s32 v31, v14;
	_ =	sdelay $0x3  }
0x1df: {  	s30 =	sadd.s32 $0xFFFFFFF2, s23;
	[tilespmem:v15+s16+$0x0] =	vst.idx.msk $0xffff, v16  }
0x1e0: {  	v16 =	vadd.s32 s30, v10;
	v15 =	vld.idx.msk [tilespmem:v17+s13+$0x0], $0xffff  }
0x1e1: {  	v17 =	vadd.s32 v32, v14;
	_ =	sdelay $0x3  }
0x1e2: {  	s31 =	sadd.s32 $0xFFFFFFF3, s23;
	[tilespmem:v16+s16+$0x0] =	vst.idx.msk $0xffff, v15  }
0x1e3: {  	v16 =	vadd.s32 s31, v10;
	v15 =	vld.idx.msk [tilespmem:v17+s13+$0x0], $0xffff  }
0x1e4: {  	v17 =	vadd.s32 v33, v14;
	_ =	sdelay $0x3  }
0x1e5: {  	s25 =	sadd.s32 $0xFFFFFFF4, s23;
	[tilespmem:v16+s16+$0x0] =	vst.idx.msk $0xffff, v15  }
0x1e6: {  	v16 =	vadd.s32 s25, v10;
	v15 =	vld.idx.msk [tilespmem:v17+s13+$0x0], $0xffff  }
0x1e7: {  	v17 =	vadd.s32 v34, v14;
	_ =	sdelay $0x3  }
0x1e8: {  	s26 =	sadd.s32 $0xFFFFFFF5, s23;
	[tilespmem:v16+s16+$0x0] =	vst.idx.msk $0xffff, v15  }
0x1e9: {  	v16 =	vadd.s32 s26, v10;
	v15 =	vld.idx.msk [tilespmem:v17+s13+$0x0], $0xffff  }
0x1ea: {  	v17 =	vadd.s32 v35, v14;
	_ =	sdelay $0x3  }
0x1eb: {  	s28 =	sadd.s32 $0xFFFFFFF6, s23;
	[tilespmem:v16+s16+$0x0] =	vst.idx.msk $0xffff, v15  }
0x1ec: {  	v16 =	vadd.s32 s28, v10;
	v15 =	vld.idx.msk [tilespmem:v17+s13+$0x0], $0xffff  }
0x1ed: {  	v17 =	vadd.s32 v36, v14;
	_ =	sdelay $0x3  }
0x1ee: {  	s29 =	sadd.s32 $0xFFFFFFF7, s23;
	[tilespmem:v16+s16+$0x0] =	vst.idx.msk $0xffff, v15  }
0x1ef: {  	v16 =	vadd.s32 s29, v10;
	v15 =	vld.idx.msk [tilespmem:v17+s13+$0x0], $0xffff  }
0x1f0: {  	v17 =	vadd.s32 v37, v14;
	_ =	sdelay $0x3  }
0x1f1: {  	s30 =	sadd.s32 $0xFFFFFFF8, s23;
	[tilespmem:v16+s16+$0x0] =	vst.idx.msk $0xffff, v15  }
0x1f2: {  	v16 =	vadd.s32 s30, v10;
	v15 =	vld.idx.msk [tilespmem:v17+s13+$0x0], $0xffff  }
0x1f3: {  	v17 =	vadd.s32 v38, v14;
	_ =	sdelay $0x1  }
0x1f4: {  	s31 =	sadd.s32 $0xFFFFFFF9, s23  }
0x1f5: {  	v18 =	vadd.s32 s31, v10  }
0x1f6: {  	[tilespmem:v16+s16+$0x0] =	vst.idx.msk $0xffff, v15;
	v15 =	vand.u32 $0x3FFF8, v18  }
0x1f7: {  	v16 =	vld.idx.msk [tilespmem:v17+s13+$0x0], $0xffff;
	v15 =	vor.u32 v11, v15  }
0x1f8: {  	v17 =	vadd.s32 v39, v14;
	_ =	sdelay $0x3  }
0x1f9: {  	s25 =	sadd.s32 $0xFFFFFFFA, s23;
	[tilespmem:v15+s16+$0x0] =	vst.idx.msk $0xffff, v16  }
0x1fa: {  	v16 =	vadd.s32 s25, v10;
	v15 =	vld.idx.msk [tilespmem:v17+s13+$0x0], $0xffff  }
0x1fb: {  	v17 =	vadd.s32 v40, v14;
	_ =	sdelay $0x3  }
0x1fc: {  	s26 =	sadd.s32 $0xFFFFFFFB, s23;
	[tilespmem:v16+s16+$0x0] =	vst.idx.msk $0xffff, v15  }
0x1fd: {  	v16 =	vadd.s32 s26, v10;
	v15 =	vld.idx.msk [tilespmem:v17+s13+$0x0], $0xffff  }
0x1fe: {  	v17 =	vadd.s32 v41, v14;
	_ =	sdelay $0x3  }
0x1ff: {  	s28 =	sadd.s32 $0xFFFFFFFC, s23;
	[tilespmem:v16+s16+$0x0] =	vst.idx.msk $0xffff, v15  }
0x200: {  	v16 =	vadd.s32 s28, v10;
	v15 =	vld.idx.msk [tilespmem:v17+s13+$0x0], $0xffff  }
0x201: {  	v17 =	vadd.s32 v42, v14;
	_ =	sdelay $0x3  }
0x202: {  	s29 =	sadd.s32 $0xFFFFFFFD, s23;
	[tilespmem:v16+s16+$0x0] =	vst.idx.msk $0xffff, v15  }
0x203: {  	v16 =	vadd.s32 s29, v10;
	v15 =	vld.idx.msk [tilespmem:v17+s13+$0x0], $0xffff  }
0x204: {  	v17 =	vadd.s32 v6, v14;
	_ =	sdelay $0x3  }
0x205: {  	s30 =	sadd.s32 $0xFFFFFFFE, s23;
	[tilespmem:v16+s16+$0x0] =	vst.idx.msk $0xffff, v15  }
0x206: {  	v16 =	vadd.s32 s30, v10;
	v15 =	vld.idx.msk [tilespmem:v17+s13+$0x0], $0xffff  }
0x207: {  	v17 =	vadd.s32 v13, v14;
	_ =	sdelay $0x3  }
0x208: {  	s31 =	sadd.s32 $0xFFFFFFFF, s23;
	[tilespmem:v16+s16+$0x0] =	vst.idx.msk $0xffff, v15  }
0x209: {  	v16 =	vadd.s32 s31, v10;
	v15 =	vld.idx.msk [tilespmem:v17+s13+$0x0], $0xffff  }
0x20a: {  	v14 =	vadd.s32 v9, v14;
	_ =	sdelay $0x3  }
0x20b: {  	[tilespmem:v16+s16+$0x0] =	vst.idx.msk $0xffff, v15  }
0x20c: {  	v15 =	vadd.s32 s23, v10;
	v14 =	vld.idx.msk [tilespmem:v14+s13+$0x0], $0xffff;
	_ =	sdelay $0x1  }
0x20d: {  	s30 =	simm.s32 $0x165  }
0x20e: {  	[tilespmem:$0x1FBB0] =	vst v6;
	s24 =	simm.s32 $0x1DC;
	v19 =	vadd.s32 s30, v0;
	s31 =	simm.s32 $0x44  }
0x20f: {  	[tilespmem:$0x1FBC0] =	vst v9;
	s25 =	simm.s32 $0x198;
	v20 =	vadd.s32 s31, v0;
	v16 =	vadd.s32 s24, v0;
	s24 =	simm.s32 $0x0  }
0x210: {  	s26 =	simm.s32 $0x1ED;
	v17 =	vadd.s32 s25, v0;
	s25 =	simm.s32 $0x11;
	v21 =	vor.u32 s24, v0;
	[tilespmem:v15+s16+$0x0] =	vst.idx.msk $0xffff, v14  }
0x211: {  	v18 =	vadd.s32 s26, v0;
	s26 =	simm.s32 $0x55;
	v22 =	vadd.s32 s25, v0;
	_ =	strace $0x90000049  }
0x212: {  	v23 =	vadd.s32 s26, v0;
	s30 =	simm.s32 $0x88;
	s31 =	simm.s32 $0x66;
	_ =	strace $0x8000004A  }
0x213: {  	v26 =	vadd.s32 s30, v0;
	v27 =	vadd.s32 s31, v0;
	s25 =	simm.s32 $0x77;
	v19 =	vld.idx.msk [tilespmem:v19+s16+$0x0], $0xffff  }
0x214: {  	v26 =	vand.u32 $0x1FFF8, v26;
	v28 =	vadd.s32 s25, v0;
	v20 =	vld.idx.msk [tilespmem:v20+s16+$0x0], $0xffff  }
0x215: {  	s26 =	simm.s32 $0x99;
	v26 =	vor.u32 v11, v26;
	v21 =	vld.idx.msk [tilespmem:v21+s16+$0x0], $0xffff  }
0x216: {  	v29 =	vadd.s32 s26, v0;
	s30 =	simm.s32 $0xBB;
	v22 =	vld.idx.msk [tilespmem:v22+s16+$0x0], $0xffff  }
0x217: {  	s28 =	simm.s32 $0x1A9;
	v36 =	vadd.s32 s30, v0;
	s31 =	simm.s32 $0xCC;
	v23 =	vld.idx.msk [tilespmem:v23+s16+$0x0], $0xffff  }
0x218: {  	s29 =	simm.s32 $0x154;
	v17 =	vand.u32 $0x3FFF8, v17;
	v37 =	vadd.s32 s31, v0;
	v15 =	vadd.s32 s28, v0;
	s28 =	simm.s32 $0x22;
	v27 =	vld.idx.msk [tilespmem:v27+s16+$0x0], $0xffff  }
0x219: {  	v14 =	vor.u32 v11, v17;
	v17 =	vadd.s32 s29, v0;
	s29 =	simm.s32 $0x33;
	v24 =	vadd.s32 s28, v0;
	v28 =	vld.idx.msk [tilespmem:v28+s16+$0x0], $0xffff  }
0x21a: {  	s25 =	simm.s32 $0xDD;
	v25 =	vadd.s32 s29, v0;
	v26 =	vld.idx.msk [tilespmem:v26+s16+$0x0], $0xffff  }
0x21b: {  	v38 =	vadd.s32 s25, v0;
	s25 =	simm.s32 $0xEE;
	v29 =	vld.idx.msk [tilespmem:v29+s16+$0x0], $0xffff  }
0x21c: {  	v39 =	vadd.s32 s25, v0;
	s28 =	simm.s32 $0xAA;
	v32 =	vld.idx.msk [tilespmem:v36+s16+$0x0], $0xffff  }
0x21d: {  	v30 =	vadd.s32 s28, v0;
	v33 =	vld.idx.msk [tilespmem:v37+s16+$0x0], $0xffff  }
0x21e: {  	v24 =	vld.idx.msk [tilespmem:v24+s16+$0x0], $0xffff;
	v21 =	vmul.f32 v21, v48  }
0x21f: {  	v25 =	vld.idx.msk [tilespmem:v25+s16+$0x0], $0xffff;
	v22 =	vmul.f32 v22, v46;
	v20 =	vmul.f32 v20, v51  }
0x220: {  	v34 =	vld.idx.msk [tilespmem:v38+s16+$0x0], $0xffff;
	v23 =	vmul.f32 v23, v52;
	v27 =	vmul.f32 v27, v53;
	v21 =	vadd.f32 $0.0e+00, v21  }
0x221: {  	s26 =	simm.s32 $0xFF;
	v35 =	vld.idx.msk [tilespmem:v39+s16+$0x0], $0xffff;
	v28 =	vmul.f32 v28, v54;
	v26 =	vmul.f32 v26, v58  }
0x222: {  	s29 =	simm.s32 $0x110;
	v30 =	vld.idx.msk [tilespmem:v30+s16+$0x0], $0xffff;
	v22 =	vadd.f32 $0.0e+00, v22;
	v20 =	vadd.f32 v20, v21;
	v21 =	vadd.s32 s26, v0  }
0x223: {  	v31 =	vor.u32 s29, v0;
	s28 =	simm.s32 $0x121;
	v62 =	vld [tilespmem:$0x1FBD0];
	v29 =	vmul.f32 v29, v57;
	v24 =	vmul.f32 v24, v49  }
0x224: {  	s31 =	simm.s32 $0x176;
	v56 =	vld [tilespmem:$0x1FBE0];
	v25 =	vmul.f32 v25, v50;
	v22 =	vadd.f32 v23, v22;
	v23 =	vadd.s32 s28, v0  }
0x225: {  	s24 =	simm.s32 $0x187;
	v3 =	vld [tilespmem:$0x1FC10];
	v24 =	vadd.f32 $0.0e+00, v24;
	v20 =	vadd.f32 v26, v20;
	v26 =	vadd.s32 s31, v0  }
0x226: {  	s29 =	simm.s32 $0x132;
	v17 =	vld.idx.msk [tilespmem:v17+s16+$0x0], $0xffff;
	v25 =	vadd.f32 $0.0e+00, v25;
	v22 =	vadd.f32 v29, v22;
	v29 =	vadd.s32 s24, v0  }
0x227: {  	s30 =	simm.s32 $0x143;
	v30 =	vmul.f32 v30, v44;
	v24 =	vadd.f32 v27, v24;
	v27 =	vadd.s32 s29, v0;
	v21 =	vld.idx.msk [tilespmem:v21+s16+$0x0], $0xffff  }
0x228: {  	s25 =	simm.s32 $0x1BA;
	v31 =	vld.idx.msk [tilespmem:v31+s16+$0x0], $0xffff;
	v25 =	vadd.f32 v28, v25;
	v28 =	vadd.s32 s30, v0  }
0x229: {  	s26 =	simm.s32 $0x1CB;
	v23 =	vld.idx.msk [tilespmem:v23+s16+$0x0], $0xffff;
	v24 =	vadd.f32 v30, v24;
	v30 =	vadd.s32 s25, v0  }
0x22a: {  	v32 =	vmul.f32 v32, v43;
	s28 =	simm.s32 $0x1FE;
	v40 =	vadd.s32 s26, v0;
	v26 =	vld.idx.msk [tilespmem:v26+s16+$0x0], $0xffff  }
0x22b: {  	v41 =	vadd.s32 s28, v0;
	v29 =	vld.idx.msk [tilespmem:v29+s16+$0x0], $0xffff  }
0x22c: {  	v34 =	vmul.f32 v34, v62;
	v25 =	vadd.f32 v32, v25;
	v27 =	vld.idx.msk [tilespmem:v27+s16+$0x0], $0xffff;
	v21 =	vmul.f32 v21, v5  }
0x22d: {  	v28 =	vld.idx.msk [tilespmem:v28+s16+$0x0], $0xffff  }
0x22e: {  	v22 =	vadd.f32 v34, v22;
	v23 =	vmul.f32 v23, v59;
	v21 =	vadd.f32 v21, v25;
	v25 =	vld.idx.msk [tilespmem:v30+s16+$0x0], $0xffff  }
0x22f: {  	v30 =	vld.idx.msk [tilespmem:v40+s16+$0x0], $0xffff  }
0x230: {  	v22 =	vadd.f32 v23, v22;
	v23 =	vld.idx.msk [tilespmem:v41+s16+$0x0], $0xffff  }
0x231: {  	v40 =	vld [tilespmem:$0x1FBF0]  }
0x232: {  	v33 =	vmul.f32 v33, v47;
	v41 =	vld [tilespmem:$0x1FC00]  }
0x233: {  	v6 =	vld [tilespmem:$0x1FD40];
	v35 =	vmul.f32 v35, v1  }
0x234: {  	v15 =	vld.idx.msk [tilespmem:v15+s16+$0x0], $0xffff;
	v31 =	vmul.f32 v31, v7;
	s29 =	simm.s32 $0x20F;
	v20 =	vadd.f32 v33, v20;
	v28 =	vmul.f32 v28, v56  }
0x235: {  	v12 =	vmovc v44;
	v44 =	vadd.s32 s29, v0;
	v24 =	vadd.f32 v35, v24;
	v26 =	vmul.f32 v26, v3;
	v3 =	vld [tilespmem:$0x1FDB0]  }
0x236: {  	v27 =	vmul.f32 v27, v61;
	v21 =	vadd.f32 v28, v21;
	v28 =	vmul.f32 v29, v4  }
0x237: {  	v16 =	vld.idx.msk [tilespmem:v16+s16+$0x0], $0xffff;
	v20 =	vadd.f32 v31, v20;
	v17 =	vmul.f32 v17, v40;
	v19 =	vmul.f32 v19, v41  }
0x238: {  	v18 =	vld.idx.msk [tilespmem:v18+s16+$0x0], $0xffff;
	v24 =	vadd.f32 v27, v24;
	v21 =	vadd.f32 v28, v21  }
0x239: {  	v14 =	vld.idx.msk [tilespmem:v14+s16+$0x0], $0xffff;
	v15 =	vmul.f32 v15, v2;
	v17 =	vadd.f32 v17, v20;
	v19 =	vadd.f32 v19, v22  }
0x23a: {  	v55 =	vld [tilespmem:$0x1FC20];
	v20 =	vmul.f32 v25, v6;
	v22 =	vadd.f32 v26, v24;
	v24 =	vmul.f32 v30, v3  }
0x23b: {  	v27 =	vld.idx.msk [tilespmem:v44+s16+$0x0], $0xffff;
	v15 =	vadd.f32 v15, v19  }
0x23c: {  	v19 =	vadd.f32 v20, v22;
	v20 =	vadd.f32 v24, v21;
	v21 =	vld [tilespmem:$0x1FC30];
	_ =	sdelay $0x1  }
0x23d: {  	v14 =	vmul.f32 v14, v63;
	_ =	sdelay $0x1  }
0x23e: {  	v16 =	vmul.f32 v16, v8;
	v18 =	vmul.f32 v18, v60;
	v14 =	vadd.f32 v14, v17  }
0x23f: {  	v17 =	vmul.f32 v23, v55;
	v21 =	vmul.f32 v27, v21  }
0x240: {  	v14 =	vadd.f32 v16, v14;
	v15 =	vadd.f32 v18, v15  }
0x241: {  	v16 =	vadd.f32 v17, v19;
	v17 =	vadd.f32 v21, v20  }
0x242: {  	s30 =	simm.s32 $0x3FC  }
0x243: {  	s31 =	simm.s32 $0x3B8;
	s24 =	simm.s32 $0x40D;
	v18 =	vadd.s32 s30, v0;
	v14 =	vadd.f32 v15, v14;
	v15 =	vadd.f32 v17, v16  }
0x244: {  	s25 =	simm.s32 $0x3C9;
	v19 =	vadd.s32 s31, v0;
	v17 =	vadd.s32 s24, v0  }
0x245: {  	v16 =	vand.u32 $0x3FFF8, v19;
	v19 =	vadd.s32 s25, v0;
	v14 =	vadd.f32 v15, v14  }
0x246: {  	s23 =	simm.s32 $0x1A3C0;
	s26 =	simm.s32 $0x374;
	v16 =	vor.u32 v11, v16  }
0x247: {  	s29 =	simm.s32 $0x330;
	v20 =	vadd.s32 s26, v0;
	[tilespmem:s23+$0x0] =	vst v14  }
0x248: {  	v22 =	vor.u32 s29, v0;
	s26 =	simm.s32 $0x2EC;
	v14 =	vld.idx.msk [tilespmem:v18+s16+$0x0], $0xffff  }
0x249: {  	s28 =	simm.s32 $0x385;
	v24 =	vadd.s32 s26, v0;
	v15 =	vld.idx.msk [tilespmem:v17+s16+$0x0], $0xffff  }
0x24a: {  	s30 =	simm.s32 $0x341;
	s31 =	simm.s32 $0x2A8;
	v21 =	vadd.s32 s28, v0;
	v17 =	vld.idx.msk [tilespmem:v19+s16+$0x0], $0xffff  }
0x24b: {  	v23 =	vadd.s32 s30, v0;
	s25 =	simm.s32 $0x2FD;
	v18 =	vadd.s32 s31, v0;
	v16 =	vld.idx.msk [tilespmem:v16+s16+$0x0], $0xffff  }
0x24c: {  	s26 =	simm.s32 $0x2B9;
	v25 =	vadd.s32 s25, v0;
	v19 =	vand.u32 $0x1FFF8, v18;
	v18 =	vld.idx.msk [tilespmem:v20+s16+$0x0], $0xffff  }
0x24d: {  	v31 =	vadd.s32 s26, v0;
	v20 =	vld.idx.msk [tilespmem:v22+s16+$0x0], $0xffff  }
0x24e: {  	v22 =	vld.idx.msk [tilespmem:v24+s16+$0x0], $0xffff;
	v26 =	vor.u32 v11, v19  }
0x24f: {  	v19 =	vld.idx.msk [tilespmem:v21+s16+$0x0], $0xffff  }
0x250: {  	v21 =	vld.idx.msk [tilespmem:v23+s16+$0x0], $0xffff  }
0x251: {  	s29 =	simm.s32 $0x275;
	s28 =	simm.s32 $0x264;
	v23 =	vld.idx.msk [tilespmem:v25+s16+$0x0], $0xffff  }
0x252: {  	v45 =	vmovc v48;
	v42 =	vmov v57;
	v28 =	vadd.s32 s29, v0;
	s30 =	simm.s32 $0x220;
	v27 =	vadd.s32 s28, v0;
	s28 =	simm.s32 $0x242;
	s31 =	simm.s32 $0x231;
	v25 =	vld.idx.msk [tilespmem:v31+s16+$0x0], $0xffff  }
0x253: {  	v9 =	vmovc v43;
	v43 =	vmovc v47;
	v30 =	vor.u32 s30, v0;
	s24 =	simm.s32 $0x42F;
	s26 =	simm.s32 $0x253;
	s25 =	simm.s32 $0x64F;
	v29 =	vadd.s32 s31, v0;
	v24 =	vld.idx.msk [tilespmem:v26+s16+$0x0], $0xffff;
	v26 =	vadd.s32 s28, v0  }
.LBB2_9:
0x254: {  	_ =	sdelay $0x2  }
0x255: {  	v31 =	vadd.s32 s26, v0;
	v27 =	vld.idx.msk [tilespmem:v27+s16+$0x0], $0xffff;
	s29 =	sadd.s32 $0xFFFFFE57, s24  }
0x256: {  	v28 =	vld.idx.msk [tilespmem:v28+s16+$0x0], $0xffff;
	s30 =	sadd.s32 $0xFFFFFE68, s24;
	v32 =	vadd.s32 s29, v0  }
0x257: {  	v30 =	vld.idx.msk [tilespmem:v30+s16+$0x0], $0xffff;
	s31 =	sadd.s32 $0xFFFFFE9B, s24;
	v14 =	vmul.f32 v14, v8;
	v34 =	vadd.s32 s30, v0  }
0x258: {  	s28 =	sadd.s32 $0xFFFFFFAB, s24;
	v29 =	vld.idx.msk [tilespmem:v29+s16+$0x0], $0xffff;
	v15 =	vmul.f32 v15, v60;
	v17 =	vmul.f32 v17, v2;
	s29 =	sadd.s32 $0xFFFFFFEF, s24;
	v37 =	vadd.s32 s31, v0;
	s30 =	sadd.s32 $0xFFFFFEAC, s24  }
0x259: {  	v26 =	vld.idx.msk [tilespmem:v26+s16+$0x0], $0xffff;
	v35 =	vadd.s32 s28, v0;
	s31 =	sadd.s32 $0xFFFFFEDF, s24;
	v36 =	vadd.s32 s29, v0;
	v38 =	vadd.s32 s30, v0  }
0x25a: {  	s28 =	sadd.s32 $0xFFFFFEF0, s24;
	v39 =	vadd.s32 s31, v0;
	v16 =	vmul.f32 v16, v63;
	v18 =	vmul.f32 v18, v40;
	v31 =	vld.idx.msk [tilespmem:v31+s16+$0x0], $0xffff  }
0x25b: {  	s29 =	sadd.s32 $0xFFFFFF23, s24;
	v19 =	vmul.f32 v19, v41;
	v40 =	vadd.s32 s28, v0;
	v20 =	vmul.f32 v20, v7;
	v32 =	vld.idx.msk [tilespmem:v32+s16+$0x0], $0xffff  }
0x25c: {  	s30 =	sadd.s32 $0xFFFFFF34, s24;
	v22 =	vmul.f32 v22, v43;
	v41 =	vadd.s32 s29, v0;
	v24 =	vmul.f32 v24, v58;
	v34 =	vld.idx.msk [tilespmem:v34+s16+$0x0], $0xffff  }
0x25d: {  	s31 =	sadd.s32 $0xFFFFFF67, s24;
	v25 =	vmul.f32 v25, v42;
	v42 =	vadd.s32 s30, v0;
	v27 =	vmul.f32 v27, v51;
	v37 =	vld.idx.msk [tilespmem:v37+s16+$0x0], $0xffff  }
0x25e: {  	v43 =	vadd.s32 s31, v0;
	v30 =	vmul.f32 v30, v45;
	v29 =	vmul.f32 v29, v46;
	v38 =	vld.idx.msk [tilespmem:v38+s16+$0x0], $0xffff  }
0x25f: {  	v33 =	vadd.s32 s24, v0;
	s28 =	sadd.s32 $0xFFFFFF78, s24;
	v28 =	vmul.f32 v28, v52;
	v26 =	vmul.f32 v26, v49;
	v39 =	vld.idx.msk [tilespmem:v39+s16+$0x0], $0xffff  }
0x260: {  	s29 =	sadd.s32 $0xFFFFFFBC, s24;
	v44 =	vadd.s32 s28, v0;
	v30 =	vadd.f32 $0.0e+00, v30;
	v29 =	vadd.f32 $0.0e+00, v29;
	v40 =	vld.idx.msk [tilespmem:v40+s16+$0x0], $0xffff  }
0x261: {  	v45 =	vadd.s32 s29, v0;
	v26 =	vadd.f32 $0.0e+00, v26;
	v41 =	vld.idx.msk [tilespmem:v41+s16+$0x0], $0xffff;
	v31 =	vmul.f32 v31, v50  }
0x262: {  	v42 =	vld.idx.msk [tilespmem:v42+s16+$0x0], $0xffff;
	v27 =	vadd.f32 v27, v30;
	v28 =	vadd.f32 v28, v29;
	v32 =	vmul.f32 v32, v53  }
0x263: {  	v30 =	vld.idx.msk [tilespmem:v43+s16+$0x0], $0xffff;
	v34 =	vmul.f32 v34, v54;
	v29 =	vmul.f32 v37, v12;
	v31 =	vadd.f32 $0.0e+00, v31  }
0x264: {  	v24 =	vadd.f32 v24, v27;
	v25 =	vadd.f32 v25, v28;
	v28 =	vld.idx.msk [tilespmem:v35+s16+$0x0], $0xffff;
	v27 =	vmul.f32 v39, v1  }
0x265: {  	v39 =	vld [tilespmem:$0x1FC10];
	v26 =	vadd.f32 v32, v26;
	v32 =	vmul.f32 v38, v9;
	v31 =	vadd.f32 v34, v31  }
0x266: {  	v21 =	vmul.f32 v21, v59;
	v23 =	vmul.f32 v23, v62;
	v34 =	vld.idx.msk [tilespmem:v44+s16+$0x0], $0xffff  }
0x267: {  	v37 =	vld.idx.msk [tilespmem:v45+s16+$0x0], $0xffff;
	v26 =	vadd.f32 v29, v26;
	v29 =	vadd.f32 v32, v31;
	v31 =	vmul.f32 v40, v5  }
0x268: {  	v38 =	vld [tilespmem:$0x1FC30];
	v22 =	vadd.f32 v22, v24;
	v23 =	vadd.f32 v23, v25;
	v24 =	vmul.f32 v41, v61  }
0x269: {  	v25 =	vld.idx.msk [tilespmem:v36+s16+$0x0], $0xffff;
	v26 =	vadd.f32 v27, v26;
	v27 =	vadd.f32 v31, v29;
	v29 =	vmul.f32 v42, v56  }
0x26a: {  	v20 =	vadd.f32 v20, v22;
	v21 =	vadd.f32 v21, v23;
	v22 =	vmul.f32 v30, v39;
	v31 =	vld.idx.msk [tilespmem:v33+s16+$0x0], $0xffff  }
0x26b: {  	v23 =	vadd.f32 v24, v26;
	v26 =	vmul.f32 v34, v4;
	v24 =	vadd.f32 v29, v27  }
0x26c: {  	v18 =	vadd.f32 v18, v20;
	v19 =	vadd.f32 v19, v21;
	v20 =	vmul.f32 v28, v6  }
0x26d: {  	v21 =	vadd.f32 v22, v23;
	v23 =	vmul.f32 v37, v3;
	v22 =	vadd.f32 v26, v24  }
0x26e: {  	v16 =	vadd.f32 v16, v18;
	v17 =	vadd.f32 v17, v19;
	v18 =	vmul.f32 v25, v55  }
0x26f: {  	v19 =	vadd.f32 v20, v21;
	v21 =	vmul.f32 v31, v38;
	v20 =	vadd.f32 v23, v22  }
0x270: {  	v14 =	vadd.f32 v14, v16;
	v15 =	vadd.f32 v15, v17  }
0x271: {  	v16 =	vadd.f32 v18, v19;
	v17 =	vadd.f32 v21, v20  }
0x272: {  	s30 =	sadd.s32 $0xFFFFFFCD, s25  }
0x273: {  	s31 =	sadd.s32 $0xFFFFFF89, s25;
	s28 =	sadd.s32 $0xFFFFFFDE, s25;
	v14 =	vadd.f32 v15, v14;
	v18 =	vadd.s32 s30, v0;
	v15 =	vadd.f32 v17, v16  }
0x274: {  	s29 =	sadd.s32 $0xFFFFFF9A, s25;
	v19 =	vadd.s32 s31, v0;
	v17 =	vadd.s32 s28, v0  }
0x275: {  	v16 =	vand.u32 $0x3FFF8, v19;
	v19 =	vadd.s32 s29, v0;
	v14 =	vadd.f32 v15, v14  }
0x276: {  	s23 =	sadd.s32 $0x10, s23;
	v41 =	vld [tilespmem:$0x1FC00];
	s30 =	sadd.s32 $0xFFFFFF45, s25;
	v16 =	vor.u32 v11, v16  }
0x277: {  	v40 =	vld [tilespmem:$0x1FBF0];
	s31 =	sadd.s32 $0xFFFFFF56, s25;
	v20 =	vadd.s32 s30, v0;
	s29 =	sadd.s32 $0xFFFFFF01, s25;
	[tilespmem:s23+$0x0] =	vst v14  }
0x278: {  	v21 =	vadd.s32 s31, v0;
	s31 =	sadd.s32 $0xFFFFFEBD, s25;
	v22 =	vor.u32 s29, v0;
	v14 =	vld.idx.msk [tilespmem:v18+s16+$0x0], $0xffff  }
0x279: {  	v24 =	vadd.s32 s31, v0;
	v15 =	vld.idx.msk [tilespmem:v17+s16+$0x0], $0xffff  }
0x27a: {  	s26 =	sadd.s32 $0xFFFFFF12, s25;
	s30 =	sadd.s32 $0xFFFFFE79, s25;
	v17 =	vld.idx.msk [tilespmem:v19+s16+$0x0], $0xffff  }
0x27b: {  	v23 =	vadd.s32 s26, v0;
	s28 =	sadd.s32 $0xFFFFFECE, s25;
	v18 =	vadd.s32 s30, v0;
	v16 =	vld.idx.msk [tilespmem:v16+s16+$0x0], $0xffff  }
0x27c: {  	v25 =	vadd.s32 s28, v0;
	s29 =	sadd.s32 $0xFFFFFE8A, s25;
	v19 =	vand.u32 $0x1FFF8, v18;
	v18 =	vld.idx.msk [tilespmem:v20+s16+$0x0], $0xffff  }
0x27d: {  	v31 =	vadd.s32 s29, v0;
	v20 =	vld.idx.msk [tilespmem:v22+s16+$0x0], $0xffff  }
0x27e: {  	p0 =	sne.s32 s25, $0x6A2F;
	v22 =	vld.idx.msk [tilespmem:v24+s16+$0x0], $0xffff;
	v26 =	vor.u32 v11, v19  }
.Ltmp3:
0x27f: {  	v19 =	vld.idx.msk [tilespmem:v21+s16+$0x0], $0xffff;
	(pc) =	sbr.rel @p0 .LBB2_9-.Ltmp3, $4  }
0x280: {  	v21 =	vld.idx.msk [tilespmem:v23+s16+$0x0], $0xffff  }
0x281: {  	s24 =	smov.u32 s25;
	s31 =	sadd.s32 $0xFFFFFE46, s25;
	s30 =	sadd.s32 $0xFFFFFE35, s25;
	v23 =	vld.idx.msk [tilespmem:v25+s16+$0x0], $0xffff  }
0x282: {  	v43 =	vmov v47;
	v28 =	vadd.s32 s31, v0;
	s31 =	sadd.s32 $0xFFFFFE13, s25;
	s29 =	sadd.s32 $0xFFFFFDF1, s25;
	v27 =	vadd.s32 s30, v0;
	s30 =	sadd.s32 $0xFFFFFE02, s25;
	v25 =	vld.idx.msk [tilespmem:v31+s16+$0x0], $0xffff  }
0x283: {  	v45 =	vmovc v48;
	v42 =	vmovc v57;
	s26 =	sadd.s32 $0xFFFFFE24, s24;
	v30 =	vor.u32 s29, v0;
	s25 =	sadd.s32 $0x220, s25;
	v29 =	vadd.s32 s30, v0;
	v24 =	vld.idx.msk [tilespmem:v26+s16+$0x0], $0xffff;
	v26 =	vadd.s32 s31, v0  }
0x284: {  	_ =	sdelay $0x3  }
0x285: {  	v31 =	vadd.s32 s26, v0;
	v30 =	vld.idx.msk [tilespmem:v30+s16+$0x0], $0xffff;
	s29 =	sadd.s32 $0xFFFFFE68, s24  }
0x286: {  	s25 =	sadd.s32 $0xFFFFFE57, s24;
	v29 =	vld.idx.msk [tilespmem:v29+s16+$0x0], $0xffff;
	v22 =	vmul.f32 v22, v43;
	v33 =	vadd.s32 s29, v0  }
0x287: {  	v27 =	vld.idx.msk [tilespmem:v27+s16+$0x0], $0xffff;
	v20 =	vmul.f32 v20, v7;
	v18 =	vmul.f32 v18, v40;
	v32 =	vadd.s32 s25, v0  }
0x288: {  	v28 =	vld.idx.msk [tilespmem:v28+s16+$0x0], $0xffff;
	s30 =	sadd.s32 $0xFFFFFE9B, s24;
	v48 =	vadd.s32 s24, v0;
	v19 =	vmul.f32 v19, v41;
	v16 =	vmul.f32 v16, v63  }
0x289: {  	s31 =	sadd.s32 $0xFFFFFEAC, s24;
	v26 =	vld.idx.msk [tilespmem:v26+s16+$0x0], $0xffff;
	s26 =	sadd.s32 $0xFFFFFEDF, s24;
	s28 =	sadd.s32 $0xFFFFFEF0, s24;
	v17 =	vmul.f32 v17, v2;
	v14 =	vmul.f32 v14, v8;
	v34 =	vadd.s32 s30, v0  }
0x28a: {  	v35 =	vadd.s32 s31, v0;
	v36 =	vadd.s32 s26, v0;
	v37 =	vadd.s32 s28, v0;
	s26 =	sadd.s32 $0xFFFFFF78, s24;
	v31 =	vld.idx.msk [tilespmem:v31+s16+$0x0], $0xffff  }
0x28b: {  	s28 =	sadd.s32 $0xFFFFFFAB, s24;
	v21 =	vmul.f32 v21, v59;
	v57 =	vadd.s32 s26, v0;
	v23 =	vmul.f32 v23, v62;
	v33 =	vld.idx.msk [tilespmem:v33+s16+$0x0], $0xffff  }
0x28c: {  	s29 =	sadd.s32 $0xFFFFFF23, s24;
	v44 =	vadd.s32 s28, v0;
	v25 =	vmul.f32 v25, v42;
	v24 =	vmul.f32 v24, v58;
	v32 =	vld.idx.msk [tilespmem:v32+s16+$0x0], $0xffff  }
0x28d: {  	s30 =	sadd.s32 $0xFFFFFF34, s24;
	v30 =	vmul.f32 v30, v45;
	v27 =	vmul.f32 v27, v51;
	v51 =	vadd.s32 s29, v0  }
0x28e: {  	v29 =	vmul.f32 v29, v46;
	v28 =	vmul.f32 v28, v52;
	v52 =	vadd.s32 s30, v0;
	s29 =	sadd.s32 $0xFFFFFFBC, s24;
	v34 =	vld.idx.msk [tilespmem:v34+s16+$0x0], $0xffff  }
0x28f: {  	s31 =	sadd.s32 $0xFFFFFF67, s24;
	v26 =	vmul.f32 v26, v49;
	v35 =	vld.idx.msk [tilespmem:v35+s16+$0x0], $0xffff;
	v45 =	vadd.s32 s29, v0;
	v30 =	vadd.f32 $0.0e+00, v30  }
0x290: {  	v36 =	vld.idx.msk [tilespmem:v36+s16+$0x0], $0xffff;
	v31 =	vmul.f32 v31, v50;
	v33 =	vmul.f32 v33, v54;
	v54 =	vadd.s32 s31, v0  }
0x291: {  	s30 =	sadd.s32 $0xFFFFFFEF, s24;
	v37 =	vld.idx.msk [tilespmem:v37+s16+$0x0], $0xffff;
	v29 =	vadd.f32 $0.0e+00, v29;
	v26 =	vadd.f32 $0.0e+00, v26;
	v32 =	vmul.f32 v32, v53  }
0x292: {  	v46 =	vadd.s32 s30, v0;
	v27 =	vadd.f32 v27, v30;
	v58 =	vld.idx.msk [tilespmem:v51+s16+$0x0], $0xffff;
	v31 =	vadd.f32 $0.0e+00, v31  }
0x293: {  	v28 =	vadd.f32 v28, v29;
	v29 =	vld.idx.msk [tilespmem:v52+s16+$0x0], $0xffff;
	v34 =	vmul.f32 v34, v12;
	v26 =	vadd.f32 v32, v26  }
0x294: {  	v24 =	vadd.f32 v24, v27;
	v42 =	vmul.f32 v35, v9;
	v31 =	vadd.f32 v33, v31;
	v33 =	vld.idx.msk [tilespmem:v57+s16+$0x0], $0xffff  }
0x295: {  	v25 =	vadd.f32 v25, v28;
	v47 =	vmul.f32 v36, v1;
	v26 =	vadd.f32 v34, v26;
	v32 =	vld.idx.msk [tilespmem:v54+s16+$0x0], $0xffff  }
0x296: {  	v30 =	vld.idx.msk [tilespmem:v44+s16+$0x0], $0xffff;
	v49 =	vmul.f32 v37, v5;
	v22 =	vadd.f32 v22, v24;
	v28 =	vadd.f32 v42, v31  }
0x297: {  	v50 =	vld.idx.msk [tilespmem:v45+s16+$0x0], $0xffff;
	v23 =	vadd.f32 v23, v25;
	v27 =	vmul.f32 v58, v61;
	v26 =	vadd.f32 v47, v26  }
0x298: {  	v53 =	vld.idx.msk [tilespmem:v48+s16+$0x0], $0xffff;
	v29 =	vmul.f32 v29, v56;
	v20 =	vadd.f32 v20, v22;
	v28 =	vadd.f32 v49, v28  }
0x299: {  	v15 =	vmul.f32 v15, v60;
	v24 =	vld.idx.msk [tilespmem:v46+s16+$0x0], $0xffff;
	v21 =	vadd.f32 v21, v23;
	v51 =	vadd.f32 v27, v26  }
0x29a: {  	v56 =	vmul.f32 v33, v4;
	v52 =	vadd.f32 v29, v28;
	v54 =	vmul.f32 v32, v39  }
0x29b: {  	v59 =	vmul.f32 v30, v6;
	v18 =	vadd.f32 v18, v20;
	v19 =	vadd.f32 v19, v21  }
0x29c: {  	v61 =	vmul.f32 v50, v3;
	v58 =	vadd.f32 v56, v52;
	v57 =	vadd.f32 v54, v51  }
0x29d: {  	v20 =	vmul.f32 v53, v38;
	v16 =	vadd.f32 v16, v18;
	v17 =	vadd.f32 v17, v19  }
0x29e: {  	v63 =	vmul.f32 v24, v55;
	v18 =	vadd.f32 v61, v58;
	v62 =	vadd.f32 v59, v57  }
0x29f: {  	v14 =	vadd.f32 v14, v16;
	v15 =	vadd.f32 v15, v17  }
0x2a0: {  	v17 =	vadd.f32 v20, v18;
	v16 =	vadd.f32 v63, v62;
	_ =	sdelay $0x1  }
0x2a1: {  	v14 =	vadd.f32 v15, v14;
	v15 =	vadd.f32 v17, v16;
	_ =	sdelay $0x1  }
0x2a2: {  	v14 =	vadd.f32 v15, v14  }
0x2a3: {  	s23 =	sadd.s32 $0x10, s23  }
0x2a4: {  	[tilespmem:s23+$0x0] =	vst v14  }
0x2a5: {  	s31 =	simm.s32 $0x0;
	_ =	strace $0x9000004A  }
0x2a6: {  	v6 =	vmov v3;
	v62 =	vmov v4;
	v14 =	vimm.f32 $-Inf;
	s23 =	simm.s32 $0x40;
	v15 =	vld [tilespmem:s31+$0x1A3C0]  }
.LBB2_11:
0x2a7: {  	p0 =	sne.s32 s23, $0xC40  }
.Ltmp4:
0x2a8: {  	_ = 	snop;
	(pc) =	sbr.rel @p0 .LBB2_11-.Ltmp4, $3  }
0x2a9: {  	_ =	sdelay $0x1  }
0x2aa: {  	s24 =	sshra.s32 s23, $0x2;
	s23 =	sadd.s32 $0x40, s23;
	v14 =	vmax.f32 v14, v15  }
0x2ab: {  	v15 =	vld [tilespmem:s24+$0x1A3C0]  }
0x2ac: {  	_ = 	snop  }
0x2ad: {  	_ =	strace $0x8000004B  }
0x2ae: {  	v3 =	vld [tilespmem:$0x1FFF0]  }
0x2af: {  	v9 =	vld [tilespmem:$0x1FBB0]  }
0x2b0: {  	s23 =	simm.s32 $0x0;
	s24 =	simm.s32 $0x40;
	v12 =	vld [tilespmem:$0x1FBC0];
	v14 =	vmax.f32 v14, v15;
	v15 =	vimm.f32 $0.0e+00  }
.LBB2_13:
0x2b1: {  	p0 =	sne.s32 s24, $0xC40;
	v16 =	vld [tilespmem:s23+$0x1A3C0];
	_ =	sdelay $0x4  }
0x2b2: {  	v16 =	vsub.f32 v16, v14;
	_ =	sdelay $0x1  }
0x2b3: {  	v16 =	vmul.f32 $1.442695020e+00, v16;
	_ =	sdelay $0x1  }
0x2b4: {  	(erf) = vpow2.f32 v16;
	_ =	sdelay $0x5  }
.Ltmp5:
0x2b5: {  	(pc) =	sbr.rel @p0 .LBB2_13-.Ltmp5, $3  }
0x2b6: {  	_ =	sdelay $0x1  }
0x2b7: {  	v16 =	vpop (erf)  }
0x2b8: {  	[tilespmem:s23+$0x1A3C0] =	vst v16;
	s23 =	sshra.s32 s24, $0x2;
	s24 =	sadd.s32 $0x40, s24;
	v15 =	vadd.f32 v16, v15  }
0x2b9: {  	v16 =	vld [tilespmem:s23+$0x1A3C0];
	_ =	sdelay $0x4  }
0x2ba: {  	v14 =	vsub.f32 v16, v14;
	_ =	sdelay $0x1  }
0x2bb: {  	v14 =	vmul.f32 $1.442695020e+00, v14;
	_ =	sdelay $0x1  }
0x2bc: {  	(erf) = vpow2.f32 v14;
	_ =	sdelay $0x6  }
0x2bd: {  	s24 =	simm.s32 $0xFF  }
0x2be: {  	s25 =	simm.s32 $0x0;
	v14 =	vadd.s32 s24, v0  }
0x2bf: {  	s28 =	simm.s32 $0x11;
	v17 =	vor.u32 s25, v0;
	v16 =	vpop (erf)  }
0x2c0: {  	s29 =	simm.s32 $0x22;
	v18 =	vadd.s32 s28, v0;
	[tilespmem:s23+$0x1A3C0] =	vst v16  }
0x2c1: {  	s30 =	simm.s32 $0x33;
	s31 =	simm.s32 $0x88;
	v19 =	vadd.s32 s29, v0;
	_ =	strace $0x9000004B  }
0x2c2: {  	v20 =	vadd.s32 s30, v0;
	v21 =	vadd.s32 s31, v0;
	_ =	strace $0x8000004C  }
0x2c3: {  	v21 =	vand.u32 $0x1FFF8, v21;
	v14 =	vld.idx.msk [tilespmem:v14+s16+$0x0], $0xffff  }
0x2c4: {  	v21 =	vor.u32 v11, v21;
	s24 =	simm.s32 $0x44;
	v22 =	vld.idx.msk [tilespmem:v17+s16+$0x0], $0xffff  }
0x2c5: {  	s25 =	simm.s32 $0x55;
	v23 =	vadd.s32 s24, v0;
	v18 =	vld.idx.msk [tilespmem:v18+s16+$0x0], $0xffff  }
0x2c6: {  	s26 =	simm.s32 $0x66;
	v24 =	vadd.s32 s25, v0;
	v30 =	vld.idx.msk [tilespmem:v19+s16+$0x0], $0xffff  }
0x2c7: {  	v25 =	vadd.s32 s26, v0;
	s29 =	simm.s32 $0x99;
	s23 =	simm.s32 $0x1A3C0;
	v20 =	vld.idx.msk [tilespmem:v20+s16+$0x0], $0xffff  }
0x2c8: {  	s30 =	simm.s32 $0xAA;
	v26 =	vadd.s32 s29, v0;
	v17 =	vld [tilespmem:s23+$0x0]  }
0x2c9: {  	s31 =	simm.s32 $0xBB;
	v27 =	vadd.s32 s30, v0;
	v21 =	vld.idx.msk [tilespmem:v21+s16+$0x0], $0xffff  }
0x2ca: {  	s26 =	simm.s32 $0xCC;
	v28 =	vadd.s32 s31, v0;
	v23 =	vld.idx.msk [tilespmem:v23+s16+$0x0], $0xffff  }
0x2cb: {  	v29 =	vadd.s32 s26, v0;
	s29 =	simm.s32 $0xEE;
	v24 =	vld.idx.msk [tilespmem:v24+s16+$0x0], $0xffff  }
0x2cc: {  	v32 =	vadd.s32 s29, v0;
	s24 =	simm.s32 $0x31F;
	v25 =	vld.idx.msk [tilespmem:v25+s16+$0x0], $0xffff  }
0x2cd: {  	v33 =	vadd.s32 s24, v0;
	v40 =	vld.idx.msk [tilespmem:v26+s16+$0x0], $0xffff  }
0x2ce: {  	v46 =	vld.idx.msk [tilespmem:v27+s16+$0x0], $0xffff  }
0x2cf: {  	v50 =	vld.idx.msk [tilespmem:v28+s16+$0x0], $0xffff  }
0x2d0: {  	s28 =	simm.s32 $0x77;
	s31 =	simm.s32 $0x231;
	v51 =	vld.idx.msk [tilespmem:v29+s16+$0x0], $0xffff  }
0x2d1: {  	s29 =	simm.s32 $0x242;
	v49 =	vadd.s32 s31, v0;
	s31 =	simm.s32 $0x264;
	v1 =	vadd.f32 v16, v15;
	v15 =	vadd.s32 s28, v0;
	v52 =	vld.idx.msk [tilespmem:v32+s16+$0x0], $0xffff  }
0x2d2: {  	v45 =	vadd.s32 s29, v0;
	s29 =	simm.s32 $0x275;
	v42 =	vadd.s32 s31, v0;
	s31 =	simm.s32 $0x297;
	s28 =	simm.s32 $0xDD;
	v32 =	vld.idx.msk [tilespmem:v33+s16+$0x0], $0xffff  }
0x2d3: {  	s30 =	simm.s32 $0x220;
	v37 =	vadd.s32 s29, v0;
	v35 =	vadd.s32 s31, v0;
	v31 =	vadd.s32 s28, v0;
	v63 =	vld [tilespmem:$0x1FD10]  }
0x2d4: {  	v16 =	vimm.f32 $0.0e+00;
	v19 =	vor.u32 s30, v0;
	v28 =	vimm.f32 $0.0e+00;
	v2 =	vld [tilespmem:$0x1FD20]  }
0x2d5: {  	[tilespmem:$0x1FBA0] =	vst v1;
	s30 =	simm.s32 $0x253;
	v29 =	vimm.f32 $0.0e+00;
	v26 =	vimm.f32 $0.0e+00;
	v27 =	vimm.f32 $0.0e+00;
	v1 =	vld [tilespmem:$0x1FD30]  }
0x2d6: {  	v47 =	vadd.s32 s30, v0;
	s30 =	simm.s32 $0x286;
	v34 =	vld.idx.msk [tilespmem:v15+s16+$0x0], $0xffff;
	v15 =	vmul.f32 v22, v17;
	v21 =	vmul.f32 v21, v17  }
0x2d7: {  	v4 =	vld [tilespmem:$0x1FD40];
	v36 =	vadd.s32 s30, v0;
	v48 =	vmul.f32 v18, v17;
	v41 =	vmul.f32 v30, v17  }
0x2d8: {  	v53 =	vld.idx.msk [tilespmem:v31+s16+$0x0], $0xffff;
	v31 =	vimm.f32 $0.0e+00;
	v43 =	vmul.f32 v20, v17;
	v38 =	vmul.f32 v23, v17  }
0x2d9: {  	v5 =	vld [tilespmem:$0x1FD50];
	v44 =	vmul.f32 v24, v17;
	v39 =	vmul.f32 v25, v17;
	v30 =	vimm.f32 $0.0e+00  }
0x2da: {  	v7 =	vld [tilespmem:$0x1FD60];
	v23 =	vimm.f32 $0.0e+00;
	v25 =	vimm.f32 $0.0e+00;
	v22 =	vimm.f32 $0.0e+00  }
0x2db: {  	v33 =	vld.idx.msk [tilespmem:v19+s16+$0x0], $0xffff;
	v24 =	vimm.f32 $0.0e+00;
	v20 =	vimm.f32 $0.0e+00;
	v19 =	vimm.f32 $0.0e+00  }
0x2dc: {  	s26 =	simm.s32 $0x2A8;
	s25 =	simm.s32 $0x53F;
	v8 =	vld [tilespmem:$0x1FD70];
	v18 =	vadd.f32 v21, v16;
	v15 =	vadd.f32 v15, v16;
	v21 =	vimm.f32 $0.0e+00  }
.LBB2_15:
0x2dd: {  	p0 =	sne.s32 s25, $0x691F;
	v54 =	vld.idx.msk [tilespmem:v49+s16+$0x0], $0xffff;
	v49 =	vadd.s32 s26, v0;
	v55 =	vmul.f32 v34, v17;
	v40 =	vmul.f32 v40, v17  }
0x2de: {  	v56 =	vld.idx.msk [tilespmem:v45+s16+$0x0], $0xffff;
	v34 =	vand.u32 $0x1FFF8, v49;
	v45 =	vmul.f32 v46, v17;
	v46 =	vmul.f32 v50, v17  }
0x2df: {  	v49 =	vmul.f32 v51, v17;
	v50 =	vmul.f32 v53, v17;
	v57 =	vld.idx.msk [tilespmem:v47+s16+$0x0], $0xffff;
	v47 =	vor.u32 v11, v34  }
0x2e0: {  	s26 =	sadd.s32 $0xFFFFFF9A, s24;
	v16 =	vadd.f32 v48, v16;
	v48 =	vmul.f32 v14, v17;
	v58 =	vld.idx.msk [tilespmem:v42+s16+$0x0], $0xffff;
	v42 =	vmul.f32 v52, v17  }
0x2e1: {  	v30 =	vadd.f32 v41, v30;
	v31 =	vadd.f32 v43, v31;
	v14 =	vmovc v32;
	v59 =	vld.idx.msk [tilespmem:v37+s16+$0x0], $0xffff;
	v37 =	vadd.s32 s26, v0;
	s26 =	sadd.s32 $0xFFFFFFAB, s24  }
0x2e2: {  	v28 =	vadd.f32 v38, v28;
	v29 =	vadd.f32 v44, v29;
	v60 =	vld.idx.msk [tilespmem:v36+s16+$0x0], $0xffff;
	v32 =	vadd.s32 s26, v0;
	s26 =	sadd.s32 $0xFFFFFFBC, s24  }
0x2e3: {  	v26 =	vadd.f32 v39, v26;
	v27 =	vadd.f32 v55, v27;
	v34 =	vld.idx.msk [tilespmem:v35+s16+$0x0], $0xffff;
	v35 =	vadd.s32 s26, v0;
	s26 =	sadd.s32 $0xFFFFFFCD, s24  }
0x2e4: {  	s23 =	sadd.s32 $0x10, s23;
	v23 =	vadd.f32 v40, v23;
	v25 =	vadd.f32 v45, v25;
	v38 =	vld.idx.msk [tilespmem:v47+s16+$0x0], $0xffff;
	v36 =	vadd.s32 s26, v0;
	s26 =	sadd.s32 $0xFFFFFFDE, s24  }
0x2e5: {  	v21 =	vadd.f32 v46, v21;
	v22 =	vadd.f32 v49, v22;
	v17 =	vld [tilespmem:s23+$0x0];
	v39 =	vadd.s32 s26, v0;
	s26 =	sadd.s32 $0xFFFFFFEF, s24;
	s24 =	smov.u32 s25  }
0x2e6: {  	v24 =	vadd.f32 v50, v24;
	v20 =	vadd.f32 v42, v20;
	v40 =	vld.idx.msk [tilespmem:v37+s16+$0x0], $0xffff;
	v43 =	vadd.s32 s26, v0  }
0x2e7: {  	s28 =	sadd.s32 $0xFFFFFF12, s25;
	s29 =	sadd.s32 $0xFFFFFF23, s25;
	v44 =	vadd.s32 s25, v0;
	v19 =	vadd.f32 v48, v19;
	s26 =	sadd.s32 $0xFFFFFF01, s25;
	v46 =	vld.idx.msk [tilespmem:v32+s16+$0x0], $0xffff  }
0x2e8: {  	v49 =	vadd.s32 s28, v0;
	v45 =	vadd.s32 s29, v0;
	s28 =	sadd.s32 $0xFFFFFF45, s25;
	s29 =	sadd.s32 $0xFFFFFF56, s25;
	v55 =	vor.u32 s26, v0;
	s26 =	sadd.s32 $0xFFFFFF34, s25;
	v50 =	vld.idx.msk [tilespmem:v35+s16+$0x0], $0xffff  }
.Ltmp6:
0x2e9: {  	v42 =	vadd.s32 s28, v0;
	v37 =	vadd.s32 s29, v0;
	v47 =	vadd.s32 s26, v0;
	s26 =	sadd.s32 $0xFFFFFF67, s25;
	v51 =	vld.idx.msk [tilespmem:v36+s16+$0x0], $0xffff;
	(pc) =	sbr.rel @p0 .LBB2_15-.Ltmp6, $4  }
0x2ea: {  	v36 =	vadd.s32 s26, v0;
	s26 =	sadd.s32 $0xFFFFFF78, s25;
	v61 =	vmul.f32 v33, v17;
	v33 =	vmul.f32 v38, v17;
	v53 =	vld.idx.msk [tilespmem:v39+s16+$0x0], $0xffff  }
0x2eb: {  	v35 =	vadd.s32 s26, v0;
	v48 =	vmul.f32 v54, v17;
	v41 =	vmul.f32 v56, v17;
	v52 =	vld.idx.msk [tilespmem:v43+s16+$0x0], $0xffff  }
0x2ec: {  	v38 =	vmul.f32 v58, v17;
	v43 =	vmul.f32 v57, v17;
	v32 =	vld.idx.msk [tilespmem:v44+s16+$0x0], $0xffff;
	v18 =	vadd.f32 v33, v18  }
0x2ed: {  	s25 =	sadd.s32 $0x220, s25;
	s26 =	sadd.s32 $0xFFFFFF89, s24;
	v39 =	vmul.f32 v60, v17;
	v15 =	vadd.f32 v61, v15;
	v44 =	vmul.f32 v59, v17;
	v33 =	vld.idx.msk [tilespmem:v55+s16+$0x0], $0xffff  }
0x2ee: {  	_ =	sdelay $0x1  }
0x2ef: {  	v54 =	vadd.s32 s26, v0  }
0x2f0: {  	v60 =	vld [tilespmem:$0x1FBA0];
	v54 =	vand.u32 $0x1FFF8, v54  }
0x2f1: {  	v49 =	vld.idx.msk [tilespmem:v49+s16+$0x0], $0xffff;
	v54 =	vor.u32 v11, v54  }
0x2f2: {  	v45 =	vld.idx.msk [tilespmem:v45+s16+$0x0], $0xffff  }
0x2f3: {  	v47 =	vld.idx.msk [tilespmem:v47+s16+$0x0], $0xffff  }
0x2f4: {  	v42 =	vld.idx.msk [tilespmem:v42+s16+$0x0], $0xffff;
	s25 =	sadd.s32 $0xFFFFFF9A, s24;
	s23 =	sadd.s32 $0x10, s23  }
0x2f5: {  	s26 =	sadd.s32 $0xFFFFFFCD, s24;
	v31 =	vadd.f32 v43, v31;
	v55 =	vadd.s32 s25, v0;
	v43 =	vld [tilespmem:s23+$0x0];
	(erf) = vrcp.f32 v60  }
0x2f6: {  	s30 =	sadd.s32 $0xFFFFFFAB, s24;
	v61 =	vadd.s32 s26, v0;
	v54 =	vld.idx.msk [tilespmem:v54+s16+$0x0], $0xffff  }
0x2f7: {  	v34 =	vmul.f32 v34, v17;
	v37 =	vld.idx.msk [tilespmem:v37+s16+$0x0], $0xffff;
	s31 =	sadd.s32 $0xFFFFFFBC, s24;
	v56 =	vadd.s32 s30, v0  }
0x2f8: {  	v36 =	vld.idx.msk [tilespmem:v36+s16+$0x0], $0xffff;
	v16 =	vadd.f32 v48, v16;
	s28 =	sadd.s32 $0xFFFFFFDE, s24;
	v48 =	vmul.f32 v52, v17;
	v52 =	vadd.s32 s31, v0  }
0x2f9: {  	v40 =	vmul.f32 v40, v17;
	v28 =	vadd.f32 v38, v28;
	v35 =	vld.idx.msk [tilespmem:v35+s16+$0x0], $0xffff;
	s29 =	sadd.s32 $0xFFFFFFEF, s24;
	v38 =	vadd.s32 s28, v0  }
0x2fa: {  	v50 =	vmul.f32 v50, v17;
	v53 =	vmul.f32 v53, v17;
	v58 =	vadd.s32 s29, v0;
	v57 =	vld.idx.msk [tilespmem:v55+s16+$0x0], $0xffff  }
0x2fb: {  	v51 =	vmul.f32 v51, v17;
	v30 =	vadd.f32 v41, v30;
	v41 =	vld.idx.msk [tilespmem:v61+s16+$0x0], $0xffff;
	v61 =	vmul.f32 v54, v43  }
0x2fc: {  	v46 =	vmul.f32 v46, v17;
	v14 =	vmul.f32 v14, v17;
	v17 =	vadd.f32 v50, v21;
	v59 =	vld.idx.msk [tilespmem:v56+s16+$0x0], $0xffff  }
0x2fd: {  	v21 =	vadd.f32 v51, v22;
	v22 =	vld.idx.msk [tilespmem:v52+s16+$0x0], $0xffff;
	v18 =	vadd.f32 v61, v18;
	v61 =	vmul.u32 $0x20, v0  }
0x2fe: {  	v24 =	vadd.f32 v53, v24;
	v38 =	vld.idx.msk [tilespmem:v38+s16+$0x0], $0xffff;
	v53 =	vpop (erf)  }
0x2ff: {  	v27 =	vadd.f32 v34, v27;
	v14 =	vadd.f32 v14, v19;
	v19 =	vld.idx.msk [tilespmem:v58+s16+$0x0], $0xffff;
	_ =	strace $0x9000004C;
	[tilespmem:$0x1FB70] =	vst v53;
	v52 =	vor.u32 $0x1, v61  }
0x300: {  	v20 =	vadd.f32 v48, v20;
	v33 =	vmul.f32 v33, v43;
	v54 =	vor.u32 $0x2, v61;
	[tilespmem:$0x1FAA0] =	vst v52  }
0x301: {  	v48 =	vmul.f32 v49, v43;
	v45 =	vmul.f32 v45, v43;
	v55 =	vor.u32 $0x3, v61;
	[tilespmem:$0x1FAB0] =	vst v54  }
0x302: {  	v15 =	vadd.f32 v33, v15;
	v22 =	vmul.f32 v22, v43;
	v56 =	vor.u32 $0x4, v61;
	[tilespmem:$0x1FAC0] =	vst v55  }
0x303: {  	v16 =	vadd.f32 v48, v16;
	v34 =	vmul.f32 v57, v43;
	v57 =	vor.u32 $0x7, v61;
	[tilespmem:$0x1FAD0] =	vst v56  }
0x304: {  	v17 =	vadd.f32 v22, v17;
	v15 =	vmul.f32 v15, v53;
	v22 =	vor.u32 $0xC, v61;
	[tilespmem:$0x1FB00] =	vst v57  }
0x305: {  	v49 =	vmul.f32 v47, v43;
	v30 =	vadd.f32 v45, v30;
	v16 =	vmul.f32 v16, v53;
	[tilespmem:$0x1FB50] =	vst v22  }
0x306: {  	v42 =	vmul.f32 v42, v43;
	[tilespmem:v61+s17+$0x0] =	vst.idx.msk $0xffff, v15  }
0x307: {  	v31 =	vadd.f32 v49, v31;
	v15 =	vmul.f32 v30, v53;
	v30 =	vor.u32 $0x5, v61;
	[tilespmem:v52+s17+$0x0] =	vst.idx.msk $0xffff, v16  }
0x308: {  	v29 =	vadd.f32 v44, v29;
	v37 =	vmul.f32 v37, v43;
	v28 =	vadd.f32 v42, v28;
	[tilespmem:$0x1FAE0] =	vst v30  }
0x309: {  	v26 =	vadd.f32 v39, v26;
	v16 =	vmul.f32 v31, v53;
	v31 =	vor.u32 $0x6, v61;
	[tilespmem:v54+s17+$0x0] =	vst.idx.msk $0xffff, v15  }
0x30a: {  	v36 =	vmul.f32 v36, v43;
	v29 =	vadd.f32 v37, v29;
	v15 =	vmul.f32 v28, v53;
	[tilespmem:$0x1FAF0] =	vst v31  }
0x30b: {  	v35 =	vmul.f32 v35, v43;
	[tilespmem:v55+s17+$0x0] =	vst.idx.msk $0xffff, v16  }
0x30c: {  	v26 =	vadd.f32 v36, v26;
	v16 =	vmul.f32 v29, v53;
	v29 =	vor.u32 $0x8, v61;
	[tilespmem:v56+s17+$0x0] =	vst.idx.msk $0xffff, v15  }
0x30d: {  	[tilespmem:$0x1FB10] =	vst v29  }
0x30e: {  	v27 =	vadd.f32 v35, v27;
	v15 =	vmul.f32 v26, v53;
	v26 =	vor.u32 $0x9, v61;
	[tilespmem:v30+s17+$0x0] =	vst.idx.msk $0xffff, v16  }
0x30f: {  	v23 =	vadd.f32 v40, v23;
	[tilespmem:$0x1FB20] =	vst v26  }
0x310: {  	v25 =	vadd.f32 v46, v25;
	v16 =	vmul.f32 v27, v53;
	v27 =	vor.u32 $0xA, v61;
	[tilespmem:v31+s17+$0x0] =	vst.idx.msk $0xffff, v15  }
0x311: {  	v51 =	vmul.f32 v41, v43;
	v38 =	vmul.f32 v38, v43;
	v30 =	vor.u32 $0xB, v61;
	[tilespmem:$0x1FB30] =	vst v27  }
0x312: {  	v50 =	vmul.f32 v59, v43;
	v23 =	vadd.f32 v34, v23;
	v15 =	vmul.f32 v18, v53;
	[tilespmem:$0x1FB40] =	vst v30  }
0x313: {  	v18 =	vadd.f32 v51, v21;
	v21 =	vadd.f32 v38, v24;
	v24 =	vor.u32 $0xE, v61;
	[tilespmem:v57+s17+$0x0] =	vst.idx.msk $0xffff, v16  }
0x314: {  	v25 =	vadd.f32 v50, v25;
	[tilespmem:$0x1FB80] =	vst v24  }
0x315: {  	v16 =	vmul.f32 v23, v53;
	v23 =	vor.u32 $0xD, v61;
	[tilespmem:v29+s17+$0x0] =	vst.idx.msk $0xffff, v15  }
0x316: {  	v15 =	vmul.f32 v25, v53;
	[tilespmem:$0x1FB60] =	vst v23  }
0x317: {  	v19 =	vmul.f32 v19, v43;
	[tilespmem:v26+s17+$0x0] =	vst.idx.msk $0xffff, v16;
	v16 =	vmul.f32 v17, v53  }
0x318: {  	v28 =	vmul.f32 v32, v43;
	[tilespmem:v27+s17+$0x0] =	vst.idx.msk $0xffff, v15  }
0x319: {  	v17 =	vadd.f32 v19, v20;
	v15 =	vmul.f32 v18, v53;
	v18 =	vor.u32 $0xF, v61;
	[tilespmem:v30+s17+$0x0] =	vst.idx.msk $0xffff, v16  }
0x31a: {  	s30 =	simm.s32 $0x20F;
	v14 =	vadd.f32 v28, v14;
	v16 =	vmul.f32 v21, v53;
	[tilespmem:$0x1FB90] =	vst v18  }
0x31b: {  	s28 =	simm.s32 $0x143;
	[tilespmem:v22+s17+$0x0] =	vst.idx.msk $0xffff, v15;
	v15 =	vmul.f32 v17, v53;
	v17 =	vadd.s32 s30, v0  }
0x31c: {  	s29 =	simm.s32 $0x198;
	v14 =	vmul.f32 v14, v53;
	v19 =	vadd.s32 s28, v0;
	s28 =	simm.s32 $0x1A9;
	[tilespmem:v23+s17+$0x0] =	vst.idx.msk $0xffff, v16  }
0x31d: {  	v20 =	vadd.s32 s29, v0;
	s29 =	simm.s32 $0x1BA;
	v26 =	vadd.s32 s28, v0;
	[tilespmem:v24+s17+$0x0] =	vst.idx.msk $0xffff, v15  }
0x31e: {  	v27 =	vadd.s32 s29, v0;
	s28 =	simm.s32 $0x1ED;
	[tilespmem:v18+s17+$0x0] =	vst.idx.msk $0xffff, v14  }
0x31f: {  	s31 =	simm.s32 $0x110;
	v30 =	vadd.s32 s28, v0;
	_ =	strace $0x8000004D  }
0x320: {  	v16 =	vor.u32 s31, v0;
	v14 =	vld.idx.msk [tilespmem:v17+s16+$0x0], $0xffff  }
0x321: {  	s30 =	simm.s32 $0x154;
	v19 =	vld.idx.msk [tilespmem:v19+s16+$0x0], $0xffff  }
0x322: {  	s25 =	simm.s32 $0x121;
	v22 =	vadd.s32 s30, v0;
	v41 =	vld.idx.msk [tilespmem:v26+s16+$0x0], $0xffff  }
0x323: {  	s31 =	simm.s32 $0x165;
	v15 =	vadd.s32 s25, v0;
	v42 =	vld.idx.msk [tilespmem:v27+s16+$0x0], $0xffff  }
0x324: {  	s30 =	simm.s32 $0x1CB;
	v23 =	vadd.s32 s31, v0;
	v48 =	vld.idx.msk [tilespmem:v30+s16+$0x0], $0xffff  }
0x325: {  	s24 =	simm.s32 $0x1A3C0;
	s26 =	simm.s32 $0x132;
	v28 =	vadd.s32 s30, v0;
	v17 =	vand.u32 $0x3FFF8, v20;
	v20 =	vld.idx.msk [tilespmem:v16+s16+$0x0], $0xffff  }
0x326: {  	v18 =	vadd.s32 s26, v0;
	v16 =	vld [tilespmem:s24+$0x0]  }
0x327: {  	s23 =	simm.s32 $0x42F;
	v33 =	vimm.f32 $0.0e+00;
	s25 =	simm.s32 $0x176;
	v21 =	vor.u32 v11, v17;
	v22 =	vld.idx.msk [tilespmem:v22+s16+$0x0], $0xffff  }
0x328: {  	v59 =	vadd.s32 s23, v0;
	v32 =	vimm.f32 $0.0e+00;
	s29 =	simm.s32 $0x1FE;
	s31 =	simm.s32 $0x1DC;
	v24 =	vadd.s32 s25, v0;
	v15 =	vld.idx.msk [tilespmem:v15+s16+$0x0], $0xffff  }
0x329: {  	v31 =	vimm.f32 $0.0e+00;
	v58 =	vadd.s32 s29, v0;
	s29 =	simm.s32 $0x352;
	s30 =	simm.s32 $0x330;
	s26 =	simm.s32 $0x187;
	v29 =	vadd.s32 s31, v0;
	v23 =	vld.idx.msk [tilespmem:v23+s16+$0x0], $0xffff  }
0x32a: {  	v39 =	vadd.s32 s29, v0;
	s29 =	simm.s32 $0x385;
	s31 =	simm.s32 $0x341;
	v60 =	vor.u32 s30, v0;
	s30 =	simm.s32 $0x363;
	v25 =	vadd.s32 s26, v0;
	v44 =	vld.idx.msk [tilespmem:v28+s16+$0x0], $0xffff  }
0x32b: {  	v35 =	vadd.s32 s29, v0;
	v43 =	vadd.s32 s31, v0;
	s31 =	simm.s32 $0x374;
	v40 =	vadd.s32 s30, v0;
	s30 =	simm.s32 $0x396;
	v18 =	vld.idx.msk [tilespmem:v18+s16+$0x0], $0xffff  }
0x32c: {  	v38 =	vadd.s32 s31, v0;
	v34 =	vadd.s32 s30, v0;
	s31 =	simm.s32 $0x3A7;
	v30 =	vimm.f32 $0.0e+00;
	v21 =	vld.idx.msk [tilespmem:v21+s16+$0x0], $0xffff  }
0x32d: {  	v27 =	vimm.f32 $0.0e+00;
	v17 =	vimm.f32 $0.0e+00;
	v36 =	vadd.s32 s31, v0;
	v24 =	vld.idx.msk [tilespmem:v24+s16+$0x0], $0xffff  }
0x32e: {  	v28 =	vimm.f32 $0.0e+00;
	v45 =	vld.idx.msk [tilespmem:v29+s16+$0x0], $0xffff;
	v29 =	vimm.f32 $0.0e+00;
	v20 =	vmul.f32 v20, v16  }
0x32f: {  	v37 =	vld.idx.msk [tilespmem:v25+s16+$0x0], $0xffff;
	v25 =	vimm.f32 $0.0e+00;
	v51 =	vmul.f32 v19, v16;
	v47 =	vmul.f32 v22, v16  }
0x330: {  	v22 =	vimm.f32 $0.0e+00;
	v52 =	vmul.f32 v15, v16;
	v53 =	vmul.f32 v23, v16  }
0x331: {  	v46 =	vld.idx.msk [tilespmem:v58+s16+$0x0], $0xffff;
	v23 =	vimm.f32 $0.0e+00;
	v50 =	vmul.f32 v18, v16;
	v21 =	vmul.f32 v21, v16  }
0x332: {  	v26 =	vld.idx.msk [tilespmem:v60+s16+$0x0], $0xffff;
	v15 =	vadd.f32 v20, v17;
	v49 =	vmul.f32 v24, v16;
	v24 =	vimm.f32 $0.0e+00  }
0x333: {  	s25 =	simm.s32 $0x64F;
	s26 =	simm.s32 $0x3B8;
	v19 =	vld.idx.msk [tilespmem:v59+s16+$0x0], $0xffff;
	v20 =	vimm.f32 $0.0e+00;
	v18 =	vadd.f32 v21, v17;
	v21 =	vimm.f32 $0.0e+00  }
.LBB2_17:
0x334: {  	p0 =	sne.s32 s25, $0x6A2F;
	v54 =	vld.idx.msk [tilespmem:v43+s16+$0x0], $0xffff;
	v43 =	vadd.s32 s26, v0;
	v55 =	vmul.f32 v37, v16;
	v41 =	vmul.f32 v41, v16  }
0x335: {  	v56 =	vld.idx.msk [tilespmem:v39+s16+$0x0], $0xffff;
	v37 =	vand.u32 $0x3FFF8, v43;
	v39 =	vmul.f32 v42, v16;
	v42 =	vmul.f32 v44, v16  }
0x336: {  	v43 =	vmul.f32 v45, v16;
	v44 =	vmul.f32 v48, v16;
	v57 =	vld.idx.msk [tilespmem:v40+s16+$0x0], $0xffff;
	v40 =	vor.u32 v11, v37  }
0x337: {  	s26 =	sadd.s32 $0xFFFFFF9A, s23;
	v17 =	vadd.f32 v52, v17;
	v45 =	vmul.f32 v14, v16;
	v58 =	vld.idx.msk [tilespmem:v38+s16+$0x0], $0xffff;
	v38 =	vmul.f32 v46, v16  }
0x338: {  	v32 =	vadd.f32 v50, v32;
	v33 =	vadd.f32 v51, v33;
	v14 =	vmovc v19;
	v59 =	vld.idx.msk [tilespmem:v35+s16+$0x0], $0xffff;
	v35 =	vadd.s32 s26, v0;
	s26 =	sadd.s32 $0xFFFFFFAB, s23  }
0x339: {  	v30 =	vadd.f32 v47, v30;
	v31 =	vadd.f32 v53, v31;
	v60 =	vld.idx.msk [tilespmem:v34+s16+$0x0], $0xffff;
	v19 =	vadd.s32 s26, v0;
	s26 =	sadd.s32 $0xFFFFFFBC, s23  }
0x33a: {  	v29 =	vadd.f32 v49, v29;
	v28 =	vadd.f32 v55, v28;
	v37 =	vld.idx.msk [tilespmem:v36+s16+$0x0], $0xffff;
	v34 =	vadd.s32 s26, v0;
	s26 =	sadd.s32 $0xFFFFFFCD, s23  }
0x33b: {  	s24 =	sadd.s32 $0x10, s24;
	v27 =	vadd.f32 v41, v27;
	v25 =	vadd.f32 v39, v25;
	v36 =	vld.idx.msk [tilespmem:v40+s16+$0x0], $0xffff;
	v46 =	vadd.s32 s26, v0;
	s26 =	sadd.s32 $0xFFFFFFDE, s23  }
0x33c: {  	v22 =	vadd.f32 v42, v22;
	v21 =	vadd.f32 v43, v21;
	v16 =	vld [tilespmem:s24+$0x0];
	v47 =	vadd.s32 s26, v0;
	s26 =	sadd.s32 $0xFFFFFFEF, s23;
	s23 =	smov.u32 s25  }
0x33d: {  	v24 =	vadd.f32 v44, v24;
	v23 =	vadd.f32 v38, v23;
	v41 =	vld.idx.msk [tilespmem:v35+s16+$0x0], $0xffff;
	v49 =	vadd.s32 s26, v0  }
0x33e: {  	s28 =	sadd.s32 $0xFFFFFF12, s25;
	s29 =	sadd.s32 $0xFFFFFF23, s25;
	v51 =	vadd.s32 s25, v0;
	v20 =	vadd.f32 v45, v20;
	s26 =	sadd.s32 $0xFFFFFF01, s25;
	v42 =	vld.idx.msk [tilespmem:v19+s16+$0x0], $0xffff  }
0x33f: {  	v43 =	vadd.s32 s28, v0;
	v39 =	vadd.s32 s29, v0;
	s28 =	sadd.s32 $0xFFFFFF45, s25;
	s29 =	sadd.s32 $0xFFFFFF56, s25;
	v53 =	vor.u32 s26, v0;
	s26 =	sadd.s32 $0xFFFFFF34, s25;
	v44 =	vld.idx.msk [tilespmem:v34+s16+$0x0], $0xffff  }
.Ltmp7:
0x340: {  	v38 =	vadd.s32 s28, v0;
	v35 =	vadd.s32 s29, v0;
	v40 =	vadd.s32 s26, v0;
	s26 =	sadd.s32 $0xFFFFFF67, s25;
	v45 =	vld.idx.msk [tilespmem:v46+s16+$0x0], $0xffff;
	(pc) =	sbr.rel @p0 .LBB2_17-.Ltmp7, $4  }
0x341: {  	v34 =	vadd.s32 s26, v0;
	s26 =	sadd.s32 $0xFFFFFF78, s25;
	v55 =	vmul.f32 v26, v16;
	v26 =	vmul.f32 v36, v16;
	v48 =	vld.idx.msk [tilespmem:v47+s16+$0x0], $0xffff  }
0x342: {  	v36 =	vadd.s32 s26, v0;
	v52 =	vmul.f32 v54, v16;
	v50 =	vmul.f32 v56, v16;
	v46 =	vld.idx.msk [tilespmem:v49+s16+$0x0], $0xffff  }
0x343: {  	v47 =	vmul.f32 v58, v16;
	v19 =	vld.idx.msk [tilespmem:v51+s16+$0x0], $0xffff;
	v51 =	vmul.f32 v57, v16;
	v18 =	vadd.f32 v26, v18  }
0x344: {  	s25 =	sadd.s32 $0x220, s25;
	s26 =	sadd.s32 $0xFFFFFF89, s23;
	v49 =	vmul.f32 v60, v16;
	v15 =	vadd.f32 v55, v15;
	v26 =	vld.idx.msk [tilespmem:v53+s16+$0x0], $0xffff;
	v53 =	vmul.f32 v59, v16  }
0x345: {  	_ =	sdelay $0x3  }
0x346: {  	v43 =	vld.idx.msk [tilespmem:v43+s16+$0x0], $0xffff  }
0x347: {  	v54 =	vadd.s32 s26, v0;
	v37 =	vmul.f32 v37, v16;
	v39 =	vld.idx.msk [tilespmem:v39+s16+$0x0], $0xffff  }
0x348: {  	s24 =	sadd.s32 $0x10, s24;
	v40 =	vld.idx.msk [tilespmem:v40+s16+$0x0], $0xffff;
	v54 =	vand.u32 $0x3FFF8, v54  }
0x349: {  	v41 =	vmul.f32 v41, v16;
	v54 =	vor.u32 v11, v54;
	v28 =	vadd.f32 v37, v28;
	v37 =	vld [tilespmem:s24+$0x0]  }
0x34a: {  	v30 =	vadd.f32 v47, v30;
	v42 =	vmul.f32 v42, v16;
	v56 =	vmul.f32 v44, v16;
	s26 =	sadd.s32 $0xFFFFFF9A, s23;
	v38 =	vld.idx.msk [tilespmem:v38+s16+$0x0], $0xffff  }
0x34b: {  	v57 =	vmul.f32 v45, v16;
	s28 =	sadd.s32 $0xFFFFFFAB, s23;
	v34 =	vld.idx.msk [tilespmem:v34+s16+$0x0], $0xffff;
	s30 =	sadd.s32 $0xFFFFFFCD, s23;
	v58 =	vmul.f32 v48, v16;
	v59 =	vadd.s32 s26, v0  }
0x34c: {  	v14 =	vmul.f32 v14, v16;
	v36 =	vld.idx.msk [tilespmem:v36+s16+$0x0], $0xffff;
	v60 =	vadd.s32 s28, v0;
	v47 =	vadd.s32 s30, v0  }
0x34d: {  	s29 =	sadd.s32 $0xFFFFFFBC, s23;
	v46 =	vmul.f32 v46, v16;
	v16 =	vadd.f32 v57, v21;
	v21 =	vadd.f32 v58, v24;
	v24 =	vld.idx.msk [tilespmem:v35+s16+$0x0], $0xffff  }
0x34e: {  	s25 =	sadd.s32 $0xFFFFFFEF, s23;
	v14 =	vadd.f32 v14, v20;
	v20 =	vadd.s32 s29, v0;
	v55 =	vld.idx.msk [tilespmem:v54+s16+$0x0], $0xffff;
	v26 =	vmul.f32 v26, v37  }
0x34f: {  	s31 =	sadd.s32 $0xFFFFFFDE, s23;
	v48 =	vadd.s32 s25, v0;
	v54 =	vld [tilespmem:$0x1FB70]  }
0x350: {  	v25 =	vadd.f32 v42, v25;
	v42 =	vld.idx.msk [tilespmem:v59+s16+$0x0], $0xffff;
	v15 =	vadd.f32 v26, v15;
	v26 =	vadd.s32 s31, v0  }
0x351: {  	v29 =	vadd.f32 v49, v29;
	v49 =	vor.u32 $0x10, v61;
	v27 =	vadd.f32 v41, v27;
	v41 =	vld.idx.msk [tilespmem:v60+s16+$0x0], $0xffff  }
0x352: {  	v31 =	vadd.f32 v53, v31;
	v35 =	vld.idx.msk [tilespmem:v47+s16+$0x0], $0xffff;
	v24 =	vmul.f32 v24, v37  }
0x353: {  	v20 =	vld.idx.msk [tilespmem:v20+s16+$0x0], $0xffff  }
0x354: {  	v24 =	vadd.f32 v24, v31;
	v31 =	vld.idx.msk [tilespmem:v48+s16+$0x0], $0xffff;
	v15 =	vmul.f32 v15, v54  }
0x355: {  	v26 =	vld.idx.msk [tilespmem:v26+s16+$0x0], $0xffff;
	_ =	strace $0x9000004D;
	[tilespmem:$0x1F990] =	vst v49  }
0x356: {  	v33 =	vadd.f32 v51, v33;
	v51 =	vor.u32 $0x11, v61;
	[tilespmem:v49+s17+$0x0] =	vst.idx.msk $0xffff, v15  }
0x357: {  	v17 =	vadd.f32 v52, v17;
	v53 =	vor.u32 $0x12, v61;
	[tilespmem:$0x1F9A0] =	vst v51  }
0x358: {  	v23 =	vadd.f32 v46, v23;
	v46 =	vmul.f32 v55, v37;
	v55 =	vor.u32 $0x13, v61;
	[tilespmem:$0x1F9B0] =	vst v53  }
0x359: {  	v22 =	vadd.f32 v56, v22;
	v56 =	vor.u32 $0x14, v61;
	v43 =	vmul.f32 v43, v37;
	[tilespmem:$0x1F9C0] =	vst v55  }
0x35a: {  	v32 =	vadd.f32 v50, v32;
	v57 =	vor.u32 $0x15, v61;
	v39 =	vmul.f32 v39, v37;
	[tilespmem:$0x1F9D0] =	vst v56  }
0x35b: {  	v59 =	vor.u32 $0x16, v61;
	v40 =	vmul.f32 v40, v37;
	v17 =	vadd.f32 v43, v17;
	[tilespmem:$0x1F9E0] =	vst v57  }
0x35c: {  	v60 =	vor.u32 $0x17, v61;
	v32 =	vadd.f32 v39, v32;
	[tilespmem:$0x1F9F0] =	vst v59  }
0x35d: {  	v38 =	vmul.f32 v38, v37;
	v33 =	vadd.f32 v40, v33;
	v17 =	vmul.f32 v17, v54;
	[tilespmem:$0x1FA00] =	vst v60  }
0x35e: {  	v15 =	vmul.f32 v32, v54;
	[tilespmem:$0x1FA40] =	vst v61  }
0x35f: {  	v30 =	vadd.f32 v38, v30;
	[tilespmem:v51+s17+$0x0] =	vst.idx.msk $0xffff, v17;
	v17 =	vmul.f32 v33, v54  }
0x360: {  	v34 =	vmul.f32 v34, v37;
	v50 =	vmul.f32 v42, v37;
	[tilespmem:v53+s17+$0x0] =	vst.idx.msk $0xffff, v15  }
0x361: {  	v15 =	vmul.f32 v30, v54;
	v30 =	vmul.f32 v31, v37;
	v31 =	vor.u32 $0x18, v61;
	[tilespmem:v55+s17+$0x0] =	vst.idx.msk $0xffff, v17  }
0x362: {  	v36 =	vmul.f32 v36, v37;
	v29 =	vadd.f32 v34, v29;
	[tilespmem:$0x1FA10] =	vst v31  }
0x363: {  	v17 =	vmul.f32 v24, v54;
	v24 =	vadd.f32 v50, v27;
	v27 =	vor.u32 $0x1A, v61;
	[tilespmem:v56+s17+$0x0] =	vst.idx.msk $0xffff, v15  }
0x364: {  	[tilespmem:$0x1FA30] =	vst v27  }
0x365: {  	v28 =	vadd.f32 v36, v28;
	v15 =	vmul.f32 v29, v54;
	v29 =	vor.u32 $0x19, v61;
	[tilespmem:v57+s17+$0x0] =	vst.idx.msk $0xffff, v17  }
0x366: {  	v20 =	vmul.f32 v20, v37;
	[tilespmem:$0x1FA20] =	vst v29  }
0x367: {  	v18 =	vadd.f32 v46, v18;
	v17 =	vmul.f32 v28, v54;
	v28 =	vor.u32 $0x1B, v61;
	[tilespmem:v59+s17+$0x0] =	vst.idx.msk $0xffff, v15  }
0x368: {  	v52 =	vmul.f32 v41, v37;
	[tilespmem:$0x1FA50] =	vst v28  }
0x369: {  	v15 =	vmul.f32 v18, v54;
	v18 =	vadd.f32 v20, v22;
	v22 =	vor.u32 $0x1C, v61;
	[tilespmem:v60+s17+$0x0] =	vst.idx.msk $0xffff, v17  }
0x36a: {  	v58 =	vmul.f32 v35, v37;
	v26 =	vmul.f32 v26, v37;
	[tilespmem:$0x1FA60] =	vst v22  }
0x36b: {  	v25 =	vadd.f32 v52, v25;
	v17 =	vmul.f32 v24, v54;
	v24 =	vor.u32 $0x1D, v61;
	[tilespmem:v31+s17+$0x0] =	vst.idx.msk $0xffff, v15  }
0x36c: {  	v20 =	vadd.f32 v26, v21;
	v21 =	vor.u32 $0x1E, v61;
	[tilespmem:$0x1FA70] =	vst v24  }
0x36d: {  	v16 =	vadd.f32 v58, v16;
	v15 =	vmul.f32 v25, v54;
	[tilespmem:$0x1FA80] =	vst v21  }
0x36e: {  	v19 =	vmul.f32 v19, v37;
	[tilespmem:v29+s17+$0x0] =	vst.idx.msk $0xffff, v17;
	v17 =	vmul.f32 v18, v54  }
0x36f: {  	v18 =	vadd.f32 v30, v23;
	v23 =	vor.u32 $0x1F, v61;
	[tilespmem:v27+s17+$0x0] =	vst.idx.msk $0xffff, v15;
	v15 =	vmul.f32 v16, v54  }
0x370: {  	v14 =	vadd.f32 v19, v14;
	v16 =	vmul.f32 v20, v54;
	[tilespmem:v28+s17+$0x0] =	vst.idx.msk $0xffff, v17  }
0x371: {  	[tilespmem:v22+s17+$0x0] =	vst.idx.msk $0xffff, v15;
	v15 =	vmul.f32 v18, v54  }
0x372: {  	v14 =	vmul.f32 v14, v54;
	[tilespmem:v24+s17+$0x0] =	vst.idx.msk $0xffff, v16  }
0x373: {  	s26 =	sshll.u32 s21, $0x7;
	[tilespmem:v21+s17+$0x0] =	vst.idx.msk $0xffff, v15  }
0x374: {  	p0 =	seq.s32 s21, $0xF;
	s23 =	sadd.s32 s26, s7;
	[tilespmem:v23+s17+$0x0] =	vst.idx.msk $0xffff, v14  }
0x375: {  	[hbm4b:s23+s1] =	stream.linear.scatter [tilespmem:s17], [sflag:$0x3], $0x200, $0x38;
	[tilespmem:$0x1A8E0] =	vst v63  }
0x376: {  	[tilespmem:$0x1FA90] =	vst v23;
	s23 =	smul.u32 @!p0 $0x1900, s21  }
0x377: {  	_ =	swait.ge [sflag:s9], $0x200  }
0x378: {  	s25 =	simm.s32 @!p0 $0x7180;
	[sflag:s9] =	ssyncset.done $0x0;
	s23 =	sshra.s32 @!p0 s23, $0x2  }
0x379: {  	s24 =	simm.s32 @!p0 $0x320;
	[sflag:s9] =	ssyncadd.s32 $0xFFFFFE00;
	s23 =	sadd.s32 @!p0 $0x13C0, s23  }
0x37a: {  	[tilespmem:s25], [sflag:$0x1] =	stream.indirect.gather @!p0 [hbm4b:s4+s24], $0x20, s23, s24, $0xb8;
	[tilespmem:$0x1A8E0] =	vst v63  }
0x37b: {  	s28 =	simm.s32 $0x0;
	_ =	strace $0x8000004E  }
0x37c: {  	v14 =	vmov s28;
	_ =	swait.ge [sflag:s18], $0x6400  }
0x37d: {  	v14 =	vshll.u32 v14, $0x5;
	[sflag:s18] =	ssyncset.done $0x0  }
0x37e: {  	v14 =	vbroadcast v14, $0x0;
	[sflag:s18] =	ssyncadd.s32 $0xFFFF9C00  }
0x37f: {  	_ =	strace $0x9000004E  }
0x380: {  	v15 =	vor.u32 v0, v14;
	_ =	strace $0x8000004F  }
0x381: {  	v43 =	vld [tilespmem:$0x1FE40]  }
0x382: {  	s29 =	simm.s32 $0x0  }
0x383: {  	v16 =	vadd.s32 s29, v10  }
0x384: {  	v16 =	vand.u32 $0x1FFF8, v16  }
0x385: {  	v16 =	vor.u32 v11, v16;
	v15 =	vld.idx.msk [tilespmem:v15+s14+$0x0], $0xffff  }
0x386: {  	v17 =	vadd.s32 v43, v14  }
0x387: {  	v44 =	vld [tilespmem:$0x1FE50];
	_ =	sdelay $0x2  }
0x388: {  	s30 =	simm.s32 $0x1;
	[tilespmem:v16+s16+$0x0] =	vst.idx.msk $0xffff, v15  }
0x389: {  	v16 =	vadd.s32 s30, v10;
	v15 =	vld.idx.msk [tilespmem:v17+s14+$0x0], $0xffff  }
0x38a: {  	v17 =	vadd.s32 v44, v14  }
0x38b: {  	v45 =	vld [tilespmem:$0x1FE60];
	_ =	sdelay $0x2  }
0x38c: {  	s31 =	simm.s32 $0x2;
	[tilespmem:v16+s16+$0x0] =	vst.idx.msk $0xffff, v15  }
0x38d: {  	v16 =	vadd.s32 s31, v10;
	v15 =	vld.idx.msk [tilespmem:v17+s14+$0x0], $0xffff  }
0x38e: {  	v17 =	vadd.s32 v45, v14  }
0x38f: {  	v19 =	vld [tilespmem:$0x1FE70];
	_ =	sdelay $0x2  }
0x390: {  	s24 =	simm.s32 $0x3;
	[tilespmem:v16+s16+$0x0] =	vst.idx.msk $0xffff, v15  }
0x391: {  	v16 =	vadd.s32 s24, v10;
	v15 =	vld.idx.msk [tilespmem:v17+s14+$0x0], $0xffff  }
0x392: {  	v17 =	vadd.s32 v19, v14  }
0x393: {  	v20 =	vld [tilespmem:$0x1FE80];
	_ =	sdelay $0x2  }
0x394: {  	s25 =	simm.s32 $0x4;
	[tilespmem:v16+s16+$0x0] =	vst.idx.msk $0xffff, v15  }
0x395: {  	v16 =	vadd.s32 s25, v10;
	v15 =	vld.idx.msk [tilespmem:v17+s14+$0x0], $0xffff  }
0x396: {  	v17 =	vadd.s32 v20, v14  }
0x397: {  	v21 =	vld [tilespmem:$0x1FE90];
	_ =	sdelay $0x2  }
0x398: {  	s26 =	simm.s32 $0x5;
	[tilespmem:v16+s16+$0x0] =	vst.idx.msk $0xffff, v15  }
0x399: {  	v16 =	vadd.s32 s26, v10;
	v15 =	vld.idx.msk [tilespmem:v17+s14+$0x0], $0xffff  }
0x39a: {  	v17 =	vadd.s32 v21, v14  }
0x39b: {  	v22 =	vld [tilespmem:$0x1FEA0];
	_ =	sdelay $0x2  }
0x39c: {  	s28 =	simm.s32 $0x6;
	[tilespmem:v16+s16+$0x0] =	vst.idx.msk $0xffff, v15  }
0x39d: {  	v16 =	vadd.s32 s28, v10;
	v15 =	vld.idx.msk [tilespmem:v17+s14+$0x0], $0xffff  }
0x39e: {  	v17 =	vadd.s32 v22, v14  }
0x39f: {  	v23 =	vld [tilespmem:$0x1FEB0];
	_ =	sdelay $0x2  }
0x3a0: {  	s29 =	simm.s32 $0x7;
	[tilespmem:v16+s16+$0x0] =	vst.idx.msk $0xffff, v15  }
0x3a1: {  	v16 =	vadd.s32 s29, v10;
	v15 =	vld.idx.msk [tilespmem:v17+s14+$0x0], $0xffff  }
0x3a2: {  	v17 =	vadd.s32 v23, v14  }
0x3a3: {  	v24 =	vld [tilespmem:$0x1FEC0]  }
0x3a4: {  	s30 =	simm.s32 $0x8  }
0x3a5: {  	v18 =	vadd.s32 s30, v10  }
0x3a6: {  	[tilespmem:v16+s16+$0x0] =	vst.idx.msk $0xffff, v15;
	v15 =	vand.u32 $0x1FFF8, v18  }
0x3a7: {  	v16 =	vld.idx.msk [tilespmem:v17+s14+$0x0], $0xffff;
	v15 =	vor.u32 v11, v15  }
0x3a8: {  	v17 =	vadd.s32 v24, v14  }
0x3a9: {  	v25 =	vld [tilespmem:$0x1FED0];
	_ =	sdelay $0x2  }
0x3aa: {  	s31 =	simm.s32 $0x9;
	[tilespmem:v15+s16+$0x0] =	vst.idx.msk $0xffff, v16  }
0x3ab: {  	v16 =	vadd.s32 s31, v10;
	v15 =	vld.idx.msk [tilespmem:v17+s14+$0x0], $0xffff  }
0x3ac: {  	v17 =	vadd.s32 v25, v14  }
0x3ad: {  	v26 =	vld [tilespmem:$0x1FEE0];
	_ =	sdelay $0x2  }
0x3ae: {  	s24 =	simm.s32 $0xA;
	[tilespmem:v16+s16+$0x0] =	vst.idx.msk $0xffff, v15  }
0x3af: {  	v16 =	vadd.s32 s24, v10;
	v15 =	vld.idx.msk [tilespmem:v17+s14+$0x0], $0xffff  }
0x3b0: {  	v17 =	vadd.s32 v26, v14  }
0x3b1: {  	v27 =	vld [tilespmem:$0x1FEF0];
	_ =	sdelay $0x2  }
0x3b2: {  	s25 =	simm.s32 $0xB;
	[tilespmem:v16+s16+$0x0] =	vst.idx.msk $0xffff, v15  }
0x3b3: {  	v16 =	vadd.s32 s25, v10;
	v15 =	vld.idx.msk [tilespmem:v17+s14+$0x0], $0xffff  }
0x3b4: {  	v17 =	vadd.s32 v27, v14  }
0x3b5: {  	v28 =	vld [tilespmem:$0x1FF00];
	_ =	sdelay $0x2  }
0x3b6: {  	s26 =	simm.s32 $0xC;
	[tilespmem:v16+s16+$0x0] =	vst.idx.msk $0xffff, v15  }
0x3b7: {  	v16 =	vadd.s32 s26, v10;
	v15 =	vld.idx.msk [tilespmem:v17+s14+$0x0], $0xffff  }
0x3b8: {  	v17 =	vadd.s32 v28, v14  }
0x3b9: {  	v29 =	vld [tilespmem:$0x1FF10];
	_ =	sdelay $0x2  }
0x3ba: {  	s28 =	simm.s32 $0xD;
	[tilespmem:v16+s16+$0x0] =	vst.idx.msk $0xffff, v15  }
0x3bb: {  	v16 =	vadd.s32 s28, v10;
	v15 =	vld.idx.msk [tilespmem:v17+s14+$0x0], $0xffff  }
0x3bc: {  	v17 =	vadd.s32 v29, v14  }
0x3bd: {  	v30 =	vld [tilespmem:$0x1FF20];
	_ =	sdelay $0x2  }
0x3be: {  	s29 =	simm.s32 $0xE;
	[tilespmem:v16+s16+$0x0] =	vst.idx.msk $0xffff, v15  }
0x3bf: {  	v16 =	vadd.s32 s29, v10;
	v15 =	vld.idx.msk [tilespmem:v17+s14+$0x0], $0xffff  }
0x3c0: {  	v17 =	vadd.s32 v30, v14;
	_ =	sdelay $0x3  }
0x3c1: {  	s30 =	simm.s32 $0xF;
	[tilespmem:v16+s16+$0x0] =	vst.idx.msk $0xffff, v15  }
0x3c2: {  	v16 =	vadd.s32 s30, v10;
	v15 =	vld.idx.msk [tilespmem:v17+s14+$0x0], $0xffff  }
0x3c3: {  	v17 =	vor.u32 v3, v14  }
0x3c4: {  	v31 =	vld [tilespmem:$0x1FF30]  }
0x3c5: {  	s31 =	simm.s32 $0x110  }
0x3c6: {  	v18 =	vadd.s32 s31, v10  }
0x3c7: {  	[tilespmem:v16+s16+$0x0] =	vst.idx.msk $0xffff, v15;
	v15 =	vand.u32 $0x3FFF8, v18  }
0x3c8: {  	v16 =	vld.idx.msk [tilespmem:v17+s14+$0x0], $0xffff;
	v15 =	vor.u32 v11, v15  }
0x3c9: {  	v17 =	vadd.s32 v31, v14  }
0x3ca: {  	v32 =	vld [tilespmem:$0x1FF40];
	_ =	sdelay $0x2  }
0x3cb: {  	s24 =	simm.s32 $0x111;
	[tilespmem:v15+s16+$0x0] =	vst.idx.msk $0xffff, v16  }
0x3cc: {  	v16 =	vadd.s32 s24, v10;
	v15 =	vld.idx.msk [tilespmem:v17+s14+$0x0], $0xffff  }
0x3cd: {  	v17 =	vadd.s32 v32, v14  }
0x3ce: {  	v33 =	vld [tilespmem:$0x1FF50];
	_ =	sdelay $0x2  }
0x3cf: {  	s25 =	simm.s32 $0x112;
	[tilespmem:v16+s16+$0x0] =	vst.idx.msk $0xffff, v15  }
0x3d0: {  	v16 =	vadd.s32 s25, v10;
	v15 =	vld.idx.msk [tilespmem:v17+s14+$0x0], $0xffff  }
0x3d1: {  	v17 =	vadd.s32 v33, v14  }
0x3d2: {  	v34 =	vld [tilespmem:$0x1FF60];
	_ =	sdelay $0x2  }
0x3d3: {  	s26 =	simm.s32 $0x113;
	[tilespmem:v16+s16+$0x0] =	vst.idx.msk $0xffff, v15  }
0x3d4: {  	v16 =	vadd.s32 s26, v10;
	v15 =	vld.idx.msk [tilespmem:v17+s14+$0x0], $0xffff  }
0x3d5: {  	v17 =	vadd.s32 v34, v14  }
0x3d6: {  	v35 =	vld [tilespmem:$0x1FF70];
	_ =	sdelay $0x2  }
0x3d7: {  	s28 =	simm.s32 $0x114;
	[tilespmem:v16+s16+$0x0] =	vst.idx.msk $0xffff, v15  }
0x3d8: {  	v16 =	vadd.s32 s28, v10;
	v15 =	vld.idx.msk [tilespmem:v17+s14+$0x0], $0xffff  }
0x3d9: {  	v17 =	vadd.s32 v35, v14  }
0x3da: {  	v36 =	vld [tilespmem:$0x1FF80];
	_ =	sdelay $0x2  }
0x3db: {  	s29 =	simm.s32 $0x115;
	[tilespmem:v16+s16+$0x0] =	vst.idx.msk $0xffff, v15  }
0x3dc: {  	v16 =	vadd.s32 s29, v10;
	v15 =	vld.idx.msk [tilespmem:v17+s14+$0x0], $0xffff  }
0x3dd: {  	v17 =	vadd.s32 v36, v14  }
0x3de: {  	v37 =	vld [tilespmem:$0x1FF90];
	_ =	sdelay $0x2  }
0x3df: {  	s30 =	simm.s32 $0x116;
	[tilespmem:v16+s16+$0x0] =	vst.idx.msk $0xffff, v15  }
0x3e0: {  	v16 =	vadd.s32 s30, v10;
	v15 =	vld.idx.msk [tilespmem:v17+s14+$0x0], $0xffff  }
0x3e1: {  	v17 =	vadd.s32 v37, v14  }
0x3e2: {  	v38 =	vld [tilespmem:$0x1FFA0];
	_ =	sdelay $0x2  }
0x3e3: {  	s31 =	simm.s32 $0x117;
	[tilespmem:v16+s16+$0x0] =	vst.idx.msk $0xffff, v15  }
0x3e4: {  	v16 =	vadd.s32 s31, v10;
	v15 =	vld.idx.msk [tilespmem:v17+s14+$0x0], $0xffff  }
0x3e5: {  	v17 =	vadd.s32 v38, v14  }
0x3e6: {  	v39 =	vld [tilespmem:$0x1FFB0]  }
0x3e7: {  	s24 =	simm.s32 $0x118  }
0x3e8: {  	v18 =	vadd.s32 s24, v10  }
0x3e9: {  	[tilespmem:v16+s16+$0x0] =	vst.idx.msk $0xffff, v15;
	v15 =	vand.u32 $0x3FFF8, v18  }
0x3ea: {  	v16 =	vld.idx.msk [tilespmem:v17+s14+$0x0], $0xffff;
	v15 =	vor.u32 v11, v15  }
0x3eb: {  	v17 =	vadd.s32 v39, v14  }
0x3ec: {  	v40 =	vld [tilespmem:$0x1FFC0];
	_ =	sdelay $0x2  }
0x3ed: {  	s25 =	simm.s32 $0x119;
	[tilespmem:v15+s16+$0x0] =	vst.idx.msk $0xffff, v16  }
0x3ee: {  	v16 =	vadd.s32 s25, v10;
	v15 =	vld.idx.msk [tilespmem:v17+s14+$0x0], $0xffff  }
0x3ef: {  	v17 =	vadd.s32 v40, v14  }
0x3f0: {  	v41 =	vld [tilespmem:$0x1FFD0];
	_ =	sdelay $0x2  }
0x3f1: {  	s26 =	simm.s32 $0x11A;
	[tilespmem:v16+s16+$0x0] =	vst.idx.msk $0xffff, v15  }
0x3f2: {  	v16 =	vadd.s32 s26, v10;
	v15 =	vld.idx.msk [tilespmem:v17+s14+$0x0], $0xffff  }
0x3f3: {  	v17 =	vadd.s32 v41, v14  }
0x3f4: {  	v42 =	vld [tilespmem:$0x1FFE0];
	_ =	sdelay $0x2  }
0x3f5: {  	s28 =	simm.s32 $0x11B;
	[tilespmem:v16+s16+$0x0] =	vst.idx.msk $0xffff, v15  }
0x3f6: {  	v16 =	vadd.s32 s28, v10;
	v15 =	vld.idx.msk [tilespmem:v17+s14+$0x0], $0xffff  }
0x3f7: {  	v17 =	vadd.s32 v42, v14;
	_ =	sdelay $0x3  }
0x3f8: {  	s29 =	simm.s32 $0x11C;
	[tilespmem:v16+s16+$0x0] =	vst.idx.msk $0xffff, v15  }
0x3f9: {  	v16 =	vadd.s32 s29, v10;
	v15 =	vld.idx.msk [tilespmem:v17+s14+$0x0], $0xffff  }
0x3fa: {  	v17 =	vadd.s32 v9, v14;
	_ =	sdelay $0x3  }
0x3fb: {  	s30 =	simm.s32 $0x11D;
	[tilespmem:v16+s16+$0x0] =	vst.idx.msk $0xffff, v15  }
0x3fc: {  	v16 =	vadd.s32 s30, v10;
	v15 =	vld.idx.msk [tilespmem:v17+s14+$0x0], $0xffff  }
0x3fd: {  	v17 =	vadd.s32 v13, v14;
	_ =	sdelay $0x3  }
0x3fe: {  	s31 =	simm.s32 $0x11E;
	[tilespmem:v16+s16+$0x0] =	vst.idx.msk $0xffff, v15  }
0x3ff: {  	v15 =	vld.idx.msk [tilespmem:v17+s14+$0x0], $0xffff;
	v17 =	vadd.s32 s31, v10  }
0x400: {  	v16 =	vadd.s32 v12, v14;
	_ =	sdelay $0x1  }
0x401: {  	s25 =	simm.s32 $0x1  }
0x402: {  	s23 =	simm.s32 $0x33F;
	v61 =	vld [tilespmem:$0x1FDA0];
	s24 =	simm.s32 $0x11F;
	s26 =	simm.s32 $0x55F;
	v14 =	vmov s25  }
.LBB2_19:
0x403: {  	p0 =	sne.s32 s26, $0x693F;
	v14 =	vshll.u32 v14, $0x5;
	[tilespmem:v17+s16+$0x0] =	vst.idx.msk $0xffff, v15  }
0x404: {  	v14 =	vbroadcast v14, $0x0;
	v15 =	vld.idx.msk [tilespmem:v16+s14+$0x0], $0xffff  }
0x405: {  	v16 =	vadd.s32 s24, v10;
	s24 =	smov.u32 s23;
	s23 =	smov.u32 s26  }
0x406: {  	v17 =	vor.u32 v0, v14;
	_ =	sdelay $0x2  }
0x407: {  	s28 =	sadd.s32 $0xFFFFFEE1, s24  }
0x408: {  	v18 =	vadd.s32 s28, v10;
	[tilespmem:v16+s16+$0x0] =	vst.idx.msk $0xffff, v15  }
0x409: {  	v16 =	vand.u32 $0x1FFF8, v18;
	v15 =	vld.idx.msk [tilespmem:v17+s14+$0x0], $0xffff  }
0x40a: {  	v16 =	vor.u32 v11, v16  }
0x40b: {  	v17 =	vadd.s32 v43, v14;
	_ =	sdelay $0x3  }
0x40c: {  	[tilespmem:v16+s16+$0x0] =	vst.idx.msk $0xffff, v15  }
0x40d: {  	s28 =	sadd.s32 $0xFFFFFEE2, s24;
	v15 =	vld.idx.msk [tilespmem:v17+s14+$0x0], $0xffff  }
0x40e: {  	v16 =	vadd.s32 s28, v10  }
0x40f: {  	v17 =	vadd.s32 v44, v14;
	_ =	sdelay $0x3  }
0x410: {  	[tilespmem:v16+s16+$0x0] =	vst.idx.msk $0xffff, v15  }
0x411: {  	s28 =	sadd.s32 $0xFFFFFEE3, s24;
	v15 =	vld.idx.msk [tilespmem:v17+s14+$0x0], $0xffff  }
0x412: {  	v16 =	vadd.s32 s28, v10  }
0x413: {  	v17 =	vadd.s32 v45, v14;
	_ =	sdelay $0x3  }
0x414: {  	[tilespmem:v16+s16+$0x0] =	vst.idx.msk $0xffff, v15  }
0x415: {  	s28 =	sadd.s32 $0xFFFFFEE4, s24;
	v15 =	vld.idx.msk [tilespmem:v17+s14+$0x0], $0xffff  }
0x416: {  	v16 =	vadd.s32 s28, v10  }
0x417: {  	v17 =	vadd.s32 v19, v14;
	_ =	sdelay $0x3  }
0x418: {  	[tilespmem:v16+s16+$0x0] =	vst.idx.msk $0xffff, v15  }
0x419: {  	s28 =	sadd.s32 $0xFFFFFEE5, s24;
	v15 =	vld.idx.msk [tilespmem:v17+s14+$0x0], $0xffff  }
0x41a: {  	v16 =	vadd.s32 s28, v10  }
0x41b: {  	v17 =	vadd.s32 v20, v14;
	_ =	sdelay $0x3  }
0x41c: {  	[tilespmem:v16+s16+$0x0] =	vst.idx.msk $0xffff, v15  }
0x41d: {  	s28 =	sadd.s32 $0xFFFFFEE6, s24;
	v15 =	vld.idx.msk [tilespmem:v17+s14+$0x0], $0xffff  }
0x41e: {  	v16 =	vadd.s32 s28, v10  }
0x41f: {  	v17 =	vadd.s32 v21, v14;
	_ =	sdelay $0x3  }
0x420: {  	[tilespmem:v16+s16+$0x0] =	vst.idx.msk $0xffff, v15  }
0x421: {  	s28 =	sadd.s32 $0xFFFFFEE7, s24;
	v15 =	vld.idx.msk [tilespmem:v17+s14+$0x0], $0xffff  }
0x422: {  	v16 =	vadd.s32 s28, v10  }
0x423: {  	v17 =	vadd.s32 v22, v14;
	_ =	sdelay $0x3  }
0x424: {  	[tilespmem:v16+s16+$0x0] =	vst.idx.msk $0xffff, v15  }
0x425: {  	s28 =	sadd.s32 $0xFFFFFEE8, s24;
	v15 =	vld.idx.msk [tilespmem:v17+s14+$0x0], $0xffff  }
0x426: {  	v16 =	vadd.s32 s28, v10  }
0x427: {  	v17 =	vadd.s32 v23, v14;
	_ =	sdelay $0x2  }
0x428: {  	s28 =	sadd.s32 $0xFFFFFEE9, s24  }
0x429: {  	[tilespmem:v16+s16+$0x0] =	vst.idx.msk $0xffff, v15;
	v15 =	vadd.s32 s28, v10  }
0x42a: {  	v16 =	vld.idx.msk [tilespmem:v17+s14+$0x0], $0xffff;
	v15 =	vand.u32 $0x1FFF8, v15  }
0x42b: {  	v15 =	vor.u32 v11, v15  }
0x42c: {  	v17 =	vadd.s32 v24, v14;
	_ =	sdelay $0x3  }
0x42d: {  	[tilespmem:v15+s16+$0x0] =	vst.idx.msk $0xffff, v16  }
0x42e: {  	s28 =	sadd.s32 $0xFFFFFEEA, s24;
	v15 =	vld.idx.msk [tilespmem:v17+s14+$0x0], $0xffff  }
0x42f: {  	v16 =	vadd.s32 s28, v10  }
0x430: {  	v17 =	vadd.s32 v25, v14;
	_ =	sdelay $0x3  }
0x431: {  	[tilespmem:v16+s16+$0x0] =	vst.idx.msk $0xffff, v15  }
0x432: {  	s28 =	sadd.s32 $0xFFFFFEEB, s24;
	v15 =	vld.idx.msk [tilespmem:v17+s14+$0x0], $0xffff  }
0x433: {  	v16 =	vadd.s32 s28, v10  }
0x434: {  	v17 =	vadd.s32 v26, v14;
	_ =	sdelay $0x3  }
0x435: {  	[tilespmem:v16+s16+$0x0] =	vst.idx.msk $0xffff, v15  }
0x436: {  	s28 =	sadd.s32 $0xFFFFFEEC, s24;
	v15 =	vld.idx.msk [tilespmem:v17+s14+$0x0], $0xffff  }
0x437: {  	v16 =	vadd.s32 s28, v10  }
0x438: {  	v17 =	vadd.s32 v27, v14;
	_ =	sdelay $0x3  }
0x439: {  	[tilespmem:v16+s16+$0x0] =	vst.idx.msk $0xffff, v15  }
0x43a: {  	s28 =	sadd.s32 $0xFFFFFEED, s24;
	v15 =	vld.idx.msk [tilespmem:v17+s14+$0x0], $0xffff  }
0x43b: {  	v16 =	vadd.s32 s28, v10  }
0x43c: {  	v17 =	vadd.s32 v28, v14;
	_ =	sdelay $0x3  }
0x43d: {  	[tilespmem:v16+s16+$0x0] =	vst.idx.msk $0xffff, v15  }
0x43e: {  	s28 =	sadd.s32 $0xFFFFFEEE, s24;
	v15 =	vld.idx.msk [tilespmem:v17+s14+$0x0], $0xffff  }
0x43f: {  	v16 =	vadd.s32 s28, v10  }
0x440: {  	v17 =	vadd.s32 v29, v14;
	_ =	sdelay $0x3  }
0x441: {  	[tilespmem:v16+s16+$0x0] =	vst.idx.msk $0xffff, v15  }
0x442: {  	s28 =	sadd.s32 $0xFFFFFEEF, s24;
	v15 =	vld.idx.msk [tilespmem:v17+s14+$0x0], $0xffff  }
0x443: {  	v16 =	vadd.s32 s28, v10  }
0x444: {  	v17 =	vadd.s32 v30, v14;
	_ =	sdelay $0x3  }
0x445: {  	[tilespmem:v16+s16+$0x0] =	vst.idx.msk $0xffff, v15  }
0x446: {  	s28 =	sadd.s32 $0xFFFFFEF0, s24;
	v15 =	vld.idx.msk [tilespmem:v17+s14+$0x0], $0xffff  }
0x447: {  	v16 =	vadd.s32 s28, v10  }
0x448: {  	v17 =	vor.u32 v3, v14;
	_ =	sdelay $0x2  }
0x449: {  	s28 =	sadd.s32 $0xFFFFFFF1, s24  }
0x44a: {  	[tilespmem:v16+s16+$0x0] =	vst.idx.msk $0xffff, v15;
	v15 =	vadd.s32 s28, v10  }
0x44b: {  	v16 =	vld.idx.msk [tilespmem:v17+s14+$0x0], $0xffff;
	v15 =	vand.u32 $0x3FFF8, v15  }
0x44c: {  	v15 =	vor.u32 v11, v15  }
0x44d: {  	v17 =	vadd.s32 v31, v14;
	_ =	sdelay $0x3  }
0x44e: {  	[tilespmem:v15+s16+$0x0] =	vst.idx.msk $0xffff, v16  }
0x44f: {  	s28 =	sadd.s32 $0xFFFFFFF2, s24;
	v15 =	vld.idx.msk [tilespmem:v17+s14+$0x0], $0xffff  }
0x450: {  	v16 =	vadd.s32 s28, v10  }
0x451: {  	v17 =	vadd.s32 v32, v14;
	_ =	sdelay $0x3  }
0x452: {  	[tilespmem:v16+s16+$0x0] =	vst.idx.msk $0xffff, v15  }
0x453: {  	s28 =	sadd.s32 $0xFFFFFFF3, s24;
	v15 =	vld.idx.msk [tilespmem:v17+s14+$0x0], $0xffff  }
0x454: {  	v16 =	vadd.s32 s28, v10  }
0x455: {  	v17 =	vadd.s32 v33, v14;
	_ =	sdelay $0x3  }
0x456: {  	[tilespmem:v16+s16+$0x0] =	vst.idx.msk $0xffff, v15  }
0x457: {  	s28 =	sadd.s32 $0xFFFFFFF4, s24;
	v15 =	vld.idx.msk [tilespmem:v17+s14+$0x0], $0xffff  }
0x458: {  	v16 =	vadd.s32 s28, v10  }
0x459: {  	v17 =	vadd.s32 v34, v14;
	_ =	sdelay $0x3  }
0x45a: {  	[tilespmem:v16+s16+$0x0] =	vst.idx.msk $0xffff, v15  }
0x45b: {  	s28 =	sadd.s32 $0xFFFFFFF5, s24;
	v15 =	vld.idx.msk [tilespmem:v17+s14+$0x0], $0xffff  }
0x45c: {  	v16 =	vadd.s32 s28, v10  }
0x45d: {  	v17 =	vadd.s32 v35, v14;
	_ =	sdelay $0x3  }
0x45e: {  	[tilespmem:v16+s16+$0x0] =	vst.idx.msk $0xffff, v15  }
0x45f: {  	s28 =	sadd.s32 $0xFFFFFFF6, s24;
	v15 =	vld.idx.msk [tilespmem:v17+s14+$0x0], $0xffff  }
0x460: {  	v16 =	vadd.s32 s28, v10  }
0x461: {  	v17 =	vadd.s32 v36, v14;
	_ =	sdelay $0x3  }
0x462: {  	[tilespmem:v16+s16+$0x0] =	vst.idx.msk $0xffff, v15  }
0x463: {  	s28 =	sadd.s32 $0xFFFFFFF7, s24;
	v15 =	vld.idx.msk [tilespmem:v17+s14+$0x0], $0xffff  }
0x464: {  	v16 =	vadd.s32 s28, v10  }
0x465: {  	v17 =	vadd.s32 v37, v14;
	_ =	sdelay $0x3  }
0x466: {  	[tilespmem:v16+s16+$0x0] =	vst.idx.msk $0xffff, v15  }
0x467: {  	s28 =	sadd.s32 $0xFFFFFFF8, s24;
	v15 =	vld.idx.msk [tilespmem:v17+s14+$0x0], $0xffff  }
0x468: {  	v16 =	vadd.s32 s28, v10  }
0x469: {  	v17 =	vadd.s32 v38, v14;
	_ =	sdelay $0x2  }
0x46a: {  	s28 =	sadd.s32 $0xFFFFFFF9, s24  }
0x46b: {  	[tilespmem:v16+s16+$0x0] =	vst.idx.msk $0xffff, v15;
	v15 =	vadd.s32 s28, v10  }
0x46c: {  	v16 =	vld.idx.msk [tilespmem:v17+s14+$0x0], $0xffff;
	v15 =	vand.u32 $0x3FFF8, v15  }
0x46d: {  	v15 =	vor.u32 v11, v15  }
0x46e: {  	v17 =	vadd.s32 v39, v14;
	_ =	sdelay $0x3  }
0x46f: {  	[tilespmem:v15+s16+$0x0] =	vst.idx.msk $0xffff, v16  }
0x470: {  	s28 =	sadd.s32 $0xFFFFFFFA, s24;
	v15 =	vld.idx.msk [tilespmem:v17+s14+$0x0], $0xffff  }
0x471: {  	v16 =	vadd.s32 s28, v10  }
0x472: {  	v17 =	vadd.s32 v40, v14;
	_ =	sdelay $0x3  }
0x473: {  	[tilespmem:v16+s16+$0x0] =	vst.idx.msk $0xffff, v15  }
0x474: {  	s28 =	sadd.s32 $0xFFFFFFFB, s24;
	v15 =	vld.idx.msk [tilespmem:v17+s14+$0x0], $0xffff  }
0x475: {  	v16 =	vadd.s32 s28, v10  }
0x476: {  	v17 =	vadd.s32 v41, v14;
	_ =	sdelay $0x3  }
0x477: {  	[tilespmem:v16+s16+$0x0] =	vst.idx.msk $0xffff, v15  }
0x478: {  	s28 =	sadd.s32 $0xFFFFFFFC, s24;
	v15 =	vld.idx.msk [tilespmem:v17+s14+$0x0], $0xffff  }
0x479: {  	v16 =	vadd.s32 s28, v10  }
0x47a: {  	v17 =	vadd.s32 v42, v14;
	_ =	sdelay $0x3  }
0x47b: {  	[tilespmem:v16+s16+$0x0] =	vst.idx.msk $0xffff, v15  }
0x47c: {  	s28 =	sadd.s32 $0xFFFFFFFD, s24;
	v15 =	vld.idx.msk [tilespmem:v17+s14+$0x0], $0xffff  }
0x47d: {  	v16 =	vadd.s32 s28, v10  }
0x47e: {  	v17 =	vadd.s32 v9, v14;
	_ =	sdelay $0x3  }
0x47f: {  	[tilespmem:v16+s16+$0x0] =	vst.idx.msk $0xffff, v15  }
0x480: {  	s28 =	sadd.s32 $0xFFFFFFFE, s24;
	v15 =	vld.idx.msk [tilespmem:v17+s14+$0x0], $0xffff  }
0x481: {  	v16 =	vadd.s32 s28, v10  }
0x482: {  	v17 =	vadd.s32 v13, v14;
	_ =	sdelay $0x3  }
0x483: {  	[tilespmem:v16+s16+$0x0] =	vst.idx.msk $0xffff, v15  }
0x484: {  	s28 =	sadd.s32 $0xFFFFFFFF, s24;
	v15 =	vld.idx.msk [tilespmem:v17+s14+$0x0], $0xffff  }
.Ltmp8:
0x485: {  	v17 =	vadd.s32 s28, v10;
	(pc) =	sbr.rel @p0 .LBB2_19-.Ltmp8, $3  }
0x486: {  	v16 =	vadd.s32 v12, v14;
	_ =	sdelay $0x1  }
0x487: {  	s25 =	sadd.s32 $0x1, s25  }
0x488: {  	s26 =	sadd.s32 $0x220, s26;
	v14 =	vmov s25  }
0x489: {  	_ =	sdelay $0x2  }
0x48a: {  	v14 =	vshll.u32 v14, $0x5  }
0x48b: {  	[tilespmem:v17+s16+$0x0] =	vst.idx.msk $0xffff, v15;
	v14 =	vbroadcast v14, $0x0  }
0x48c: {  	v15 =	vld.idx.msk [tilespmem:v16+s14+$0x0], $0xffff;
	v16 =	vadd.s32 s24, v10  }
0x48d: {  	v17 =	vor.u32 v0, v14;
	_ =	sdelay $0x1  }
0x48e: {  	s31 =	sadd.s32 $0xFFFFFEE1, s23  }
0x48f: {  	v18 =	vadd.s32 s31, v10  }
0x490: {  	[tilespmem:v16+s16+$0x0] =	vst.idx.msk $0xffff, v15;
	v15 =	vand.u32 $0x1FFF8, v18  }
0x491: {  	v15 =	vor.u32 v11, v15;
	v16 =	vld.idx.msk [tilespmem:v17+s14+$0x0], $0xffff  }
0x492: {  	v17 =	vadd.s32 v43, v14;
	_ =	sdelay $0x3  }
0x493: {  	s25 =	sadd.s32 $0xFFFFFEE2, s23;
	[tilespmem:v15+s16+$0x0] =	vst.idx.msk $0xffff, v16  }
0x494: {  	v16 =	vadd.s32 s25, v10;
	v15 =	vld.idx.msk [tilespmem:v17+s14+$0x0], $0xffff  }
0x495: {  	v17 =	vadd.s32 v44, v14;
	_ =	sdelay $0x3  }
0x496: {  	s26 =	sadd.s32 $0xFFFFFEE3, s23;
	[tilespmem:v16+s16+$0x0] =	vst.idx.msk $0xffff, v15  }
0x497: {  	v16 =	vadd.s32 s26, v10;
	v15 =	vld.idx.msk [tilespmem:v17+s14+$0x0], $0xffff  }
0x498: {  	v17 =	vadd.s32 v45, v14;
	_ =	sdelay $0x3  }
0x499: {  	s28 =	sadd.s32 $0xFFFFFEE4, s23;
	[tilespmem:v16+s16+$0x0] =	vst.idx.msk $0xffff, v15  }
0x49a: {  	v16 =	vadd.s32 s28, v10;
	v15 =	vld.idx.msk [tilespmem:v17+s14+$0x0], $0xffff  }
0x49b: {  	v17 =	vadd.s32 v19, v14;
	_ =	sdelay $0x3  }
0x49c: {  	s29 =	sadd.s32 $0xFFFFFEE5, s23;
	[tilespmem:v16+s16+$0x0] =	vst.idx.msk $0xffff, v15  }
0x49d: {  	v16 =	vadd.s32 s29, v10;
	v15 =	vld.idx.msk [tilespmem:v17+s14+$0x0], $0xffff  }
0x49e: {  	v17 =	vadd.s32 v20, v14;
	_ =	sdelay $0x3  }
0x49f: {  	s30 =	sadd.s32 $0xFFFFFEE6, s23;
	[tilespmem:v16+s16+$0x0] =	vst.idx.msk $0xffff, v15  }
0x4a0: {  	v16 =	vadd.s32 s30, v10;
	v15 =	vld.idx.msk [tilespmem:v17+s14+$0x0], $0xffff  }
0x4a1: {  	v17 =	vadd.s32 v21, v14;
	_ =	sdelay $0x3  }
0x4a2: {  	s31 =	sadd.s32 $0xFFFFFEE7, s23;
	[tilespmem:v16+s16+$0x0] =	vst.idx.msk $0xffff, v15  }
0x4a3: {  	v16 =	vadd.s32 s31, v10;
	v15 =	vld.idx.msk [tilespmem:v17+s14+$0x0], $0xffff  }
0x4a4: {  	v17 =	vadd.s32 v22, v14;
	_ =	sdelay $0x3  }
0x4a5: {  	s25 =	sadd.s32 $0xFFFFFEE8, s23;
	[tilespmem:v16+s16+$0x0] =	vst.idx.msk $0xffff, v15  }
0x4a6: {  	v16 =	vadd.s32 s25, v10;
	v15 =	vld.idx.msk [tilespmem:v17+s14+$0x0], $0xffff  }
0x4a7: {  	v17 =	vadd.s32 v23, v14;
	_ =	sdelay $0x1  }
0x4a8: {  	s26 =	sadd.s32 $0xFFFFFEE9, s23  }
0x4a9: {  	v18 =	vadd.s32 s26, v10  }
0x4aa: {  	[tilespmem:v16+s16+$0x0] =	vst.idx.msk $0xffff, v15;
	v15 =	vand.u32 $0x1FFF8, v18  }
0x4ab: {  	v16 =	vld.idx.msk [tilespmem:v17+s14+$0x0], $0xffff;
	v15 =	vor.u32 v11, v15  }
0x4ac: {  	v17 =	vadd.s32 v24, v14;
	_ =	sdelay $0x3  }
0x4ad: {  	s28 =	sadd.s32 $0xFFFFFEEA, s23;
	[tilespmem:v15+s16+$0x0] =	vst.idx.msk $0xffff, v16  }
0x4ae: {  	v16 =	vadd.s32 s28, v10;
	v15 =	vld.idx.msk [tilespmem:v17+s14+$0x0], $0xffff  }
0x4af: {  	v17 =	vadd.s32 v25, v14;
	_ =	sdelay $0x3  }
0x4b0: {  	s29 =	sadd.s32 $0xFFFFFEEB, s23;
	[tilespmem:v16+s16+$0x0] =	vst.idx.msk $0xffff, v15  }
0x4b1: {  	v16 =	vadd.s32 s29, v10;
	v15 =	vld.idx.msk [tilespmem:v17+s14+$0x0], $0xffff  }
0x4b2: {  	v17 =	vadd.s32 v26, v14;
	_ =	sdelay $0x3  }
0x4b3: {  	s30 =	sadd.s32 $0xFFFFFEEC, s23;
	[tilespmem:v16+s16+$0x0] =	vst.idx.msk $0xffff, v15  }
0x4b4: {  	v16 =	vadd.s32 s30, v10;
	v15 =	vld.idx.msk [tilespmem:v17+s14+$0x0], $0xffff  }
0x4b5: {  	v17 =	vadd.s32 v27, v14;
	_ =	sdelay $0x3  }
0x4b6: {  	s31 =	sadd.s32 $0xFFFFFEED, s23;
	[tilespmem:v16+s16+$0x0] =	vst.idx.msk $0xffff, v15  }
0x4b7: {  	v16 =	vadd.s32 s31, v10;
	v15 =	vld.idx.msk [tilespmem:v17+s14+$0x0], $0xffff  }
0x4b8: {  	v17 =	vadd.s32 v28, v14;
	_ =	sdelay $0x3  }
0x4b9: {  	s25 =	sadd.s32 $0xFFFFFEEE, s23;
	[tilespmem:v16+s16+$0x0] =	vst.idx.msk $0xffff, v15  }
0x4ba: {  	v16 =	vadd.s32 s25, v10;
	v15 =	vld.idx.msk [tilespmem:v17+s14+$0x0], $0xffff  }
0x4bb: {  	v17 =	vadd.s32 v29, v14;
	_ =	sdelay $0x3  }
0x4bc: {  	s26 =	sadd.s32 $0xFFFFFEEF, s23;
	[tilespmem:v16+s16+$0x0] =	vst.idx.msk $0xffff, v15  }
0x4bd: {  	v16 =	vadd.s32 s26, v10;
	v15 =	vld.idx.msk [tilespmem:v17+s14+$0x0], $0xffff  }
0x4be: {  	v17 =	vadd.s32 v30, v14;
	_ =	sdelay $0x3  }
0x4bf: {  	s28 =	sadd.s32 $0xFFFFFEF0, s23;
	[tilespmem:v16+s16+$0x0] =	vst.idx.msk $0xffff, v15  }
0x4c0: {  	v16 =	vadd.s32 s28, v10;
	v15 =	vld.idx.msk [tilespmem:v17+s14+$0x0], $0xffff  }
0x4c1: {  	v17 =	vor.u32 v3, v14;
	_ =	sdelay $0x1  }
0x4c2: {  	s29 =	sadd.s32 $0xFFFFFFF1, s23  }
0x4c3: {  	v18 =	vadd.s32 s29, v10  }
0x4c4: {  	[tilespmem:v16+s16+$0x0] =	vst.idx.msk $0xffff, v15;
	v15 =	vand.u32 $0x3FFF8, v18  }
0x4c5: {  	v16 =	vld.idx.msk [tilespmem:v17+s14+$0x0], $0xffff;
	v15 =	vor.u32 v11, v15  }
0x4c6: {  	v17 =	vadd.s32 v31, v14;
	_ =	sdelay $0x3  }
0x4c7: {  	s30 =	sadd.s32 $0xFFFFFFF2, s23;
	[tilespmem:v15+s16+$0x0] =	vst.idx.msk $0xffff, v16  }
0x4c8: {  	v16 =	vadd.s32 s30, v10;
	v15 =	vld.idx.msk [tilespmem:v17+s14+$0x0], $0xffff  }
0x4c9: {  	v17 =	vadd.s32 v32, v14;
	_ =	sdelay $0x3  }
0x4ca: {  	s31 =	sadd.s32 $0xFFFFFFF3, s23;
	[tilespmem:v16+s16+$0x0] =	vst.idx.msk $0xffff, v15  }
0x4cb: {  	v16 =	vadd.s32 s31, v10;
	v15 =	vld.idx.msk [tilespmem:v17+s14+$0x0], $0xffff  }
0x4cc: {  	v17 =	vadd.s32 v33, v14;
	_ =	sdelay $0x3  }
0x4cd: {  	s25 =	sadd.s32 $0xFFFFFFF4, s23;
	[tilespmem:v16+s16+$0x0] =	vst.idx.msk $0xffff, v15  }
0x4ce: {  	v16 =	vadd.s32 s25, v10;
	v15 =	vld.idx.msk [tilespmem:v17+s14+$0x0], $0xffff  }
0x4cf: {  	v17 =	vadd.s32 v34, v14;
	_ =	sdelay $0x3  }
0x4d0: {  	s26 =	sadd.s32 $0xFFFFFFF5, s23;
	[tilespmem:v16+s16+$0x0] =	vst.idx.msk $0xffff, v15  }
0x4d1: {  	v16 =	vadd.s32 s26, v10;
	v15 =	vld.idx.msk [tilespmem:v17+s14+$0x0], $0xffff  }
0x4d2: {  	v17 =	vadd.s32 v35, v14;
	_ =	sdelay $0x3  }
0x4d3: {  	s28 =	sadd.s32 $0xFFFFFFF6, s23;
	[tilespmem:v16+s16+$0x0] =	vst.idx.msk $0xffff, v15  }
0x4d4: {  	v16 =	vadd.s32 s28, v10;
	v15 =	vld.idx.msk [tilespmem:v17+s14+$0x0], $0xffff  }
0x4d5: {  	v17 =	vadd.s32 v36, v14;
	_ =	sdelay $0x3  }
0x4d6: {  	s29 =	sadd.s32 $0xFFFFFFF7, s23;
	[tilespmem:v16+s16+$0x0] =	vst.idx.msk $0xffff, v15  }
0x4d7: {  	v16 =	vadd.s32 s29, v10;
	v15 =	vld.idx.msk [tilespmem:v17+s14+$0x0], $0xffff  }
0x4d8: {  	v17 =	vadd.s32 v37, v14;
	_ =	sdelay $0x3  }
0x4d9: {  	s30 =	sadd.s32 $0xFFFFFFF8, s23;
	[tilespmem:v16+s16+$0x0] =	vst.idx.msk $0xffff, v15  }
0x4da: {  	v16 =	vadd.s32 s30, v10;
	v15 =	vld.idx.msk [tilespmem:v17+s14+$0x0], $0xffff  }
0x4db: {  	v17 =	vadd.s32 v38, v14;
	_ =	sdelay $0x1  }
0x4dc: {  	s31 =	sadd.s32 $0xFFFFFFF9, s23  }
0x4dd: {  	v18 =	vadd.s32 s31, v10  }
0x4de: {  	[tilespmem:v16+s16+$0x0] =	vst.idx.msk $0xffff, v15;
	v15 =	vand.u32 $0x3FFF8, v18  }
0x4df: {  	v16 =	vld.idx.msk [tilespmem:v17+s14+$0x0], $0xffff;
	v15 =	vor.u32 v11, v15  }
0x4e0: {  	v17 =	vadd.s32 v39, v14;
	_ =	sdelay $0x3  }
0x4e1: {  	s25 =	sadd.s32 $0xFFFFFFFA, s23;
	[tilespmem:v15+s16+$0x0] =	vst.idx.msk $0xffff, v16  }
0x4e2: {  	v16 =	vadd.s32 s25, v10;
	v15 =	vld.idx.msk [tilespmem:v17+s14+$0x0], $0xffff  }
0x4e3: {  	v17 =	vadd.s32 v40, v14;
	_ =	sdelay $0x3  }
0x4e4: {  	s26 =	sadd.s32 $0xFFFFFFFB, s23;
	[tilespmem:v16+s16+$0x0] =	vst.idx.msk $0xffff, v15  }
0x4e5: {  	v16 =	vadd.s32 s26, v10;
	v15 =	vld.idx.msk [tilespmem:v17+s14+$0x0], $0xffff  }
0x4e6: {  	v17 =	vadd.s32 v41, v14;
	_ =	sdelay $0x3  }
0x4e7: {  	s28 =	sadd.s32 $0xFFFFFFFC, s23;
	[tilespmem:v16+s16+$0x0] =	vst.idx.msk $0xffff, v15  }
0x4e8: {  	v16 =	vadd.s32 s28, v10;
	v15 =	vld.idx.msk [tilespmem:v17+s14+$0x0], $0xffff  }
0x4e9: {  	v17 =	vadd.s32 v42, v14;
	_ =	sdelay $0x3  }
0x4ea: {  	s29 =	sadd.s32 $0xFFFFFFFD, s23;
	[tilespmem:v16+s16+$0x0] =	vst.idx.msk $0xffff, v15  }
0x4eb: {  	v16 =	vadd.s32 s29, v10;
	v15 =	vld.idx.msk [tilespmem:v17+s14+$0x0], $0xffff  }
0x4ec: {  	v9 =	vadd.s32 v9, v14;
	_ =	sdelay $0x3  }
0x4ed: {  	s30 =	sadd.s32 $0xFFFFFFFE, s23;
	[tilespmem:v16+s16+$0x0] =	vst.idx.msk $0xffff, v15  }
0x4ee: {  	v15 =	vadd.s32 s30, v10;
	v9 =	vld.idx.msk [tilespmem:v9+s14+$0x0], $0xffff  }
0x4ef: {  	v13 =	vadd.s32 v13, v14;
	_ =	sdelay $0x3  }
0x4f0: {  	s31 =	sadd.s32 $0xFFFFFFFF, s23;
	[tilespmem:v15+s16+$0x0] =	vst.idx.msk $0xffff, v9  }
0x4f1: {  	v9 =	vld.idx.msk [tilespmem:v13+s14+$0x0], $0xffff;
	v13 =	vadd.s32 s31, v10  }
0x4f2: {  	v12 =	vadd.s32 v12, v14;
	_ =	sdelay $0x3  }
0x4f3: {  	[tilespmem:v13+s16+$0x0] =	vst.idx.msk $0xffff, v9  }
0x4f4: {  	v9 =	vld.idx.msk [tilespmem:v12+s14+$0x0], $0xffff;
	v12 =	vadd.s32 s23, v10;
	_ =	sdelay $0x1  }
0x4f5: {  	s24 =	simm.s32 $0x1DC  }
0x4f6: {  	s30 =	simm.s32 $0x165;
	v13 =	vadd.s32 s24, v0  }
0x4f7: {  	v16 =	vadd.s32 s30, v0;
	s31 =	simm.s32 $0x44  }
0x4f8: {  	s25 =	simm.s32 $0x198;
	v17 =	vadd.s32 s31, v0;
	s24 =	simm.s32 $0x0;
	[tilespmem:v12+s16+$0x0] =	vst.idx.msk $0xffff, v9  }
0x4f9: {  	s26 =	simm.s32 $0x1ED;
	v14 =	vadd.s32 s25, v0;
	s25 =	simm.s32 $0x11;
	v18 =	vor.u32 s24, v0;
	_ =	strace $0x9000004F  }
0x4fa: {  	v19 =	vadd.s32 s25, v0;
	v15 =	vadd.s32 s26, v0;
	s26 =	simm.s32 $0x55;
	_ =	strace $0x80000050  }
0x4fb: {  	v20 =	vadd.s32 s26, v0;
	s31 =	simm.s32 $0x66;
	v13 =	vld.idx.msk [tilespmem:v13+s16+$0x0], $0xffff  }
0x4fc: {  	v24 =	vadd.s32 s31, v0;
	v16 =	vld.idx.msk [tilespmem:v16+s16+$0x0], $0xffff  }
0x4fd: {  	s25 =	simm.s32 $0x77;
	s30 =	simm.s32 $0x88;
	v17 =	vld.idx.msk [tilespmem:v17+s16+$0x0], $0xffff  }
0x4fe: {  	v25 =	vadd.s32 s25, v0;
	v23 =	vadd.s32 s30, v0;
	v18 =	vld.idx.msk [tilespmem:v18+s16+$0x0], $0xffff  }
0x4ff: {  	v23 =	vand.u32 $0x1FFF8, v23;
	v19 =	vld.idx.msk [tilespmem:v19+s16+$0x0], $0xffff  }
0x500: {  	v23 =	vor.u32 v11, v23;
	v20 =	vld.idx.msk [tilespmem:v20+s16+$0x0], $0xffff  }
0x501: {  	s26 =	simm.s32 $0x99;
	v24 =	vld.idx.msk [tilespmem:v24+s16+$0x0], $0xffff  }
0x502: {  	v26 =	vadd.s32 s26, v0;
	v43 =	vld [tilespmem:$0x1FC40]  }
0x503: {  	v25 =	vld.idx.msk [tilespmem:v25+s16+$0x0], $0xffff  }
0x504: {  	v44 =	vld [tilespmem:$0x1FC50]  }
0x505: {  	s30 =	simm.s32 $0xBB;
	v23 =	vld.idx.msk [tilespmem:v23+s16+$0x0], $0xffff  }
0x506: {  	v29 =	vadd.s32 s30, v0;
	v47 =	vld [tilespmem:$0x1FC80]  }
0x507: {  	s31 =	simm.s32 $0xCC;
	v26 =	vld.idx.msk [tilespmem:v26+s16+$0x0], $0xffff  }
0x508: {  	v59 =	vadd.s32 s31, v0;
	v48 =	vld [tilespmem:$0x1FC90]  }
0x509: {  	s25 =	simm.s32 $0xDD;
	v45 =	vld [tilespmem:$0x1FC60]  }
0x50a: {  	v60 =	vadd.s32 s25, v0;
	v46 =	vld [tilespmem:$0x1FC70]  }
0x50b: {  	v29 =	vld.idx.msk [tilespmem:v29+s16+$0x0], $0xffff  }
0x50c: {  	s25 =	simm.s32 $0xEE;
	v49 =	vld [tilespmem:$0x1FCA0]  }
0x50d: {  	v36 =	vadd.s32 s25, v0;
	v30 =	vld.idx.msk [tilespmem:v59+s16+$0x0], $0xffff  }
0x50e: {  	v50 =	vld [tilespmem:$0x1FCB0]  }
0x50f: {  	s28 =	simm.s32 $0x1A9;
	v31 =	vld.idx.msk [tilespmem:v60+s16+$0x0], $0xffff  }
0x510: {  	v14 =	vand.u32 $0x3FFF8, v14;
	s29 =	simm.s32 $0x154;
	v12 =	vadd.s32 s28, v0;
	s28 =	simm.s32 $0x22;
	v51 =	vld [tilespmem:$0x1FCC0]  }
0x511: {  	v9 =	vor.u32 v11, v14;
	v14 =	vadd.s32 s29, v0;
	s29 =	simm.s32 $0x33;
	v21 =	vadd.s32 s28, v0;
	v52 =	vld [tilespmem:$0x1FCD0]  }
0x512: {  	v22 =	vadd.s32 s29, v0;
	v32 =	vld.idx.msk [tilespmem:v36+s16+$0x0], $0xffff  }
0x513: {  	v53 =	vld [tilespmem:$0x1FCE0]  }
0x514: {  	v54 =	vld [tilespmem:$0x1FCF0]  }
0x515: {  	s28 =	simm.s32 $0xAA;
	v55 =	vld [tilespmem:$0x1FD00]  }
0x516: {  	s29 =	simm.s32 $0x110;
	v27 =	vadd.s32 s28, v0;
	v21 =	vld.idx.msk [tilespmem:v21+s16+$0x0], $0xffff  }
0x517: {  	v28 =	vor.u32 s29, v0;
	v22 =	vld.idx.msk [tilespmem:v22+s16+$0x0], $0xffff  }
0x518: {  	v56 =	vld [tilespmem:$0x1FBD0];
	v18 =	vmul.f32 v18, v43;
	v19 =	vmul.f32 v19, v44  }
0x519: {  	v59 =	vld [tilespmem:$0x1FD80];
	v17 =	vmul.f32 v17, v47;
	v20 =	vmul.f32 v20, v48  }
0x51a: {  	v58 =	vld [tilespmem:$0x1FBE0];
	v24 =	vmul.f32 v24, v49;
	v25 =	vmul.f32 v25, v50;
	v18 =	vadd.f32 $0.0e+00, v18  }
0x51b: {  	s26 =	simm.s32 $0xFF;
	v27 =	vld.idx.msk [tilespmem:v27+s16+$0x0], $0xffff;
	v23 =	vmul.f32 v23, v51;
	v19 =	vadd.f32 $0.0e+00, v19;
	v21 =	vmul.f32 v21, v45  }
0x51c: {  	s28 =	simm.s32 $0x121;
	v28 =	vld.idx.msk [tilespmem:v28+s16+$0x0], $0xffff;
	v22 =	vmul.f32 v22, v46;
	v17 =	vadd.f32 v17, v18;
	v18 =	vadd.s32 s26, v0  }
0x51d: {  	v40 =	vld [tilespmem:$0x1FBF0];
	v19 =	vadd.f32 v20, v19;
	v20 =	vadd.s32 s28, v0;
	v21 =	vadd.f32 $0.0e+00, v21  }
0x51e: {  	s29 =	simm.s32 $0x132;
	v41 =	vld [tilespmem:$0x1FC00];
	v26 =	vmul.f32 v26, v52;
	v30 =	vmul.f32 v30, v55;
	v22 =	vadd.f32 $0.0e+00, v22  }
0x51f: {  	s30 =	simm.s32 $0x143;
	v12 =	vld.idx.msk [tilespmem:v12+s16+$0x0], $0xffff;
	v17 =	vadd.f32 v23, v17;
	v21 =	vadd.f32 v24, v21;
	v24 =	vadd.s32 s29, v0  }
0x520: {  	s31 =	simm.s32 $0x176;
	v14 =	vld.idx.msk [tilespmem:v14+s16+$0x0], $0xffff;
	v27 =	vmul.f32 v27, v53;
	v22 =	vadd.f32 v25, v22;
	v25 =	vadd.s32 s30, v0  }
0x521: {  	s24 =	simm.s32 $0x187;
	v28 =	vmul.f32 v28, v7;
	v23 =	vadd.s32 s31, v0;
	v17 =	vadd.f32 v30, v17;
	v18 =	vld.idx.msk [tilespmem:v18+s16+$0x0], $0xffff  }
0x522: {  	s25 =	simm.s32 $0x1BA;
	v29 =	vmul.f32 v29, v54;
	v19 =	vadd.f32 v26, v19;
	v26 =	vadd.s32 s24, v0;
	v20 =	vld.idx.msk [tilespmem:v20+s16+$0x0], $0xffff  }
0x523: {  	s26 =	simm.s32 $0x1CB;
	v21 =	vadd.f32 v27, v21;
	v27 =	vadd.s32 s25, v0;
	v17 =	vadd.f32 v28, v17;
	v28 =	vld [tilespmem:$0x1FC10]  }
0x524: {  	v22 =	vadd.f32 v29, v22;
	v29 =	vadd.s32 s26, v0;
	v24 =	vld.idx.msk [tilespmem:v24+s16+$0x0], $0xffff  }
0x525: {  	v25 =	vld.idx.msk [tilespmem:v25+s16+$0x0], $0xffff  }
0x526: {  	v31 =	vmul.f32 v31, v56;
	v23 =	vld.idx.msk [tilespmem:v23+s16+$0x0], $0xffff;
	v18 =	vmul.f32 v18, v5  }
0x527: {  	v32 =	vmul.f32 v32, v1;
	v16 =	vmul.f32 v16, v41;
	s28 =	simm.s32 $0x1FE;
	v26 =	vld.idx.msk [tilespmem:v26+s16+$0x0], $0xffff  }
0x528: {  	v12 =	vmul.f32 v12, v2;
	v37 =	vadd.s32 s28, v0;
	s29 =	simm.s32 $0x20F;
	v18 =	vadd.f32 v18, v22;
	v22 =	vld.idx.msk [tilespmem:v27+s16+$0x0], $0xffff  }
0x529: {  	v19 =	vadd.f32 v31, v19;
	v38 =	vadd.s32 s29, v0;
	v20 =	vmul.f32 v20, v59;
	v27 =	vld.idx.msk [tilespmem:v29+s16+$0x0], $0xffff  }
0x52a: {  	v15 =	vld.idx.msk [tilespmem:v15+s16+$0x0], $0xffff;
	v21 =	vadd.f32 v32, v21;
	v24 =	vmul.f32 v24, v61;
	v25 =	vmul.f32 v25, v58  }
0x52b: {  	v60 =	vld [tilespmem:$0x1FD90];
	v14 =	vmul.f32 v14, v40;
	v19 =	vadd.f32 v20, v19;
	v23 =	vmul.f32 v23, v28  }
0x52c: {  	v57 =	vld [tilespmem:$0x1FC20];
	v21 =	vadd.f32 v24, v21;
	v18 =	vadd.f32 v25, v18;
	v25 =	vmul.f32 v26, v62  }
0x52d: {  	v9 =	vld.idx.msk [tilespmem:v9+s16+$0x0], $0xffff;
	v14 =	vadd.f32 v14, v17;
	v16 =	vadd.f32 v16, v19;
	v17 =	vmul.f32 v22, v4  }
0x52e: {  	v20 =	vld.idx.msk [tilespmem:v37+s16+$0x0], $0xffff;
	v19 =	vadd.f32 v23, v21;
	v18 =	vadd.f32 v25, v18;
	v21 =	vmul.f32 v27, v6  }
0x52f: {  	v24 =	vld.idx.msk [tilespmem:v38+s16+$0x0], $0xffff;
	v12 =	vadd.f32 v12, v16  }
0x530: {  	v16 =	vadd.f32 v17, v19;
	v17 =	vadd.f32 v21, v18;
	v18 =	vld [tilespmem:$0x1FC30];
	_ =	sdelay $0x1  }
0x531: {  	v9 =	vmul.f32 v9, v63;
	_ =	sdelay $0x1  }
0x532: {  	v13 =	vmul.f32 v13, v8;
	v15 =	vmul.f32 v15, v60;
	v9 =	vadd.f32 v9, v14  }
0x533: {  	v14 =	vmul.f32 v20, v57;
	v18 =	vmul.f32 v24, v18  }
0x534: {  	v9 =	vadd.f32 v13, v9;
	v12 =	vadd.f32 v15, v12  }
0x535: {  	v13 =	vadd.f32 v14, v16;
	v14 =	vadd.f32 v18, v17  }
0x536: {  	s30 =	simm.s32 $0x3FC  }
0x537: {  	s31 =	simm.s32 $0x3B8;
	s24 =	simm.s32 $0x40D;
	v15 =	vadd.s32 s30, v0;
	v9 =	vadd.f32 v12, v9;
	v12 =	vadd.f32 v14, v13  }
0x538: {  	s25 =	simm.s32 $0x3C9;
	v16 =	vadd.s32 s31, v0;
	v14 =	vadd.s32 s24, v0  }
0x539: {  	v13 =	vand.u32 $0x3FFF8, v16;
	v16 =	vadd.s32 s25, v0;
	v9 =	vadd.f32 v12, v9  }
0x53a: {  	s23 =	simm.s32 $0x1A3C0;
	s26 =	simm.s32 $0x374;
	v13 =	vor.u32 v11, v13  }
0x53b: {  	s29 =	simm.s32 $0x330;
	v17 =	vadd.s32 s26, v0;
	[tilespmem:s23+$0x0] =	vst v9  }
0x53c: {  	v19 =	vor.u32 s29, v0;
	s26 =	simm.s32 $0x2EC;
	v9 =	vld.idx.msk [tilespmem:v15+s16+$0x0], $0xffff  }
0x53d: {  	s28 =	simm.s32 $0x385;
	v21 =	vadd.s32 s26, v0;
	v12 =	vld.idx.msk [tilespmem:v14+s16+$0x0], $0xffff  }
0x53e: {  	s30 =	simm.s32 $0x341;
	s31 =	simm.s32 $0x2A8;
	v18 =	vadd.s32 s28, v0;
	v14 =	vld.idx.msk [tilespmem:v16+s16+$0x0], $0xffff  }
0x53f: {  	v20 =	vadd.s32 s30, v0;
	s25 =	simm.s32 $0x2FD;
	v15 =	vadd.s32 s31, v0;
	v13 =	vld.idx.msk [tilespmem:v13+s16+$0x0], $0xffff  }
0x540: {  	s26 =	simm.s32 $0x2B9;
	v22 =	vadd.s32 s25, v0;
	v16 =	vand.u32 $0x1FFF8, v15;
	v15 =	vld.idx.msk [tilespmem:v17+s16+$0x0], $0xffff  }
0x541: {  	v28 =	vadd.s32 s26, v0;
	v17 =	vld.idx.msk [tilespmem:v19+s16+$0x0], $0xffff  }
0x542: {  	v19 =	vld.idx.msk [tilespmem:v21+s16+$0x0], $0xffff;
	v23 =	vor.u32 v11, v16  }
0x543: {  	v16 =	vld.idx.msk [tilespmem:v18+s16+$0x0], $0xffff  }
0x544: {  	v18 =	vld.idx.msk [tilespmem:v20+s16+$0x0], $0xffff  }
0x545: {  	s29 =	simm.s32 $0x275;
	s28 =	simm.s32 $0x264;
	v20 =	vld.idx.msk [tilespmem:v22+s16+$0x0], $0xffff  }
0x546: {  	s30 =	simm.s32 $0x220;
	v25 =	vadd.s32 s29, v0;
	v24 =	vadd.s32 s28, v0;
	s28 =	simm.s32 $0x242;
	s31 =	simm.s32 $0x231;
	v22 =	vld.idx.msk [tilespmem:v28+s16+$0x0], $0xffff  }
0x547: {  	v27 =	vor.u32 s30, v0;
	s24 =	simm.s32 $0x42F;
	s26 =	simm.s32 $0x253;
	s25 =	simm.s32 $0x64F;
	v26 =	vadd.s32 s31, v0;
	v21 =	vld.idx.msk [tilespmem:v23+s16+$0x0], $0xffff;
	v23 =	vadd.s32 s28, v0  }
.LBB2_21:
0x548: {  	_ =	sdelay $0x2  }
0x549: {  	v28 =	vadd.s32 s26, v0;
	v24 =	vld.idx.msk [tilespmem:v24+s16+$0x0], $0xffff;
	s29 =	sadd.s32 $0xFFFFFE57, s24  }
0x54a: {  	v25 =	vld.idx.msk [tilespmem:v25+s16+$0x0], $0xffff;
	s30 =	sadd.s32 $0xFFFFFE68, s24;
	v29 =	vadd.s32 s29, v0  }
0x54b: {  	v30 =	vadd.s32 s24, v0;
	v27 =	vld.idx.msk [tilespmem:v27+s16+$0x0], $0xffff;
	s31 =	sadd.s32 $0xFFFFFE9B, s24;
	v31 =	vadd.s32 s30, v0  }
0x54c: {  	s28 =	sadd.s32 $0xFFFFFFAB, s24;
	v26 =	vld.idx.msk [tilespmem:v26+s16+$0x0], $0xffff;
	v9 =	vmul.f32 v9, v8;
	v12 =	vmul.f32 v12, v60;
	v34 =	vadd.s32 s31, v0;
	s30 =	sadd.s32 $0xFFFFFEAC, s24  }
0x54d: {  	v23 =	vld.idx.msk [tilespmem:v23+s16+$0x0], $0xffff;
	v14 =	vmul.f32 v14, v2;
	s29 =	sadd.s32 $0xFFFFFFEF, s24;
	v32 =	vadd.s32 s28, v0;
	s31 =	sadd.s32 $0xFFFFFEDF, s24;
	v35 =	vadd.s32 s30, v0  }
0x54e: {  	s28 =	sadd.s32 $0xFFFFFEF0, s24;
	v33 =	vadd.s32 s29, v0;
	v36 =	vadd.s32 s31, v0;
	v13 =	vmul.f32 v13, v63;
	v28 =	vld.idx.msk [tilespmem:v28+s16+$0x0], $0xffff  }
0x54f: {  	v37 =	vadd.s32 s28, v0;
	s29 =	sadd.s32 $0xFFFFFF23, s24;
	v15 =	vmul.f32 v15, v40;
	v16 =	vmul.f32 v16, v41;
	v29 =	vld.idx.msk [tilespmem:v29+s16+$0x0], $0xffff  }
0x550: {  	s30 =	sadd.s32 $0xFFFFFF34, s24;
	v38 =	vadd.s32 s29, v0;
	v17 =	vmul.f32 v17, v7;
	v18 =	vmul.f32 v18, v59;
	v31 =	vld.idx.msk [tilespmem:v31+s16+$0x0], $0xffff  }
0x551: {  	s31 =	sadd.s32 $0xFFFFFF67, s24;
	v39 =	vadd.s32 s30, v0;
	v21 =	vmul.f32 v21, v51;
	v22 =	vmul.f32 v22, v52;
	v34 =	vld.idx.msk [tilespmem:v34+s16+$0x0], $0xffff  }
0x552: {  	s28 =	sadd.s32 $0xFFFFFF78, s24;
	v40 =	vadd.s32 s31, v0;
	v27 =	vmul.f32 v27, v43;
	v26 =	vmul.f32 v26, v44;
	v35 =	vld.idx.msk [tilespmem:v35+s16+$0x0], $0xffff  }
0x553: {  	v41 =	vadd.s32 s28, v0;
	v24 =	vmul.f32 v24, v47;
	v23 =	vmul.f32 v23, v45;
	v36 =	vld.idx.msk [tilespmem:v36+s16+$0x0], $0xffff  }
0x554: {  	s29 =	sadd.s32 $0xFFFFFFBC, s24;
	v25 =	vmul.f32 v25, v48;
	v37 =	vld.idx.msk [tilespmem:v37+s16+$0x0], $0xffff;
	v27 =	vadd.f32 $0.0e+00, v27;
	v26 =	vadd.f32 $0.0e+00, v26  }
0x555: {  	v42 =	vadd.s32 s29, v0;
	v23 =	vadd.f32 $0.0e+00, v23;
	v38 =	vld.idx.msk [tilespmem:v38+s16+$0x0], $0xffff;
	v28 =	vmul.f32 v28, v46  }
0x556: {  	v39 =	vld.idx.msk [tilespmem:v39+s16+$0x0], $0xffff;
	v24 =	vadd.f32 v24, v27;
	v25 =	vadd.f32 v25, v26;
	v29 =	vmul.f32 v29, v49  }
0x557: {  	v27 =	vld.idx.msk [tilespmem:v40+s16+$0x0], $0xffff;
	v31 =	vmul.f32 v31, v50;
	v26 =	vmul.f32 v34, v53;
	v28 =	vadd.f32 $0.0e+00, v28  }
0x558: {  	v21 =	vadd.f32 v21, v24;
	v22 =	vadd.f32 v22, v25;
	v25 =	vld.idx.msk [tilespmem:v32+s16+$0x0], $0xffff;
	v24 =	vmul.f32 v36, v1  }
0x559: {  	v36 =	vld [tilespmem:$0x1FC10];
	v23 =	vadd.f32 v29, v23;
	v29 =	vmul.f32 v35, v54;
	v28 =	vadd.f32 v31, v28  }
0x55a: {  	v19 =	vmul.f32 v19, v55;
	v20 =	vmul.f32 v20, v56;
	v31 =	vld.idx.msk [tilespmem:v41+s16+$0x0], $0xffff  }
0x55b: {  	v35 =	vld [tilespmem:$0x1FC30];
	v23 =	vadd.f32 v26, v23;
	v26 =	vadd.f32 v29, v28;
	v28 =	vmul.f32 v37, v5  }
0x55c: {  	v19 =	vadd.f32 v19, v21;
	v20 =	vadd.f32 v20, v22;
	v21 =	vmul.f32 v38, v61;
	v29 =	vld.idx.msk [tilespmem:v42+s16+$0x0], $0xffff  }
0x55d: {  	v22 =	vld.idx.msk [tilespmem:v33+s16+$0x0], $0xffff;
	v23 =	vadd.f32 v24, v23;
	v24 =	vadd.f32 v28, v26;
	v26 =	vmul.f32 v39, v58  }
0x55e: {  	v17 =	vadd.f32 v17, v19;
	v18 =	vadd.f32 v18, v20;
	v19 =	vmul.f32 v27, v36;
	v28 =	vld.idx.msk [tilespmem:v30+s16+$0x0], $0xffff  }
0x55f: {  	v20 =	vadd.f32 v21, v23;
	v23 =	vmul.f32 v31, v62;
	v21 =	vadd.f32 v26, v24  }
0x560: {  	v15 =	vadd.f32 v15, v17;
	v16 =	vadd.f32 v16, v18;
	v17 =	vmul.f32 v25, v4  }
0x561: {  	v18 =	vadd.f32 v19, v20;
	v20 =	vmul.f32 v29, v6;
	v19 =	vadd.f32 v23, v21  }
0x562: {  	v13 =	vadd.f32 v13, v15;
	v14 =	vadd.f32 v14, v16;
	v15 =	vmul.f32 v22, v57  }
0x563: {  	v16 =	vadd.f32 v17, v18;
	v18 =	vmul.f32 v28, v35;
	v17 =	vadd.f32 v20, v19  }
0x564: {  	v9 =	vadd.f32 v9, v13;
	v12 =	vadd.f32 v12, v14  }
0x565: {  	v13 =	vadd.f32 v15, v16;
	v14 =	vadd.f32 v18, v17  }
0x566: {  	s30 =	sadd.s32 $0xFFFFFFCD, s25  }
0x567: {  	s31 =	sadd.s32 $0xFFFFFF89, s25;
	s28 =	sadd.s32 $0xFFFFFFDE, s25;
	v9 =	vadd.f32 v12, v9;
	v15 =	vadd.s32 s30, v0;
	v12 =	vadd.f32 v14, v13  }
0x568: {  	s29 =	sadd.s32 $0xFFFFFF9A, s25;
	v16 =	vadd.s32 s31, v0;
	v14 =	vadd.s32 s28, v0  }
0x569: {  	v13 =	vand.u32 $0x3FFF8, v16;
	v16 =	vadd.s32 s29, v0;
	v9 =	vadd.f32 v12, v9  }
0x56a: {  	s23 =	sadd.s32 $0x10, s23;
	v40 =	vld [tilespmem:$0x1FBF0];
	s30 =	sadd.s32 $0xFFFFFF45, s25;
	v13 =	vor.u32 v11, v13  }
0x56b: {  	v41 =	vld [tilespmem:$0x1FC00];
	s31 =	sadd.s32 $0xFFFFFF56, s25;
	v17 =	vadd.s32 s30, v0;
	s29 =	sadd.s32 $0xFFFFFF01, s25;
	[tilespmem:s23+$0x0] =	vst v9  }
0x56c: {  	v18 =	vadd.s32 s31, v0;
	s31 =	sadd.s32 $0xFFFFFEBD, s25;
	v19 =	vor.u32 s29, v0;
	v9 =	vld.idx.msk [tilespmem:v15+s16+$0x0], $0xffff  }
0x56d: {  	v21 =	vadd.s32 s31, v0;
	v12 =	vld.idx.msk [tilespmem:v14+s16+$0x0], $0xffff  }
0x56e: {  	s26 =	sadd.s32 $0xFFFFFF12, s25;
	s30 =	sadd.s32 $0xFFFFFE79, s25;
	v14 =	vld.idx.msk [tilespmem:v16+s16+$0x0], $0xffff  }
0x56f: {  	v20 =	vadd.s32 s26, v0;
	s28 =	sadd.s32 $0xFFFFFECE, s25;
	v15 =	vadd.s32 s30, v0;
	v13 =	vld.idx.msk [tilespmem:v13+s16+$0x0], $0xffff  }
0x570: {  	v22 =	vadd.s32 s28, v0;
	s29 =	sadd.s32 $0xFFFFFE8A, s25;
	v16 =	vand.u32 $0x1FFF8, v15;
	v15 =	vld.idx.msk [tilespmem:v17+s16+$0x0], $0xffff  }
0x571: {  	v28 =	vadd.s32 s29, v0;
	v17 =	vld.idx.msk [tilespmem:v19+s16+$0x0], $0xffff  }
0x572: {  	p0 =	sne.s32 s25, $0x6A2F;
	v19 =	vld.idx.msk [tilespmem:v21+s16+$0x0], $0xffff;
	v23 =	vor.u32 v11, v16  }
.Ltmp9:
0x573: {  	v16 =	vld.idx.msk [tilespmem:v18+s16+$0x0], $0xffff;
	(pc) =	sbr.rel @p0 .LBB2_21-.Ltmp9, $4  }
0x574: {  	v18 =	vld.idx.msk [tilespmem:v20+s16+$0x0], $0xffff  }
0x575: {  	s24 =	smov.u32 s25;
	s31 =	sadd.s32 $0xFFFFFE46, s25;
	s30 =	sadd.s32 $0xFFFFFE35, s25;
	v20 =	vld.idx.msk [tilespmem:v22+s16+$0x0], $0xffff  }
0x576: {  	v25 =	vadd.s32 s31, v0;
	s31 =	sadd.s32 $0xFFFFFE13, s25;
	s29 =	sadd.s32 $0xFFFFFDF1, s25;
	v24 =	vadd.s32 s30, v0;
	s30 =	sadd.s32 $0xFFFFFE02, s25;
	v22 =	vld.idx.msk [tilespmem:v28+s16+$0x0], $0xffff  }
0x577: {  	s26 =	sadd.s32 $0xFFFFFE24, s24;
	v27 =	vor.u32 s29, v0;
	s25 =	sadd.s32 $0x220, s25;
	v26 =	vadd.s32 s30, v0;
	v21 =	vld.idx.msk [tilespmem:v23+s16+$0x0], $0xffff;
	v23 =	vadd.s32 s31, v0  }
0x578: {  	_ =	sdelay $0x3  }
0x579: {  	v28 =	vadd.s32 s26, v0;
	s25 =	sadd.s32 $0xFFFFFE57, s24;
	v27 =	vld.idx.msk [tilespmem:v27+s16+$0x0], $0xffff;
	v19 =	vmul.f32 v19, v55;
	v17 =	vmul.f32 v17, v7  }
0x57a: {  	s29 =	sadd.s32 $0xFFFFFE68, s24;
	v26 =	vld.idx.msk [tilespmem:v26+s16+$0x0], $0xffff;
	v15 =	vmul.f32 v15, v40;
	v16 =	vmul.f32 v16, v41;
	v29 =	vadd.s32 s25, v0  }
0x57b: {  	v24 =	vld.idx.msk [tilespmem:v24+s16+$0x0], $0xffff;
	s30 =	sadd.s32 $0xFFFFFE9B, s24;
	s31 =	sadd.s32 $0xFFFFFEAC, s24;
	v13 =	vmul.f32 v13, v63;
	v14 =	vmul.f32 v14, v2;
	v30 =	vadd.s32 s29, v0  }
0x57c: {  	v25 =	vld.idx.msk [tilespmem:v25+s16+$0x0], $0xffff;
	s26 =	sadd.s32 $0xFFFFFEDF, s24;
	s28 =	sadd.s32 $0xFFFFFEF0, s24;
	v9 =	vmul.f32 v9, v8;
	v31 =	vadd.s32 s30, v0;
	v32 =	vadd.s32 s31, v0  }
0x57d: {  	v23 =	vld.idx.msk [tilespmem:v23+s16+$0x0], $0xffff;
	v33 =	vadd.s32 s26, v0;
	v34 =	vadd.s32 s28, v0;
	s28 =	sadd.s32 $0xFFFFFFAB, s24;
	v18 =	vmul.f32 v18, v59  }
0x57e: {  	s31 =	sadd.s32 $0xFFFFFF67, s24;
	s26 =	sadd.s32 $0xFFFFFF78, s24;
	v39 =	vadd.s32 s28, v0;
	v20 =	vmul.f32 v20, v56;
	v22 =	vmul.f32 v22, v52;
	v28 =	vld.idx.msk [tilespmem:v28+s16+$0x0], $0xffff  }
0x57f: {  	s29 =	sadd.s32 $0xFFFFFF23, s24;
	v52 =	vadd.s32 s26, v0;
	v21 =	vmul.f32 v21, v51;
	v51 =	vadd.s32 s31, v0;
	v29 =	vld.idx.msk [tilespmem:v29+s16+$0x0], $0xffff  }
0x580: {  	s30 =	sadd.s32 $0xFFFFFF34, s24;
	v27 =	vmul.f32 v27, v43;
	v24 =	vmul.f32 v24, v47;
	v47 =	vadd.s32 s29, v0;
	v30 =	vld.idx.msk [tilespmem:v30+s16+$0x0], $0xffff  }
0x581: {  	v26 =	vmul.f32 v26, v44;
	v25 =	vmul.f32 v25, v48;
	v48 =	vadd.s32 s30, v0;
	v31 =	vld.idx.msk [tilespmem:v31+s16+$0x0], $0xffff  }
0x582: {  	v23 =	vmul.f32 v23, v45;
	s29 =	sadd.s32 $0xFFFFFFBC, s24;
	v45 =	vadd.s32 s24, v0;
	v32 =	vld.idx.msk [tilespmem:v32+s16+$0x0], $0xffff;
	v27 =	vadd.f32 $0.0e+00, v27  }
0x583: {  	s30 =	sadd.s32 $0xFFFFFFEF, s24;
	v33 =	vld.idx.msk [tilespmem:v33+s16+$0x0], $0xffff;
	v42 =	vadd.s32 s29, v0;
	v26 =	vadd.f32 $0.0e+00, v26;
	v28 =	vmul.f32 v28, v46  }
0x584: {  	v34 =	vld.idx.msk [tilespmem:v34+s16+$0x0], $0xffff;
	v43 =	vadd.s32 s30, v0;
	v23 =	vadd.f32 $0.0e+00, v23;
	v24 =	vadd.f32 v24, v27  }
0x585: {  	v37 =	vld.idx.msk [tilespmem:v47+s16+$0x0], $0xffff;
	v29 =	vmul.f32 v29, v49;
	v30 =	vmul.f32 v30, v50;
	v28 =	vadd.f32 $0.0e+00, v28  }
0x586: {  	v25 =	vadd.f32 v25, v26;
	v26 =	vld.idx.msk [tilespmem:v48+s16+$0x0], $0xffff;
	v31 =	vmul.f32 v31, v53;
	v21 =	vadd.f32 v21, v24  }
0x587: {  	v38 =	vmul.f32 v32, v54;
	v23 =	vadd.f32 v29, v23;
	v29 =	vld.idx.msk [tilespmem:v51+s16+$0x0], $0xffff;
	v28 =	vadd.f32 v30, v28  }
0x588: {  	v22 =	vadd.f32 v22, v25;
	v44 =	vmul.f32 v33, v1;
	v19 =	vadd.f32 v19, v21;
	v30 =	vld.idx.msk [tilespmem:v52+s16+$0x0], $0xffff  }
0x589: {  	v27 =	vld.idx.msk [tilespmem:v39+s16+$0x0], $0xffff;
	v46 =	vmul.f32 v34, v5;
	v23 =	vadd.f32 v31, v23;
	v25 =	vadd.f32 v38, v28  }
0x58a: {  	v47 =	vld.idx.msk [tilespmem:v42+s16+$0x0], $0xffff;
	v20 =	vadd.f32 v20, v22;
	v24 =	vmul.f32 v37, v61;
	v17 =	vadd.f32 v17, v19  }
0x58b: {  	v50 =	vld.idx.msk [tilespmem:v45+s16+$0x0], $0xffff;
	v26 =	vmul.f32 v26, v58;
	v23 =	vadd.f32 v44, v23;
	v25 =	vadd.f32 v46, v25  }
0x58c: {  	v21 =	vld.idx.msk [tilespmem:v43+s16+$0x0], $0xffff;
	v18 =	vadd.f32 v18, v20;
	v15 =	vadd.f32 v15, v17;
	v51 =	vmul.f32 v29, v36  }
0x58d: {  	v48 =	vadd.f32 v24, v23;
	v52 =	vmul.f32 v30, v62;
	v49 =	vadd.f32 v26, v25  }
0x58e: {  	v55 =	vmul.f32 v27, v4;
	v16 =	vadd.f32 v16, v18;
	v13 =	vadd.f32 v13, v15  }
0x58f: {  	v15 =	vmul.f32 v47, v6;
	v53 =	vadd.f32 v51, v48;
	v54 =	vadd.f32 v52, v49  }
0x590: {  	v12 =	vmul.f32 v12, v60;
	v17 =	vmul.f32 v50, v35;
	v14 =	vadd.f32 v14, v16  }
0x591: {  	v58 =	vmul.f32 v21, v57;
	v56 =	vadd.f32 v55, v53;
	v15 =	vadd.f32 v15, v54  }
0x592: {  	v9 =	vadd.f32 v9, v13;
	v12 =	vadd.f32 v12, v14  }
0x593: {  	v13 =	vadd.f32 v58, v56;
	v14 =	vadd.f32 v17, v15;
	_ =	sdelay $0x1  }
0x594: {  	v9 =	vadd.f32 v12, v9;
	v12 =	vadd.f32 v14, v13;
	_ =	sdelay $0x1  }
0x595: {  	v9 =	vadd.f32 v12, v9  }
0x596: {  	s23 =	sadd.s32 $0x10, s23  }
0x597: {  	[tilespmem:s23+$0x0] =	vst v9  }
0x598: {  	s31 =	simm.s32 $0x0;
	_ =	strace $0x90000050  }
0x599: {  	v9 =	vimm.f32 $-Inf;
	s23 =	simm.s32 $0x40;
	v12 =	vld [tilespmem:s31+$0x1A3C0]  }
.LBB2_23:
0x59a: {  	p0 =	sne.s32 s23, $0xC40  }
.Ltmp10:
0x59b: {  	_ = 	snop;
	(pc) =	sbr.rel @p0 .LBB2_23-.Ltmp10, $3  }
0x59c: {  	_ =	sdelay $0x1  }
0x59d: {  	s24 =	sshra.s32 s23, $0x2;
	s23 =	sadd.s32 $0x40, s23;
	v9 =	vmax.f32 v9, v12  }
0x59e: {  	v12 =	vld [tilespmem:s24+$0x1A3C0]  }
0x59f: {  	_ =	sdelay $0x3  }
0x5a0: {  	_ =	strace $0x80000051;
	s23 =	simm.s32 $0x0;
	s24 =	simm.s32 $0x40;
	v9 =	vmax.f32 v9, v12;
	v12 =	vimm.f32 $0.0e+00  }
.LBB2_25:
0x5a1: {  	p0 =	sne.s32 s24, $0xC40;
	v13 =	vld [tilespmem:s23+$0x1A3C0];
	_ =	sdelay $0x4  }
0x5a2: {  	v13 =	vsub.f32 v13, v9;
	_ =	sdelay $0x1  }
0x5a3: {  	v13 =	vmul.f32 $1.442695020e+00, v13;
	_ =	sdelay $0x1  }
0x5a4: {  	(erf) = vpow2.f32 v13;
	_ =	sdelay $0x5  }
.Ltmp11:
0x5a5: {  	(pc) =	sbr.rel @p0 .LBB2_25-.Ltmp11, $3  }
0x5a6: {  	_ =	sdelay $0x1  }
0x5a7: {  	v13 =	vpop (erf)  }
0x5a8: {  	[tilespmem:s23+$0x1A3C0] =	vst v13;
	s23 =	sshra.s32 s24, $0x2;
	s24 =	sadd.s32 $0x40, s24;
	v12 =	vadd.f32 v13, v12  }
0x5a9: {  	v13 =	vld [tilespmem:s23+$0x1A3C0];
	_ =	sdelay $0x4  }
0x5aa: {  	v9 =	vsub.f32 v13, v9;
	_ =	sdelay $0x1  }
0x5ab: {  	v9 =	vmul.f32 $1.442695020e+00, v9;
	_ =	sdelay $0x1  }
0x5ac: {  	(erf) = vpow2.f32 v9;
	_ =	sdelay $0x6  }
0x5ad: {  	s24 =	simm.s32 $0xFF  }
0x5ae: {  	s25 =	simm.s32 $0x0;
	v9 =	vadd.s32 s24, v0  }
0x5af: {  	s28 =	simm.s32 $0x11;
	v14 =	vor.u32 s25, v0;
	v13 =	vpop (erf)  }
0x5b0: {  	s29 =	simm.s32 $0x22;
	v15 =	vadd.s32 s28, v0;
	[tilespmem:s23+$0x1A3C0] =	vst v13  }
0x5b1: {  	s30 =	simm.s32 $0x33;
	s31 =	simm.s32 $0x88;
	v16 =	vadd.s32 s29, v0;
	_ =	strace $0x90000051  }
0x5b2: {  	v17 =	vadd.s32 s30, v0;
	v18 =	vadd.s32 s31, v0;
	_ =	strace $0x80000052  }
0x5b3: {  	v18 =	vand.u32 $0x1FFF8, v18;
	v9 =	vld.idx.msk [tilespmem:v9+s16+$0x0], $0xffff  }
0x5b4: {  	v18 =	vor.u32 v11, v18;
	s24 =	simm.s32 $0x44;
	v14 =	vld.idx.msk [tilespmem:v14+s16+$0x0], $0xffff  }
0x5b5: {  	s25 =	simm.s32 $0x55;
	v19 =	vadd.s32 s24, v0;
	v20 =	vld.idx.msk [tilespmem:v15+s16+$0x0], $0xffff  }
0x5b6: {  	s26 =	simm.s32 $0x66;
	v21 =	vadd.s32 s25, v0;
	v22 =	vld.idx.msk [tilespmem:v16+s16+$0x0], $0xffff  }
0x5b7: {  	v23 =	vadd.s32 s26, v0;
	s30 =	simm.s32 $0xAA;
	s23 =	simm.s32 $0x1A3C0;
	v12 =	vadd.f32 v13, v12;
	v17 =	vld.idx.msk [tilespmem:v17+s16+$0x0], $0xffff  }
0x5b8: {  	s28 =	simm.s32 $0x77;
	s31 =	simm.s32 $0xBB;
	v24 =	vadd.s32 s30, v0;
	v15 =	vld [tilespmem:s23+$0x0]  }
0x5b9: {  	v29 =	vimm.f32 $0.0e+00;
	s29 =	simm.s32 $0x99;
	v25 =	vadd.s32 s31, v0;
	s30 =	simm.s32 $0x220;
	s31 =	simm.s32 $0x231;
	[tilespmem:$0x1F980] =	vst v12;
	v12 =	vadd.s32 s28, v0;
	v18 =	vld.idx.msk [tilespmem:v18+s16+$0x0], $0xffff  }
0x5ba: {  	v52 =	vor.u32 s30, v0;
	s30 =	simm.s32 $0x253;
	v45 =	vadd.s32 s31, v0;
	s31 =	simm.s32 $0x264;
	v13 =	vadd.s32 s29, v0;
	v19 =	vld.idx.msk [tilespmem:v19+s16+$0x0], $0xffff  }
0x5bb: {  	v28 =	vimm.f32 $0.0e+00;
	s26 =	simm.s32 $0xCC;
	v41 =	vadd.s32 s30, v0;
	v37 =	vadd.s32 s31, v0;
	s30 =	simm.s32 $0x286;
	s31 =	simm.s32 $0x297;
	v21 =	vld.idx.msk [tilespmem:v21+s16+$0x0], $0xffff  }
0x5bc: {  	v26 =	vadd.s32 s26, v0;
	v33 =	vadd.s32 s30, v0;
	v32 =	vadd.s32 s31, v0;
	s24 =	simm.s32 $0x31F;
	s29 =	simm.s32 $0xEE;
	s28 =	simm.s32 $0xDD;
	v23 =	vld.idx.msk [tilespmem:v23+s16+$0x0], $0xffff  }
0x5bd: {  	v51 =	vadd.s32 s24, v0;
	v30 =	vadd.s32 s29, v0;
	s29 =	simm.s32 $0x242;
	v27 =	vadd.s32 s28, v0;
	v40 =	vld.idx.msk [tilespmem:v24+s16+$0x0], $0xffff  }
0x5be: {  	v39 =	vadd.s32 s29, v0;
	s29 =	simm.s32 $0x275;
	v16 =	vimm.f32 $0.0e+00;
	v31 =	vld.idx.msk [tilespmem:v12+s16+$0x0], $0xffff;
	v12 =	vmul.f32 v14, v15  }
0x5bf: {  	v34 =	vadd.s32 s29, v0;
	v36 =	vld.idx.msk [tilespmem:v13+s16+$0x0], $0xffff;
	v13 =	vmul.f32 v18, v15;
	v49 =	vmul.f32 v20, v15  }
0x5c0: {  	v48 =	vld.idx.msk [tilespmem:v25+s16+$0x0], $0xffff;
	v25 =	vimm.f32 $0.0e+00;
	v43 =	vmul.f32 v22, v15;
	v42 =	vmul.f32 v17, v15  }
0x5c1: {  	v50 =	vld.idx.msk [tilespmem:v26+s16+$0x0], $0xffff;
	v24 =	vimm.f32 $0.0e+00;
	v38 =	vmul.f32 v19, v15;
	v44 =	vmul.f32 v21, v15  }
0x5c2: {  	v35 =	vmul.f32 v23, v15;
	v47 =	vld.idx.msk [tilespmem:v27+s16+$0x0], $0xffff;
	v27 =	vimm.f32 $0.0e+00;
	v23 =	vimm.f32 $0.0e+00  }
0x5c3: {  	v26 =	vld.idx.msk [tilespmem:v52+s16+$0x0], $0xffff;
	v19 =	vimm.f32 $0.0e+00;
	v22 =	vimm.f32 $0.0e+00;
	v20 =	vimm.f32 $0.0e+00  }
0x5c4: {  	v46 =	vld.idx.msk [tilespmem:v30+s16+$0x0], $0xffff;
	v21 =	vimm.f32 $0.0e+00;
	v18 =	vimm.f32 $0.0e+00;
	v17 =	vimm.f32 $0.0e+00  }
0x5c5: {  	s26 =	simm.s32 $0x2A8;
	s25 =	simm.s32 $0x53F;
	v30 =	vld.idx.msk [tilespmem:v51+s16+$0x0], $0xffff;
	v14 =	vadd.f32 v13, v16;
	v13 =	vadd.f32 v12, v16;
	v12 =	vimm.f32 $0.0e+00  }
.LBB2_27:
0x5c6: {  	p0 =	sne.s32 s25, $0x691F;
	v51 =	vld.idx.msk [tilespmem:v45+s16+$0x0], $0xffff;
	v45 =	vadd.s32 s26, v0;
	v52 =	vmul.f32 v31, v15;
	v36 =	vmul.f32 v36, v15  }
0x5c7: {  	v53 =	vld.idx.msk [tilespmem:v39+s16+$0x0], $0xffff;
	v31 =	vand.u32 $0x1FFF8, v45;
	v39 =	vmul.f32 v40, v15;
	v40 =	vmul.f32 v48, v15  }
0x5c8: {  	v45 =	vmul.f32 v50, v15;
	v47 =	vmul.f32 v47, v15;
	v54 =	vld.idx.msk [tilespmem:v41+s16+$0x0], $0xffff;
	v41 =	vor.u32 v11, v31  }
0x5c9: {  	s26 =	sadd.s32 $0xFFFFFF9A, s24;
	v16 =	vadd.f32 v49, v16;
	v55 =	vld.idx.msk [tilespmem:v37+s16+$0x0], $0xffff;
	v37 =	vmul.f32 v46, v15;
	v46 =	vmul.f32 v9, v15  }
0x5ca: {  	v29 =	vadd.f32 v43, v29;
	v27 =	vadd.f32 v42, v27;
	v9 =	vmovc v30;
	v56 =	vld.idx.msk [tilespmem:v34+s16+$0x0], $0xffff;
	v34 =	vadd.s32 s26, v0;
	s26 =	sadd.s32 $0xFFFFFFAB, s24  }
0x5cb: {  	v28 =	vadd.f32 v38, v28;
	v25 =	vadd.f32 v44, v25;
	v57 =	vld.idx.msk [tilespmem:v33+s16+$0x0], $0xffff;
	v30 =	vadd.s32 s26, v0;
	s26 =	sadd.s32 $0xFFFFFFBC, s24  }
0x5cc: {  	v23 =	vadd.f32 v35, v23;
	v24 =	vadd.f32 v52, v24;
	v31 =	vld.idx.msk [tilespmem:v32+s16+$0x0], $0xffff;
	v32 =	vadd.s32 s26, v0;
	s26 =	sadd.s32 $0xFFFFFFCD, s24  }
0x5cd: {  	s23 =	sadd.s32 $0x10, s23;
	v19 =	vadd.f32 v36, v19;
	v22 =	vadd.f32 v39, v22;
	v35 =	vld.idx.msk [tilespmem:v41+s16+$0x0], $0xffff;
	v33 =	vadd.s32 s26, v0;
	s26 =	sadd.s32 $0xFFFFFFDE, s24  }
0x5ce: {  	v20 =	vadd.f32 v40, v20;
	v21 =	vadd.f32 v45, v21;
	v15 =	vld [tilespmem:s23+$0x0];
	v38 =	vadd.s32 s26, v0;
	s26 =	sadd.s32 $0xFFFFFFEF, s24;
	s24 =	smov.u32 s25  }
0x5cf: {  	v12 =	vadd.f32 v47, v12;
	v18 =	vadd.f32 v37, v18;
	v36 =	vld.idx.msk [tilespmem:v34+s16+$0x0], $0xffff;
	v42 =	vadd.s32 s26, v0  }
0x5d0: {  	s28 =	sadd.s32 $0xFFFFFF12, s25;
	s29 =	sadd.s32 $0xFFFFFF23, s25;
	v44 =	vadd.s32 s25, v0;
	v17 =	vadd.f32 v46, v17;
	s26 =	sadd.s32 $0xFFFFFF01, s25;
	v40 =	vld.idx.msk [tilespmem:v30+s16+$0x0], $0xffff  }
0x5d1: {  	v45 =	vadd.s32 s28, v0;
	v39 =	vadd.s32 s29, v0;
	s28 =	sadd.s32 $0xFFFFFF45, s25;
	s29 =	sadd.s32 $0xFFFFFF56, s25;
	v52 =	vor.u32 s26, v0;
	s26 =	sadd.s32 $0xFFFFFF34, s25;
	v48 =	vld.idx.msk [tilespmem:v32+s16+$0x0], $0xffff  }
.Ltmp12:
0x5d2: {  	v37 =	vadd.s32 s28, v0;
	v34 =	vadd.s32 s29, v0;
	v41 =	vadd.s32 s26, v0;
	s26 =	sadd.s32 $0xFFFFFF67, s25;
	v50 =	vld.idx.msk [tilespmem:v33+s16+$0x0], $0xffff;
	(pc) =	sbr.rel @p0 .LBB2_27-.Ltmp12, $4  }
0x5d3: {  	v33 =	vadd.s32 s26, v0;
	s26 =	sadd.s32 $0xFFFFFF78, s25;
	v58 =	vmul.f32 v26, v15;
	v26 =	vmul.f32 v35, v15;
	v47 =	vld.idx.msk [tilespmem:v38+s16+$0x0], $0xffff  }
0x5d4: {  	v32 =	vadd.s32 s26, v0;
	v49 =	vmul.f32 v51, v15;
	v43 =	vmul.f32 v53, v15;
	v46 =	vld.idx.msk [tilespmem:v42+s16+$0x0], $0xffff  }
0x5d5: {  	v38 =	vmul.f32 v55, v15;
	v42 =	vmul.f32 v54, v15;
	v30 =	vld.idx.msk [tilespmem:v44+s16+$0x0], $0xffff;
	v14 =	vadd.f32 v26, v14  }
0x5d6: {  	s25 =	sadd.s32 $0x220, s25;
	s26 =	sadd.s32 $0xFFFFFF89, s24;
	v35 =	vmul.f32 v57, v15;
	v13 =	vadd.f32 v58, v13;
	v44 =	vmul.f32 v56, v15;
	v26 =	vld.idx.msk [tilespmem:v52+s16+$0x0], $0xffff  }
0x5d7: {  	_ =	sdelay $0x2  }
0x5d8: {  	v52 =	vld [tilespmem:$0x1F980]  }
0x5d9: {  	v45 =	vld.idx.msk [tilespmem:v45+s16+$0x0], $0xffff  }
0x5da: {  	v51 =	vadd.s32 s26, v0;
	v39 =	vld.idx.msk [tilespmem:v39+s16+$0x0], $0xffff;
	s25 =	sadd.s32 $0xFFFFFF9A, s24  }
0x5db: {  	v41 =	vld.idx.msk [tilespmem:v41+s16+$0x0], $0xffff;
	v51 =	vand.u32 $0x1FFF8, v51;
	v57 =	vadd.s32 s25, v0  }
0x5dc: {  	v37 =	vld.idx.msk [tilespmem:v37+s16+$0x0], $0xffff;
	v51 =	vor.u32 v11, v51  }
0x5dd: {  	v31 =	vmul.f32 v31, v15;
	v34 =	vld.idx.msk [tilespmem:v34+s16+$0x0], $0xffff;
	s30 =	sadd.s32 $0xFFFFFFAB, s24;
	(erf) = vrcp.f32 v52  }
0x5de: {  	v36 =	vmul.f32 v36, v15;
	v29 =	vadd.f32 v43, v29;
	v33 =	vld.idx.msk [tilespmem:v33+s16+$0x0], $0xffff;
	s31 =	sadd.s32 $0xFFFFFFBC, s24;
	v43 =	vadd.s32 s30, v0  }
0x5df: {  	v40 =	vmul.f32 v40, v15;
	v48 =	vmul.f32 v48, v15;
	v32 =	vld.idx.msk [tilespmem:v32+s16+$0x0], $0xffff;
	s29 =	sadd.s32 $0xFFFFFFEF, s24;
	v58 =	vadd.s32 s31, v0  }
0x5e0: {  	v50 =	vmul.f32 v50, v15;
	s26 =	sadd.s32 $0xFFFFFFCD, s24;
	v24 =	vadd.f32 v31, v24;
	v31 =	vld.idx.msk [tilespmem:v57+s16+$0x0], $0xffff;
	v57 =	vadd.s32 s29, v0  }
0x5e1: {  	s23 =	sadd.s32 $0x10, s23;
	v27 =	vadd.f32 v42, v27;
	s28 =	sadd.s32 $0xFFFFFFDE, s24;
	v25 =	vadd.f32 v44, v25;
	v44 =	vld.idx.msk [tilespmem:v51+s16+$0x0], $0xffff;
	v51 =	vadd.s32 s26, v0  }
0x5e2: {  	v9 =	vmul.f32 v9, v15;
	v42 =	vld [tilespmem:s23+$0x0];
	v47 =	vmul.f32 v47, v15;
	v56 =	vadd.s32 s28, v0  }
0x5e3: {  	v46 =	vmul.f32 v46, v15;
	v15 =	vadd.f32 v36, v19;
	v19 =	vadd.f32 v40, v22;
	v22 =	vld.idx.msk [tilespmem:v43+s16+$0x0], $0xffff  }
0x5e4: {  	v58 =	vld.idx.msk [tilespmem:v58+s16+$0x0], $0xffff  }
0x5e5: {  	v9 =	vadd.f32 v9, v17;
	v17 =	vld.idx.msk [tilespmem:v57+s16+$0x0], $0xffff  }
0x5e6: {  	v20 =	vadd.f32 v48, v20;
	v48 =	vld.idx.msk [tilespmem:v51+s16+$0x0], $0xffff;
	v54 =	vpop (erf)  }
0x5e7: {  	v51 =	vld.idx.msk [tilespmem:v56+s16+$0x0], $0xffff;
	_ =	strace $0x90000052  }
0x5e8: {  	v56 =	vld [tilespmem:$0x1FA40];
	_ =	sdelay $0x1  }
0x5e9: {  	v26 =	vmul.f32 v26, v42;
	_ =	sdelay $0x1  }
0x5ea: {  	v39 =	vmul.f32 v39, v42;
	v13 =	vadd.f32 v26, v13;
	_ =	sdelay $0x1  }
0x5eb: {  	v29 =	vadd.f32 v39, v29;
	v13 =	vmul.f32 v13, v54;
	_ =	sdelay $0x1  }
0x5ec: {  	[tilespmem:v56+s17+$0x0] =	vst.idx.msk $0xffff, v13;
	v13 =	vmul.f32 v29, v54;
	v29 =	vld [tilespmem:$0x1FAA0];
	_ =	sdelay $0x1  }
0x5ed: {  	v16 =	vadd.f32 v49, v16;
	v21 =	vadd.f32 v50, v21;
	v50 =	vmul.f32 v45, v42;
	_ =	sdelay $0x1  }
0x5ee: {  	v41 =	vmul.f32 v41, v42;
	v16 =	vadd.f32 v50, v16;
	_ =	sdelay $0x1  }
0x5ef: {  	v27 =	vadd.f32 v41, v27;
	v16 =	vmul.f32 v16, v54;
	_ =	sdelay $0x1  }
0x5f0: {  	[tilespmem:v29+s17+$0x0] =	vst.idx.msk $0xffff, v16;
	v16 =	vmul.f32 v27, v54;
	v27 =	vld [tilespmem:$0x1FAB0];
	_ =	sdelay $0x7  }
0x5f1: {  	[tilespmem:v27+s17+$0x0] =	vst.idx.msk $0xffff, v13;
	v27 =	vld [tilespmem:$0x1FAC0];
	_ =	sdelay $0x7  }
0x5f2: {  	[tilespmem:v27+s17+$0x0] =	vst.idx.msk $0xffff, v16;
	v27 =	vld [tilespmem:$0x1FAD0];
	_ =	sdelay $0x1  }
0x5f3: {  	v28 =	vadd.f32 v38, v28;
	v52 =	vmul.f32 v37, v42;
	_ =	sdelay $0x1  }
0x5f4: {  	v23 =	vadd.f32 v35, v23;
	v33 =	vmul.f32 v33, v42;
	v28 =	vadd.f32 v52, v28;
	_ =	sdelay $0x1  }
0x5f5: {  	v23 =	vadd.f32 v33, v23;
	v13 =	vmul.f32 v28, v54  }
0x5f6: {  	v22 =	vmul.f32 v22, v42  }
0x5f7: {  	[tilespmem:v27+s17+$0x0] =	vst.idx.msk $0xffff, v13;
	v13 =	vmul.f32 v23, v54;
	v23 =	vld [tilespmem:$0x1FAE0]  }
0x5f8: {  	v19 =	vadd.f32 v22, v19;
	v22 =	vld [tilespmem:$0x1FAF0]  }
0x5f9: {  	v34 =	vmul.f32 v34, v42;
	_ =	sdelay $0x1  }
0x5fa: {  	v25 =	vadd.f32 v34, v25  }
0x5fb: {  	v49 =	vmul.f32 v44, v42  }
0x5fc: {  	v16 =	vmul.f32 v25, v54  }
0x5fd: {  	v26 =	vmul.f32 v31, v42;
	v31 =	vmul.f32 v58, v42;
	v14 =	vadd.f32 v49, v14  }
0x5fe: {  	[tilespmem:v23+s17+$0x0] =	vst.idx.msk $0xffff, v16  }
0x5ff: {  	[tilespmem:v22+s17+$0x0] =	vst.idx.msk $0xffff, v13;
	v13 =	vmul.f32 v14, v54;
	v14 =	vadd.f32 v31, v20;
	v20 =	vld [tilespmem:$0x1FB00];
	_ =	sdelay $0x1  }
0x600: {  	v32 =	vmul.f32 v32, v42;
	_ =	sdelay $0x1  }
0x601: {  	v24 =	vadd.f32 v32, v24;
	_ =	sdelay $0x1  }
0x602: {  	v16 =	vmul.f32 v24, v54;
	_ =	sdelay $0x1  }
0x603: {  	[tilespmem:v20+s17+$0x0] =	vst.idx.msk $0xffff, v16;
	v20 =	vld [tilespmem:$0x1FB10];
	_ =	sdelay $0x7  }
0x604: {  	[tilespmem:v20+s17+$0x0] =	vst.idx.msk $0xffff, v13;
	v13 =	vmul.f32 v19, v54;
	v19 =	vld [tilespmem:$0x1FB20];
	_ =	sdelay $0x3  }
0x605: {  	v15 =	vadd.f32 v26, v15;
	_ =	sdelay $0x1  }
0x606: {  	v18 =	vadd.f32 v46, v18;
	v15 =	vmul.f32 v15, v54;
	v17 =	vmul.f32 v17, v42;
	_ =	sdelay $0x1  }
0x607: {  	[tilespmem:v19+s17+$0x0] =	vst.idx.msk $0xffff, v15;
	v15 =	vadd.f32 v17, v18;
	v17 =	vld [tilespmem:$0x1FB30];
	_ =	sdelay $0x3  }
0x608: {  	v53 =	vmul.f32 v48, v42;
	_ =	sdelay $0x1  }
0x609: {  	v16 =	vadd.f32 v53, v21;
	_ =	sdelay $0x1  }
0x60a: {  	[tilespmem:v17+s17+$0x0] =	vst.idx.msk $0xffff, v13;
	v13 =	vmul.f32 v16, v54;
	v16 =	vld [tilespmem:$0x1FB40];
	_ =	sdelay $0x5  }
0x60b: {  	v14 =	vmul.f32 v14, v54;
	_ =	sdelay $0x1  }
0x60c: {  	[tilespmem:v16+s17+$0x0] =	vst.idx.msk $0xffff, v14;
	v14 =	vld [tilespmem:$0x1FB50];
	_ =	sdelay $0x7  }
0x60d: {  	[tilespmem:v14+s17+$0x0] =	vst.idx.msk $0xffff, v13;
	v13 =	vmul.f32 v15, v54;
	v15 =	vld [tilespmem:$0x1FB60];
	_ =	sdelay $0x1  }
0x60e: {  	v12 =	vadd.f32 v47, v12;
	v55 =	vmul.f32 v51, v42;
	_ =	sdelay $0x1  }
0x60f: {  	v12 =	vadd.f32 v55, v12;
	_ =	sdelay $0x1  }
0x610: {  	v12 =	vmul.f32 v12, v54;
	_ =	sdelay $0x1  }
0x611: {  	[tilespmem:v15+s17+$0x0] =	vst.idx.msk $0xffff, v12;
	v12 =	vld [tilespmem:$0x1FB80];
	_ =	sdelay $0x7  }
0x612: {  	[tilespmem:v12+s17+$0x0] =	vst.idx.msk $0xffff, v13;
	v12 =	vld [tilespmem:$0x1FB90];
	_ =	sdelay $0x1  }
0x613: {  	v25 =	vmul.f32 v30, v42;
	_ =	sdelay $0x1  }
0x614: {  	s30 =	simm.s32 $0x20F;
	v9 =	vadd.f32 v25, v9  }
0x615: {  	s31 =	simm.s32 $0x110;
	v14 =	vadd.s32 s30, v0  }
0x616: {  	s25 =	simm.s32 $0x121;
	v9 =	vmul.f32 v9, v54;
	v15 =	vor.u32 s31, v0  }
0x617: {  	s28 =	simm.s32 $0x143;
	[tilespmem:$0x1F970] =	vst v54;
	v13 =	vadd.s32 s25, v0  }
0x618: {  	v16 =	vadd.s32 s28, v0;
	[tilespmem:v12+s17+$0x0] =	vst.idx.msk $0xffff, v9  }
0x619: {  	s29 =	simm.s32 $0x198;
	s30 =	simm.s32 $0x154;
	_ =	strace $0x80000053  }
0x61a: {  	v17 =	vadd.s32 s29, v0;
	v18 =	vadd.s32 s30, v0;
	s31 =	simm.s32 $0x165;
	v12 =	vld.idx.msk [tilespmem:v14+s16+$0x0], $0xffff  }
0x61b: {  	v19 =	vadd.s32 s31, v0;
	s25 =	simm.s32 $0x176;
	v14 =	vand.u32 $0x3FFF8, v17;
	v17 =	vld.idx.msk [tilespmem:v15+s16+$0x0], $0xffff  }
0x61c: {  	s28 =	simm.s32 $0x1A9;
	v20 =	vadd.s32 s25, v0;
	v13 =	vld.idx.msk [tilespmem:v13+s16+$0x0], $0xffff  }
0x61d: {  	s23 =	simm.s32 $0x1A3C0;
	s29 =	simm.s32 $0x1BA;
	v23 =	vadd.s32 s28, v0;
	v21 =	vld.idx.msk [tilespmem:v16+s16+$0x0], $0xffff  }
0x61e: {  	s26 =	simm.s32 $0x132;
	v24 =	vadd.s32 s29, v0;
	v15 =	vld [tilespmem:s23+$0x0]  }
0x61f: {  	s24 =	simm.s32 $0x42F;
	v9 =	vadd.s32 s26, v0;
	v18 =	vld.idx.msk [tilespmem:v18+s16+$0x0], $0xffff  }
0x620: {  	v57 =	vadd.s32 s24, v0;
	v29 =	vimm.f32 $0.0e+00;
	s31 =	simm.s32 $0x1DC;
	v19 =	vld.idx.msk [tilespmem:v19+s16+$0x0], $0xffff;
	v14 =	vor.u32 v11, v14  }
0x621: {  	v28 =	vimm.f32 $0.0e+00;
	v30 =	vimm.f32 $0.0e+00;
	s29 =	simm.s32 $0x1FE;
	s28 =	simm.s32 $0x1ED;
	s30 =	simm.s32 $0x1CB;
	v26 =	vadd.s32 s31, v0;
	v20 =	vld.idx.msk [tilespmem:v20+s16+$0x0], $0xffff  }
0x622: {  	v31 =	vadd.s32 s29, v0;
	v27 =	vadd.s32 s28, v0;
	v25 =	vadd.s32 s30, v0;
	s30 =	simm.s32 $0x330;
	s31 =	simm.s32 $0x341;
	s26 =	simm.s32 $0x187;
	v36 =	vld.idx.msk [tilespmem:v23+s16+$0x0], $0xffff  }
0x623: {  	s29 =	simm.s32 $0x352;
	v58 =	vor.u32 s30, v0;
	s30 =	simm.s32 $0x363;
	v48 =	vadd.s32 s31, v0;
	s31 =	simm.s32 $0x374;
	v22 =	vadd.s32 s26, v0;
	v40 =	vld.idx.msk [tilespmem:v24+s16+$0x0], $0xffff  }
0x624: {  	v41 =	vadd.s32 s29, v0;
	s29 =	simm.s32 $0x385;
	v43 =	vadd.s32 s30, v0;
	s30 =	simm.s32 $0x396;
	v38 =	vadd.s32 s31, v0;
	s31 =	simm.s32 $0x3A7;
	v9 =	vld.idx.msk [tilespmem:v9+s16+$0x0], $0xffff  }
0x625: {  	v35 =	vadd.s32 s29, v0;
	v34 =	vadd.s32 s30, v0;
	v33 =	vadd.s32 s31, v0;
	v14 =	vld.idx.msk [tilespmem:v14+s16+$0x0], $0xffff  }
0x626: {  	v16 =	vimm.f32 $0.0e+00;
	v42 =	vld.idx.msk [tilespmem:v26+s16+$0x0], $0xffff;
	v26 =	vimm.f32 $0.0e+00;
	v17 =	vmul.f32 v17, v15  }
0x627: {  	v49 =	vld.idx.msk [tilespmem:v27+s16+$0x0], $0xffff;
	v24 =	vimm.f32 $0.0e+00;
	v50 =	vmul.f32 v13, v15;
	v44 =	vmul.f32 v21, v15  }
0x628: {  	v23 =	vimm.f32 $0.0e+00;
	v32 =	vld.idx.msk [tilespmem:v22+s16+$0x0], $0xffff;
	v39 =	vmul.f32 v18, v15;
	v46 =	vmul.f32 v19, v15  }
0x629: {  	v22 =	vimm.f32 $0.0e+00;
	v37 =	vmul.f32 v20, v15;
	v45 =	vmul.f32 v9, v15;
	v9 =	vld.idx.msk [tilespmem:v25+s16+$0x0], $0xffff  }
0x62a: {  	v47 =	vld.idx.msk [tilespmem:v31+s16+$0x0], $0xffff;
	v19 =	vimm.f32 $0.0e+00;
	v20 =	vimm.f32 $0.0e+00;
	v14 =	vmul.f32 v14, v15  }
0x62b: {  	v31 =	vld.idx.msk [tilespmem:v57+s16+$0x0], $0xffff;
	v21 =	vimm.f32 $0.0e+00;
	v18 =	vimm.f32 $0.0e+00;
	v13 =	vadd.f32 v17, v16  }
0x62c: {  	s25 =	simm.s32 $0x64F;
	s26 =	simm.s32 $0x3B8;
	v27 =	vld.idx.msk [tilespmem:v58+s16+$0x0], $0xffff;
	v17 =	vimm.f32 $0.0e+00;
	v25 =	vimm.f32 $0.0e+00;
	v14 =	vadd.f32 v14, v16  }
.LBB2_29:
0x62d: {  	p0 =	sne.s32 s25, $0x6A2F;
	v51 =	vld.idx.msk [tilespmem:v48+s16+$0x0], $0xffff;
	v48 =	vadd.s32 s26, v0;
	v52 =	vmul.f32 v32, v15;
	v36 =	vmul.f32 v36, v15  }
0x62e: {  	v40 =	vmul.f32 v40, v15;
	v9 =	vmul.f32 v9, v15;
	v53 =	vld.idx.msk [tilespmem:v41+s16+$0x0], $0xffff;
	v32 =	vand.u32 $0x3FFF8, v48  }
0x62f: {  	v42 =	vmul.f32 v42, v15;
	v54 =	vld.idx.msk [tilespmem:v43+s16+$0x0], $0xffff;
	v41 =	vor.u32 v11, v32;
	v43 =	vmul.f32 v49, v15  }
0x630: {  	s26 =	sadd.s32 $0xFFFFFF9A, s24;
	v16 =	vadd.f32 v50, v16;
	v55 =	vld.idx.msk [tilespmem:v38+s16+$0x0], $0xffff;
	v38 =	vmul.f32 v47, v15;
	v47 =	vmul.f32 v12, v15  }
0x631: {  	v30 =	vadd.f32 v45, v30;
	v28 =	vadd.f32 v44, v28;
	v12 =	vmovc v31;
	v56 =	vld.idx.msk [tilespmem:v35+s16+$0x0], $0xffff;
	v35 =	vadd.s32 s26, v0;
	s26 =	sadd.s32 $0xFFFFFFAB, s24  }
0x632: {  	v29 =	vadd.f32 v39, v29;
	v26 =	vadd.f32 v46, v26;
	v57 =	vld.idx.msk [tilespmem:v34+s16+$0x0], $0xffff;
	v31 =	vadd.s32 s26, v0;
	s26 =	sadd.s32 $0xFFFFFFBC, s24  }
0x633: {  	v25 =	vadd.f32 v37, v25;
	v24 =	vadd.f32 v52, v24;
	v32 =	vld.idx.msk [tilespmem:v33+s16+$0x0], $0xffff;
	v33 =	vadd.s32 s26, v0;
	s26 =	sadd.s32 $0xFFFFFFCD, s24  }
0x634: {  	s23 =	sadd.s32 $0x10, s23;
	v19 =	vadd.f32 v36, v19;
	v22 =	vadd.f32 v40, v22;
	v37 =	vld.idx.msk [tilespmem:v41+s16+$0x0], $0xffff;
	v34 =	vadd.s32 s26, v0;
	s26 =	sadd.s32 $0xFFFFFFDE, s24  }
0x635: {  	v20 =	vadd.f32 v9, v20;
	v21 =	vadd.f32 v42, v21;
	v15 =	vld [tilespmem:s23+$0x0];
	v39 =	vadd.s32 s26, v0;
	s26 =	sadd.s32 $0xFFFFFFEF, s24;
	s24 =	smov.u32 s25  }
0x636: {  	v23 =	vadd.f32 v43, v23;
	v18 =	vadd.f32 v38, v18;
	v36 =	vld.idx.msk [tilespmem:v35+s16+$0x0], $0xffff;
	v44 =	vadd.s32 s26, v0  }
0x637: {  	s28 =	sadd.s32 $0xFFFFFF12, s25;
	s29 =	sadd.s32 $0xFFFFFF23, s25;
	v46 =	vadd.s32 s25, v0;
	v17 =	vadd.f32 v47, v17;
	s26 =	sadd.s32 $0xFFFFFF01, s25;
	v40 =	vld.idx.msk [tilespmem:v31+s16+$0x0], $0xffff  }
0x638: {  	v48 =	vadd.s32 s28, v0;
	s28 =	sadd.s32 $0xFFFFFF45, s25;
	v41 =	vadd.s32 s29, v0;
	s29 =	sadd.s32 $0xFFFFFF56, s25;
	v52 =	vor.u32 s26, v0;
	s26 =	sadd.s32 $0xFFFFFF34, s25;
	v9 =	vld.idx.msk [tilespmem:v33+s16+$0x0], $0xffff  }
.Ltmp13:
0x639: {  	v38 =	vadd.s32 s28, v0;
	v35 =	vadd.s32 s29, v0;
	v43 =	vadd.s32 s26, v0;
	s26 =	sadd.s32 $0xFFFFFF67, s25;
	v42 =	vld.idx.msk [tilespmem:v34+s16+$0x0], $0xffff;
	(pc) =	sbr.rel @p0 .LBB2_29-.Ltmp13, $4  }
0x63a: {  	v34 =	vadd.s32 s26, v0;
	s26 =	sadd.s32 $0xFFFFFF78, s25;
	v58 =	vmul.f32 v27, v15;
	v27 =	vmul.f32 v37, v15;
	v49 =	vld.idx.msk [tilespmem:v39+s16+$0x0], $0xffff  }
0x63b: {  	v33 =	vadd.s32 s26, v0;
	v50 =	vmul.f32 v51, v15;
	v45 =	vmul.f32 v53, v15;
	v47 =	vld.idx.msk [tilespmem:v44+s16+$0x0], $0xffff  }
0x63c: {  	v39 =	vmul.f32 v55, v15;
	v44 =	vmul.f32 v54, v15;
	v31 =	vld.idx.msk [tilespmem:v46+s16+$0x0], $0xffff;
	v14 =	vadd.f32 v27, v14  }
0x63d: {  	s25 =	sadd.s32 $0x220, s25;
	s26 =	sadd.s32 $0xFFFFFF89, s24;
	v37 =	vmul.f32 v57, v15;
	v13 =	vadd.f32 v58, v13;
	v46 =	vmul.f32 v56, v15;
	v27 =	vld.idx.msk [tilespmem:v52+s16+$0x0], $0xffff  }
0x63e: {  	_ =	sdelay $0x3  }
0x63f: {  	v48 =	vld.idx.msk [tilespmem:v48+s16+$0x0], $0xffff;
	s25 =	sadd.s32 $0xFFFFFF9A, s24  }
0x640: {  	v41 =	vld.idx.msk [tilespmem:v41+s16+$0x0], $0xffff;
	v58 =	vadd.s32 s25, v0  }
0x641: {  	v43 =	vld.idx.msk [tilespmem:v43+s16+$0x0], $0xffff  }
0x642: {  	v51 =	vadd.s32 s26, v0;
	v32 =	vmul.f32 v32, v15;
	v38 =	vld.idx.msk [tilespmem:v38+s16+$0x0], $0xffff;
	s26 =	sadd.s32 $0xFFFFFFAB, s24  }
0x643: {  	v36 =	vmul.f32 v36, v15;
	v35 =	vld.idx.msk [tilespmem:v35+s16+$0x0], $0xffff;
	v30 =	vadd.f32 v45, v30;
	s28 =	sadd.s32 $0xFFFFFFBC, s24;
	v45 =	vadd.s32 s26, v0  }
0x644: {  	v40 =	vmul.f32 v40, v15;
	v34 =	vld.idx.msk [tilespmem:v34+s16+$0x0], $0xffff;
	v29 =	vadd.f32 v39, v29;
	s31 =	sadd.s32 $0xFFFFFFEF, s24;
	v39 =	vadd.s32 s28, v0  }
0x645: {  	v9 =	vmul.f32 v9, v15;
	v28 =	vadd.f32 v44, v28;
	v57 =	vld.idx.msk [tilespmem:v58+s16+$0x0], $0xffff;
	v58 =	vadd.s32 s31, v0  }
0x646: {  	s23 =	sadd.s32 $0x10, s23;
	s29 =	sadd.s32 $0xFFFFFFCD, s24;
	v42 =	vmul.f32 v42, v15;
	v33 =	vld.idx.msk [tilespmem:v33+s16+$0x0], $0xffff;
	v12 =	vmul.f32 v12, v15;
	v51 =	vand.u32 $0x3FFF8, v51  }
0x647: {  	v44 =	vld [tilespmem:s23+$0x0];
	v55 =	vadd.s32 s29, v0;
	v49 =	vmul.f32 v49, v15;
	v51 =	vor.u32 v11, v51  }
0x648: {  	s30 =	sadd.s32 $0xFFFFFFDE, s24;
	v47 =	vmul.f32 v47, v15;
	v15 =	vadd.f32 v36, v19;
	v19 =	vadd.f32 v40, v22;
	v22 =	vld.idx.msk [tilespmem:v45+s16+$0x0], $0xffff  }
0x649: {  	v56 =	vadd.s32 s30, v0;
	v9 =	vadd.f32 v9, v20;
	v20 =	vadd.f32 v42, v21;
	v21 =	vld.idx.msk [tilespmem:v39+s16+$0x0], $0xffff  }
0x64a: {  	v12 =	vadd.f32 v12, v17;
	v17 =	vld.idx.msk [tilespmem:v58+s16+$0x0], $0xffff  }
0x64b: {  	v58 =	vld [tilespmem:$0x1F970]  }
0x64c: {  	v52 =	vld.idx.msk [tilespmem:v55+s16+$0x0], $0xffff;
	v41 =	vmul.f32 v41, v44  }
0x64d: {  	v54 =	vld.idx.msk [tilespmem:v51+s16+$0x0], $0xffff  }
0x64e: {  	v25 =	vadd.f32 v37, v25;
	v37 =	vld.idx.msk [tilespmem:v56+s16+$0x0], $0xffff;
	v30 =	vadd.f32 v41, v30;
	_ =	strace $0x90000053  }
0x64f: {  	v41 =	vld [tilespmem:$0x1F990]  }
0x650: {  	v42 =	vmul.f32 v30, v58;
	v30 =	vld [tilespmem:$0x1F9A0]  }
0x651: {  	v27 =	vmul.f32 v27, v44  }
0x652: {  	v16 =	vadd.f32 v50, v16;
	v53 =	vmul.f32 v54, v44;
	v54 =	vmul.f32 v48, v44  }
0x653: {  	v13 =	vadd.f32 v27, v13  }
0x654: {  	v55 =	vmul.f32 v43, v44;
	v16 =	vadd.f32 v54, v16  }
0x655: {  	v13 =	vmul.f32 v13, v58  }
0x656: {  	v28 =	vadd.f32 v55, v28;
	v16 =	vmul.f32 v16, v58  }
0x657: {  	[tilespmem:v41+s17+$0x0] =	vst.idx.msk $0xffff, v13  }
0x658: {  	[tilespmem:v30+s17+$0x0] =	vst.idx.msk $0xffff, v16;
	v16 =	vmul.f32 v28, v58;
	v28 =	vld [tilespmem:$0x1F9B0];
	_ =	sdelay $0x7  }
0x659: {  	[tilespmem:v28+s17+$0x0] =	vst.idx.msk $0xffff, v42;
	v28 =	vld [tilespmem:$0x1F9C0];
	_ =	sdelay $0x4  }
0x65a: {  	v34 =	vmul.f32 v34, v44;
	_ =	sdelay $0x1  }
0x65b: {  	v25 =	vadd.f32 v34, v25  }
0x65c: {  	v22 =	vmul.f32 v22, v44;
	[tilespmem:v28+s17+$0x0] =	vst.idx.msk $0xffff, v16;
	v28 =	vld [tilespmem:$0x1F9D0]  }
0x65d: {  	v45 =	vmul.f32 v25, v58;
	v25 =	vld [tilespmem:$0x1F9E0]  }
0x65e: {  	v38 =	vmul.f32 v38, v44;
	v19 =	vadd.f32 v22, v19;
	v22 =	vld [tilespmem:$0x1F9F0]  }
0x65f: {  	v26 =	vadd.f32 v46, v26;
	v18 =	vadd.f32 v47, v18;
	v35 =	vmul.f32 v35, v44;
	v47 =	vld [tilespmem:$0x1FA00]  }
0x660: {  	v29 =	vadd.f32 v38, v29  }
0x661: {  	v24 =	vadd.f32 v32, v24;
	v33 =	vmul.f32 v33, v44;
	v26 =	vadd.f32 v35, v26  }
0x662: {  	v43 =	vmul.f32 v29, v58  }
0x663: {  	v24 =	vadd.f32 v33, v24;
	v16 =	vmul.f32 v26, v58  }
0x664: {  	[tilespmem:v28+s17+$0x0] =	vst.idx.msk $0xffff, v43  }
0x665: {  	[tilespmem:v25+s17+$0x0] =	vst.idx.msk $0xffff, v16;
	v16 =	vmul.f32 v24, v58  }
0x666: {  	[tilespmem:v22+s17+$0x0] =	vst.idx.msk $0xffff, v45  }
0x667: {  	v17 =	vmul.f32 v17, v44;
	[tilespmem:v47+s17+$0x0] =	vst.idx.msk $0xffff, v16;
	v16 =	vld [tilespmem:$0x1FA10]  }
0x668: {  	v50 =	vmul.f32 v19, v58;
	v19 =	vld [tilespmem:$0x1FA20]  }
0x669: {  	v51 =	vadd.f32 v17, v18;
	v17 =	vld [tilespmem:$0x1FA30]  }
0x66a: {  	v27 =	vmul.f32 v57, v44;
	v56 =	vmul.f32 v52, v44;
	v14 =	vadd.f32 v53, v14;
	v53 =	vld [tilespmem:$0x1FA50]  }
0x66b: {  	v23 =	vadd.f32 v49, v23;
	v21 =	vmul.f32 v21, v44;
	v54 =	vld [tilespmem:$0x1FA60]  }
0x66c: {  	v15 =	vadd.f32 v27, v15;
	v49 =	vadd.f32 v56, v20;
	v56 =	vld [tilespmem:$0x1FA70]  }
0x66d: {  	v9 =	vadd.f32 v21, v9;
	v46 =	vmul.f32 v14, v58  }
0x66e: {  	v57 =	vmul.f32 v37, v44;
	v48 =	vmul.f32 v15, v58  }
0x66f: {  	v9 =	vmul.f32 v9, v58;
	[tilespmem:v16+s17+$0x0] =	vst.idx.msk $0xffff, v46  }
0x670: {  	v26 =	vmul.f32 v31, v44;
	v16 =	vadd.f32 v57, v23;
	[tilespmem:v19+s17+$0x0] =	vst.idx.msk $0xffff, v48  }
0x671: {  	v52 =	vmul.f32 v49, v58;
	[tilespmem:v17+s17+$0x0] =	vst.idx.msk $0xffff, v50  }
0x672: {  	v12 =	vadd.f32 v26, v12;
	[tilespmem:v53+s17+$0x0] =	vst.idx.msk $0xffff, v9;
	v9 =	vmul.f32 v16, v58  }
0x673: {  	v57 =	vld [tilespmem:$0x1FA80];
	[tilespmem:v54+s17+$0x0] =	vst.idx.msk $0xffff, v52  }
0x674: {  	v55 =	vmul.f32 v51, v58;
	[tilespmem:v56+s17+$0x0] =	vst.idx.msk $0xffff, v9;
	v9 =	vmul.f32 v12, v58;
	v58 =	vld [tilespmem:$0x1FA90];
	_ =	sdelay $0x6  }
0x675: {  	s22 =	sshll.u32 s22, $0x6;
	[tilespmem:v57+s17+$0x0] =	vst.idx.msk $0xffff, v55  }
0x676: {  	s22 =	sadd.s32 s22, s7;
	[tilespmem:v58+s17+$0x0] =	vst.idx.msk $0xffff, v9  }
0x677: {  	[hbm4b:s22+s1] =	stream.linear.scatter [tilespmem:s17], [sflag:$0x3], $0x200, $0x38;
	[tilespmem:$0x1A8E0] =	vst v63  }
0x678: {  	_ =	swait.ge [sflag:s9], $0x200  }
0x679: {  	v19 =	vld [tilespmem:$0x1FE70]  }
0x67a: {  	v20 =	vld [tilespmem:$0x1FE80]  }
0x67b: {  	v21 =	vld [tilespmem:$0x1FE90]  }
0x67c: {  	v22 =	vld [tilespmem:$0x1FEA0]  }
0x67d: {  	v23 =	vld [tilespmem:$0x1FEB0]  }
0x67e: {  	v24 =	vld [tilespmem:$0x1FEC0]  }
0x67f: {  	v25 =	vld [tilespmem:$0x1FED0]  }
0x680: {  	v26 =	vld [tilespmem:$0x1FEE0]  }
0x681: {  	v27 =	vld [tilespmem:$0x1FEF0]  }
0x682: {  	v28 =	vld [tilespmem:$0x1FF00]  }
0x683: {  	v29 =	vld [tilespmem:$0x1FF10]  }
0x684: {  	v30 =	vld [tilespmem:$0x1FF20]  }
0x685: {  	v31 =	vld [tilespmem:$0x1FF30]  }
0x686: {  	v32 =	vld [tilespmem:$0x1FF40]  }
0x687: {  	v33 =	vld [tilespmem:$0x1FF50]  }
0x688: {  	v34 =	vld [tilespmem:$0x1FF60]  }
0x689: {  	v35 =	vld [tilespmem:$0x1FF70]  }
0x68a: {  	v36 =	vld [tilespmem:$0x1FF80]  }
0x68b: {  	v37 =	vld [tilespmem:$0x1FF90]  }
0x68c: {  	v38 =	vld [tilespmem:$0x1FFA0]  }
0x68d: {  	v39 =	vld [tilespmem:$0x1FFB0]  }
0x68e: {  	v40 =	vld [tilespmem:$0x1FFC0]  }
0x68f: {  	v41 =	vld [tilespmem:$0x1FFD0]  }
0x690: {  	v42 =	vld [tilespmem:$0x1FFE0]  }
0x691: {  	v48 =	vld [tilespmem:$0x1FC40]  }
0x692: {  	v46 =	vld [tilespmem:$0x1FC50]  }
0x693: {  	v49 =	vld [tilespmem:$0x1FC60]  }
0x694: {  	v50 =	vld [tilespmem:$0x1FC70]  }
0x695: {  	v51 =	vld [tilespmem:$0x1FC80]  }
0x696: {  	v52 =	vld [tilespmem:$0x1FC90]  }
0x697: {  	v53 =	vld [tilespmem:$0x1FCA0]  }
0x698: {  	v54 =	vld [tilespmem:$0x1FCB0]  }
0x699: {  	v58 =	vld [tilespmem:$0x1FCC0]  }
0x69a: {  	s21 =	sadd.s32 $0x1, s21;
	v57 =	vld [tilespmem:$0x1FCD0]  }
0x69b: {  	p0 =	sne.s32 s21, $0x10;
	v44 =	vld [tilespmem:$0x1FCE0]  }
.Ltmp14:
0x69c: {  	v43 =	vld [tilespmem:$0x1FCF0];
	(pc) =	sbr.rel @p0 .LBB2_6-.Ltmp14, $4  }
0x69d: {  	v47 =	vld [tilespmem:$0x1FD00]  }
0x69e: {  	v45 =	vld [tilespmem:$0x1FE40]  }
0x69f: {  	[sflag:s9] =	ssyncset.done $0x0;
	v55 =	vld [tilespmem:$0x1FE50]  }
0x6a0: {  	v56 =	vld [tilespmem:$0x1FE60];
	[sflag:s9] =	ssyncadd.s32 $0xFFFFFE00  }
0x6a1: {  	s19 =	sadd.s32 $0x1, s19  }
0x6a2: {  	v6 =	vld [tilespmem:$0x1FDE0];
	p0 =	sne.s32 s19, s8  }
.Ltmp15:
0x6a3: {  	v7 =	vld [tilespmem:$0x1FDF0];
	(pc) =	sbr.rel @p0 .LBB2_1-.Ltmp15, $4  }
0x6a4: {  	v9 =	vld [tilespmem:$0x1FE00]  }
0x6a5: {  	v12 =	vld [tilespmem:$0x1FE10]  }
0x6a6: {  	v13 =	vld [tilespmem:$0x1FE20]  }
0x6a7: {  	v14 =	vld [tilespmem:$0x1FE30]  }
0x6a8: {  	_ =	sfence.sel $0x180000  }
0x6a9: {  	[bflag:$0x0] =	sbarrier.arrive $0xFFFF  }
0x6aa: {  	p0 =	sne.s32 s2, $0x0;
	_ =	strace $0x90000047  }
0x6ab: {  	s0 =	sadd.s32 @!p0 $0x100000, s0;
	[bflag:$0x2] =	sbarrier.arrive $0xFFFF  }
0x6ac: {  	[sflag:s0] =	ssyncadd.tile.s32 @!p0 $0x1;
	_ =	shalt  }
.Lfunc_end2:
_tile_overlayer_lowered:
.L_overlay_start_2:
0x6ad: {  	(tag) =	ssettag $0x2  }
0x6ae: {  	s0 =	rddreg [dreg:$0x0];
	s2 =	stileid.u32  }
0x6af: {  	s1 =	rddreg [dreg:$0x1];
	p0 =	sne.s32 s2, $0x0  }
0x6b0: {  	s3 =	rddreg [dreg:$0x2];
	[bflag:$0x3] =	sbarrier.arrive $0xFFFF;
	s2 =	simm.s32 @!p0 $0x1C03  }
0x6b1: {  	[timem:s3], [sflag:s2] =	dma.local @!p0 [hbm:s0], s1  }
0x6b2: {  	s0 =	simm.s32 @!p0 $0x3  }
0x6b3: {  	_ =	swait.ge @!p0 [sflag:s0], s1  }
0x6b4: {  	s1 =	ssub.s32 @!p0 $0x0, s1;
	[sflag:s0] =	ssyncset.done @!p0 $0x0  }
0x6b5: {  	[sflag:s0] =	ssyncadd.s32 @!p0 s1  }
0x6b6: {  	[bflag:$0x3] =	sbarrier.arrive $0xFFFF  }
0x6b7: {  	_ =	shalt  }

</sc_bundles>
